<compile_context>
chip_gen: v7x
topology: tpu7x:2x2x1
jax: 0.10.2.dev20260603
libtpu: 0.0.44.dev20260713+nightly
codegen_flags: <defaults>
</compile_context>

<pallas_src>
import functools

import jax
import jax.numpy as jnp
from jax import lax
from jax.experimental import pallas as pl
from jax.experimental.pallas import tpu as pltpu
from jax.experimental.pallas import tpu_sc as plsc

B, C, H, W = 4, 96, 384, 384
HW = H * W
N = B * HW
NC, NS = 2, 16
R = 32
BAND = R * W
NPASS = H // (R * NC)
PXT = HW // NS
ROWS_T = PXT // W
NCH = W // 16
SLICE = BAND // NS
ZR = 32
PC = 128
TRASH = BAND


def _weight_tc(src, fx, fy):

  def body(src_ref, fx_ref, fy_ref, w4_ref, dq_ref):
    i = pl.program_id(0)
    y_img = i % H
    b = i // H
    gx = lax.broadcasted_iota(jnp.int32, (W, 1), 0).astype(jnp.float32)
    x = gx + fx_ref[...]
    y = y_img.astype(jnp.float32) + fy_ref[...]
    x = jnp.clip(x, -2.0, 385.0)
    y = jnp.clip(y, -2.0, 385.0)
    x_f = jnp.floor(x)
    y_f = jnp.floor(y)
    valid = ((x_f >= 0) & (x_f <= W - 2) & (y_f >= 0) & (y_f <= H - 2))
    dx = x - x_f
    dy = y - y_f
    omdx = 1.0 - dx
    omdy = 1.0 - dy
    zf = jnp.zeros((W, 1), jnp.float32)
    xfi = jnp.clip(x_f.astype(jnp.int32), 0, W - 2)
    yfi = jnp.clip(y_f.astype(jnp.int32), 0, H - 2)
    dnw = b * HW + yfi * W + xfi
    srcv = src_ref[...]
    zpad = jnp.zeros((W, PC - C), jnp.float32)
    wks = (omdx * omdy, dx * omdy, omdx * dy, dx * dy)
    offs = (0, 1, W, W + 1)
    for k in range(4):
      w4_ref[:, k, 0:C] = srcv * jnp.where(valid, wks[k], zf)
      w4_ref[:, k, C:PC] = zpad
      dq_ref[:, k:k + 1] = dnw + offs[k]

  return pl.pallas_call(
      body,
      grid=(B * H,),
      in_specs=[
          pl.BlockSpec((W, C), lambda i: (i, 0)),
          pl.BlockSpec((W, 1), lambda i: (i, 0)),
          pl.BlockSpec((W, 1), lambda i: (i, 0)),
      ],
      out_specs=[
          pl.BlockSpec((W, 4, PC), lambda i: (i, 0, 0)),
          pl.BlockSpec((W, 4), lambda i: (i, 0)),
      ],
      out_shape=[
          jax.ShapeDtypeStruct((N, 4, PC), jnp.float32),
          jax.ShapeDtypeStruct((N, 4), jnp.int32),
      ],
  )(src, fx, fy)


def _scatter_sc(w4, dq, fy):
  mesh = plsc.VectorSubcoreMesh(core_axis_name="c", subcore_axis_name="s")

  @functools.partial(
      pl.kernel,
      out_type=jax.ShapeDtypeStruct((N, PC), jnp.float32),
      mesh=mesh,
      scratch_types=dict(
          fyv=pltpu.VMEM((PXT,), jnp.float32),
          rb0=pltpu.VMEM((64, PC), jnp.float32),
          rb1=pltpu.VMEM((64, PC), jnp.float32),
          dqraw=pltpu.VMEM((4 * W,), jnp.int32),
          dqv0=pltpu.VMEM((64,), jnp.int32),
          dqv1=pltpu.VMEM((64,), jnp.int32),
          zbuf=pltpu.VMEM((ZR, PC), jnp.float32),
          ymm=pltpu.SMEM((2 * ROWS_T,), jnp.float32),
          acc=pltpu.VMEM_SHARED((BAND + 8, PC), jnp.float32),
          gsem=pltpu.SemaphoreType.DMA,
          ssem=pltpu.SemaphoreType.DMA,
      ),
  )
  def warp(w4_hbm, dq_hbm, fy_hbm, out_hbm, *, fyv, rb0, rb1, dqraw,
           dqv0, dqv1, zbuf, ymm, acc, gsem, ssem):
    c = lax.axis_index("c")
    s = lax.axis_index("s")
    zeros16f = jnp.zeros((16,), jnp.float32)
    rbufs = (rb0, rb1)
    dqvs = (dqv0, dqv1)

    def _z(i, _):
      for k in range(PC // 16):
        zbuf[i, pl.ds(k * 16, 16)] = zeros16f
      return 0
    lax.fori_loop(0, ZR, _z, 0)

    def batch_body(b, _):
      base_b = b * HW
      pltpu.sync_copy(fy_hbm.at[pl.ds(base_b + s * PXT, PXT)], fyv)

      def mm_body(rr, _):
        lo_v = fyv[pl.ds(rr * W, 16)]
        hi_v = lo_v
        for j in range(1, NCH):
          v = fyv[pl.ds(rr * W + j * 16, 16)]
          lo_v = jnp.minimum(lo_v, v)
          hi_v = jnp.maximum(hi_v, v)
        lo = lo_v[0]
        hi = hi_v[0]
        for l in range(1, 16):
          lo = jnp.minimum(lo, lo_v[l])
          hi = jnp.maximum(hi, hi_v[l])
        ymm[2 * rr] = lo
        ymm[2 * rr + 1] = hi
        return 0
      lax.fori_loop(0, ROWS_T, mm_body, 0)

      def pass_body(p, _):
        row0 = (p * NC + c) * R
        row0_f = row0.astype(jnp.float32)
        base_row = base_b + row0 * W
        zhs = [pltpu.async_copy(zbuf, acc.at[pl.ds(s * SLICE + j * ZR, ZR)],
                                gsem) for j in range(SLICE // ZR)]
        for h in zhs:
          h.wait()
        plsc.subcore_barrier()

        def row_body(rr, _):
          gy_f = (s * ROWS_T + rr).astype(jnp.float32)
          hit = ((gy_f + ymm[2 * rr + 1] >= row0_f - 1.0)
                 & (gy_f + ymm[2 * rr] < row0_f + R))

          @pl.when(hit)
          def _do():
            g0 = base_b + s * PXT + rr * W
            dqh = pltpu.async_copy(dq_hbm.at[pl.ds(4 * g0, 4 * W)], dqraw,
                                   ssem)

            def issue_read(ch):
              bb = ch % 2
              at = pl.ds(4 * (g0 + ch * 16), 64)
              return pltpu.async_copy(w4_hbm.at[at], rbufs[bb], gsem)

            ghs = [None] * NCH
            shs = [None] * NCH
            ghs[0] = issue_read(0)
            dqh.wait()
            for ch in range(NCH):
              bb = ch % 2
              if ch + 1 < NCH:
                if ch - 1 >= 0:
                  shs[ch - 1].wait()
                ghs[ch + 1] = issue_read(ch + 1)
              ti = jnp.full((16,), TRASH, jnp.int32)
              for j in range(4):
                v = dqraw[pl.ds(ch * 64 + j * 16, 16)]
                rel = v - base_row
                dqvs[bb][pl.ds(j * 16, 16)] = jnp.where(
                    (rel >= 0) & (rel < BAND), rel, ti)
              ghs[ch].wait()
              shs[ch] = pltpu.async_copy(rbufs[bb], acc.at[dqvs[bb]], ssem,
                                         add=True)
            shs[NCH - 2].wait()
            shs[NCH - 1].wait()

          return 0

        lax.fori_loop(0, ROWS_T, row_body, 0)
        plsc.subcore_barrier()
        out_base = base_b + row0 * W + s * SLICE
        pltpu.sync_copy(acc.at[pl.ds(s * SLICE, SLICE)],
                        out_hbm.at[pl.ds(out_base, SLICE)])
        return 0

      lax.fori_loop(0, NPASS, pass_body, 0)
      return 0

    lax.fori_loop(0, B, batch_body, 0)

  return warp(w4, dq, fy)


def kernel(im0, flow):
  src = jnp.transpose(im0, (0, 2, 3, 1)).reshape(N, C)
  fx = flow[..., 0].reshape(N, 1)
  fy = flow[..., 1].reshape(N, 1)
  w4, dq = _weight_tc(src, fx, fy)
  out = _scatter_sc(w4.reshape(4 * N, PC), dq.reshape(4 * N), fy.reshape(N))
  return out.reshape(B, H, W, PC)[..., :C].transpose(0, 3, 1, 2)

# --- scband reference (transcript-rebuilt; emitter-appended) ---
"""Pipeline reference for scband-forward-warp-1726576856262 (READ-ONLY COPY).

The authoritative reference and input builder live on the scoring server;
editing this copy changes nothing except your own understanding.
"""

import jax, jax.numpy as jnp
import numpy as np


def setup_inputs(seed: int = 0) -> dict:
    key = jax.random.key(seed)
    k1, k2 = jax.random.split(key)
    im0 = jax.random.normal(k1, (4, 96, 384, 384), dtype=jnp.float32)
    flow = jax.random.normal(k2, (4, 384, 384, 2), dtype=jnp.float32)
    return {"im0": im0, "flow": flow}


def reference(im0, flow):
    # forward_warp, Bilinear mode (interpolation_mode == 0)
    B, C, H, W = im0.shape
    gy, gx = jnp.meshgrid(jnp.arange(H, dtype=flow.dtype), jnp.arange(W, dtype=flow.dtype), indexing='ij')
    x = gx[None, :, :] + flow[..., 0]  # [B, H, W]
    y = gy[None, :, :] + flow[..., 1]  # [B, H, W]
    x_f = jnp.floor(x)
    y_f = jnp.floor(y)
    x_c = x_f + 1.0
    y_c = y_f + 1.0
    valid = (x_f >= 0) & (x_c <= W - 1) & (y_f >= 0) & (y_c <= H - 1)
    nw_k = (x_c - x) * (y_c - y)
    ne_k = (x - x_f) * (y_c - y)
    sw_k = (x_c - x) * (y - y_f)
    se_k = (x - x_f) * (y - y_f)
    xfi = x_f.astype(jnp.int32)
    yfi = y_f.astype(jnp.int32)
    xci = xfi + 1
    yci = yfi + 1
    p = jnp.transpose(im0, (0, 2, 3, 1)).reshape(B * H * W, C)  # [BHW, C]
    b_off = (jnp.arange(B, dtype=jnp.int32) * (H * W))[:, None, None]  # [B,1,1]
    out = jnp.zeros((B * H * W, C), dtype=im0.dtype)
    corners = [(xfi, yfi, nw_k), (xci, yfi, ne_k), (xfi, yci, sw_k), (xci, yci, se_k)]
    for xi, yi, k in corners:
        xi_c = jnp.clip(xi, 0, W - 1)
        yi_c = jnp.clip(yi, 0, H - 1)
        idx = (b_off + yi_c * W + xi_c).reshape(-1)  # [BHW]
        wgt = jnp.where(valid, k, 0.0).reshape(-1, 1)  # [BHW,1]
        out = out.at[idx].add(wgt * p)
    im1 = out.reshape(B, H, W, C).transpose(0, 3, 1, 2)
    return im1

if __name__ == "__main__":
    import jax
    _d = setup_inputs()
    print(jax.jit(kernel)(*tuple(_d.values())))

</pallas_src>

<mosaic_0001>
#map = affine_map<(d0, d1) -> (0, 0)>
#map1 = affine_map<(d0, d1) -> (0)>
module attributes {stable_mosaic.version = 14 : i64} {
  func.func @warp(%arg0: i32, %arg1: i32, %arg2: memref<2359296x128xf32, #tpu.memory_space<hbm>>, %arg3: memref<2359296xi32, #tpu.memory_space<hbm>>, %arg4: memref<589824xf32, #tpu.memory_space<hbm>>, %arg5: memref<589824x128xf32, #tpu.memory_space<hbm>>, %arg6: memref<12296x128xf32, #tpu.memory_space<vmem_shared>>, %arg7: memref<1536xi32, #tpu.memory_space<vmem>>, %arg8: memref<64xi32, #tpu.memory_space<vmem>>, %arg9: memref<64xi32, #tpu.memory_space<vmem>>, %arg10: memref<9216xf32, #tpu.memory_space<vmem>>, %arg11: memref<!tpu.dma_semaphore, #tpu.memory_space<semaphore_mem>>, %arg12: memref<64x128xf32, #tpu.memory_space<vmem>>, %arg13: memref<64x128xf32, #tpu.memory_space<vmem>>, %arg14: memref<!tpu.dma_semaphore, #tpu.memory_space<semaphore_mem>>, %arg15: memref<48xf32, #tpu.memory_space<smem>>, %arg16: memref<32x128xf32, #tpu.memory_space<vmem>>) attributes {dimension_semantics = [#tpu.dimension_semantics<core_parallel>, #tpu.dimension_semantics<subcore_parallel>], iteration_bounds = array<i64: 2, 16>, scalar_prefetch = 0 : i64, scratch_operands = 11 : i64, tpu.core_type = #tpu.core_type<sc_vector_subcore>, window_params = [{transform_indices = #map}, {transform_indices = #map1}, {transform_indices = #map1}, {transform_indices = #map}]} {
    %broadcast_in_dim3A = arith.constant 0.000000e+00 : f32
    %broadcast_in_dim3A_0 = vector.broadcast %broadcast_in_dim3A : f32 to vector<16xf32>
    %scan3A = arith.constant 0 : i32
    %scan3A_1 = arith.constant 0 : i32
    %scan3A_2 = arith.constant 32 : i32
    %scan3A_3 = arith.addi %scan3A_1, %scan3A_2 : i32
    %scan3A_4 = arith.constant 1 : i32
    %scan3A_5 = scf.for %scan3A_14 = %scan3A_1 to %scan3A_3 step %scan3A_4 iter_args(%scan3A_15 = %scan3A) -> (i32)  : i32 {
      %swap3A = arith.index_cast %scan3A_14 : i32 to index
      %swap3A_16 = arith.constant 0 : index
      %swap3A_17 = tpu.vector_load %arg16[%swap3A, %swap3A_16] {strides = array<i32>} : memref<32x128xf32, #tpu.memory_space<vmem>>, vector<1x16xf32>,
      %swap3A_18 = vector.shape_cast %swap3A_17 : vector<1x16xf32> to vector<16xf32>
      %swap3A_19 = vector.shape_cast %broadcast_in_dim3A_0 : vector<16xf32> to vector<1x16xf32>
      tpu.vector_store %arg16[%swap3A, %swap3A_16], %swap3A_19 {strides = array<i32>} : memref<32x128xf32, #tpu.memory_space<vmem>>, vector<1x16xf32>,
      %swap3A_20 = arith.index_cast %scan3A_14 : i32 to index
      %swap3A_21 = arith.constant 16 : index
      %swap3A_22 = tpu.vector_load %arg16[%swap3A_20, %swap3A_21] {strides = array<i32>} : memref<32x128xf32, #tpu.memory_space<vmem>>, vector<1x16xf32>,
      %swap3A_23 = vector.shape_cast %swap3A_22 : vector<1x16xf32> to vector<16xf32>
      %swap3A_24 = vector.shape_cast %broadcast_in_dim3A_0 : vector<16xf32> to vector<1x16xf32>
      tpu.vector_store %arg16[%swap3A_20, %swap3A_21], %swap3A_24 {strides = array<i32>} : memref<32x128xf32, #tpu.memory_space<vmem>>, vector<1x16xf32>,
      %swap3A_25 = arith.index_cast %scan3A_14 : i32 to index
      %swap3A_26 = arith.constant 32 : index
      %swap3A_27 = tpu.vector_load %arg16[%swap3A_25, %swap3A_26] {strides = array<i32>} : memref<32x128xf32, #tpu.memory_space<vmem>>, vector<1x16xf32>,
      %swap3A_28 = vector.shape_cast %swap3A_27 : vector<1x16xf32> to vector<16xf32>
      %swap3A_29 = vector.shape_cast %broadcast_in_dim3A_0 : vector<16xf32> to vector<1x16xf32>
      tpu.vector_store %arg16[%swap3A_25, %swap3A_26], %swap3A_29 {strides = array<i32>} : memref<32x128xf32, #tpu.memory_space<vmem>>, vector<1x16xf32>,
      %swap3A_30 = arith.index_cast %scan3A_14 : i32 to index
      %swap3A_31 = arith.constant 48 : index
      %swap3A_32 = tpu.vector_load %arg16[%swap3A_30, %swap3A_31] {strides = array<i32>} : memref<32x128xf32, #tpu.memory_space<vmem>>, vector<1x16xf32>,
      %swap3A_33 = vector.shape_cast %swap3A_32 : vector<1x16xf32> to vector<16xf32>
      %swap3A_34 = vector.shape_cast %broadcast_in_dim3A_0 : vector<16xf32> to vector<1x16xf32>
      tpu.vector_store %arg16[%swap3A_30, %swap3A_31], %swap3A_34 {strides = array<i32>} : memref<32x128xf32, #tpu.memory_space<vmem>>, vector<1x16xf32>,
      %swap3A_35 = arith.index_cast %scan3A_14 : i32 to index
      %swap3A_36 = arith.constant 64 : index
      %swap3A_37 = tpu.vector_load %arg16[%swap3A_35, %swap3A_36] {strides = array<i32>} : memref<32x128xf32, #tpu.memory_space<vmem>>, vector<1x16xf32>,
      %swap3A_38 = vector.shape_cast %swap3A_37 : vector<1x16xf32> to vector<16xf32>
      %swap3A_39 = vector.shape_cast %broadcast_in_dim3A_0 : vector<16xf32> to vector<1x16xf32>
      tpu.vector_store %arg16[%swap3A_35, %swap3A_36], %swap3A_39 {strides = array<i32>} : memref<32x128xf32, #tpu.memory_space<vmem>>, vector<1x16xf32>,
      %swap3A_40 = arith.index_cast %scan3A_14 : i32 to index
      %swap3A_41 = arith.constant 80 : index
      %swap3A_42 = tpu.vector_load %arg16[%swap3A_40, %swap3A_41] {strides = array<i32>} : memref<32x128xf32, #tpu.memory_space<vmem>>, vector<1x16xf32>,
      %swap3A_43 = vector.shape_cast %swap3A_42 : vector<1x16xf32> to vector<16xf32>
      %swap3A_44 = vector.shape_cast %broadcast_in_dim3A_0 : vector<16xf32> to vector<1x16xf32>
      tpu.vector_store %arg16[%swap3A_40, %swap3A_41], %swap3A_44 {strides = array<i32>} : memref<32x128xf32, #tpu.memory_space<vmem>>, vector<1x16xf32>,
      %swap3A_45 = arith.index_cast %scan3A_14 : i32 to index
      %swap3A_46 = arith.constant 96 : index
      %swap3A_47 = tpu.vector_load %arg16[%swap3A_45, %swap3A_46] {strides = array<i32>} : memref<32x128xf32, #tpu.memory_space<vmem>>, vector<1x16xf32>,
      %swap3A_48 = vector.shape_cast %swap3A_47 : vector<1x16xf32> to vector<16xf32>
      %swap3A_49 = vector.shape_cast %broadcast_in_dim3A_0 : vector<16xf32> to vector<1x16xf32>
      tpu.vector_store %arg16[%swap3A_45, %swap3A_46], %swap3A_49 {strides = array<i32>} : memref<32x128xf32, #tpu.memory_space<vmem>>, vector<1x16xf32>,
      %swap3A_50 = arith.index_cast %scan3A_14 : i32 to index
      %swap3A_51 = arith.constant 112 : index
      %swap3A_52 = tpu.vector_load %arg16[%swap3A_50, %swap3A_51] {strides = array<i32>} : memref<32x128xf32, #tpu.memory_space<vmem>>, vector<1x16xf32>,
      %swap3A_53 = vector.shape_cast %swap3A_52 : vector<1x16xf32> to vector<16xf32>
      %swap3A_54 = vector.shape_cast %broadcast_in_dim3A_0 : vector<16xf32> to vector<1x16xf32>
      tpu.vector_store %arg16[%swap3A_50, %swap3A_51], %swap3A_54 {strides = array<i32>} : memref<32x128xf32, #tpu.memory_space<vmem>>, vector<1x16xf32>,
      %scan3A_55 = arith.constant 0 : i32
      scf.yield %scan3A_55 : i32
    }
    %scan3A_6 = arith.constant 32 : i32
    %scan3A_7 = arith.constant 0 : i32
    %scan3A_8 = arith.constant 0 : i32
    %scan3A_9 = arith.constant 4 : i32
    %scan3A_10 = arith.addi %scan3A_8, %scan3A_9 : i32
    %scan3A_11 = arith.constant 1 : i32
    %scan3A_12 = scf.for %scan3A_14 = %scan3A_8 to %scan3A_10 step %scan3A_11 iter_args(%scan3A_15 = %scan3A_7) -> (i32)  : i32 {
      %mul3A = arith.constant 147456 : i32
      %mul3A_16 = arith.muli %scan3A_14, %mul3A : i32
      %mul3A_17 = arith.constant 9216 : i32
      %mul3A_18 = arith.muli %arg1, %mul3A_17 : i32
      %add3A = arith.addi %mul3A_16, %mul3A_18 : i32
      "tpu.region"() ({
        %run_scoped3A = tpu.sem_alloc : memref<!tpu.dma_semaphore, #tpu.memory_space<semaphore_mem>>
        %dma_start3A = tpu.memref_slice %arg4[%add3A] : memref<589824xf32, #tpu.memory_space<hbm>> -> memref<9216xf32, #tpu.memory_space<hbm>>
        %dma_start3A_34 = tpu.memref_slice %arg4[%add3A] : memref<589824xf32, #tpu.memory_space<hbm>> -> memref<9216xf32, #tpu.memory_space<hbm>>
        tpu.enqueue_dma source(%dma_start3A_34 : memref<9216xf32, #tpu.memory_space<hbm>>) target(%arg10 : memref<9216xf32, #tpu.memory_space<vmem>>) target_semaphore(%run_scoped3A : memref<!tpu.dma_semaphore, #tpu.memory_space<semaphore_mem>>)
        %dma_wait3A = tpu.memref_slice %arg4[%add3A] : memref<589824xf32, #tpu.memory_space<hbm>> -> memref<9216xf32, #tpu.memory_space<hbm>>
        %dma_wait3A_35 = tpu.memref_slice %arg4[%add3A] : memref<589824xf32, #tpu.memory_space<hbm>> -> memref<9216xf32, #tpu.memory_space<hbm>>
        tpu.wait_dma2 semaphore(%run_scoped3A : memref<!tpu.dma_semaphore, #tpu.memory_space<semaphore_mem>>) src(%dma_wait3A_35 : memref<9216xf32, #tpu.memory_space<hbm>>) dst(%arg10 : memref<9216xf32, #tpu.memory_space<vmem>>)
        tpu.yield
      }) : () -> ()
      %scan3A_19 = arith.constant 0 : i32
      %scan3A_20 = arith.constant 0 : i32
      %scan3A_21 = arith.constant 24 : i32
      %scan3A_22 = arith.addi %scan3A_20, %scan3A_21 : i32
      %scan3A_23 = arith.constant 1 : i32
      %scan3A_24 = scf.for %scan3A_34 = %scan3A_20 to %scan3A_22 step %scan3A_23 iter_args(%scan3A_35 = %scan3A_19) -> (i32)  : i32 {
        %mul3A_36 = arith.constant 384 : i32
        %mul3A_37 = arith.muli %scan3A_34, %mul3A_36 : i32
        %get3A = arith.index_cast %mul3A_37 : i32 to index
        %get3A_38 = tpu.vector_load %arg10[%get3A] {strides = array<i32>} : memref<9216xf32, #tpu.memory_space<vmem>>, vector<16xf32>,
        %get3A_39 = vector.shape_cast %get3A_38 : vector<16xf32> to vector<16xf32>
        %mul3A_40 = arith.constant 384 : i32
        %mul3A_41 = arith.muli %scan3A_34, %mul3A_40 : i32
        %add3A_42 = arith.constant 16 : i32
        %add3A_43 = arith.addi %mul3A_41, %add3A_42 : i32
        %get3A_44 = arith.index_cast %add3A_43 : i32 to index
        %get3A_45 = tpu.vector_load %arg10[%get3A_44] {strides = array<i32>} : memref<9216xf32, #tpu.memory_space<vmem>>, vector<16xf32>,
        %get3A_46 = vector.shape_cast %get3A_45 : vector<16xf32> to vector<16xf32>
        %min3A = arith.minimumf %get3A_39, %get3A_46 : vector<16xf32>
        %max3A = arith.maximumf %get3A_39, %get3A_46 : vector<16xf32>
        %mul3A_47 = arith.constant 384 : i32
        %mul3A_48 = arith.muli %scan3A_34, %mul3A_47 : i32
        %add3A_49 = arith.constant 32 : i32
        %add3A_50 = arith.addi %mul3A_48, %add3A_49 : i32
        %get3A_51 = arith.index_cast %add3A_50 : i32 to index
        %get3A_52 = tpu.vector_load %arg10[%get3A_51] {strides = array<i32>} : memref<9216xf32, #tpu.memory_space<vmem>>, vector<16xf32>,
        %get3A_53 = vector.shape_cast %get3A_52 : vector<16xf32> to vector<16xf32>
        %min3A_54 = arith.minimumf %min3A, %get3A_53 : vector<16xf32>
        %max3A_55 = arith.maximumf %max3A, %get3A_53 : vector<16xf32>
        %mul3A_56 = arith.constant 384 : i32
        %mul3A_57 = arith.muli %scan3A_34, %mul3A_56 : i32
        %add3A_58 = arith.constant 48 : i32
        %add3A_59 = arith.addi %mul3A_57, %add3A_58 : i32
        %get3A_60 = arith.index_cast %add3A_59 : i32 to index
        %get3A_61 = tpu.vector_load %arg10[%get3A_60] {strides = array<i32>} : memref<9216xf32, #tpu.memory_space<vmem>>, vector<16xf32>,
        %get3A_62 = vector.shape_cast %get3A_61 : vector<16xf32> to vector<16xf32>
        %min3A_63 = arith.minimumf %min3A_54, %get3A_62 : vector<16xf32>
        %max3A_64 = arith.maximumf %max3A_55, %get3A_62 : vector<16xf32>
        %mul3A_65 = arith.constant 384 : i32
        %mul3A_66 = arith.muli %scan3A_34, %mul3A_65 : i32
        %add3A_67 = arith.constant 64 : i32
        %add3A_68 = arith.addi %mul3A_66, %add3A_67 : i32
        %get3A_69 = arith.index_cast %add3A_68 : i32 to index
        %get3A_70 = tpu.vector_load %arg10[%get3A_69] {strides = array<i32>} : memref<9216xf32, #tpu.memory_space<vmem>>, vector<16xf32>,
        %get3A_71 = vector.shape_cast %get3A_70 : vector<16xf32> to vector<16xf32>
        %min3A_72 = arith.minimumf %min3A_63, %get3A_71 : vector<16xf32>
        %max3A_73 = arith.maximumf %max3A_64, %get3A_71 : vector<16xf32>
        %mul3A_74 = arith.constant 384 : i32
        %mul3A_75 = arith.muli %scan3A_34, %mul3A_74 : i32
        %add3A_76 = arith.constant 80 : i32
        %add3A_77 = arith.addi %mul3A_75, %add3A_76 : i32
        %get3A_78 = arith.index_cast %add3A_77 : i32 to index
        %get3A_79 = tpu.vector_load %arg10[%get3A_78] {strides = array<i32>} : memref<9216xf32, #tpu.memory_space<vmem>>, vector<16xf32>,
        %get3A_80 = vector.shape_cast %get3A_79 : vector<16xf32> to vector<16xf32>
        %min3A_81 = arith.minimumf %min3A_72, %get3A_80 : vector<16xf32>
        %max3A_82 = arith.maximumf %max3A_73, %get3A_80 : vector<16xf32>
        %mul3A_83 = arith.constant 384 : i32
        %mul3A_84 = arith.muli %scan3A_34, %mul3A_83 : i32
        %add3A_85 = arith.constant 96 : i32
        %add3A_86 = arith.addi %mul3A_84, %add3A_85 : i32
        %get3A_87 = arith.index_cast %add3A_86 : i32 to index
        %get3A_88 = tpu.vector_load %arg10[%get3A_87] {strides = array<i32>} : memref<9216xf32, #tpu.memory_space<vmem>>, vector<16xf32>,
        %get3A_89 = vector.shape_cast %get3A_88 : vector<16xf32> to vector<16xf32>
        %min3A_90 = arith.minimumf %min3A_81, %get3A_89 : vector<16xf32>
        %max3A_91 = arith.maximumf %max3A_82, %get3A_89 : vector<16xf32>
        %mul3A_92 = arith.constant 384 : i32
        %mul3A_93 = arith.muli %scan3A_34, %mul3A_92 : i32
        %add3A_94 = arith.constant 112 : i32
        %add3A_95 = arith.addi %mul3A_93, %add3A_94 : i32
        %get3A_96 = arith.index_cast %add3A_95 : i32 to index
        %get3A_97 = tpu.vector_load %arg10[%get3A_96] {strides = array<i32>} : memref<9216xf32, #tpu.memory_space<vmem>>, vector<16xf32>,
        %get3A_98 = vector.shape_cast %get3A_97 : vector<16xf32> to vector<16xf32>
        %min3A_99 = arith.minimumf %min3A_90, %get3A_98 : vector<16xf32>
        %max3A_100 = arith.maximumf %max3A_91, %get3A_98 : vector<16xf32>
        %mul3A_101 = arith.constant 384 : i32
        %mul3A_102 = arith.muli %scan3A_34, %mul3A_101 : i32
        %add3A_103 = arith.constant 128 : i32
        %add3A_104 = arith.addi %mul3A_102, %add3A_103 : i32
        %get3A_105 = arith.index_cast %add3A_104 : i32 to index
        %get3A_106 = tpu.vector_load %arg10[%get3A_105] {strides = array<i32>} : memref<9216xf32, #tpu.memory_space<vmem>>, vector<16xf32>,
        %get3A_107 = vector.shape_cast %get3A_106 : vector<16xf32> to vector<16xf32>
        %min3A_108 = arith.minimumf %min3A_99, %get3A_107 : vector<16xf32>
        %max3A_109 = arith.maximumf %max3A_100, %get3A_107 : vector<16xf32>
        %mul3A_110 = arith.constant 384 : i32
        %mul3A_111 = arith.muli %scan3A_34, %mul3A_110 : i32
        %add3A_112 = arith.constant 144 : i32
        %add3A_113 = arith.addi %mul3A_111, %add3A_112 : i32
        %get3A_114 = arith.index_cast %add3A_113 : i32 to index
        %get3A_115 = tpu.vector_load %arg10[%get3A_114] {strides = array<i32>} : memref<9216xf32, #tpu.memory_space<vmem>>, vector<16xf32>,
        %get3A_116 = vector.shape_cast %get3A_115 : vector<16xf32> to vector<16xf32>
        %min3A_117 = arith.minimumf %min3A_108, %get3A_116 : vector<16xf32>
        %max3A_118 = arith.maximumf %max3A_109, %get3A_116 : vector<16xf32>
        %mul3A_119 = arith.constant 384 : i32
        %mul3A_120 = arith.muli %scan3A_34, %mul3A_119 : i32
        %add3A_121 = arith.constant 160 : i32
        %add3A_122 = arith.addi %mul3A_120, %add3A_121 : i32
        %get3A_123 = arith.index_cast %add3A_122 : i32 to index
        %get3A_124 = tpu.vector_load %arg10[%get3A_123] {strides = array<i32>} : memref<9216xf32, #tpu.memory_space<vmem>>, vector<16xf32>,
        %get3A_125 = vector.shape_cast %get3A_124 : vector<16xf32> to vector<16xf32>
        %min3A_126 = arith.minimumf %min3A_117, %get3A_125 : vector<16xf32>
        %max3A_127 = arith.maximumf %max3A_118, %get3A_125 : vector<16xf32>
        %mul3A_128 = arith.constant 384 : i32
        %mul3A_129 = arith.muli %scan3A_34, %mul3A_128 : i32
        %add3A_130 = arith.constant 176 : i32
        %add3A_131 = arith.addi %mul3A_129, %add3A_130 : i32
        %get3A_132 = arith.index_cast %add3A_131 : i32 to index
        %get3A_133 = tpu.vector_load %arg10[%get3A_132] {strides = array<i32>} : memref<9216xf32, #tpu.memory_space<vmem>>, vector<16xf32>,
        %get3A_134 = vector.shape_cast %get3A_133 : vector<16xf32> to vector<16xf32>
        %min3A_135 = arith.minimumf %min3A_126, %get3A_134 : vector<16xf32>
        %max3A_136 = arith.maximumf %max3A_127, %get3A_134 : vector<16xf32>
        %mul3A_137 = arith.constant 384 : i32
        %mul3A_138 = arith.muli %scan3A_34, %mul3A_137 : i32
        %add3A_139 = arith.constant 192 : i32
        %add3A_140 = arith.addi %mul3A_138, %add3A_139 : i32
        %get3A_141 = arith.index_cast %add3A_140 : i32 to index
        %get3A_142 = tpu.vector_load %arg10[%get3A_141] {strides = array<i32>} : memref<9216xf32, #tpu.memory_space<vmem>>, vector<16xf32>,
        %get3A_143 = vector.shape_cast %get3A_142 : vector<16xf32> to vector<16xf32>
        %min3A_144 = arith.minimumf %min3A_135, %get3A_143 : vector<16xf32>
        %max3A_145 = arith.maximumf %max3A_136, %get3A_143 : vector<16xf32>
        %mul3A_146 = arith.constant 384 : i32
        %mul3A_147 = arith.muli %scan3A_34, %mul3A_146 : i32
        %add3A_148 = arith.constant 208 : i32
        %add3A_149 = arith.addi %mul3A_147, %add3A_148 : i32
        %get3A_150 = arith.index_cast %add3A_149 : i32 to index
        %get3A_151 = tpu.vector_load %arg10[%get3A_150] {strides = array<i32>} : memref<9216xf32, #tpu.memory_space<vmem>>, vector<16xf32>,
        %get3A_152 = vector.shape_cast %get3A_151 : vector<16xf32> to vector<16xf32>
        %min3A_153 = arith.minimumf %min3A_144, %get3A_152 : vector<16xf32>
        %max3A_154 = arith.maximumf %max3A_145, %get3A_152 : vector<16xf32>
        %mul3A_155 = arith.constant 384 : i32
        %mul3A_156 = arith.muli %scan3A_34, %mul3A_155 : i32
        %add3A_157 = arith.constant 224 : i32
        %add3A_158 = arith.addi %mul3A_156, %add3A_157 : i32
        %get3A_159 = arith.index_cast %add3A_158 : i32 to index
        %get3A_160 = tpu.vector_load %arg10[%get3A_159] {strides = array<i32>} : memref<9216xf32, #tpu.memory_space<vmem>>, vector<16xf32>,
        %get3A_161 = vector.shape_cast %get3A_160 : vector<16xf32> to vector<16xf32>
        %min3A_162 = arith.minimumf %min3A_153, %get3A_161 : vector<16xf32>
        %max3A_163 = arith.maximumf %max3A_154, %get3A_161 : vector<16xf32>
        %mul3A_164 = arith.constant 384 : i32
        %mul3A_165 = arith.muli %scan3A_34, %mul3A_164 : i32
        %add3A_166 = arith.constant 240 : i32
        %add3A_167 = arith.addi %mul3A_165, %add3A_166 : i32
        %get3A_168 = arith.index_cast %add3A_167 : i32 to index
        %get3A_169 = tpu.vector_load %arg10[%get3A_168] {strides = array<i32>} : memref<9216xf32, #tpu.memory_space<vmem>>, vector<16xf32>,
        %get3A_170 = vector.shape_cast %get3A_169 : vector<16xf32> to vector<16xf32>
        %min3A_171 = arith.minimumf %min3A_162, %get3A_170 : vector<16xf32>
        %max3A_172 = arith.maximumf %max3A_163, %get3A_170 : vector<16xf32>
        %mul3A_173 = arith.constant 384 : i32
        %mul3A_174 = arith.muli %scan3A_34, %mul3A_173 : i32
        %add3A_175 = arith.constant 256 : i32
        %add3A_176 = arith.addi %mul3A_174, %add3A_175 : i32
        %get3A_177 = arith.index_cast %add3A_176 : i32 to index
        %get3A_178 = tpu.vector_load %arg10[%get3A_177] {strides = array<i32>} : memref<9216xf32, #tpu.memory_space<vmem>>, vector<16xf32>,
        %get3A_179 = vector.shape_cast %get3A_178 : vector<16xf32> to vector<16xf32>
        %min3A_180 = arith.minimumf %min3A_171, %get3A_179 : vector<16xf32>
        %max3A_181 = arith.maximumf %max3A_172, %get3A_179 : vector<16xf32>
        %mul3A_182 = arith.constant 384 : i32
        %mul3A_183 = arith.muli %scan3A_34, %mul3A_182 : i32
        %add3A_184 = arith.constant 272 : i32
        %add3A_185 = arith.addi %mul3A_183, %add3A_184 : i32
        %get3A_186 = arith.index_cast %add3A_185 : i32 to index
        %get3A_187 = tpu.vector_load %arg10[%get3A_186] {strides = array<i32>} : memref<9216xf32, #tpu.memory_space<vmem>>, vector<16xf32>,
        %get3A_188 = vector.shape_cast %get3A_187 : vector<16xf32> to vector<16xf32>
        %min3A_189 = arith.minimumf %min3A_180, %get3A_188 : vector<16xf32>
        %max3A_190 = arith.maximumf %max3A_181, %get3A_188 : vector<16xf32>
        %mul3A_191 = arith.constant 384 : i32
        %mul3A_192 = arith.muli %scan3A_34, %mul3A_191 : i32
        %add3A_193 = arith.constant 288 : i32
        %add3A_194 = arith.addi %mul3A_192, %add3A_193 : i32
        %get3A_195 = arith.index_cast %add3A_194 : i32 to index
        %get3A_196 = tpu.vector_load %arg10[%get3A_195] {strides = array<i32>} : memref<9216xf32, #tpu.memory_space<vmem>>, vector<16xf32>,
        %get3A_197 = vector.shape_cast %get3A_196 : vector<16xf32> to vector<16xf32>
        %min3A_198 = arith.minimumf %min3A_189, %get3A_197 : vector<16xf32>
        %max3A_199 = arith.maximumf %max3A_190, %get3A_197 : vector<16xf32>
        %mul3A_200 = arith.constant 384 : i32
        %mul3A_201 = arith.muli %scan3A_34, %mul3A_200 : i32
        %add3A_202 = arith.constant 304 : i32
        %add3A_203 = arith.addi %mul3A_201, %add3A_202 : i32
        %get3A_204 = arith.index_cast %add3A_203 : i32 to index
        %get3A_205 = tpu.vector_load %arg10[%get3A_204] {strides = array<i32>} : memref<9216xf32, #tpu.memory_space<vmem>>, vector<16xf32>,
        %get3A_206 = vector.shape_cast %get3A_205 : vector<16xf32> to vector<16xf32>
        %min3A_207 = arith.minimumf %min3A_198, %get3A_206 : vector<16xf32>
        %max3A_208 = arith.maximumf %max3A_199, %get3A_206 : vector<16xf32>
        %mul3A_209 = arith.constant 384 : i32
        %mul3A_210 = arith.muli %scan3A_34, %mul3A_209 : i32
        %add3A_211 = arith.constant 320 : i32
        %add3A_212 = arith.addi %mul3A_210, %add3A_211 : i32
        %get3A_213 = arith.index_cast %add3A_212 : i32 to index
        %get3A_214 = tpu.vector_load %arg10[%get3A_213] {strides = array<i32>} : memref<9216xf32, #tpu.memory_space<vmem>>, vector<16xf32>,
        %get3A_215 = vector.shape_cast %get3A_214 : vector<16xf32> to vector<16xf32>
        %min3A_216 = arith.minimumf %min3A_207, %get3A_215 : vector<16xf32>
        %max3A_217 = arith.maximumf %max3A_208, %get3A_215 : vector<16xf32>
        %mul3A_218 = arith.constant 384 : i32
        %mul3A_219 = arith.muli %scan3A_34, %mul3A_218 : i32
        %add3A_220 = arith.constant 336 : i32
        %add3A_221 = arith.addi %mul3A_219, %add3A_220 : i32
        %get3A_222 = arith.index_cast %add3A_221 : i32 to index
        %get3A_223 = tpu.vector_load %arg10[%get3A_222] {strides = array<i32>} : memref<9216xf32, #tpu.memory_space<vmem>>, vector<16xf32>,
        %get3A_224 = vector.shape_cast %get3A_223 : vector<16xf32> to vector<16xf32>
        %min3A_225 = arith.minimumf %min3A_216, %get3A_224 : vector<16xf32>
        %max3A_226 = arith.maximumf %max3A_217, %get3A_224 : vector<16xf32>
        %mul3A_227 = arith.constant 384 : i32
        %mul3A_228 = arith.muli %scan3A_34, %mul3A_227 : i32
        %add3A_229 = arith.constant 352 : i32
        %add3A_230 = arith.addi %mul3A_228, %add3A_229 : i32
        %get3A_231 = arith.index_cast %add3A_230 : i32 to index
        %get3A_232 = tpu.vector_load %arg10[%get3A_231] {strides = array<i32>} : memref<9216xf32, #tpu.memory_space<vmem>>, vector<16xf32>,
        %get3A_233 = vector.shape_cast %get3A_232 : vector<16xf32> to vector<16xf32>
        %min3A_234 = arith.minimumf %min3A_225, %get3A_233 : vector<16xf32>
        %max3A_235 = arith.maximumf %max3A_226, %get3A_233 : vector<16xf32>
        %mul3A_236 = arith.constant 384 : i32
        %mul3A_237 = arith.muli %scan3A_34, %mul3A_236 : i32
        %add3A_238 = arith.constant 368 : i32
        %add3A_239 = arith.addi %mul3A_237, %add3A_238 : i32
        %get3A_240 = arith.index_cast %add3A_239 : i32 to index
        %get3A_241 = tpu.vector_load %arg10[%get3A_240] {strides = array<i32>} : memref<9216xf32, #tpu.memory_space<vmem>>, vector<16xf32>,
        %get3A_242 = vector.shape_cast %get3A_241 : vector<16xf32> to vector<16xf32>
        %min3A_243 = arith.minimumf %min3A_234, %get3A_242 : vector<16xf32>
        %max3A_244 = arith.maximumf %max3A_235, %get3A_242 : vector<16xf32>
        %slice3A = vector.extract_strided_slice %min3A_243 {offsets = [0], sizes = [1], strides = [1]} : vector<16xf32> to vector<1xf32>
        %squeeze3A = vector.extract %slice3A[0] : f32 from vector<1xf32>
        %slice3A_245 = vector.extract_strided_slice %max3A_244 {offsets = [0], sizes = [1], strides = [1]} : vector<16xf32> to vector<1xf32>
        %squeeze3A_246 = vector.extract %slice3A_245[0] : f32 from vector<1xf32>
        %slice3A_247 = vector.extract_strided_slice %min3A_243 {offsets = [1], sizes = [1], strides = [1]} : vector<16xf32> to vector<1xf32>
        %squeeze3A_248 = vector.extract %slice3A_247[0] : f32 from vector<1xf32>
        %min3A_249 = arith.minimumf %squeeze3A, %squeeze3A_248 : f32
        %slice3A_250 = vector.extract_strided_slice %max3A_244 {offsets = [1], sizes = [1], strides = [1]} : vector<16xf32> to vector<1xf32>
        %squeeze3A_251 = vector.extract %slice3A_250[0] : f32 from vector<1xf32>
        %max3A_252 = arith.maximumf %squeeze3A_246, %squeeze3A_251 : f32
        %slice3A_253 = vector.extract_strided_slice %min3A_243 {offsets = [2], sizes = [1], strides = [1]} : vector<16xf32> to vector<1xf32>
        %squeeze3A_254 = vector.extract %slice3A_253[0] : f32 from vector<1xf32>
        %min3A_255 = arith.minimumf %min3A_249, %squeeze3A_254 : f32
        %slice3A_256 = vector.extract_strided_slice %max3A_244 {offsets = [2], sizes = [1], strides = [1]} : vector<16xf32> to vector<1xf32>
        %squeeze3A_257 = vector.extract %slice3A_256[0] : f32 from vector<1xf32>
        %max3A_258 = arith.maximumf %max3A_252, %squeeze3A_257 : f32
        %slice3A_259 = vector.extract_strided_slice %min3A_243 {offsets = [3], sizes = [1], strides = [1]} : vector<16xf32> to vector<1xf32>
        %squeeze3A_260 = vector.extract %slice3A_259[0] : f32 from vector<1xf32>
        %min3A_261 = arith.minimumf %min3A_255, %squeeze3A_260 : f32
        %slice3A_262 = vector.extract_strided_slice %max3A_244 {offsets = [3], sizes = [1], strides = [1]} : vector<16xf32> to vector<1xf32>
        %squeeze3A_263 = vector.extract %slice3A_262[0] : f32 from vector<1xf32>
        %max3A_264 = arith.maximumf %max3A_258, %squeeze3A_263 : f32
        %slice3A_265 = vector.extract_strided_slice %min3A_243 {offsets = [4], sizes = [1], strides = [1]} : vector<16xf32> to vector<1xf32>
        %squeeze3A_266 = vector.extract %slice3A_265[0] : f32 from vector<1xf32>
        %min3A_267 = arith.minimumf %min3A_261, %squeeze3A_266 : f32
        %slice3A_268 = vector.extract_strided_slice %max3A_244 {offsets = [4], sizes = [1], strides = [1]} : vector<16xf32> to vector<1xf32>
        %squeeze3A_269 = vector.extract %slice3A_268[0] : f32 from vector<1xf32>
        %max3A_270 = arith.maximumf %max3A_264, %squeeze3A_269 : f32
        %slice3A_271 = vector.extract_strided_slice %min3A_243 {offsets = [5], sizes = [1], strides = [1]} : vector<16xf32> to vector<1xf32>
        %squeeze3A_272 = vector.extract %slice3A_271[0] : f32 from vector<1xf32>
        %min3A_273 = arith.minimumf %min3A_267, %squeeze3A_272 : f32
        %slice3A_274 = vector.extract_strided_slice %max3A_244 {offsets = [5], sizes = [1], strides = [1]} : vector<16xf32> to vector<1xf32>
        %squeeze3A_275 = vector.extract %slice3A_274[0] : f32 from vector<1xf32>
        %max3A_276 = arith.maximumf %max3A_270, %squeeze3A_275 : f32
        %slice3A_277 = vector.extract_strided_slice %min3A_243 {offsets = [6], sizes = [1], strides = [1]} : vector<16xf32> to vector<1xf32>
        %squeeze3A_278 = vector.extract %slice3A_277[0] : f32 from vector<1xf32>
        %min3A_279 = arith.minimumf %min3A_273, %squeeze3A_278 : f32
        %slice3A_280 = vector.extract_strided_slice %max3A_244 {offsets = [6], sizes = [1], strides = [1]} : vector<16xf32> to vector<1xf32>
        %squeeze3A_281 = vector.extract %slice3A_280[0] : f32 from vector<1xf32>
        %max3A_282 = arith.maximumf %max3A_276, %squeeze3A_281 : f32
        %slice3A_283 = vector.extract_strided_slice %min3A_243 {offsets = [7], sizes = [1], strides = [1]} : vector<16xf32> to vector<1xf32>
        %squeeze3A_284 = vector.extract %slice3A_283[0] : f32 from vector<1xf32>
        %min3A_285 = arith.minimumf %min3A_279, %squeeze3A_284 : f32
        %slice3A_286 = vector.extract_strided_slice %max3A_244 {offsets = [7], sizes = [1], strides = [1]} : vector<16xf32> to vector<1xf32>
        %squeeze3A_287 = vector.extract %slice3A_286[0] : f32 from vector<1xf32>
        %max3A_288 = arith.maximumf %max3A_282, %squeeze3A_287 : f32
        %slice3A_289 = vector.extract_strided_slice %min3A_243 {offsets = [8], sizes = [1], strides = [1]} : vector<16xf32> to vector<1xf32>
        %squeeze3A_290 = vector.extract %slice3A_289[0] : f32 from vector<1xf32>
        %min3A_291 = arith.minimumf %min3A_285, %squeeze3A_290 : f32
        %slice3A_292 = vector.extract_strided_slice %max3A_244 {offsets = [8], sizes = [1], strides = [1]} : vector<16xf32> to vector<1xf32>
        %squeeze3A_293 = vector.extract %slice3A_292[0] : f32 from vector<1xf32>
        %max3A_294 = arith.maximumf %max3A_288, %squeeze3A_293 : f32
        %slice3A_295 = vector.extract_strided_slice %min3A_243 {offsets = [9], sizes = [1], strides = [1]} : vector<16xf32> to vector<1xf32>
        %squeeze3A_296 = vector.extract %slice3A_295[0] : f32 from vector<1xf32>
        %min3A_297 = arith.minimumf %min3A_291, %squeeze3A_296 : f32
        %slice3A_298 = vector.extract_strided_slice %max3A_244 {offsets = [9], sizes = [1], strides = [1]} : vector<16xf32> to vector<1xf32>
        %squeeze3A_299 = vector.extract %slice3A_298[0] : f32 from vector<1xf32>
        %max3A_300 = arith.maximumf %max3A_294, %squeeze3A_299 : f32
        %slice3A_301 = vector.extract_strided_slice %min3A_243 {offsets = [10], sizes = [1], strides = [1]} : vector<16xf32> to vector<1xf32>
        %squeeze3A_302 = vector.extract %slice3A_301[0] : f32 from vector<1xf32>
        %min3A_303 = arith.minimumf %min3A_297, %squeeze3A_302 : f32
        %slice3A_304 = vector.extract_strided_slice %max3A_244 {offsets = [10], sizes = [1], strides = [1]} : vector<16xf32> to vector<1xf32>
        %squeeze3A_305 = vector.extract %slice3A_304[0] : f32 from vector<1xf32>
        %max3A_306 = arith.maximumf %max3A_300, %squeeze3A_305 : f32
        %slice3A_307 = vector.extract_strided_slice %min3A_243 {offsets = [11], sizes = [1], strides = [1]} : vector<16xf32> to vector<1xf32>
        %squeeze3A_308 = vector.extract %slice3A_307[0] : f32 from vector<1xf32>
        %min3A_309 = arith.minimumf %min3A_303, %squeeze3A_308 : f32
        %slice3A_310 = vector.extract_strided_slice %max3A_244 {offsets = [11], sizes = [1], strides = [1]} : vector<16xf32> to vector<1xf32>
        %squeeze3A_311 = vector.extract %slice3A_310[0] : f32 from vector<1xf32>
        %max3A_312 = arith.maximumf %max3A_306, %squeeze3A_311 : f32
        %slice3A_313 = vector.extract_strided_slice %min3A_243 {offsets = [12], sizes = [1], strides = [1]} : vector<16xf32> to vector<1xf32>
        %squeeze3A_314 = vector.extract %slice3A_313[0] : f32 from vector<1xf32>
        %min3A_315 = arith.minimumf %min3A_309, %squeeze3A_314 : f32
        %slice3A_316 = vector.extract_strided_slice %max3A_244 {offsets = [12], sizes = [1], strides = [1]} : vector<16xf32> to vector<1xf32>
        %squeeze3A_317 = vector.extract %slice3A_316[0] : f32 from vector<1xf32>
        %max3A_318 = arith.maximumf %max3A_312, %squeeze3A_317 : f32
        %slice3A_319 = vector.extract_strided_slice %min3A_243 {offsets = [13], sizes = [1], strides = [1]} : vector<16xf32> to vector<1xf32>
        %squeeze3A_320 = vector.extract %slice3A_319[0] : f32 from vector<1xf32>
        %min3A_321 = arith.minimumf %min3A_315, %squeeze3A_320 : f32
        %slice3A_322 = vector.extract_strided_slice %max3A_244 {offsets = [13], sizes = [1], strides = [1]} : vector<16xf32> to vector<1xf32>
        %squeeze3A_323 = vector.extract %slice3A_322[0] : f32 from vector<1xf32>
        %max3A_324 = arith.maximumf %max3A_318, %squeeze3A_323 : f32
        %slice3A_325 = vector.extract_strided_slice %min3A_243 {offsets = [14], sizes = [1], strides = [1]} : vector<16xf32> to vector<1xf32>
        %squeeze3A_326 = vector.extract %slice3A_325[0] : f32 from vector<1xf32>
        %min3A_327 = arith.minimumf %min3A_321, %squeeze3A_326 : f32
        %slice3A_328 = vector.extract_strided_slice %max3A_244 {offsets = [14], sizes = [1], strides = [1]} : vector<16xf32> to vector<1xf32>
        %squeeze3A_329 = vector.extract %slice3A_328[0] : f32 from vector<1xf32>
        %max3A_330 = arith.maximumf %max3A_324, %squeeze3A_329 : f32
        %slice3A_331 = vector.extract_strided_slice %min3A_243 {offsets = [15], sizes = [1], strides = [1]} : vector<16xf32> to vector<1xf32>
        %squeeze3A_332 = vector.extract %slice3A_331[0] : f32 from vector<1xf32>
        %min3A_333 = arith.minimumf %min3A_327, %squeeze3A_332 : f32
        %slice3A_334 = vector.extract_strided_slice %max3A_244 {offsets = [15], sizes = [1], strides = [1]} : vector<16xf32> to vector<1xf32>
        %squeeze3A_335 = vector.extract %slice3A_334[0] : f32 from vector<1xf32>
        %max3A_336 = arith.maximumf %max3A_330, %squeeze3A_335 : f32
        %mul3A_337 = arith.constant 2 : i32
        %mul3A_338 = arith.muli %mul3A_337, %scan3A_34 : i32
        %swap3A = arith.index_cast %mul3A_338 : i32 to index
        %swap3A_339 = memref.load %arg15[%swap3A] : memref<48xf32, #tpu.memory_space<smem>>
        memref.store %min3A_333, %arg15[%swap3A] : memref<48xf32, #tpu.memory_space<smem>>
        %mul3A_340 = arith.constant 2 : i32
        %mul3A_341 = arith.muli %mul3A_340, %scan3A_34 : i32
        %add3A_342 = arith.constant 1 : i32
        %add3A_343 = arith.addi %mul3A_341, %add3A_342 : i32
        %swap3A_344 = arith.index_cast %add3A_343 : i32 to index
        %swap3A_345 = memref.load %arg15[%swap3A_344] : memref<48xf32, #tpu.memory_space<smem>>
        memref.store %max3A_336, %arg15[%swap3A_344] : memref<48xf32, #tpu.memory_space<smem>>
        %scan3A_346 = arith.constant 0 : i32
        scf.yield %scan3A_346 : i32
      }
      %scan3A_25 = arith.constant 24 : i32
      %scan3A_26 = arith.constant 0 : i32
      %scan3A_27 = arith.constant 0 : i32
      %scan3A_28 = arith.constant 6 : i32
      %scan3A_29 = arith.addi %scan3A_27, %scan3A_28 : i32
      %scan3A_30 = arith.constant 1 : i32
      %scan3A_31 = scf.for %scan3A_34 = %scan3A_27 to %scan3A_29 step %scan3A_30 iter_args(%scan3A_35 = %scan3A_26) -> (i32)  : i32 {
        %mul3A_36 = arith.constant 2 : i32
        %mul3A_37 = arith.muli %scan3A_34, %mul3A_36 : i32
        %add3A_38 = arith.addi %mul3A_37, %arg0 : i32
        %mul3A_39 = arith.constant 32 : i32
        %mul3A_40 = arith.muli %add3A_38, %mul3A_39 : i32
        %convert_element_type3A = arith.sitofp %mul3A_40 : i32 to f32
        %mul3A_41 = arith.constant 384 : i32
        %mul3A_42 = arith.muli %mul3A_40, %mul3A_41 : i32
        %add3A_43 = arith.addi %mul3A_16, %mul3A_42 : i32
        %mul3A_44 = arith.constant 768 : i32
        %mul3A_45 = arith.muli %arg1, %mul3A_44 : i32
        %add3A_46 = arith.constant 0 : i32
        %add3A_47 = arith.addi %mul3A_45, %add3A_46 : i32
        %dma_start3A = arith.constant 0 : i32
        %dma_start3A_48 = tpu.memref_slice %arg6[%add3A_47, %dma_start3A] : memref<12296x128xf32, #tpu.memory_space<vmem_shared>> -> memref<32x128xf32, #tpu.memory_space<vmem_shared>>
        %dma_start3A_49 = arith.constant 0 : i32
        %dma_start3A_50 = tpu.memref_slice %arg6[%add3A_47, %dma_start3A_49] : memref<12296x128xf32, #tpu.memory_space<vmem_shared>> -> memref<32x128xf32, #tpu.memory_space<vmem_shared>>
        tpu.enqueue_dma source(%arg16 : memref<32x128xf32, #tpu.memory_space<vmem>>) target(%dma_start3A_50 : memref<32x128xf32, #tpu.memory_space<vmem_shared>>) target_semaphore(%arg11 : memref<!tpu.dma_semaphore, #tpu.memory_space<semaphore_mem>>)
        %mul3A_51 = arith.constant 768 : i32
        %mul3A_52 = arith.muli %arg1, %mul3A_51 : i32
        %add3A_53 = arith.constant 32 : i32
        %add3A_54 = arith.addi %mul3A_52, %add3A_53 : i32
        %dma_start3A_55 = arith.constant 0 : i32
        %dma_start3A_56 = tpu.memref_slice %arg6[%add3A_54, %dma_start3A_55] : memref<12296x128xf32, #tpu.memory_space<vmem_shared>> -> memref<32x128xf32, #tpu.memory_space<vmem_shared>>
        %dma_start3A_57 = arith.constant 0 : i32
        %dma_start3A_58 = tpu.memref_slice %arg6[%add3A_54, %dma_start3A_57] : memref<12296x128xf32, #tpu.memory_space<vmem_shared>> -> memref<32x128xf32, #tpu.memory_space<vmem_shared>>
        tpu.enqueue_dma source(%arg16 : memref<32x128xf32, #tpu.memory_space<vmem>>) target(%dma_start3A_58 : memref<32x128xf32, #tpu.memory_space<vmem_shared>>) target_semaphore(%arg11 : memref<!tpu.dma_semaphore, #tpu.memory_space<semaphore_mem>>)
        %mul3A_59 = arith.constant 768 : i32
        %mul3A_60 = arith.muli %arg1, %mul3A_59 : i32
        %add3A_61 = arith.constant 64 : i32
        %add3A_62 = arith.addi %mul3A_60, %add3A_61 : i32
        %dma_start3A_63 = arith.constant 0 : i32
        %dma_start3A_64 = tpu.memref_slice %arg6[%add3A_62, %dma_start3A_63] : memref<12296x128xf32, #tpu.memory_space<vmem_shared>> -> memref<32x128xf32, #tpu.memory_space<vmem_shared>>
        %dma_start3A_65 = arith.constant 0 : i32
        %dma_start3A_66 = tpu.memref_slice %arg6[%add3A_62, %dma_start3A_65] : memref<12296x128xf32, #tpu.memory_space<vmem_shared>> -> memref<32x128xf32, #tpu.memory_space<vmem_shared>>
        tpu.enqueue_dma source(%arg16 : memref<32x128xf32, #tpu.memory_space<vmem>>) target(%dma_start3A_66 : memref<32x128xf32, #tpu.memory_space<vmem_shared>>) target_semaphore(%arg11 : memref<!tpu.dma_semaphore, #tpu.memory_space<semaphore_mem>>)
        %mul3A_67 = arith.constant 768 : i32
        %mul3A_68 = arith.muli %arg1, %mul3A_67 : i32
        %add3A_69 = arith.constant 96 : i32
        %add3A_70 = arith.addi %mul3A_68, %add3A_69 : i32
        %dma_start3A_71 = arith.constant 0 : i32
        %dma_start3A_72 = tpu.memref_slice %arg6[%add3A_70, %dma_start3A_71] : memref<12296x128xf32, #tpu.memory_space<vmem_shared>> -> memref<32x128xf32, #tpu.memory_space<vmem_shared>>
        %dma_start3A_73 = arith.constant 0 : i32
        %dma_start3A_74 = tpu.memref_slice %arg6[%add3A_70, %dma_start3A_73] : memref<12296x128xf32, #tpu.memory_space<vmem_shared>> -> memref<32x128xf32, #tpu.memory_space<vmem_shared>>
        tpu.enqueue_dma source(%arg16 : memref<32x128xf32, #tpu.memory_space<vmem>>) target(%dma_start3A_74 : memref<32x128xf32, #tpu.memory_space<vmem_shared>>) target_semaphore(%arg11 : memref<!tpu.dma_semaphore, #tpu.memory_space<semaphore_mem>>)
        %mul3A_75 = arith.constant 768 : i32
        %mul3A_76 = arith.muli %arg1, %mul3A_75 : i32
        %add3A_77 = arith.constant 128 : i32
        %add3A_78 = arith.addi %mul3A_76, %add3A_77 : i32
        %dma_start3A_79 = arith.constant 0 : i32
        %dma_start3A_80 = tpu.memref_slice %arg6[%add3A_78, %dma_start3A_79] : memref<12296x128xf32, #tpu.memory_space<vmem_shared>> -> memref<32x128xf32, #tpu.memory_space<vmem_shared>>
        %dma_start3A_81 = arith.constant 0 : i32
        %dma_start3A_82 = tpu.memref_slice %arg6[%add3A_78, %dma_start3A_81] : memref<12296x128xf32, #tpu.memory_space<vmem_shared>> -> memref<32x128xf32, #tpu.memory_space<vmem_shared>>
        tpu.enqueue_dma source(%arg16 : memref<32x128xf32, #tpu.memory_space<vmem>>) target(%dma_start3A_82 : memref<32x128xf32, #tpu.memory_space<vmem_shared>>) target_semaphore(%arg11 : memref<!tpu.dma_semaphore, #tpu.memory_space<semaphore_mem>>)
        %mul3A_83 = arith.constant 768 : i32
        %mul3A_84 = arith.muli %arg1, %mul3A_83 : i32
        %add3A_85 = arith.constant 160 : i32
        %add3A_86 = arith.addi %mul3A_84, %add3A_85 : i32
        %dma_start3A_87 = arith.constant 0 : i32
        %dma_start3A_88 = tpu.memref_slice %arg6[%add3A_86, %dma_start3A_87] : memref<12296x128xf32, #tpu.memory_space<vmem_shared>> -> memref<32x128xf32, #tpu.memory_space<vmem_shared>>
        %dma_start3A_89 = arith.constant 0 : i32
        %dma_start3A_90 = tpu.memref_slice %arg6[%add3A_86, %dma_start3A_89] : memref<12296x128xf32, #tpu.memory_space<vmem_shared>> -> memref<32x128xf32, #tpu.memory_space<vmem_shared>>
        tpu.enqueue_dma source(%arg16 : memref<32x128xf32, #tpu.memory_space<vmem>>) target(%dma_start3A_90 : memref<32x128xf32, #tpu.memory_space<vmem_shared>>) target_semaphore(%arg11 : memref<!tpu.dma_semaphore, #tpu.memory_space<semaphore_mem>>)
        %mul3A_91 = arith.constant 768 : i32
        %mul3A_92 = arith.muli %arg1, %mul3A_91 : i32
        %add3A_93 = arith.constant 192 : i32
        %add3A_94 = arith.addi %mul3A_92, %add3A_93 : i32
        %dma_start3A_95 = arith.constant 0 : i32
        %dma_start3A_96 = tpu.memref_slice %arg6[%add3A_94, %dma_start3A_95] : memref<12296x128xf32, #tpu.memory_space<vmem_shared>> -> memref<32x128xf32, #tpu.memory_space<vmem_shared>>
        %dma_start3A_97 = arith.constant 0 : i32
        %dma_start3A_98 = tpu.memref_slice %arg6[%add3A_94, %dma_start3A_97] : memref<12296x128xf32, #tpu.memory_space<vmem_shared>> -> memref<32x128xf32, #tpu.memory_space<vmem_shared>>
        tpu.enqueue_dma source(%arg16 : memref<32x128xf32, #tpu.memory_space<vmem>>) target(%dma_start3A_98 : memref<32x128xf32, #tpu.memory_space<vmem_shared>>) target_semaphore(%arg11 : memref<!tpu.dma_semaphore, #tpu.memory_space<semaphore_mem>>)
        %mul3A_99 = arith.constant 768 : i32
        %mul3A_100 = arith.muli %arg1, %mul3A_99 : i32
        %add3A_101 = arith.constant 224 : i32
        %add3A_102 = arith.addi %mul3A_100, %add3A_101 : i32
        %dma_start3A_103 = arith.constant 0 : i32
        %dma_start3A_104 = tpu.memref_slice %arg6[%add3A_102, %dma_start3A_103] : memref<12296x128xf32, #tpu.memory_space<vmem_shared>> -> memref<32x128xf32, #tpu.memory_space<vmem_shared>>
        %dma_start3A_105 = arith.constant 0 : i32
        %dma_start3A_106 = tpu.memref_slice %arg6[%add3A_102, %dma_start3A_105] : memref<12296x128xf32, #tpu.memory_space<vmem_shared>> -> memref<32x128xf32, #tpu.memory_space<vmem_shared>>
        tpu.enqueue_dma source(%arg16 : memref<32x128xf32, #tpu.memory_space<vmem>>) target(%dma_start3A_106 : memref<32x128xf32, #tpu.memory_space<vmem_shared>>) target_semaphore(%arg11 : memref<!tpu.dma_semaphore, #tpu.memory_space<semaphore_mem>>)
        %mul3A_107 = arith.constant 768 : i32
        %mul3A_108 = arith.muli %arg1, %mul3A_107 : i32
        %add3A_109 = arith.constant 256 : i32
        %add3A_110 = arith.addi %mul3A_108, %add3A_109 : i32
        %dma_start3A_111 = arith.constant 0 : i32
        %dma_start3A_112 = tpu.memref_slice %arg6[%add3A_110, %dma_start3A_111] : memref<12296x128xf32, #tpu.memory_space<vmem_shared>> -> memref<32x128xf32, #tpu.memory_space<vmem_shared>>
        %dma_start3A_113 = arith.constant 0 : i32
        %dma_start3A_114 = tpu.memref_slice %arg6[%add3A_110, %dma_start3A_113] : memref<12296x128xf32, #tpu.memory_space<vmem_shared>> -> memref<32x128xf32, #tpu.memory_space<vmem_shared>>
        tpu.enqueue_dma source(%arg16 : memref<32x128xf32, #tpu.memory_space<vmem>>) target(%dma_start3A_114 : memref<32x128xf32, #tpu.memory_space<vmem_shared>>) target_semaphore(%arg11 : memref<!tpu.dma_semaphore, #tpu.memory_space<semaphore_mem>>)
        %mul3A_115 = arith.constant 768 : i32
        %mul3A_116 = arith.muli %arg1, %mul3A_115 : i32
        %add3A_117 = arith.constant 288 : i32
        %add3A_118 = arith.addi %mul3A_116, %add3A_117 : i32
        %dma_start3A_119 = arith.constant 0 : i32
        %dma_start3A_120 = tpu.memref_slice %arg6[%add3A_118, %dma_start3A_119] : memref<12296x128xf32, #tpu.memory_space<vmem_shared>> -> memref<32x128xf32, #tpu.memory_space<vmem_shared>>
        %dma_start3A_121 = arith.constant 0 : i32
        %dma_start3A_122 = tpu.memref_slice %arg6[%add3A_118, %dma_start3A_121] : memref<12296x128xf32, #tpu.memory_space<vmem_shared>> -> memref<32x128xf32, #tpu.memory_space<vmem_shared>>
        tpu.enqueue_dma source(%arg16 : memref<32x128xf32, #tpu.memory_space<vmem>>) target(%dma_start3A_122 : memref<32x128xf32, #tpu.memory_space<vmem_shared>>) target_semaphore(%arg11 : memref<!tpu.dma_semaphore, #tpu.memory_space<semaphore_mem>>)
        %mul3A_123 = arith.constant 768 : i32
        %mul3A_124 = arith.muli %arg1, %mul3A_123 : i32
        %add3A_125 = arith.constant 320 : i32
        %add3A_126 = arith.addi %mul3A_124, %add3A_125 : i32
        %dma_start3A_127 = arith.constant 0 : i32
        %dma_start3A_128 = tpu.memref_slice %arg6[%add3A_126, %dma_start3A_127] : memref<12296x128xf32, #tpu.memory_space<vmem_shared>> -> memref<32x128xf32, #tpu.memory_space<vmem_shared>>
        %dma_start3A_129 = arith.constant 0 : i32
        %dma_start3A_130 = tpu.memref_slice %arg6[%add3A_126, %dma_start3A_129] : memref<12296x128xf32, #tpu.memory_space<vmem_shared>> -> memref<32x128xf32, #tpu.memory_space<vmem_shared>>
        tpu.enqueue_dma source(%arg16 : memref<32x128xf32, #tpu.memory_space<vmem>>) target(%dma_start3A_130 : memref<32x128xf32, #tpu.memory_space<vmem_shared>>) target_semaphore(%arg11 : memref<!tpu.dma_semaphore, #tpu.memory_space<semaphore_mem>>)
        %mul3A_131 = arith.constant 768 : i32
        %mul3A_132 = arith.muli %arg1, %mul3A_131 : i32
        %add3A_133 = arith.constant 352 : i32
        %add3A_134 = arith.addi %mul3A_132, %add3A_133 : i32
        %dma_start3A_135 = arith.constant 0 : i32
        %dma_start3A_136 = tpu.memref_slice %arg6[%add3A_134, %dma_start3A_135] : memref<12296x128xf32, #tpu.memory_space<vmem_shared>> -> memref<32x128xf32, #tpu.memory_space<vmem_shared>>
        %dma_start3A_137 = arith.constant 0 : i32
        %dma_start3A_138 = tpu.memref_slice %arg6[%add3A_134, %dma_start3A_137] : memref<12296x128xf32, #tpu.memory_space<vmem_shared>> -> memref<32x128xf32, #tpu.memory_space<vmem_shared>>
        tpu.enqueue_dma source(%arg16 : memref<32x128xf32, #tpu.memory_space<vmem>>) target(%dma_start3A_138 : memref<32x128xf32, #tpu.memory_space<vmem_shared>>) target_semaphore(%arg11 : memref<!tpu.dma_semaphore, #tpu.memory_space<semaphore_mem>>)
        %mul3A_139 = arith.constant 768 : i32
        %mul3A_140 = arith.muli %arg1, %mul3A_139 : i32
        %add3A_141 = arith.constant 384 : i32
        %add3A_142 = arith.addi %mul3A_140, %add3A_141 : i32
        %dma_start3A_143 = arith.constant 0 : i32
        %dma_start3A_144 = tpu.memref_slice %arg6[%add3A_142, %dma_start3A_143] : memref<12296x128xf32, #tpu.memory_space<vmem_shared>> -> memref<32x128xf32, #tpu.memory_space<vmem_shared>>
        %dma_start3A_145 = arith.constant 0 : i32
        %dma_start3A_146 = tpu.memref_slice %arg6[%add3A_142, %dma_start3A_145] : memref<12296x128xf32, #tpu.memory_space<vmem_shared>> -> memref<32x128xf32, #tpu.memory_space<vmem_shared>>
        tpu.enqueue_dma source(%arg16 : memref<32x128xf32, #tpu.memory_space<vmem>>) target(%dma_start3A_146 : memref<32x128xf32, #tpu.memory_space<vmem_shared>>) target_semaphore(%arg11 : memref<!tpu.dma_semaphore, #tpu.memory_space<semaphore_mem>>)
        %mul3A_147 = arith.constant 768 : i32
        %mul3A_148 = arith.muli %arg1, %mul3A_147 : i32
        %add3A_149 = arith.constant 416 : i32
        %add3A_150 = arith.addi %mul3A_148, %add3A_149 : i32
        %dma_start3A_151 = arith.constant 0 : i32
        %dma_start3A_152 = tpu.memref_slice %arg6[%add3A_150, %dma_start3A_151] : memref<12296x128xf32, #tpu.memory_space<vmem_shared>> -> memref<32x128xf32, #tpu.memory_space<vmem_shared>>
        %dma_start3A_153 = arith.constant 0 : i32
        %dma_start3A_154 = tpu.memref_slice %arg6[%add3A_150, %dma_start3A_153] : memref<12296x128xf32, #tpu.memory_space<vmem_shared>> -> memref<32x128xf32, #tpu.memory_space<vmem_shared>>
        tpu.enqueue_dma source(%arg16 : memref<32x128xf32, #tpu.memory_space<vmem>>) target(%dma_start3A_154 : memref<32x128xf32, #tpu.memory_space<vmem_shared>>) target_semaphore(%arg11 : memref<!tpu.dma_semaphore, #tpu.memory_space<semaphore_mem>>)
        %mul3A_155 = arith.constant 768 : i32
        %mul3A_156 = arith.muli %arg1, %mul3A_155 : i32
        %add3A_157 = arith.constant 448 : i32
        %add3A_158 = arith.addi %mul3A_156, %add3A_157 : i32
        %dma_start3A_159 = arith.constant 0 : i32
        %dma_start3A_160 = tpu.memref_slice %arg6[%add3A_158, %dma_start3A_159] : memref<12296x128xf32, #tpu.memory_space<vmem_shared>> -> memref<32x128xf32, #tpu.memory_space<vmem_shared>>
        %dma_start3A_161 = arith.constant 0 : i32
        %dma_start3A_162 = tpu.memref_slice %arg6[%add3A_158, %dma_start3A_161] : memref<12296x128xf32, #tpu.memory_space<vmem_shared>> -> memref<32x128xf32, #tpu.memory_space<vmem_shared>>
        tpu.enqueue_dma source(%arg16 : memref<32x128xf32, #tpu.memory_space<vmem>>) target(%dma_start3A_162 : memref<32x128xf32, #tpu.memory_space<vmem_shared>>) target_semaphore(%arg11 : memref<!tpu.dma_semaphore, #tpu.memory_space<semaphore_mem>>)
        %mul3A_163 = arith.constant 768 : i32
        %mul3A_164 = arith.muli %arg1, %mul3A_163 : i32
        %add3A_165 = arith.constant 480 : i32
        %add3A_166 = arith.addi %mul3A_164, %add3A_165 : i32
        %dma_start3A_167 = arith.constant 0 : i32
        %dma_start3A_168 = tpu.memref_slice %arg6[%add3A_166, %dma_start3A_167] : memref<12296x128xf32, #tpu.memory_space<vmem_shared>> -> memref<32x128xf32, #tpu.memory_space<vmem_shared>>
        %dma_start3A_169 = arith.constant 0 : i32
        %dma_start3A_170 = tpu.memref_slice %arg6[%add3A_166, %dma_start3A_169] : memref<12296x128xf32, #tpu.memory_space<vmem_shared>> -> memref<32x128xf32, #tpu.memory_space<vmem_shared>>
        tpu.enqueue_dma source(%arg16 : memref<32x128xf32, #tpu.memory_space<vmem>>) target(%dma_start3A_170 : memref<32x128xf32, #tpu.memory_space<vmem_shared>>) target_semaphore(%arg11 : memref<!tpu.dma_semaphore, #tpu.memory_space<semaphore_mem>>)
        %mul3A_171 = arith.constant 768 : i32
        %mul3A_172 = arith.muli %arg1, %mul3A_171 : i32
        %add3A_173 = arith.constant 512 : i32
        %add3A_174 = arith.addi %mul3A_172, %add3A_173 : i32
        %dma_start3A_175 = arith.constant 0 : i32
        %dma_start3A_176 = tpu.memref_slice %arg6[%add3A_174, %dma_start3A_175] : memref<12296x128xf32, #tpu.memory_space<vmem_shared>> -> memref<32x128xf32, #tpu.memory_space<vmem_shared>>
        %dma_start3A_177 = arith.constant 0 : i32
        %dma_start3A_178 = tpu.memref_slice %arg6[%add3A_174, %dma_start3A_177] : memref<12296x128xf32, #tpu.memory_space<vmem_shared>> -> memref<32x128xf32, #tpu.memory_space<vmem_shared>>
        tpu.enqueue_dma source(%arg16 : memref<32x128xf32, #tpu.memory_space<vmem>>) target(%dma_start3A_178 : memref<32x128xf32, #tpu.memory_space<vmem_shared>>) target_semaphore(%arg11 : memref<!tpu.dma_semaphore, #tpu.memory_space<semaphore_mem>>)
        %mul3A_179 = arith.constant 768 : i32
        %mul3A_180 = arith.muli %arg1, %mul3A_179 : i32
        %add3A_181 = arith.constant 544 : i32
        %add3A_182 = arith.addi %mul3A_180, %add3A_181 : i32
        %dma_start3A_183 = arith.constant 0 : i32
        %dma_start3A_184 = tpu.memref_slice %arg6[%add3A_182, %dma_start3A_183] : memref<12296x128xf32, #tpu.memory_space<vmem_shared>> -> memref<32x128xf32, #tpu.memory_space<vmem_shared>>
        %dma_start3A_185 = arith.constant 0 : i32
        %dma_start3A_186 = tpu.memref_slice %arg6[%add3A_182, %dma_start3A_185] : memref<12296x128xf32, #tpu.memory_space<vmem_shared>> -> memref<32x128xf32, #tpu.memory_space<vmem_shared>>
        tpu.enqueue_dma source(%arg16 : memref<32x128xf32, #tpu.memory_space<vmem>>) target(%dma_start3A_186 : memref<32x128xf32, #tpu.memory_space<vmem_shared>>) target_semaphore(%arg11 : memref<!tpu.dma_semaphore, #tpu.memory_space<semaphore_mem>>)
        %mul3A_187 = arith.constant 768 : i32
        %mul3A_188 = arith.muli %arg1, %mul3A_187 : i32
        %add3A_189 = arith.constant 576 : i32
        %add3A_190 = arith.addi %mul3A_188, %add3A_189 : i32
        %dma_start3A_191 = arith.constant 0 : i32
        %dma_start3A_192 = tpu.memref_slice %arg6[%add3A_190, %dma_start3A_191] : memref<12296x128xf32, #tpu.memory_space<vmem_shared>> -> memref<32x128xf32, #tpu.memory_space<vmem_shared>>
        %dma_start3A_193 = arith.constant 0 : i32
        %dma_start3A_194 = tpu.memref_slice %arg6[%add3A_190, %dma_start3A_193] : memref<12296x128xf32, #tpu.memory_space<vmem_shared>> -> memref<32x128xf32, #tpu.memory_space<vmem_shared>>
        tpu.enqueue_dma source(%arg16 : memref<32x128xf32, #tpu.memory_space<vmem>>) target(%dma_start3A_194 : memref<32x128xf32, #tpu.memory_space<vmem_shared>>) target_semaphore(%arg11 : memref<!tpu.dma_semaphore, #tpu.memory_space<semaphore_mem>>)
        %mul3A_195 = arith.constant 768 : i32
        %mul3A_196 = arith.muli %arg1, %mul3A_195 : i32
        %add3A_197 = arith.constant 608 : i32
        %add3A_198 = arith.addi %mul3A_196, %add3A_197 : i32
        %dma_start3A_199 = arith.constant 0 : i32
        %dma_start3A_200 = tpu.memref_slice %arg6[%add3A_198, %dma_start3A_199] : memref<12296x128xf32, #tpu.memory_space<vmem_shared>> -> memref<32x128xf32, #tpu.memory_space<vmem_shared>>
        %dma_start3A_201 = arith.constant 0 : i32
        %dma_start3A_202 = tpu.memref_slice %arg6[%add3A_198, %dma_start3A_201] : memref<12296x128xf32, #tpu.memory_space<vmem_shared>> -> memref<32x128xf32, #tpu.memory_space<vmem_shared>>
        tpu.enqueue_dma source(%arg16 : memref<32x128xf32, #tpu.memory_space<vmem>>) target(%dma_start3A_202 : memref<32x128xf32, #tpu.memory_space<vmem_shared>>) target_semaphore(%arg11 : memref<!tpu.dma_semaphore, #tpu.memory_space<semaphore_mem>>)
        %mul3A_203 = arith.constant 768 : i32
        %mul3A_204 = arith.muli %arg1, %mul3A_203 : i32
        %add3A_205 = arith.constant 640 : i32
        %add3A_206 = arith.addi %mul3A_204, %add3A_205 : i32
        %dma_start3A_207 = arith.constant 0 : i32
        %dma_start3A_208 = tpu.memref_slice %arg6[%add3A_206, %dma_start3A_207] : memref<12296x128xf32, #tpu.memory_space<vmem_shared>> -> memref<32x128xf32, #tpu.memory_space<vmem_shared>>
        %dma_start3A_209 = arith.constant 0 : i32
        %dma_start3A_210 = tpu.memref_slice %arg6[%add3A_206, %dma_start3A_209] : memref<12296x128xf32, #tpu.memory_space<vmem_shared>> -> memref<32x128xf32, #tpu.memory_space<vmem_shared>>
        tpu.enqueue_dma source(%arg16 : memref<32x128xf32, #tpu.memory_space<vmem>>) target(%dma_start3A_210 : memref<32x128xf32, #tpu.memory_space<vmem_shared>>) target_semaphore(%arg11 : memref<!tpu.dma_semaphore, #tpu.memory_space<semaphore_mem>>)
        %mul3A_211 = arith.constant 768 : i32
        %mul3A_212 = arith.muli %arg1, %mul3A_211 : i32
        %add3A_213 = arith.constant 672 : i32
        %add3A_214 = arith.addi %mul3A_212, %add3A_213 : i32
        %dma_start3A_215 = arith.constant 0 : i32
        %dma_start3A_216 = tpu.memref_slice %arg6[%add3A_214, %dma_start3A_215] : memref<12296x128xf32, #tpu.memory_space<vmem_shared>> -> memref<32x128xf32, #tpu.memory_space<vmem_shared>>
        %dma_start3A_217 = arith.constant 0 : i32
        %dma_start3A_218 = tpu.memref_slice %arg6[%add3A_214, %dma_start3A_217] : memref<12296x128xf32, #tpu.memory_space<vmem_shared>> -> memref<32x128xf32, #tpu.memory_space<vmem_shared>>
        tpu.enqueue_dma source(%arg16 : memref<32x128xf32, #tpu.memory_space<vmem>>) target(%dma_start3A_218 : memref<32x128xf32, #tpu.memory_space<vmem_shared>>) target_semaphore(%arg11 : memref<!tpu.dma_semaphore, #tpu.memory_space<semaphore_mem>>)
        %mul3A_219 = arith.constant 768 : i32
        %mul3A_220 = arith.muli %arg1, %mul3A_219 : i32
        %add3A_221 = arith.constant 704 : i32
        %add3A_222 = arith.addi %mul3A_220, %add3A_221 : i32
        %dma_start3A_223 = arith.constant 0 : i32
        %dma_start3A_224 = tpu.memref_slice %arg6[%add3A_222, %dma_start3A_223] : memref<12296x128xf32, #tpu.memory_space<vmem_shared>> -> memref<32x128xf32, #tpu.memory_space<vmem_shared>>
        %dma_start3A_225 = arith.constant 0 : i32
        %dma_start3A_226 = tpu.memref_slice %arg6[%add3A_222, %dma_start3A_225] : memref<12296x128xf32, #tpu.memory_space<vmem_shared>> -> memref<32x128xf32, #tpu.memory_space<vmem_shared>>
        tpu.enqueue_dma source(%arg16 : memref<32x128xf32, #tpu.memory_space<vmem>>) target(%dma_start3A_226 : memref<32x128xf32, #tpu.memory_space<vmem_shared>>) target_semaphore(%arg11 : memref<!tpu.dma_semaphore, #tpu.memory_space<semaphore_mem>>)
        %mul3A_227 = arith.constant 768 : i32
        %mul3A_228 = arith.muli %arg1, %mul3A_227 : i32
        %add3A_229 = arith.constant 736 : i32
        %add3A_230 = arith.addi %mul3A_228, %add3A_229 : i32
        %dma_start3A_231 = arith.constant 0 : i32
        %dma_start3A_232 = tpu.memref_slice %arg6[%add3A_230, %dma_start3A_231] : memref<12296x128xf32, #tpu.memory_space<vmem_shared>> -> memref<32x128xf32, #tpu.memory_space<vmem_shared>>
        %dma_start3A_233 = arith.constant 0 : i32
        %dma_start3A_234 = tpu.memref_slice %arg6[%add3A_230, %dma_start3A_233] : memref<12296x128xf32, #tpu.memory_space<vmem_shared>> -> memref<32x128xf32, #tpu.memory_space<vmem_shared>>
        tpu.enqueue_dma source(%arg16 : memref<32x128xf32, #tpu.memory_space<vmem>>) target(%dma_start3A_234 : memref<32x128xf32, #tpu.memory_space<vmem_shared>>) target_semaphore(%arg11 : memref<!tpu.dma_semaphore, #tpu.memory_space<semaphore_mem>>)
        %dma_wait3A = arith.constant 0 : i32
        %dma_wait3A_235 = tpu.memref_slice %arg6[%add3A_47, %dma_wait3A] : memref<12296x128xf32, #tpu.memory_space<vmem_shared>> -> memref<32x128xf32, #tpu.memory_space<vmem_shared>>
        %dma_wait3A_236 = arith.constant 0 : i32
        %dma_wait3A_237 = tpu.memref_slice %arg6[%add3A_47, %dma_wait3A_236] : memref<12296x128xf32, #tpu.memory_space<vmem_shared>> -> memref<32x128xf32, #tpu.memory_space<vmem_shared>>
        tpu.wait_dma2 semaphore(%arg11 : memref<!tpu.dma_semaphore, #tpu.memory_space<semaphore_mem>>) src(%arg16 : memref<32x128xf32, #tpu.memory_space<vmem>>) dst(%dma_wait3A_237 : memref<32x128xf32, #tpu.memory_space<vmem_shared>>)
        %dma_wait3A_238 = arith.constant 0 : i32
        %dma_wait3A_239 = tpu.memref_slice %arg6[%add3A_54, %dma_wait3A_238] : memref<12296x128xf32, #tpu.memory_space<vmem_shared>> -> memref<32x128xf32, #tpu.memory_space<vmem_shared>>
        %dma_wait3A_240 = arith.constant 0 : i32
        %dma_wait3A_241 = tpu.memref_slice %arg6[%add3A_54, %dma_wait3A_240] : memref<12296x128xf32, #tpu.memory_space<vmem_shared>> -> memref<32x128xf32, #tpu.memory_space<vmem_shared>>
        tpu.wait_dma2 semaphore(%arg11 : memref<!tpu.dma_semaphore, #tpu.memory_space<semaphore_mem>>) src(%arg16 : memref<32x128xf32, #tpu.memory_space<vmem>>) dst(%dma_wait3A_241 : memref<32x128xf32, #tpu.memory_space<vmem_shared>>)
        %dma_wait3A_242 = arith.constant 0 : i32
        %dma_wait3A_243 = tpu.memref_slice %arg6[%add3A_62, %dma_wait3A_242] : memref<12296x128xf32, #tpu.memory_space<vmem_shared>> -> memref<32x128xf32, #tpu.memory_space<vmem_shared>>
        %dma_wait3A_244 = arith.constant 0 : i32
        %dma_wait3A_245 = tpu.memref_slice %arg6[%add3A_62, %dma_wait3A_244] : memref<12296x128xf32, #tpu.memory_space<vmem_shared>> -> memref<32x128xf32, #tpu.memory_space<vmem_shared>>
        tpu.wait_dma2 semaphore(%arg11 : memref<!tpu.dma_semaphore, #tpu.memory_space<semaphore_mem>>) src(%arg16 : memref<32x128xf32, #tpu.memory_space<vmem>>) dst(%dma_wait3A_245 : memref<32x128xf32, #tpu.memory_space<vmem_shared>>)
        %dma_wait3A_246 = arith.constant 0 : i32
        %dma_wait3A_247 = tpu.memref_slice %arg6[%add3A_70, %dma_wait3A_246] : memref<12296x128xf32, #tpu.memory_space<vmem_shared>> -> memref<32x128xf32, #tpu.memory_space<vmem_shared>>
        %dma_wait3A_248 = arith.constant 0 : i32
        %dma_wait3A_249 = tpu.memref_slice %arg6[%add3A_70, %dma_wait3A_248] : memref<12296x128xf32, #tpu.memory_space<vmem_shared>> -> memref<32x128xf32, #tpu.memory_space<vmem_shared>>
        tpu.wait_dma2 semaphore(%arg11 : memref<!tpu.dma_semaphore, #tpu.memory_space<semaphore_mem>>) src(%arg16 : memref<32x128xf32, #tpu.memory_space<vmem>>) dst(%dma_wait3A_249 : memref<32x128xf32, #tpu.memory_space<vmem_shared>>)
        %dma_wait3A_250 = arith.constant 0 : i32
        %dma_wait3A_251 = tpu.memref_slice %arg6[%add3A_78, %dma_wait3A_250] : memref<12296x128xf32, #tpu.memory_space<vmem_shared>> -> memref<32x128xf32, #tpu.memory_space<vmem_shared>>
        %dma_wait3A_252 = arith.constant 0 : i32
        %dma_wait3A_253 = tpu.memref_slice %arg6[%add3A_78, %dma_wait3A_252] : memref<12296x128xf32, #tpu.memory_space<vmem_shared>> -> memref<32x128xf32, #tpu.memory_space<vmem_shared>>
        tpu.wait_dma2 semaphore(%arg11 : memref<!tpu.dma_semaphore, #tpu.memory_space<semaphore_mem>>) src(%arg16 : memref<32x128xf32, #tpu.memory_space<vmem>>) dst(%dma_wait3A_253 : memref<32x128xf32, #tpu.memory_space<vmem_shared>>)
        %dma_wait3A_254 = arith.constant 0 : i32
        %dma_wait3A_255 = tpu.memref_slice %arg6[%add3A_86, %dma_wait3A_254] : memref<12296x128xf32, #tpu.memory_space<vmem_shared>> -> memref<32x128xf32, #tpu.memory_space<vmem_shared>>
        %dma_wait3A_256 = arith.constant 0 : i32
        %dma_wait3A_257 = tpu.memref_slice %arg6[%add3A_86, %dma_wait3A_256] : memref<12296x128xf32, #tpu.memory_space<vmem_shared>> -> memref<32x128xf32, #tpu.memory_space<vmem_shared>>
        tpu.wait_dma2 semaphore(%arg11 : memref<!tpu.dma_semaphore, #tpu.memory_space<semaphore_mem>>) src(%arg16 : memref<32x128xf32, #tpu.memory_space<vmem>>) dst(%dma_wait3A_257 : memref<32x128xf32, #tpu.memory_space<vmem_shared>>)
        %dma_wait3A_258 = arith.constant 0 : i32
        %dma_wait3A_259 = tpu.memref_slice %arg6[%add3A_94, %dma_wait3A_258] : memref<12296x128xf32, #tpu.memory_space<vmem_shared>> -> memref<32x128xf32, #tpu.memory_space<vmem_shared>>
        %dma_wait3A_260 = arith.constant 0 : i32
        %dma_wait3A_261 = tpu.memref_slice %arg6[%add3A_94, %dma_wait3A_260] : memref<12296x128xf32, #tpu.memory_space<vmem_shared>> -> memref<32x128xf32, #tpu.memory_space<vmem_shared>>
        tpu.wait_dma2 semaphore(%arg11 : memref<!tpu.dma_semaphore, #tpu.memory_space<semaphore_mem>>) src(%arg16 : memref<32x128xf32, #tpu.memory_space<vmem>>) dst(%dma_wait3A_261 : memref<32x128xf32, #tpu.memory_space<vmem_shared>>)
        %dma_wait3A_262 = arith.constant 0 : i32
        %dma_wait3A_263 = tpu.memref_slice %arg6[%add3A_102, %dma_wait3A_262] : memref<12296x128xf32, #tpu.memory_space<vmem_shared>> -> memref<32x128xf32, #tpu.memory_space<vmem_shared>>
        %dma_wait3A_264 = arith.constant 0 : i32
        %dma_wait3A_265 = tpu.memref_slice %arg6[%add3A_102, %dma_wait3A_264] : memref<12296x128xf32, #tpu.memory_space<vmem_shared>> -> memref<32x128xf32, #tpu.memory_space<vmem_shared>>
        tpu.wait_dma2 semaphore(%arg11 : memref<!tpu.dma_semaphore, #tpu.memory_space<semaphore_mem>>) src(%arg16 : memref<32x128xf32, #tpu.memory_space<vmem>>) dst(%dma_wait3A_265 : memref<32x128xf32, #tpu.memory_space<vmem_shared>>)
        %dma_wait3A_266 = arith.constant 0 : i32
        %dma_wait3A_267 = tpu.memref_slice %arg6[%add3A_110, %dma_wait3A_266] : memref<12296x128xf32, #tpu.memory_space<vmem_shared>> -> memref<32x128xf32, #tpu.memory_space<vmem_shared>>
        %dma_wait3A_268 = arith.constant 0 : i32
        %dma_wait3A_269 = tpu.memref_slice %arg6[%add3A_110, %dma_wait3A_268] : memref<12296x128xf32, #tpu.memory_space<vmem_shared>> -> memref<32x128xf32, #tpu.memory_space<vmem_shared>>
        tpu.wait_dma2 semaphore(%arg11 : memref<!tpu.dma_semaphore, #tpu.memory_space<semaphore_mem>>) src(%arg16 : memref<32x128xf32, #tpu.memory_space<vmem>>) dst(%dma_wait3A_269 : memref<32x128xf32, #tpu.memory_space<vmem_shared>>)
        %dma_wait3A_270 = arith.constant 0 : i32
        %dma_wait3A_271 = tpu.memref_slice %arg6[%add3A_118, %dma_wait3A_270] : memref<12296x128xf32, #tpu.memory_space<vmem_shared>> -> memref<32x128xf32, #tpu.memory_space<vmem_shared>>
        %dma_wait3A_272 = arith.constant 0 : i32
        %dma_wait3A_273 = tpu.memref_slice %arg6[%add3A_118, %dma_wait3A_272] : memref<12296x128xf32, #tpu.memory_space<vmem_shared>> -> memref<32x128xf32, #tpu.memory_space<vmem_shared>>
        tpu.wait_dma2 semaphore(%arg11 : memref<!tpu.dma_semaphore, #tpu.memory_space<semaphore_mem>>) src(%arg16 : memref<32x128xf32, #tpu.memory_space<vmem>>) dst(%dma_wait3A_273 : memref<32x128xf32, #tpu.memory_space<vmem_shared>>)
        %dma_wait3A_274 = arith.constant 0 : i32
        %dma_wait3A_275 = tpu.memref_slice %arg6[%add3A_126, %dma_wait3A_274] : memref<12296x128xf32, #tpu.memory_space<vmem_shared>> -> memref<32x128xf32, #tpu.memory_space<vmem_shared>>
        %dma_wait3A_276 = arith.constant 0 : i32
        %dma_wait3A_277 = tpu.memref_slice %arg6[%add3A_126, %dma_wait3A_276] : memref<12296x128xf32, #tpu.memory_space<vmem_shared>> -> memref<32x128xf32, #tpu.memory_space<vmem_shared>>
        tpu.wait_dma2 semaphore(%arg11 : memref<!tpu.dma_semaphore, #tpu.memory_space<semaphore_mem>>) src(%arg16 : memref<32x128xf32, #tpu.memory_space<vmem>>) dst(%dma_wait3A_277 : memref<32x128xf32, #tpu.memory_space<vmem_shared>>)
        %dma_wait3A_278 = arith.constant 0 : i32
        %dma_wait3A_279 = tpu.memref_slice %arg6[%add3A_134, %dma_wait3A_278] : memref<12296x128xf32, #tpu.memory_space<vmem_shared>> -> memref<32x128xf32, #tpu.memory_space<vmem_shared>>
        %dma_wait3A_280 = arith.constant 0 : i32
        %dma_wait3A_281 = tpu.memref_slice %arg6[%add3A_134, %dma_wait3A_280] : memref<12296x128xf32, #tpu.memory_space<vmem_shared>> -> memref<32x128xf32, #tpu.memory_space<vmem_shared>>
        tpu.wait_dma2 semaphore(%arg11 : memref<!tpu.dma_semaphore, #tpu.memory_space<semaphore_mem>>) src(%arg16 : memref<32x128xf32, #tpu.memory_space<vmem>>) dst(%dma_wait3A_281 : memref<32x128xf32, #tpu.memory_space<vmem_shared>>)
        %dma_wait3A_282 = arith.constant 0 : i32
        %dma_wait3A_283 = tpu.memref_slice %arg6[%add3A_142, %dma_wait3A_282] : memref<12296x128xf32, #tpu.memory_space<vmem_shared>> -> memref<32x128xf32, #tpu.memory_space<vmem_shared>>
        %dma_wait3A_284 = arith.constant 0 : i32
        %dma_wait3A_285 = tpu.memref_slice %arg6[%add3A_142, %dma_wait3A_284] : memref<12296x128xf32, #tpu.memory_space<vmem_shared>> -> memref<32x128xf32, #tpu.memory_space<vmem_shared>>
        tpu.wait_dma2 semaphore(%arg11 : memref<!tpu.dma_semaphore, #tpu.memory_space<semaphore_mem>>) src(%arg16 : memref<32x128xf32, #tpu.memory_space<vmem>>) dst(%dma_wait3A_285 : memref<32x128xf32, #tpu.memory_space<vmem_shared>>)
        %dma_wait3A_286 = arith.constant 0 : i32
        %dma_wait3A_287 = tpu.memref_slice %arg6[%add3A_150, %dma_wait3A_286] : memref<12296x128xf32, #tpu.memory_space<vmem_shared>> -> memref<32x128xf32, #tpu.memory_space<vmem_shared>>
        %dma_wait3A_288 = arith.constant 0 : i32
        %dma_wait3A_289 = tpu.memref_slice %arg6[%add3A_150, %dma_wait3A_288] : memref<12296x128xf32, #tpu.memory_space<vmem_shared>> -> memref<32x128xf32, #tpu.memory_space<vmem_shared>>
        tpu.wait_dma2 semaphore(%arg11 : memref<!tpu.dma_semaphore, #tpu.memory_space<semaphore_mem>>) src(%arg16 : memref<32x128xf32, #tpu.memory_space<vmem>>) dst(%dma_wait3A_289 : memref<32x128xf32, #tpu.memory_space<vmem_shared>>)
        %dma_wait3A_290 = arith.constant 0 : i32
        %dma_wait3A_291 = tpu.memref_slice %arg6[%add3A_158, %dma_wait3A_290] : memref<12296x128xf32, #tpu.memory_space<vmem_shared>> -> memref<32x128xf32, #tpu.memory_space<vmem_shared>>
        %dma_wait3A_292 = arith.constant 0 : i32
        %dma_wait3A_293 = tpu.memref_slice %arg6[%add3A_158, %dma_wait3A_292] : memref<12296x128xf32, #tpu.memory_space<vmem_shared>> -> memref<32x128xf32, #tpu.memory_space<vmem_shared>>
        tpu.wait_dma2 semaphore(%arg11 : memref<!tpu.dma_semaphore, #tpu.memory_space<semaphore_mem>>) src(%arg16 : memref<32x128xf32, #tpu.memory_space<vmem>>) dst(%dma_wait3A_293 : memref<32x128xf32, #tpu.memory_space<vmem_shared>>)
        %dma_wait3A_294 = arith.constant 0 : i32
        %dma_wait3A_295 = tpu.memref_slice %arg6[%add3A_166, %dma_wait3A_294] : memref<12296x128xf32, #tpu.memory_space<vmem_shared>> -> memref<32x128xf32, #tpu.memory_space<vmem_shared>>
        %dma_wait3A_296 = arith.constant 0 : i32
        %dma_wait3A_297 = tpu.memref_slice %arg6[%add3A_166, %dma_wait3A_296] : memref<12296x128xf32, #tpu.memory_space<vmem_shared>> -> memref<32x128xf32, #tpu.memory_space<vmem_shared>>
        tpu.wait_dma2 semaphore(%arg11 : memref<!tpu.dma_semaphore, #tpu.memory_space<semaphore_mem>>) src(%arg16 : memref<32x128xf32, #tpu.memory_space<vmem>>) dst(%dma_wait3A_297 : memref<32x128xf32, #tpu.memory_space<vmem_shared>>)
        %dma_wait3A_298 = arith.constant 0 : i32
        %dma_wait3A_299 = tpu.memref_slice %arg6[%add3A_174, %dma_wait3A_298] : memref<12296x128xf32, #tpu.memory_space<vmem_shared>> -> memref<32x128xf32, #tpu.memory_space<vmem_shared>>
        %dma_wait3A_300 = arith.constant 0 : i32
        %dma_wait3A_301 = tpu.memref_slice %arg6[%add3A_174, %dma_wait3A_300] : memref<12296x128xf32, #tpu.memory_space<vmem_shared>> -> memref<32x128xf32, #tpu.memory_space<vmem_shared>>
        tpu.wait_dma2 semaphore(%arg11 : memref<!tpu.dma_semaphore, #tpu.memory_space<semaphore_mem>>) src(%arg16 : memref<32x128xf32, #tpu.memory_space<vmem>>) dst(%dma_wait3A_301 : memref<32x128xf32, #tpu.memory_space<vmem_shared>>)
        %dma_wait3A_302 = arith.constant 0 : i32
        %dma_wait3A_303 = tpu.memref_slice %arg6[%add3A_182, %dma_wait3A_302] : memref<12296x128xf32, #tpu.memory_space<vmem_shared>> -> memref<32x128xf32, #tpu.memory_space<vmem_shared>>
        %dma_wait3A_304 = arith.constant 0 : i32
        %dma_wait3A_305 = tpu.memref_slice %arg6[%add3A_182, %dma_wait3A_304] : memref<12296x128xf32, #tpu.memory_space<vmem_shared>> -> memref<32x128xf32, #tpu.memory_space<vmem_shared>>
        tpu.wait_dma2 semaphore(%arg11 : memref<!tpu.dma_semaphore, #tpu.memory_space<semaphore_mem>>) src(%arg16 : memref<32x128xf32, #tpu.memory_space<vmem>>) dst(%dma_wait3A_305 : memref<32x128xf32, #tpu.memory_space<vmem_shared>>)
        %dma_wait3A_306 = arith.constant 0 : i32
        %dma_wait3A_307 = tpu.memref_slice %arg6[%add3A_190, %dma_wait3A_306] : memref<12296x128xf32, #tpu.memory_space<vmem_shared>> -> memref<32x128xf32, #tpu.memory_space<vmem_shared>>
        %dma_wait3A_308 = arith.constant 0 : i32
        %dma_wait3A_309 = tpu.memref_slice %arg6[%add3A_190, %dma_wait3A_308] : memref<12296x128xf32, #tpu.memory_space<vmem_shared>> -> memref<32x128xf32, #tpu.memory_space<vmem_shared>>
        tpu.wait_dma2 semaphore(%arg11 : memref<!tpu.dma_semaphore, #tpu.memory_space<semaphore_mem>>) src(%arg16 : memref<32x128xf32, #tpu.memory_space<vmem>>) dst(%dma_wait3A_309 : memref<32x128xf32, #tpu.memory_space<vmem_shared>>)
        %dma_wait3A_310 = arith.constant 0 : i32
        %dma_wait3A_311 = tpu.memref_slice %arg6[%add3A_198, %dma_wait3A_310] : memref<12296x128xf32, #tpu.memory_space<vmem_shared>> -> memref<32x128xf32, #tpu.memory_space<vmem_shared>>
        %dma_wait3A_312 = arith.constant 0 : i32
        %dma_wait3A_313 = tpu.memref_slice %arg6[%add3A_198, %dma_wait3A_312] : memref<12296x128xf32, #tpu.memory_space<vmem_shared>> -> memref<32x128xf32, #tpu.memory_space<vmem_shared>>
        tpu.wait_dma2 semaphore(%arg11 : memref<!tpu.dma_semaphore, #tpu.memory_space<semaphore_mem>>) src(%arg16 : memref<32x128xf32, #tpu.memory_space<vmem>>) dst(%dma_wait3A_313 : memref<32x128xf32, #tpu.memory_space<vmem_shared>>)
        %dma_wait3A_314 = arith.constant 0 : i32
        %dma_wait3A_315 = tpu.memref_slice %arg6[%add3A_206, %dma_wait3A_314] : memref<12296x128xf32, #tpu.memory_space<vmem_shared>> -> memref<32x128xf32, #tpu.memory_space<vmem_shared>>
        %dma_wait3A_316 = arith.constant 0 : i32
        %dma_wait3A_317 = tpu.memref_slice %arg6[%add3A_206, %dma_wait3A_316] : memref<12296x128xf32, #tpu.memory_space<vmem_shared>> -> memref<32x128xf32, #tpu.memory_space<vmem_shared>>
        tpu.wait_dma2 semaphore(%arg11 : memref<!tpu.dma_semaphore, #tpu.memory_space<semaphore_mem>>) src(%arg16 : memref<32x128xf32, #tpu.memory_space<vmem>>) dst(%dma_wait3A_317 : memref<32x128xf32, #tpu.memory_space<vmem_shared>>)
        %dma_wait3A_318 = arith.constant 0 : i32
        %dma_wait3A_319 = tpu.memref_slice %arg6[%add3A_214, %dma_wait3A_318] : memref<12296x128xf32, #tpu.memory_space<vmem_shared>> -> memref<32x128xf32, #tpu.memory_space<vmem_shared>>
        %dma_wait3A_320 = arith.constant 0 : i32
        %dma_wait3A_321 = tpu.memref_slice %arg6[%add3A_214, %dma_wait3A_320] : memref<12296x128xf32, #tpu.memory_space<vmem_shared>> -> memref<32x128xf32, #tpu.memory_space<vmem_shared>>
        tpu.wait_dma2 semaphore(%arg11 : memref<!tpu.dma_semaphore, #tpu.memory_space<semaphore_mem>>) src(%arg16 : memref<32x128xf32, #tpu.memory_space<vmem>>) dst(%dma_wait3A_321 : memref<32x128xf32, #tpu.memory_space<vmem_shared>>)
        %dma_wait3A_322 = arith.constant 0 : i32
        %dma_wait3A_323 = tpu.memref_slice %arg6[%add3A_222, %dma_wait3A_322] : memref<12296x128xf32, #tpu.memory_space<vmem_shared>> -> memref<32x128xf32, #tpu.memory_space<vmem_shared>>
        %dma_wait3A_324 = arith.constant 0 : i32
        %dma_wait3A_325 = tpu.memref_slice %arg6[%add3A_222, %dma_wait3A_324] : memref<12296x128xf32, #tpu.memory_space<vmem_shared>> -> memref<32x128xf32, #tpu.memory_space<vmem_shared>>
        tpu.wait_dma2 semaphore(%arg11 : memref<!tpu.dma_semaphore, #tpu.memory_space<semaphore_mem>>) src(%arg16 : memref<32x128xf32, #tpu.memory_space<vmem>>) dst(%dma_wait3A_325 : memref<32x128xf32, #tpu.memory_space<vmem_shared>>)
        %dma_wait3A_326 = arith.constant 0 : i32
        %dma_wait3A_327 = tpu.memref_slice %arg6[%add3A_230, %dma_wait3A_326] : memref<12296x128xf32, #tpu.memory_space<vmem_shared>> -> memref<32x128xf32, #tpu.memory_space<vmem_shared>>
        %dma_wait3A_328 = arith.constant 0 : i32
        %dma_wait3A_329 = tpu.memref_slice %arg6[%add3A_230, %dma_wait3A_328] : memref<12296x128xf32, #tpu.memory_space<vmem_shared>> -> memref<32x128xf32, #tpu.memory_space<vmem_shared>>
        tpu.wait_dma2 semaphore(%arg11 : memref<!tpu.dma_semaphore, #tpu.memory_space<semaphore_mem>>) src(%arg16 : memref<32x128xf32, #tpu.memory_space<vmem>>) dst(%dma_wait3A_329 : memref<32x128xf32, #tpu.memory_space<vmem_shared>>)
        %barrier3A = arith.constant 0 : index
        tpu.barrier barrier_id(%barrier3A)
        %scan3A_330 = arith.constant 0 : i32
        %scan3A_331 = arith.constant 0 : i32
        %scan3A_332 = arith.constant 24 : i32
        %scan3A_333 = arith.addi %scan3A_331, %scan3A_332 : i32
        %scan3A_334 = arith.constant 1 : i32
        %scan3A_335 = scf.for %scan3A_347 = %scan3A_331 to %scan3A_333 step %scan3A_334 iter_args(%scan3A_348 = %scan3A_330) -> (i32)  : i32 {
          %mul3A_349 = arith.constant 24 : i32
          %mul3A_350 = arith.muli %arg1, %mul3A_349 : i32
          %add3A_351 = arith.addi %mul3A_350, %scan3A_347 : i32
          %convert_element_type3A_352 = arith.sitofp %add3A_351 : i32 to f32
          %mul3A_353 = arith.constant 2 : i32
          %mul3A_354 = arith.muli %mul3A_353, %scan3A_347 : i32
          %add3A_355 = arith.constant 1 : i32
          %add3A_356 = arith.addi %mul3A_354, %add3A_355 : i32
          %get3A = arith.index_cast %add3A_356 : i32 to index
          %get3A_357 = memref.load %arg15[%get3A] : memref<48xf32, #tpu.memory_space<smem>>
          %add3A_358 = arith.addf %convert_element_type3A_352, %get3A_357 : f32
          %sub3A = arith.constant 1.000000e+00 : f32
          %sub3A_359 = arith.subf %convert_element_type3A, %sub3A : f32
          %ge3A = arith.cmpf oge, %add3A_358, %sub3A_359 : f32
          %mul3A_360 = arith.constant 2 : i32
          %mul3A_361 = arith.muli %mul3A_360, %scan3A_347 : i32
          %get3A_362 = arith.index_cast %mul3A_361 : i32 to index
          %get3A_363 = memref.load %arg15[%get3A_362] : memref<48xf32, #tpu.memory_space<smem>>
          %add3A_364 = arith.addf %convert_element_type3A_352, %get3A_363 : f32
          %add3A_365 = arith.constant 3.200000e+01 : f32
          %add3A_366 = arith.addf %convert_element_type3A, %add3A_365 : f32
          %lt3A = arith.cmpf olt, %add3A_364, %add3A_366 : f32
          %and3A = arith.andi %ge3A, %lt3A : i1
          %convert_element_type3A_367 = arith.extui %and3A : i1 to i32
          %cond3A = arith.constant 0 : i32
          %cond3A_368 = arith.cmpi ne, %convert_element_type3A_367, %cond3A : i32
          scf.if %cond3A_368 {
            %mul3A_370 = arith.constant 9216 : i32
            %mul3A_371 = arith.muli %arg1, %mul3A_370 : i32
            %add3A_372 = arith.addi %mul3A_16, %mul3A_371 : i32
            %mul3A_373 = arith.constant 384 : i32
            %mul3A_374 = arith.muli %scan3A_347, %mul3A_373 : i32
            %add3A_375 = arith.addi %add3A_372, %mul3A_374 : i32
            %mul3A_376 = arith.constant 4 : i32
            %mul3A_377 = arith.muli %mul3A_376, %add3A_375 : i32
            %dma_start3A_378 = tpu.memref_slice %arg3[%mul3A_377] : memref<2359296xi32, #tpu.memory_space<hbm>> -> memref<1536xi32, #tpu.memory_space<hbm>>
            %dma_start3A_379 = tpu.memref_slice %arg3[%mul3A_377] : memref<2359296xi32, #tpu.memory_space<hbm>> -> memref<1536xi32, #tpu.memory_space<hbm>>
            tpu.enqueue_dma source(%dma_start3A_379 : memref<1536xi32, #tpu.memory_space<hbm>>) target(%arg7 : memref<1536xi32, #tpu.memory_space<vmem>>) target_semaphore(%arg14 : memref<!tpu.dma_semaphore, #tpu.memory_space<semaphore_mem>>)
            %add3A_380 = arith.constant 0 : i32
            %add3A_381 = arith.addi %add3A_375, %add3A_380 : i32
            %mul3A_382 = arith.constant 4 : i32
            %mul3A_383 = arith.muli %mul3A_382, %add3A_381 : i32
            %dma_start3A_384 = arith.constant 0 : i32
            %dma_start3A_385 = tpu.memref_slice %arg2[%mul3A_383, %dma_start3A_384] : memref<2359296x128xf32, #tpu.memory_space<hbm>> -> memref<64x128xf32, #tpu.memory_space<hbm>>
            %dma_start3A_386 = arith.constant 0 : i32
            %dma_start3A_387 = tpu.memref_slice %arg2[%mul3A_383, %dma_start3A_386] : memref<2359296x128xf32, #tpu.memory_space<hbm>> -> memref<64x128xf32, #tpu.memory_space<hbm>>
            tpu.enqueue_dma source(%dma_start3A_387 : memref<64x128xf32, #tpu.memory_space<hbm>>) target(%arg12 : memref<64x128xf32, #tpu.memory_space<vmem>>) target_semaphore(%arg11 : memref<!tpu.dma_semaphore, #tpu.memory_space<semaphore_mem>>)
            %dma_wait3A_388 = tpu.memref_slice %arg3[%mul3A_377] : memref<2359296xi32, #tpu.memory_space<hbm>> -> memref<1536xi32, #tpu.memory_space<hbm>>
            %dma_wait3A_389 = tpu.memref_slice %arg3[%mul3A_377] : memref<2359296xi32, #tpu.memory_space<hbm>> -> memref<1536xi32, #tpu.memory_space<hbm>>
            tpu.wait_dma2 semaphore(%arg14 : memref<!tpu.dma_semaphore, #tpu.memory_space<semaphore_mem>>) src(%dma_wait3A_389 : memref<1536xi32, #tpu.memory_space<hbm>>) dst(%arg7 : memref<1536xi32, #tpu.memory_space<vmem>>)
            %add3A_390 = arith.constant 16 : i32
            %add3A_391 = arith.addi %add3A_375, %add3A_390 : i32
            %mul3A_392 = arith.constant 4 : i32
            %mul3A_393 = arith.muli %mul3A_392, %add3A_391 : i32
            %dma_start3A_394 = arith.constant 0 : i32
            %dma_start3A_395 = tpu.memref_slice %arg2[%mul3A_393, %dma_start3A_394] : memref<2359296x128xf32, #tpu.memory_space<hbm>> -> memref<64x128xf32, #tpu.memory_space<hbm>>
            %dma_start3A_396 = arith.constant 0 : i32
            %dma_start3A_397 = tpu.memref_slice %arg2[%mul3A_393, %dma_start3A_396] : memref<2359296x128xf32, #tpu.memory_space<hbm>> -> memref<64x128xf32, #tpu.memory_space<hbm>>
            tpu.enqueue_dma source(%dma_start3A_397 : memref<64x128xf32, #tpu.memory_space<hbm>>) target(%arg13 : memref<64x128xf32, #tpu.memory_space<vmem>>) target_semaphore(%arg11 : memref<!tpu.dma_semaphore, #tpu.memory_space<semaphore_mem>>)
            %broadcast_in_dim3A_398 = arith.constant 12288 : i32
            %broadcast_in_dim3A_399 = vector.broadcast %broadcast_in_dim3A_398 : i32 to vector<16xi32>
            %get3A_400 = arith.constant 0 : index
            %get3A_401 = tpu.vector_load %arg7[%get3A_400] {strides = array<i32>} : memref<1536xi32, #tpu.memory_space<vmem>>, vector<16xi32>,
            %get3A_402 = vector.shape_cast %get3A_401 : vector<16xi32> to vector<16xi32>
            %sub3A_403 = vector.broadcast %add3A_43 : i32 to vector<16xi32>
            %sub3A_404 = arith.subi %get3A_402, %sub3A_403 : vector<16xi32>
            %ge3A_405 = arith.constant 0 : i32
            %ge3A_406 = vector.broadcast %ge3A_405 : i32 to vector<16xi32>
            %ge3A_407 = arith.cmpi sge, %sub3A_404, %ge3A_406 : vector<16xi32>
            %lt3A_408 = arith.constant 12288 : i32
            %lt3A_409 = vector.broadcast %lt3A_408 : i32 to vector<16xi32>
            %lt3A_410 = arith.cmpi slt, %sub3A_404, %lt3A_409 : vector<16xi32>
            %and3A_411 = arith.andi %ge3A_407, %lt3A_410 : vector<16xi1>
            %select_n3A = arith.select %and3A_411, %sub3A_404, %broadcast_in_dim3A_399 : vector<16xi1>, vector<16xi32>
            %swap3A = arith.constant 0 : index
            %swap3A_412 = tpu.vector_load %arg8[%swap3A] {strides = array<i32>} : memref<64xi32, #tpu.memory_space<vmem>>, vector<16xi32>,
            %swap3A_413 = vector.shape_cast %swap3A_412 : vector<16xi32> to vector<16xi32>
            %swap3A_414 = vector.shape_cast %select_n3A : vector<16xi32> to vector<16xi32>
            tpu.vector_store %arg8[%swap3A], %swap3A_414 {strides = array<i32>} : memref<64xi32, #tpu.memory_space<vmem>>, vector<16xi32>,
            %get3A_415 = arith.constant 16 : index
            %get3A_416 = tpu.vector_load %arg7[%get3A_415] {strides = array<i32>} : memref<1536xi32, #tpu.memory_space<vmem>>, vector<16xi32>,
            %get3A_417 = vector.shape_cast %get3A_416 : vector<16xi32> to vector<16xi32>
            %sub3A_418 = vector.broadcast %add3A_43 : i32 to vector<16xi32>
            %sub3A_419 = arith.subi %get3A_417, %sub3A_418 : vector<16xi32>
            %ge3A_420 = arith.constant 0 : i32
            %ge3A_421 = vector.broadcast %ge3A_420 : i32 to vector<16xi32>
            %ge3A_422 = arith.cmpi sge, %sub3A_419, %ge3A_421 : vector<16xi32>
            %lt3A_423 = arith.constant 12288 : i32
            %lt3A_424 = vector.broadcast %lt3A_423 : i32 to vector<16xi32>
            %lt3A_425 = arith.cmpi slt, %sub3A_419, %lt3A_424 : vector<16xi32>
            %and3A_426 = arith.andi %ge3A_422, %lt3A_425 : vector<16xi1>
            %select_n3A_427 = arith.select %and3A_426, %sub3A_419, %broadcast_in_dim3A_399 : vector<16xi1>, vector<16xi32>
            %swap3A_428 = arith.constant 16 : index
            %swap3A_429 = tpu.vector_load %arg8[%swap3A_428] {strides = array<i32>} : memref<64xi32, #tpu.memory_space<vmem>>, vector<16xi32>,
            %swap3A_430 = vector.shape_cast %swap3A_429 : vector<16xi32> to vector<16xi32>
            %swap3A_431 = vector.shape_cast %select_n3A_427 : vector<16xi32> to vector<16xi32>
            tpu.vector_store %arg8[%swap3A_428], %swap3A_431 {strides = array<i32>} : memref<64xi32, #tpu.memory_space<vmem>>, vector<16xi32>,
            %get3A_432 = arith.constant 32 : index
            %get3A_433 = tpu.vector_load %arg7[%get3A_432] {strides = array<i32>} : memref<1536xi32, #tpu.memory_space<vmem>>, vector<16xi32>,
            %get3A_434 = vector.shape_cast %get3A_433 : vector<16xi32> to vector<16xi32>
            %sub3A_435 = vector.broadcast %add3A_43 : i32 to vector<16xi32>
            %sub3A_436 = arith.subi %get3A_434, %sub3A_435 : vector<16xi32>
            %ge3A_437 = arith.constant 0 : i32
            %ge3A_438 = vector.broadcast %ge3A_437 : i32 to vector<16xi32>
            %ge3A_439 = arith.cmpi sge, %sub3A_436, %ge3A_438 : vector<16xi32>
            %lt3A_440 = arith.constant 12288 : i32
            %lt3A_441 = vector.broadcast %lt3A_440 : i32 to vector<16xi32>
            %lt3A_442 = arith.cmpi slt, %sub3A_436, %lt3A_441 : vector<16xi32>
            %and3A_443 = arith.andi %ge3A_439, %lt3A_442 : vector<16xi1>
            %select_n3A_444 = arith.select %and3A_443, %sub3A_436, %broadcast_in_dim3A_399 : vector<16xi1>, vector<16xi32>
            %swap3A_445 = arith.constant 32 : index
            %swap3A_446 = tpu.vector_load %arg8[%swap3A_445] {strides = array<i32>} : memref<64xi32, #tpu.memory_space<vmem>>, vector<16xi32>,
            %swap3A_447 = vector.shape_cast %swap3A_446 : vector<16xi32> to vector<16xi32>
            %swap3A_448 = vector.shape_cast %select_n3A_444 : vector<16xi32> to vector<16xi32>
            tpu.vector_store %arg8[%swap3A_445], %swap3A_448 {strides = array<i32>} : memref<64xi32, #tpu.memory_space<vmem>>, vector<16xi32>,
            %get3A_449 = arith.constant 48 : index
            %get3A_450 = tpu.vector_load %arg7[%get3A_449] {strides = array<i32>} : memref<1536xi32, #tpu.memory_space<vmem>>, vector<16xi32>,
            %get3A_451 = vector.shape_cast %get3A_450 : vector<16xi32> to vector<16xi32>
            %sub3A_452 = vector.broadcast %add3A_43 : i32 to vector<16xi32>
            %sub3A_453 = arith.subi %get3A_451, %sub3A_452 : vector<16xi32>
            %ge3A_454 = arith.constant 0 : i32
            %ge3A_455 = vector.broadcast %ge3A_454 : i32 to vector<16xi32>
            %ge3A_456 = arith.cmpi sge, %sub3A_453, %ge3A_455 : vector<16xi32>
            %lt3A_457 = arith.constant 12288 : i32
            %lt3A_458 = vector.broadcast %lt3A_457 : i32 to vector<16xi32>
            %lt3A_459 = arith.cmpi slt, %sub3A_453, %lt3A_458 : vector<16xi32>
            %and3A_460 = arith.andi %ge3A_456, %lt3A_459 : vector<16xi1>
            %select_n3A_461 = arith.select %and3A_460, %sub3A_453, %broadcast_in_dim3A_399 : vector<16xi1>, vector<16xi32>
            %swap3A_462 = arith.constant 48 : index
            %swap3A_463 = tpu.vector_load %arg8[%swap3A_462] {strides = array<i32>} : memref<64xi32, #tpu.memory_space<vmem>>, vector<16xi32>,
            %swap3A_464 = vector.shape_cast %swap3A_463 : vector<16xi32> to vector<16xi32>
            %swap3A_465 = vector.shape_cast %select_n3A_461 : vector<16xi32> to vector<16xi32>
            tpu.vector_store %arg8[%swap3A_462], %swap3A_465 {strides = array<i32>} : memref<64xi32, #tpu.memory_space<vmem>>, vector<16xi32>,
            %dma_wait3A_466 = arith.constant 0 : i32
            %dma_wait3A_467 = tpu.memref_slice %arg2[%mul3A_383, %dma_wait3A_466] : memref<2359296x128xf32, #tpu.memory_space<hbm>> -> memref<64x128xf32, #tpu.memory_space<hbm>>
            %dma_wait3A_468 = arith.constant 0 : i32
            %dma_wait3A_469 = tpu.memref_slice %arg2[%mul3A_383, %dma_wait3A_468] : memref<2359296x128xf32, #tpu.memory_space<hbm>> -> memref<64x128xf32, #tpu.memory_space<hbm>>
            tpu.wait_dma2 semaphore(%arg11 : memref<!tpu.dma_semaphore, #tpu.memory_space<semaphore_mem>>) src(%dma_wait3A_469 : memref<64x128xf32, #tpu.memory_space<hbm>>) dst(%arg12 : memref<64x128xf32, #tpu.memory_space<vmem>>)
            %dma_start3A_470 = arith.constant 0 : i32
            %dma_start3A_471 = arith.constant 0 : i32
            %dma_start3A_472 = tpu.memref_slice %arg6[%dma_start3A_470, %dma_start3A_471] : memref<12296x128xf32, #tpu.memory_space<vmem_shared>> -> memref<12296x128xf32, #tpu.memory_space<vmem_shared>>
            tpu.enqueue_indirect_dma source(%arg12 : memref<64x128xf32, #tpu.memory_space<vmem>>) target(%dma_start3A_472 : memref<12296x128xf32, #tpu.memory_space<vmem_shared>>) offsets(%arg8 : memref<64xi32, #tpu.memory_space<vmem>>) semaphore(%arg14 : memref<!tpu.dma_semaphore, #tpu.memory_space<semaphore_mem>>) {add = true}
            %dma_wait3A_473 = arith.constant 0 : i32
            %dma_wait3A_474 = arith.constant 0 : i32
            %dma_wait3A_475 = tpu.memref_slice %arg6[%dma_wait3A_473, %dma_wait3A_474] : memref<12296x128xf32, #tpu.memory_space<vmem_shared>> -> memref<12296x128xf32, #tpu.memory_space<vmem_shared>>
            tpu.wait_indirect_dma semaphore(%arg14 : memref<!tpu.dma_semaphore, #tpu.memory_space<semaphore_mem>>) src(%arg12 : memref<64x128xf32, #tpu.memory_space<vmem>>) dst(%dma_wait3A_475 : memref<12296x128xf32, #tpu.memory_space<vmem_shared>>)
            %add3A_476 = arith.constant 32 : i32
            %add3A_477 = arith.addi %add3A_375, %add3A_476 : i32
            %mul3A_478 = arith.constant 4 : i32
            %mul3A_479 = arith.muli %mul3A_478, %add3A_477 : i32
            %dma_start3A_480 = arith.constant 0 : i32
            %dma_start3A_481 = tpu.memref_slice %arg2[%mul3A_479, %dma_start3A_480] : memref<2359296x128xf32, #tpu.memory_space<hbm>> -> memref<64x128xf32, #tpu.memory_space<hbm>>
            %dma_start3A_482 = arith.constant 0 : i32
            %dma_start3A_483 = tpu.memref_slice %arg2[%mul3A_479, %dma_start3A_482] : memref<2359296x128xf32, #tpu.memory_space<hbm>> -> memref<64x128xf32, #tpu.memory_space<hbm>>
            tpu.enqueue_dma source(%dma_start3A_483 : memref<64x128xf32, #tpu.memory_space<hbm>>) target(%arg12 : memref<64x128xf32, #tpu.memory_space<vmem>>) target_semaphore(%arg11 : memref<!tpu.dma_semaphore, #tpu.memory_space<semaphore_mem>>)
            %broadcast_in_dim3A_484 = arith.constant 12288 : i32
            %broadcast_in_dim3A_485 = vector.broadcast %broadcast_in_dim3A_484 : i32 to vector<16xi32>
            %get3A_486 = arith.constant 64 : index
            %get3A_487 = tpu.vector_load %arg7[%get3A_486] {strides = array<i32>} : memref<1536xi32, #tpu.memory_space<vmem>>, vector<16xi32>,
            %get3A_488 = vector.shape_cast %get3A_487 : vector<16xi32> to vector<16xi32>
            %sub3A_489 = vector.broadcast %add3A_43 : i32 to vector<16xi32>
            %sub3A_490 = arith.subi %get3A_488, %sub3A_489 : vector<16xi32>
            %ge3A_491 = arith.constant 0 : i32
            %ge3A_492 = vector.broadcast %ge3A_491 : i32 to vector<16xi32>
            %ge3A_493 = arith.cmpi sge, %sub3A_490, %ge3A_492 : vector<16xi32>
            %lt3A_494 = arith.constant 12288 : i32
            %lt3A_495 = vector.broadcast %lt3A_494 : i32 to vector<16xi32>
            %lt3A_496 = arith.cmpi slt, %sub3A_490, %lt3A_495 : vector<16xi32>
            %and3A_497 = arith.andi %ge3A_493, %lt3A_496 : vector<16xi1>
            %select_n3A_498 = arith.select %and3A_497, %sub3A_490, %broadcast_in_dim3A_485 : vector<16xi1>, vector<16xi32>
            %swap3A_499 = arith.constant 0 : index
            %swap3A_500 = tpu.vector_load %arg9[%swap3A_499] {strides = array<i32>} : memref<64xi32, #tpu.memory_space<vmem>>, vector<16xi32>,
            %swap3A_501 = vector.shape_cast %swap3A_500 : vector<16xi32> to vector<16xi32>
            %swap3A_502 = vector.shape_cast %select_n3A_498 : vector<16xi32> to vector<16xi32>
            tpu.vector_store %arg9[%swap3A_499], %swap3A_502 {strides = array<i32>} : memref<64xi32, #tpu.memory_space<vmem>>, vector<16xi32>,
            %get3A_503 = arith.constant 80 : index
            %get3A_504 = tpu.vector_load %arg7[%get3A_503] {strides = array<i32>} : memref<1536xi32, #tpu.memory_space<vmem>>, vector<16xi32>,
            %get3A_505 = vector.shape_cast %get3A_504 : vector<16xi32> to vector<16xi32>
            %sub3A_506 = vector.broadcast %add3A_43 : i32 to vector<16xi32>
            %sub3A_507 = arith.subi %get3A_505, %sub3A_506 : vector<16xi32>
            %ge3A_508 = arith.constant 0 : i32
            %ge3A_509 = vector.broadcast %ge3A_508 : i32 to vector<16xi32>
            %ge3A_510 = arith.cmpi sge, %sub3A_507, %ge3A_509 : vector<16xi32>
            %lt3A_511 = arith.constant 12288 : i32
            %lt3A_512 = vector.broadcast %lt3A_511 : i32 to vector<16xi32>
            %lt3A_513 = arith.cmpi slt, %sub3A_507, %lt3A_512 : vector<16xi32>
            %and3A_514 = arith.andi %ge3A_510, %lt3A_513 : vector<16xi1>
            %select_n3A_515 = arith.select %and3A_514, %sub3A_507, %broadcast_in_dim3A_485 : vector<16xi1>, vector<16xi32>
            %swap3A_516 = arith.constant 16 : index
            %swap3A_517 = tpu.vector_load %arg9[%swap3A_516] {strides = array<i32>} : memref<64xi32, #tpu.memory_space<vmem>>, vector<16xi32>,
            %swap3A_518 = vector.shape_cast %swap3A_517 : vector<16xi32> to vector<16xi32>
            %swap3A_519 = vector.shape_cast %select_n3A_515 : vector<16xi32> to vector<16xi32>
            tpu.vector_store %arg9[%swap3A_516], %swap3A_519 {strides = array<i32>} : memref<64xi32, #tpu.memory_space<vmem>>, vector<16xi32>,
            %get3A_520 = arith.constant 96 : index
            %get3A_521 = tpu.vector_load %arg7[%get3A_520] {strides = array<i32>} : memref<1536xi32, #tpu.memory_space<vmem>>, vector<16xi32>,
            %get3A_522 = vector.shape_cast %get3A_521 : vector<16xi32> to vector<16xi32>
            %sub3A_523 = vector.broadcast %add3A_43 : i32 to vector<16xi32>
            %sub3A_524 = arith.subi %get3A_522, %sub3A_523 : vector<16xi32>
            %ge3A_525 = arith.constant 0 : i32
            %ge3A_526 = vector.broadcast %ge3A_525 : i32 to vector<16xi32>
            %ge3A_527 = arith.cmpi sge, %sub3A_524, %ge3A_526 : vector<16xi32>
            %lt3A_528 = arith.constant 12288 : i32
            %lt3A_529 = vector.broadcast %lt3A_528 : i32 to vector<16xi32>
            %lt3A_530 = arith.cmpi slt, %sub3A_524, %lt3A_529 : vector<16xi32>
            %and3A_531 = arith.andi %ge3A_527, %lt3A_530 : vector<16xi1>
            %select_n3A_532 = arith.select %and3A_531, %sub3A_524, %broadcast_in_dim3A_485 : vector<16xi1>, vector<16xi32>
            %swap3A_533 = arith.constant 32 : index
            %swap3A_534 = tpu.vector_load %arg9[%swap3A_533] {strides = array<i32>} : memref<64xi32, #tpu.memory_space<vmem>>, vector<16xi32>,
            %swap3A_535 = vector.shape_cast %swap3A_534 : vector<16xi32> to vector<16xi32>
            %swap3A_536 = vector.shape_cast %select_n3A_532 : vector<16xi32> to vector<16xi32>
            tpu.vector_store %arg9[%swap3A_533], %swap3A_536 {strides = array<i32>} : memref<64xi32, #tpu.memory_space<vmem>>, vector<16xi32>,
            %get3A_537 = arith.constant 112 : index
            %get3A_538 = tpu.vector_load %arg7[%get3A_537] {strides = array<i32>} : memref<1536xi32, #tpu.memory_space<vmem>>, vector<16xi32>,
            %get3A_539 = vector.shape_cast %get3A_538 : vector<16xi32> to vector<16xi32>
            %sub3A_540 = vector.broadcast %add3A_43 : i32 to vector<16xi32>
            %sub3A_541 = arith.subi %get3A_539, %sub3A_540 : vector<16xi32>
            %ge3A_542 = arith.constant 0 : i32
            %ge3A_543 = vector.broadcast %ge3A_542 : i32 to vector<16xi32>
            %ge3A_544 = arith.cmpi sge, %sub3A_541, %ge3A_543 : vector<16xi32>
            %lt3A_545 = arith.constant 12288 : i32
            %lt3A_546 = vector.broadcast %lt3A_545 : i32 to vector<16xi32>
            %lt3A_547 = arith.cmpi slt, %sub3A_541, %lt3A_546 : vector<16xi32>
            %and3A_548 = arith.andi %ge3A_544, %lt3A_547 : vector<16xi1>
            %select_n3A_549 = arith.select %and3A_548, %sub3A_541, %broadcast_in_dim3A_485 : vector<16xi1>, vector<16xi32>
            %swap3A_550 = arith.constant 48 : index
            %swap3A_551 = tpu.vector_load %arg9[%swap3A_550] {strides = array<i32>} : memref<64xi32, #tpu.memory_space<vmem>>, vector<16xi32>,
            %swap3A_552 = vector.shape_cast %swap3A_551 : vector<16xi32> to vector<16xi32>
            %swap3A_553 = vector.shape_cast %select_n3A_549 : vector<16xi32> to vector<16xi32>
            tpu.vector_store %arg9[%swap3A_550], %swap3A_553 {strides = array<i32>} : memref<64xi32, #tpu.memory_space<vmem>>, vector<16xi32>,
            %dma_wait3A_554 = arith.constant 0 : i32
            %dma_wait3A_555 = tpu.memref_slice %arg2[%mul3A_393, %dma_wait3A_554] : memref<2359296x128xf32, #tpu.memory_space<hbm>> -> memref<64x128xf32, #tpu.memory_space<hbm>>
            %dma_wait3A_556 = arith.constant 0 : i32
            %dma_wait3A_557 = tpu.memref_slice %arg2[%mul3A_393, %dma_wait3A_556] : memref<2359296x128xf32, #tpu.memory_space<hbm>> -> memref<64x128xf32, #tpu.memory_space<hbm>>
            tpu.wait_dma2 semaphore(%arg11 : memref<!tpu.dma_semaphore, #tpu.memory_space<semaphore_mem>>) src(%dma_wait3A_557 : memref<64x128xf32, #tpu.memory_space<hbm>>) dst(%arg13 : memref<64x128xf32, #tpu.memory_space<vmem>>)
            %dma_start3A_558 = arith.constant 0 : i32
            %dma_start3A_559 = arith.constant 0 : i32
            %dma_start3A_560 = tpu.memref_slice %arg6[%dma_start3A_558, %dma_start3A_559] : memref<12296x128xf32, #tpu.memory_space<vmem_shared>> -> memref<12296x128xf32, #tpu.memory_space<vmem_shared>>
            tpu.enqueue_indirect_dma source(%arg13 : memref<64x128xf32, #tpu.memory_space<vmem>>) target(%dma_start3A_560 : memref<12296x128xf32, #tpu.memory_space<vmem_shared>>) offsets(%arg9 : memref<64xi32, #tpu.memory_space<vmem>>) semaphore(%arg14 : memref<!tpu.dma_semaphore, #tpu.memory_space<semaphore_mem>>) {add = true}
            %dma_wait3A_561 = arith.constant 0 : i32
            %dma_wait3A_562 = arith.constant 0 : i32
            %dma_wait3A_563 = tpu.memref_slice %arg6[%dma_wait3A_561, %dma_wait3A_562] : memref<12296x128xf32, #tpu.memory_space<vmem_shared>> -> memref<12296x128xf32, #tpu.memory_space<vmem_shared>>
            tpu.wait_indirect_dma semaphore(%arg14 : memref<!tpu.dma_semaphore, #tpu.memory_space<semaphore_mem>>) src(%arg13 : memref<64x128xf32, #tpu.memory_space<vmem>>) dst(%dma_wait3A_563 : memref<12296x128xf32, #tpu.memory_space<vmem_shared>>)
            %add3A_564 = arith.constant 48 : i32
            %add3A_565 = arith.addi %add3A_375, %add3A_564 : i32
            %mul3A_566 = arith.constant 4 : i32
            %mul3A_567 = arith.muli %mul3A_566, %add3A_565 : i32
            %dma_start3A_568 = arith.constant 0 : i32
            %dma_start3A_569 = tpu.memref_slice %arg2[%mul3A_567, %dma_start3A_568] : memref<2359296x128xf32, #tpu.memory_space<hbm>> -> memref<64x128xf32, #tpu.memory_space<hbm>>
            %dma_start3A_570 = arith.constant 0 : i32
            %dma_start3A_571 = tpu.memref_slice %arg2[%mul3A_567, %dma_start3A_570] : memref<2359296x128xf32, #tpu.memory_space<hbm>> -> memref<64x128xf32, #tpu.memory_space<hbm>>
            tpu.enqueue_dma source(%dma_start3A_571 : memref<64x128xf32, #tpu.memory_space<hbm>>) target(%arg13 : memref<64x128xf32, #tpu.memory_space<vmem>>) target_semaphore(%arg11 : memref<!tpu.dma_semaphore, #tpu.memory_space<semaphore_mem>>)
            %broadcast_in_dim3A_572 = arith.constant 12288 : i32
            %broadcast_in_dim3A_573 = vector.broadcast %broadcast_in_dim3A_572 : i32 to vector<16xi32>
            %get3A_574 = arith.constant 128 : index
            %get3A_575 = tpu.vector_load %arg7[%get3A_574] {strides = array<i32>} : memref<1536xi32, #tpu.memory_space<vmem>>, vector<16xi32>,
            %get3A_576 = vector.shape_cast %get3A_575 : vector<16xi32> to vector<16xi32>
            %sub3A_577 = vector.broadcast %add3A_43 : i32 to vector<16xi32>
            %sub3A_578 = arith.subi %get3A_576, %sub3A_577 : vector<16xi32>
            %ge3A_579 = arith.constant 0 : i32
            %ge3A_580 = vector.broadcast %ge3A_579 : i32 to vector<16xi32>
            %ge3A_581 = arith.cmpi sge, %sub3A_578, %ge3A_580 : vector<16xi32>
            %lt3A_582 = arith.constant 12288 : i32
            %lt3A_583 = vector.broadcast %lt3A_582 : i32 to vector<16xi32>
            %lt3A_584 = arith.cmpi slt, %sub3A_578, %lt3A_583 : vector<16xi32>
            %and3A_585 = arith.andi %ge3A_581, %lt3A_584 : vector<16xi1>
            %select_n3A_586 = arith.select %and3A_585, %sub3A_578, %broadcast_in_dim3A_573 : vector<16xi1>, vector<16xi32>
            %swap3A_587 = arith.constant 0 : index
            %swap3A_588 = tpu.vector_load %arg8[%swap3A_587] {strides = array<i32>} : memref<64xi32, #tpu.memory_space<vmem>>, vector<16xi32>,
            %swap3A_589 = vector.shape_cast %swap3A_588 : vector<16xi32> to vector<16xi32>
            %swap3A_590 = vector.shape_cast %select_n3A_586 : vector<16xi32> to vector<16xi32>
            tpu.vector_store %arg8[%swap3A_587], %swap3A_590 {strides = array<i32>} : memref<64xi32, #tpu.memory_space<vmem>>, vector<16xi32>,
            %get3A_591 = arith.constant 144 : index
            %get3A_592 = tpu.vector_load %arg7[%get3A_591] {strides = array<i32>} : memref<1536xi32, #tpu.memory_space<vmem>>, vector<16xi32>,
            %get3A_593 = vector.shape_cast %get3A_592 : vector<16xi32> to vector<16xi32>
            %sub3A_594 = vector.broadcast %add3A_43 : i32 to vector<16xi32>
            %sub3A_595 = arith.subi %get3A_593, %sub3A_594 : vector<16xi32>
            %ge3A_596 = arith.constant 0 : i32
            %ge3A_597 = vector.broadcast %ge3A_596 : i32 to vector<16xi32>
            %ge3A_598 = arith.cmpi sge, %sub3A_595, %ge3A_597 : vector<16xi32>
            %lt3A_599 = arith.constant 12288 : i32
            %lt3A_600 = vector.broadcast %lt3A_599 : i32 to vector<16xi32>
            %lt3A_601 = arith.cmpi slt, %sub3A_595, %lt3A_600 : vector<16xi32>
            %and3A_602 = arith.andi %ge3A_598, %lt3A_601 : vector<16xi1>
            %select_n3A_603 = arith.select %and3A_602, %sub3A_595, %broadcast_in_dim3A_573 : vector<16xi1>, vector<16xi32>
            %swap3A_604 = arith.constant 16 : index
            %swap3A_605 = tpu.vector_load %arg8[%swap3A_604] {strides = array<i32>} : memref<64xi32, #tpu.memory_space<vmem>>, vector<16xi32>,
            %swap3A_606 = vector.shape_cast %swap3A_605 : vector<16xi32> to vector<16xi32>
            %swap3A_607 = vector.shape_cast %select_n3A_603 : vector<16xi32> to vector<16xi32>
            tpu.vector_store %arg8[%swap3A_604], %swap3A_607 {strides = array<i32>} : memref<64xi32, #tpu.memory_space<vmem>>, vector<16xi32>,
            %get3A_608 = arith.constant 160 : index
            %get3A_609 = tpu.vector_load %arg7[%get3A_608] {strides = array<i32>} : memref<1536xi32, #tpu.memory_space<vmem>>, vector<16xi32>,
            %get3A_610 = vector.shape_cast %get3A_609 : vector<16xi32> to vector<16xi32>
            %sub3A_611 = vector.broadcast %add3A_43 : i32 to vector<16xi32>
            %sub3A_612 = arith.subi %get3A_610, %sub3A_611 : vector<16xi32>
            %ge3A_613 = arith.constant 0 : i32
            %ge3A_614 = vector.broadcast %ge3A_613 : i32 to vector<16xi32>
            %ge3A_615 = arith.cmpi sge, %sub3A_612, %ge3A_614 : vector<16xi32>
            %lt3A_616 = arith.constant 12288 : i32
            %lt3A_617 = vector.broadcast %lt3A_616 : i32 to vector<16xi32>
            %lt3A_618 = arith.cmpi slt, %sub3A_612, %lt3A_617 : vector<16xi32>
            %and3A_619 = arith.andi %ge3A_615, %lt3A_618 : vector<16xi1>
            %select_n3A_620 = arith.select %and3A_619, %sub3A_612, %broadcast_in_dim3A_573 : vector<16xi1>, vector<16xi32>
            %swap3A_621 = arith.constant 32 : index
            %swap3A_622 = tpu.vector_load %arg8[%swap3A_621] {strides = array<i32>} : memref<64xi32, #tpu.memory_space<vmem>>, vector<16xi32>,
            %swap3A_623 = vector.shape_cast %swap3A_622 : vector<16xi32> to vector<16xi32>
            %swap3A_624 = vector.shape_cast %select_n3A_620 : vector<16xi32> to vector<16xi32>
            tpu.vector_store %arg8[%swap3A_621], %swap3A_624 {strides = array<i32>} : memref<64xi32, #tpu.memory_space<vmem>>, vector<16xi32>,
            %get3A_625 = arith.constant 176 : index
            %get3A_626 = tpu.vector_load %arg7[%get3A_625] {strides = array<i32>} : memref<1536xi32, #tpu.memory_space<vmem>>, vector<16xi32>,
            %get3A_627 = vector.shape_cast %get3A_626 : vector<16xi32> to vector<16xi32>
            %sub3A_628 = vector.broadcast %add3A_43 : i32 to vector<16xi32>
            %sub3A_629 = arith.subi %get3A_627, %sub3A_628 : vector<16xi32>
            %ge3A_630 = arith.constant 0 : i32
            %ge3A_631 = vector.broadcast %ge3A_630 : i32 to vector<16xi32>
            %ge3A_632 = arith.cmpi sge, %sub3A_629, %ge3A_631 : vector<16xi32>
            %lt3A_633 = arith.constant 12288 : i32
            %lt3A_634 = vector.broadcast %lt3A_633 : i32 to vector<16xi32>
            %lt3A_635 = arith.cmpi slt, %sub3A_629, %lt3A_634 : vector<16xi32>
            %and3A_636 = arith.andi %ge3A_632, %lt3A_635 : vector<16xi1>
            %select_n3A_637 = arith.select %and3A_636, %sub3A_629, %broadcast_in_dim3A_573 : vector<16xi1>, vector<16xi32>
            %swap3A_638 = arith.constant 48 : index
            %swap3A_639 = tpu.vector_load %arg8[%swap3A_638] {strides = array<i32>} : memref<64xi32, #tpu.memory_space<vmem>>, vector<16xi32>,
            %swap3A_640 = vector.shape_cast %swap3A_639 : vector<16xi32> to vector<16xi32>
            %swap3A_641 = vector.shape_cast %select_n3A_637 : vector<16xi32> to vector<16xi32>
            tpu.vector_store %arg8[%swap3A_638], %swap3A_641 {strides = array<i32>} : memref<64xi32, #tpu.memory_space<vmem>>, vector<16xi32>,
            %dma_wait3A_642 = arith.constant 0 : i32
            %dma_wait3A_643 = tpu.memref_slice %arg2[%mul3A_479, %dma_wait3A_642] : memref<2359296x128xf32, #tpu.memory_space<hbm>> -> memref<64x128xf32, #tpu.memory_space<hbm>>
            %dma_wait3A_644 = arith.constant 0 : i32
            %dma_wait3A_645 = tpu.memref_slice %arg2[%mul3A_479, %dma_wait3A_644] : memref<2359296x128xf32, #tpu.memory_space<hbm>> -> memref<64x128xf32, #tpu.memory_space<hbm>>
            tpu.wait_dma2 semaphore(%arg11 : memref<!tpu.dma_semaphore, #tpu.memory_space<semaphore_mem>>) src(%dma_wait3A_645 : memref<64x128xf32, #tpu.memory_space<hbm>>) dst(%arg12 : memref<64x128xf32, #tpu.memory_space<vmem>>)
            %dma_start3A_646 = arith.constant 0 : i32
            %dma_start3A_647 = arith.constant 0 : i32
            %dma_start3A_648 = tpu.memref_slice %arg6[%dma_start3A_646, %dma_start3A_647] : memref<12296x128xf32, #tpu.memory_space<vmem_shared>> -> memref<12296x128xf32, #tpu.memory_space<vmem_shared>>
            tpu.enqueue_indirect_dma source(%arg12 : memref<64x128xf32, #tpu.memory_space<vmem>>) target(%dma_start3A_648 : memref<12296x128xf32, #tpu.memory_space<vmem_shared>>) offsets(%arg8 : memref<64xi32, #tpu.memory_space<vmem>>) semaphore(%arg14 : memref<!tpu.dma_semaphore, #tpu.memory_space<semaphore_mem>>) {add = true}
            %dma_wait3A_649 = arith.constant 0 : i32
            %dma_wait3A_650 = arith.constant 0 : i32
            %dma_wait3A_651 = tpu.memref_slice %arg6[%dma_wait3A_649, %dma_wait3A_650] : memref<12296x128xf32, #tpu.memory_space<vmem_shared>> -> memref<12296x128xf32, #tpu.memory_space<vmem_shared>>
            tpu.wait_indirect_dma semaphore(%arg14 : memref<!tpu.dma_semaphore, #tpu.memory_space<semaphore_mem>>) src(%arg12 : memref<64x128xf32, #tpu.memory_space<vmem>>) dst(%dma_wait3A_651 : memref<12296x128xf32, #tpu.memory_space<vmem_shared>>)
            %add3A_652 = arith.constant 64 : i32
            %add3A_653 = arith.addi %add3A_375, %add3A_652 : i32
            %mul3A_654 = arith.constant 4 : i32
            %mul3A_655 = arith.muli %mul3A_654, %add3A_653 : i32
            %dma_start3A_656 = arith.constant 0 : i32
            %dma_start3A_657 = tpu.memref_slice %arg2[%mul3A_655, %dma_start3A_656] : memref<2359296x128xf32, #tpu.memory_space<hbm>> -> memref<64x128xf32, #tpu.memory_space<hbm>>
            %dma_start3A_658 = arith.constant 0 : i32
            %dma_start3A_659 = tpu.memref_slice %arg2[%mul3A_655, %dma_start3A_658] : memref<2359296x128xf32, #tpu.memory_space<hbm>> -> memref<64x128xf32, #tpu.memory_space<hbm>>
            tpu.enqueue_dma source(%dma_start3A_659 : memref<64x128xf32, #tpu.memory_space<hbm>>) target(%arg12 : memref<64x128xf32, #tpu.memory_space<vmem>>) target_semaphore(%arg11 : memref<!tpu.dma_semaphore, #tpu.memory_space<semaphore_mem>>)
            %broadcast_in_dim3A_660 = arith.constant 12288 : i32
            %broadcast_in_dim3A_661 = vector.broadcast %broadcast_in_dim3A_660 : i32 to vector<16xi32>
            %get3A_662 = arith.constant 192 : index
            %get3A_663 = tpu.vector_load %arg7[%get3A_662] {strides = array<i32>} : memref<1536xi32, #tpu.memory_space<vmem>>, vector<16xi32>,
            %get3A_664 = vector.shape_cast %get3A_663 : vector<16xi32> to vector<16xi32>
            %sub3A_665 = vector.broadcast %add3A_43 : i32 to vector<16xi32>
            %sub3A_666 = arith.subi %get3A_664, %sub3A_665 : vector<16xi32>
            %ge3A_667 = arith.constant 0 : i32
            %ge3A_668 = vector.broadcast %ge3A_667 : i32 to vector<16xi32>
            %ge3A_669 = arith.cmpi sge, %sub3A_666, %ge3A_668 : vector<16xi32>
            %lt3A_670 = arith.constant 12288 : i32
            %lt3A_671 = vector.broadcast %lt3A_670 : i32 to vector<16xi32>
            %lt3A_672 = arith.cmpi slt, %sub3A_666, %lt3A_671 : vector<16xi32>
            %and3A_673 = arith.andi %ge3A_669, %lt3A_672 : vector<16xi1>
            %select_n3A_674 = arith.select %and3A_673, %sub3A_666, %broadcast_in_dim3A_661 : vector<16xi1>, vector<16xi32>
            %swap3A_675 = arith.constant 0 : index
            %swap3A_676 = tpu.vector_load %arg9[%swap3A_675] {strides = array<i32>} : memref<64xi32, #tpu.memory_space<vmem>>, vector<16xi32>,
            %swap3A_677 = vector.shape_cast %swap3A_676 : vector<16xi32> to vector<16xi32>
            %swap3A_678 = vector.shape_cast %select_n3A_674 : vector<16xi32> to vector<16xi32>
            tpu.vector_store %arg9[%swap3A_675], %swap3A_678 {strides = array<i32>} : memref<64xi32, #tpu.memory_space<vmem>>, vector<16xi32>,
            %get3A_679 = arith.constant 208 : index
            %get3A_680 = tpu.vector_load %arg7[%get3A_679] {strides = array<i32>} : memref<1536xi32, #tpu.memory_space<vmem>>, vector<16xi32>,
            %get3A_681 = vector.shape_cast %get3A_680 : vector<16xi32> to vector<16xi32>
            %sub3A_682 = vector.broadcast %add3A_43 : i32 to vector<16xi32>
            %sub3A_683 = arith.subi %get3A_681, %sub3A_682 : vector<16xi32>
            %ge3A_684 = arith.constant 0 : i32
            %ge3A_685 = vector.broadcast %ge3A_684 : i32 to vector<16xi32>
            %ge3A_686 = arith.cmpi sge, %sub3A_683, %ge3A_685 : vector<16xi32>
            %lt3A_687 = arith.constant 12288 : i32
            %lt3A_688 = vector.broadcast %lt3A_687 : i32 to vector<16xi32>
            %lt3A_689 = arith.cmpi slt, %sub3A_683, %lt3A_688 : vector<16xi32>
            %and3A_690 = arith.andi %ge3A_686, %lt3A_689 : vector<16xi1>
            %select_n3A_691 = arith.select %and3A_690, %sub3A_683, %broadcast_in_dim3A_661 : vector<16xi1>, vector<16xi32>
            %swap3A_692 = arith.constant 16 : index
            %swap3A_693 = tpu.vector_load %arg9[%swap3A_692] {strides = array<i32>} : memref<64xi32, #tpu.memory_space<vmem>>, vector<16xi32>,
            %swap3A_694 = vector.shape_cast %swap3A_693 : vector<16xi32> to vector<16xi32>
            %swap3A_695 = vector.shape_cast %select_n3A_691 : vector<16xi32> to vector<16xi32>
            tpu.vector_store %arg9[%swap3A_692], %swap3A_695 {strides = array<i32>} : memref<64xi32, #tpu.memory_space<vmem>>, vector<16xi32>,
            %get3A_696 = arith.constant 224 : index
            %get3A_697 = tpu.vector_load %arg7[%get3A_696] {strides = array<i32>} : memref<1536xi32, #tpu.memory_space<vmem>>, vector<16xi32>,
            %get3A_698 = vector.shape_cast %get3A_697 : vector<16xi32> to vector<16xi32>
            %sub3A_699 = vector.broadcast %add3A_43 : i32 to vector<16xi32>
            %sub3A_700 = arith.subi %get3A_698, %sub3A_699 : vector<16xi32>
            %ge3A_701 = arith.constant 0 : i32
            %ge3A_702 = vector.broadcast %ge3A_701 : i32 to vector<16xi32>
            %ge3A_703 = arith.cmpi sge, %sub3A_700, %ge3A_702 : vector<16xi32>
            %lt3A_704 = arith.constant 12288 : i32
            %lt3A_705 = vector.broadcast %lt3A_704 : i32 to vector<16xi32>
            %lt3A_706 = arith.cmpi slt, %sub3A_700, %lt3A_705 : vector<16xi32>
            %and3A_707 = arith.andi %ge3A_703, %lt3A_706 : vector<16xi1>
            %select_n3A_708 = arith.select %and3A_707, %sub3A_700, %broadcast_in_dim3A_661 : vector<16xi1>, vector<16xi32>
            %swap3A_709 = arith.constant 32 : index
            %swap3A_710 = tpu.vector_load %arg9[%swap3A_709] {strides = array<i32>} : memref<64xi32, #tpu.memory_space<vmem>>, vector<16xi32>,
            %swap3A_711 = vector.shape_cast %swap3A_710 : vector<16xi32> to vector<16xi32>
            %swap3A_712 = vector.shape_cast %select_n3A_708 : vector<16xi32> to vector<16xi32>
            tpu.vector_store %arg9[%swap3A_709], %swap3A_712 {strides = array<i32>} : memref<64xi32, #tpu.memory_space<vmem>>, vector<16xi32>,
            %get3A_713 = arith.constant 240 : index
            %get3A_714 = tpu.vector_load %arg7[%get3A_713] {strides = array<i32>} : memref<1536xi32, #tpu.memory_space<vmem>>, vector<16xi32>,
            %get3A_715 = vector.shape_cast %get3A_714 : vector<16xi32> to vector<16xi32>
            %sub3A_716 = vector.broadcast %add3A_43 : i32 to vector<16xi32>
            %sub3A_717 = arith.subi %get3A_715, %sub3A_716 : vector<16xi32>
            %ge3A_718 = arith.constant 0 : i32
            %ge3A_719 = vector.broadcast %ge3A_718 : i32 to vector<16xi32>
            %ge3A_720 = arith.cmpi sge, %sub3A_717, %ge3A_719 : vector<16xi32>
            %lt3A_721 = arith.constant 12288 : i32
            %lt3A_722 = vector.broadcast %lt3A_721 : i32 to vector<16xi32>
            %lt3A_723 = arith.cmpi slt, %sub3A_717, %lt3A_722 : vector<16xi32>
            %and3A_724 = arith.andi %ge3A_720, %lt3A_723 : vector<16xi1>
            %select_n3A_725 = arith.select %and3A_724, %sub3A_717, %broadcast_in_dim3A_661 : vector<16xi1>, vector<16xi32>
            %swap3A_726 = arith.constant 48 : index
            %swap3A_727 = tpu.vector_load %arg9[%swap3A_726] {strides = array<i32>} : memref<64xi32, #tpu.memory_space<vmem>>, vector<16xi32>,
            %swap3A_728 = vector.shape_cast %swap3A_727 : vector<16xi32> to vector<16xi32>
            %swap3A_729 = vector.shape_cast %select_n3A_725 : vector<16xi32> to vector<16xi32>
            tpu.vector_store %arg9[%swap3A_726], %swap3A_729 {strides = array<i32>} : memref<64xi32, #tpu.memory_space<vmem>>, vector<16xi32>,
            %dma_wait3A_730 = arith.constant 0 : i32
            %dma_wait3A_731 = tpu.memref_slice %arg2[%mul3A_567, %dma_wait3A_730] : memref<2359296x128xf32, #tpu.memory_space<hbm>> -> memref<64x128xf32, #tpu.memory_space<hbm>>
            %dma_wait3A_732 = arith.constant 0 : i32
            %dma_wait3A_733 = tpu.memref_slice %arg2[%mul3A_567, %dma_wait3A_732] : memref<2359296x128xf32, #tpu.memory_space<hbm>> -> memref<64x128xf32, #tpu.memory_space<hbm>>
            tpu.wait_dma2 semaphore(%arg11 : memref<!tpu.dma_semaphore, #tpu.memory_space<semaphore_mem>>) src(%dma_wait3A_733 : memref<64x128xf32, #tpu.memory_space<hbm>>) dst(%arg13 : memref<64x128xf32, #tpu.memory_space<vmem>>)
            %dma_start3A_734 = arith.constant 0 : i32
            %dma_start3A_735 = arith.constant 0 : i32
            %dma_start3A_736 = tpu.memref_slice %arg6[%dma_start3A_734, %dma_start3A_735] : memref<12296x128xf32, #tpu.memory_space<vmem_shared>> -> memref<12296x128xf32, #tpu.memory_space<vmem_shared>>
            tpu.enqueue_indirect_dma source(%arg13 : memref<64x128xf32, #tpu.memory_space<vmem>>) target(%dma_start3A_736 : memref<12296x128xf32, #tpu.memory_space<vmem_shared>>) offsets(%arg9 : memref<64xi32, #tpu.memory_space<vmem>>) semaphore(%arg14 : memref<!tpu.dma_semaphore, #tpu.memory_space<semaphore_mem>>) {add = true}
            %dma_wait3A_737 = arith.constant 0 : i32
            %dma_wait3A_738 = arith.constant 0 : i32
            %dma_wait3A_739 = tpu.memref_slice %arg6[%dma_wait3A_737, %dma_wait3A_738] : memref<12296x128xf32, #tpu.memory_space<vmem_shared>> -> memref<12296x128xf32, #tpu.memory_space<vmem_shared>>
            tpu.wait_indirect_dma semaphore(%arg14 : memref<!tpu.dma_semaphore, #tpu.memory_space<semaphore_mem>>) src(%arg13 : memref<64x128xf32, #tpu.memory_space<vmem>>) dst(%dma_wait3A_739 : memref<12296x128xf32, #tpu.memory_space<vmem_shared>>)
            %add3A_740 = arith.constant 80 : i32
            %add3A_741 = arith.addi %add3A_375, %add3A_740 : i32
            %mul3A_742 = arith.constant 4 : i32
            %mul3A_743 = arith.muli %mul3A_742, %add3A_741 : i32
            %dma_start3A_744 = arith.constant 0 : i32
            %dma_start3A_745 = tpu.memref_slice %arg2[%mul3A_743, %dma_start3A_744] : memref<2359296x128xf32, #tpu.memory_space<hbm>> -> memref<64x128xf32, #tpu.memory_space<hbm>>
            %dma_start3A_746 = arith.constant 0 : i32
            %dma_start3A_747 = tpu.memref_slice %arg2[%mul3A_743, %dma_start3A_746] : memref<2359296x128xf32, #tpu.memory_space<hbm>> -> memref<64x128xf32, #tpu.memory_space<hbm>>
            tpu.enqueue_dma source(%dma_start3A_747 : memref<64x128xf32, #tpu.memory_space<hbm>>) target(%arg13 : memref<64x128xf32, #tpu.memory_space<vmem>>) target_semaphore(%arg11 : memref<!tpu.dma_semaphore, #tpu.memory_space<semaphore_mem>>)
            %broadcast_in_dim3A_748 = arith.constant 12288 : i32
            %broadcast_in_dim3A_749 = vector.broadcast %broadcast_in_dim3A_748 : i32 to vector<16xi32>
            %get3A_750 = arith.constant 256 : index
            %get3A_751 = tpu.vector_load %arg7[%get3A_750] {strides = array<i32>} : memref<1536xi32, #tpu.memory_space<vmem>>, vector<16xi32>,
            %get3A_752 = vector.shape_cast %get3A_751 : vector<16xi32> to vector<16xi32>
            %sub3A_753 = vector.broadcast %add3A_43 : i32 to vector<16xi32>
            %sub3A_754 = arith.subi %get3A_752, %sub3A_753 : vector<16xi32>
            %ge3A_755 = arith.constant 0 : i32
            %ge3A_756 = vector.broadcast %ge3A_755 : i32 to vector<16xi32>
            %ge3A_757 = arith.cmpi sge, %sub3A_754, %ge3A_756 : vector<16xi32>
            %lt3A_758 = arith.constant 12288 : i32
            %lt3A_759 = vector.broadcast %lt3A_758 : i32 to vector<16xi32>
            %lt3A_760 = arith.cmpi slt, %sub3A_754, %lt3A_759 : vector<16xi32>
            %and3A_761 = arith.andi %ge3A_757, %lt3A_760 : vector<16xi1>
            %select_n3A_762 = arith.select %and3A_761, %sub3A_754, %broadcast_in_dim3A_749 : vector<16xi1>, vector<16xi32>
            %swap3A_763 = arith.constant 0 : index
            %swap3A_764 = tpu.vector_load %arg8[%swap3A_763] {strides = array<i32>} : memref<64xi32, #tpu.memory_space<vmem>>, vector<16xi32>,
            %swap3A_765 = vector.shape_cast %swap3A_764 : vector<16xi32> to vector<16xi32>
            %swap3A_766 = vector.shape_cast %select_n3A_762 : vector<16xi32> to vector<16xi32>
            tpu.vector_store %arg8[%swap3A_763], %swap3A_766 {strides = array<i32>} : memref<64xi32, #tpu.memory_space<vmem>>, vector<16xi32>,
            %get3A_767 = arith.constant 272 : index
            %get3A_768 = tpu.vector_load %arg7[%get3A_767] {strides = array<i32>} : memref<1536xi32, #tpu.memory_space<vmem>>, vector<16xi32>,
            %get3A_769 = vector.shape_cast %get3A_768 : vector<16xi32> to vector<16xi32>
            %sub3A_770 = vector.broadcast %add3A_43 : i32 to vector<16xi32>
            %sub3A_771 = arith.subi %get3A_769, %sub3A_770 : vector<16xi32>
            %ge3A_772 = arith.constant 0 : i32
            %ge3A_773 = vector.broadcast %ge3A_772 : i32 to vector<16xi32>
            %ge3A_774 = arith.cmpi sge, %sub3A_771, %ge3A_773 : vector<16xi32>
            %lt3A_775 = arith.constant 12288 : i32
            %lt3A_776 = vector.broadcast %lt3A_775 : i32 to vector<16xi32>
            %lt3A_777 = arith.cmpi slt, %sub3A_771, %lt3A_776 : vector<16xi32>
            %and3A_778 = arith.andi %ge3A_774, %lt3A_777 : vector<16xi1>
            %select_n3A_779 = arith.select %and3A_778, %sub3A_771, %broadcast_in_dim3A_749 : vector<16xi1>, vector<16xi32>
            %swap3A_780 = arith.constant 16 : index
            %swap3A_781 = tpu.vector_load %arg8[%swap3A_780] {strides = array<i32>} : memref<64xi32, #tpu.memory_space<vmem>>, vector<16xi32>,
            %swap3A_782 = vector.shape_cast %swap3A_781 : vector<16xi32> to vector<16xi32>
            %swap3A_783 = vector.shape_cast %select_n3A_779 : vector<16xi32> to vector<16xi32>
            tpu.vector_store %arg8[%swap3A_780], %swap3A_783 {strides = array<i32>} : memref<64xi32, #tpu.memory_space<vmem>>, vector<16xi32>,
            %get3A_784 = arith.constant 288 : index
            %get3A_785 = tpu.vector_load %arg7[%get3A_784] {strides = array<i32>} : memref<1536xi32, #tpu.memory_space<vmem>>, vector<16xi32>,
            %get3A_786 = vector.shape_cast %get3A_785 : vector<16xi32> to vector<16xi32>
            %sub3A_787 = vector.broadcast %add3A_43 : i32 to vector<16xi32>
            %sub3A_788 = arith.subi %get3A_786, %sub3A_787 : vector<16xi32>
            %ge3A_789 = arith.constant 0 : i32
            %ge3A_790 = vector.broadcast %ge3A_789 : i32 to vector<16xi32>
            %ge3A_791 = arith.cmpi sge, %sub3A_788, %ge3A_790 : vector<16xi32>
            %lt3A_792 = arith.constant 12288 : i32
            %lt3A_793 = vector.broadcast %lt3A_792 : i32 to vector<16xi32>
            %lt3A_794 = arith.cmpi slt, %sub3A_788, %lt3A_793 : vector<16xi32>
            %and3A_795 = arith.andi %ge3A_791, %lt3A_794 : vector<16xi1>
            %select_n3A_796 = arith.select %and3A_795, %sub3A_788, %broadcast_in_dim3A_749 : vector<16xi1>, vector<16xi32>
            %swap3A_797 = arith.constant 32 : index
            %swap3A_798 = tpu.vector_load %arg8[%swap3A_797] {strides = array<i32>} : memref<64xi32, #tpu.memory_space<vmem>>, vector<16xi32>,
            %swap3A_799 = vector.shape_cast %swap3A_798 : vector<16xi32> to vector<16xi32>
            %swap3A_800 = vector.shape_cast %select_n3A_796 : vector<16xi32> to vector<16xi32>
            tpu.vector_store %arg8[%swap3A_797], %swap3A_800 {strides = array<i32>} : memref<64xi32, #tpu.memory_space<vmem>>, vector<16xi32>,
            %get3A_801 = arith.constant 304 : index
            %get3A_802 = tpu.vector_load %arg7[%get3A_801] {strides = array<i32>} : memref<1536xi32, #tpu.memory_space<vmem>>, vector<16xi32>,
            %get3A_803 = vector.shape_cast %get3A_802 : vector<16xi32> to vector<16xi32>
            %sub3A_804 = vector.broadcast %add3A_43 : i32 to vector<16xi32>
            %sub3A_805 = arith.subi %get3A_803, %sub3A_804 : vector<16xi32>
            %ge3A_806 = arith.constant 0 : i32
            %ge3A_807 = vector.broadcast %ge3A_806 : i32 to vector<16xi32>
            %ge3A_808 = arith.cmpi sge, %sub3A_805, %ge3A_807 : vector<16xi32>
            %lt3A_809 = arith.constant 12288 : i32
            %lt3A_810 = vector.broadcast %lt3A_809 : i32 to vector<16xi32>
            %lt3A_811 = arith.cmpi slt, %sub3A_805, %lt3A_810 : vector<16xi32>
            %and3A_812 = arith.andi %ge3A_808, %lt3A_811 : vector<16xi1>
            %select_n3A_813 = arith.select %and3A_812, %sub3A_805, %broadcast_in_dim3A_749 : vector<16xi1>, vector<16xi32>
            %swap3A_814 = arith.constant 48 : index
            %swap3A_815 = tpu.vector_load %arg8[%swap3A_814] {strides = array<i32>} : memref<64xi32, #tpu.memory_space<vmem>>, vector<16xi32>,
            %swap3A_816 = vector.shape_cast %swap3A_815 : vector<16xi32> to vector<16xi32>
            %swap3A_817 = vector.shape_cast %select_n3A_813 : vector<16xi32> to vector<16xi32>
            tpu.vector_store %arg8[%swap3A_814], %swap3A_817 {strides = array<i32>} : memref<64xi32, #tpu.memory_space<vmem>>, vector<16xi32>,
            %dma_wait3A_818 = arith.constant 0 : i32
            %dma_wait3A_819 = tpu.memref_slice %arg2[%mul3A_655, %dma_wait3A_818] : memref<2359296x128xf32, #tpu.memory_space<hbm>> -> memref<64x128xf32, #tpu.memory_space<hbm>>
            %dma_wait3A_820 = arith.constant 0 : i32
            %dma_wait3A_821 = tpu.memref_slice %arg2[%mul3A_655, %dma_wait3A_820] : memref<2359296x128xf32, #tpu.memory_space<hbm>> -> memref<64x128xf32, #tpu.memory_space<hbm>>
            tpu.wait_dma2 semaphore(%arg11 : memref<!tpu.dma_semaphore, #tpu.memory_space<semaphore_mem>>) src(%dma_wait3A_821 : memref<64x128xf32, #tpu.memory_space<hbm>>) dst(%arg12 : memref<64x128xf32, #tpu.memory_space<vmem>>)
            %dma_start3A_822 = arith.constant 0 : i32
            %dma_start3A_823 = arith.constant 0 : i32
            %dma_start3A_824 = tpu.memref_slice %arg6[%dma_start3A_822, %dma_start3A_823] : memref<12296x128xf32, #tpu.memory_space<vmem_shared>> -> memref<12296x128xf32, #tpu.memory_space<vmem_shared>>
            tpu.enqueue_indirect_dma source(%arg12 : memref<64x128xf32, #tpu.memory_space<vmem>>) target(%dma_start3A_824 : memref<12296x128xf32, #tpu.memory_space<vmem_shared>>) offsets(%arg8 : memref<64xi32, #tpu.memory_space<vmem>>) semaphore(%arg14 : memref<!tpu.dma_semaphore, #tpu.memory_space<semaphore_mem>>) {add = true}
            %dma_wait3A_825 = arith.constant 0 : i32
            %dma_wait3A_826 = arith.constant 0 : i32
            %dma_wait3A_827 = tpu.memref_slice %arg6[%dma_wait3A_825, %dma_wait3A_826] : memref<12296x128xf32, #tpu.memory_space<vmem_shared>> -> memref<12296x128xf32, #tpu.memory_space<vmem_shared>>
            tpu.wait_indirect_dma semaphore(%arg14 : memref<!tpu.dma_semaphore, #tpu.memory_space<semaphore_mem>>) src(%arg12 : memref<64x128xf32, #tpu.memory_space<vmem>>) dst(%dma_wait3A_827 : memref<12296x128xf32, #tpu.memory_space<vmem_shared>>)
            %add3A_828 = arith.constant 96 : i32
            %add3A_829 = arith.addi %add3A_375, %add3A_828 : i32
            %mul3A_830 = arith.constant 4 : i32
            %mul3A_831 = arith.muli %mul3A_830, %add3A_829 : i32
            %dma_start3A_832 = arith.constant 0 : i32
            %dma_start3A_833 = tpu.memref_slice %arg2[%mul3A_831, %dma_start3A_832] : memref<2359296x128xf32, #tpu.memory_space<hbm>> -> memref<64x128xf32, #tpu.memory_space<hbm>>
            %dma_start3A_834 = arith.constant 0 : i32
            %dma_start3A_835 = tpu.memref_slice %arg2[%mul3A_831, %dma_start3A_834] : memref<2359296x128xf32, #tpu.memory_space<hbm>> -> memref<64x128xf32, #tpu.memory_space<hbm>>
            tpu.enqueue_dma source(%dma_start3A_835 : memref<64x128xf32, #tpu.memory_space<hbm>>) target(%arg12 : memref<64x128xf32, #tpu.memory_space<vmem>>) target_semaphore(%arg11 : memref<!tpu.dma_semaphore, #tpu.memory_space<semaphore_mem>>)
            %broadcast_in_dim3A_836 = arith.constant 12288 : i32
            %broadcast_in_dim3A_837 = vector.broadcast %broadcast_in_dim3A_836 : i32 to vector<16xi32>
            %get3A_838 = arith.constant 320 : index
            %get3A_839 = tpu.vector_load %arg7[%get3A_838] {strides = array<i32>} : memref<1536xi32, #tpu.memory_space<vmem>>, vector<16xi32>,
            %get3A_840 = vector.shape_cast %get3A_839 : vector<16xi32> to vector<16xi32>
            %sub3A_841 = vector.broadcast %add3A_43 : i32 to vector<16xi32>
            %sub3A_842 = arith.subi %get3A_840, %sub3A_841 : vector<16xi32>
            %ge3A_843 = arith.constant 0 : i32
            %ge3A_844 = vector.broadcast %ge3A_843 : i32 to vector<16xi32>
            %ge3A_845 = arith.cmpi sge, %sub3A_842, %ge3A_844 : vector<16xi32>
            %lt3A_846 = arith.constant 12288 : i32
            %lt3A_847 = vector.broadcast %lt3A_846 : i32 to vector<16xi32>
            %lt3A_848 = arith.cmpi slt, %sub3A_842, %lt3A_847 : vector<16xi32>
            %and3A_849 = arith.andi %ge3A_845, %lt3A_848 : vector<16xi1>
            %select_n3A_850 = arith.select %and3A_849, %sub3A_842, %broadcast_in_dim3A_837 : vector<16xi1>, vector<16xi32>
            %swap3A_851 = arith.constant 0 : index
            %swap3A_852 = tpu.vector_load %arg9[%swap3A_851] {strides = array<i32>} : memref<64xi32, #tpu.memory_space<vmem>>, vector<16xi32>,
            %swap3A_853 = vector.shape_cast %swap3A_852 : vector<16xi32> to vector<16xi32>
            %swap3A_854 = vector.shape_cast %select_n3A_850 : vector<16xi32> to vector<16xi32>
            tpu.vector_store %arg9[%swap3A_851], %swap3A_854 {strides = array<i32>} : memref<64xi32, #tpu.memory_space<vmem>>, vector<16xi32>,
            %get3A_855 = arith.constant 336 : index
            %get3A_856 = tpu.vector_load %arg7[%get3A_855] {strides = array<i32>} : memref<1536xi32, #tpu.memory_space<vmem>>, vector<16xi32>,
            %get3A_857 = vector.shape_cast %get3A_856 : vector<16xi32> to vector<16xi32>
            %sub3A_858 = vector.broadcast %add3A_43 : i32 to vector<16xi32>
            %sub3A_859 = arith.subi %get3A_857, %sub3A_858 : vector<16xi32>
            %ge3A_860 = arith.constant 0 : i32
            %ge3A_861 = vector.broadcast %ge3A_860 : i32 to vector<16xi32>
            %ge3A_862 = arith.cmpi sge, %sub3A_859, %ge3A_861 : vector<16xi32>
            %lt3A_863 = arith.constant 12288 : i32
            %lt3A_864 = vector.broadcast %lt3A_863 : i32 to vector<16xi32>
            %lt3A_865 = arith.cmpi slt, %sub3A_859, %lt3A_864 : vector<16xi32>
            %and3A_866 = arith.andi %ge3A_862, %lt3A_865 : vector<16xi1>
            %select_n3A_867 = arith.select %and3A_866, %sub3A_859, %broadcast_in_dim3A_837 : vector<16xi1>, vector<16xi32>
            %swap3A_868 = arith.constant 16 : index
            %swap3A_869 = tpu.vector_load %arg9[%swap3A_868] {strides = array<i32>} : memref<64xi32, #tpu.memory_space<vmem>>, vector<16xi32>,
            %swap3A_870 = vector.shape_cast %swap3A_869 : vector<16xi32> to vector<16xi32>
            %swap3A_871 = vector.shape_cast %select_n3A_867 : vector<16xi32> to vector<16xi32>
            tpu.vector_store %arg9[%swap3A_868], %swap3A_871 {strides = array<i32>} : memref<64xi32, #tpu.memory_space<vmem>>, vector<16xi32>,
            %get3A_872 = arith.constant 352 : index
            %get3A_873 = tpu.vector_load %arg7[%get3A_872] {strides = array<i32>} : memref<1536xi32, #tpu.memory_space<vmem>>, vector<16xi32>,
            %get3A_874 = vector.shape_cast %get3A_873 : vector<16xi32> to vector<16xi32>
            %sub3A_875 = vector.broadcast %add3A_43 : i32 to vector<16xi32>
            %sub3A_876 = arith.subi %get3A_874, %sub3A_875 : vector<16xi32>
            %ge3A_877 = arith.constant 0 : i32
            %ge3A_878 = vector.broadcast %ge3A_877 : i32 to vector<16xi32>
            %ge3A_879 = arith.cmpi sge, %sub3A_876, %ge3A_878 : vector<16xi32>
            %lt3A_880 = arith.constant 12288 : i32
            %lt3A_881 = vector.broadcast %lt3A_880 : i32 to vector<16xi32>
            %lt3A_882 = arith.cmpi slt, %sub3A_876, %lt3A_881 : vector<16xi32>
            %and3A_883 = arith.andi %ge3A_879, %lt3A_882 : vector<16xi1>
            %select_n3A_884 = arith.select %and3A_883, %sub3A_876, %broadcast_in_dim3A_837 : vector<16xi1>, vector<16xi32>
            %swap3A_885 = arith.constant 32 : index
            %swap3A_886 = tpu.vector_load %arg9[%swap3A_885] {strides = array<i32>} : memref<64xi32, #tpu.memory_space<vmem>>, vector<16xi32>,
            %swap3A_887 = vector.shape_cast %swap3A_886 : vector<16xi32> to vector<16xi32>
            %swap3A_888 = vector.shape_cast %select_n3A_884 : vector<16xi32> to vector<16xi32>
            tpu.vector_store %arg9[%swap3A_885], %swap3A_888 {strides = array<i32>} : memref<64xi32, #tpu.memory_space<vmem>>, vector<16xi32>,
            %get3A_889 = arith.constant 368 : index
            %get3A_890 = tpu.vector_load %arg7[%get3A_889] {strides = array<i32>} : memref<1536xi32, #tpu.memory_space<vmem>>, vector<16xi32>,
            %get3A_891 = vector.shape_cast %get3A_890 : vector<16xi32> to vector<16xi32>
            %sub3A_892 = vector.broadcast %add3A_43 : i32 to vector<16xi32>
            %sub3A_893 = arith.subi %get3A_891, %sub3A_892 : vector<16xi32>
            %ge3A_894 = arith.constant 0 : i32
            %ge3A_895 = vector.broadcast %ge3A_894 : i32 to vector<16xi32>
            %ge3A_896 = arith.cmpi sge, %sub3A_893, %ge3A_895 : vector<16xi32>
            %lt3A_897 = arith.constant 12288 : i32
            %lt3A_898 = vector.broadcast %lt3A_897 : i32 to vector<16xi32>
            %lt3A_899 = arith.cmpi slt, %sub3A_893, %lt3A_898 : vector<16xi32>
            %and3A_900 = arith.andi %ge3A_896, %lt3A_899 : vector<16xi1>
            %select_n3A_901 = arith.select %and3A_900, %sub3A_893, %broadcast_in_dim3A_837 : vector<16xi1>, vector<16xi32>
            %swap3A_902 = arith.constant 48 : index
            %swap3A_903 = tpu.vector_load %arg9[%swap3A_902] {strides = array<i32>} : memref<64xi32, #tpu.memory_space<vmem>>, vector<16xi32>,
            %swap3A_904 = vector.shape_cast %swap3A_903 : vector<16xi32> to vector<16xi32>
            %swap3A_905 = vector.shape_cast %select_n3A_901 : vector<16xi32> to vector<16xi32>
            tpu.vector_store %arg9[%swap3A_902], %swap3A_905 {strides = array<i32>} : memref<64xi32, #tpu.memory_space<vmem>>, vector<16xi32>,
            %dma_wait3A_906 = arith.constant 0 : i32
            %dma_wait3A_907 = tpu.memref_slice %arg2[%mul3A_743, %dma_wait3A_906] : memref<2359296x128xf32, #tpu.memory_space<hbm>> -> memref<64x128xf32, #tpu.memory_space<hbm>>
            %dma_wait3A_908 = arith.constant 0 : i32
            %dma_wait3A_909 = tpu.memref_slice %arg2[%mul3A_743, %dma_wait3A_908] : memref<2359296x128xf32, #tpu.memory_space<hbm>> -> memref<64x128xf32, #tpu.memory_space<hbm>>
            tpu.wait_dma2 semaphore(%arg11 : memref<!tpu.dma_semaphore, #tpu.memory_space<semaphore_mem>>) src(%dma_wait3A_909 : memref<64x128xf32, #tpu.memory_space<hbm>>) dst(%arg13 : memref<64x128xf32, #tpu.memory_space<vmem>>)
            %dma_start3A_910 = arith.constant 0 : i32
            %dma_start3A_911 = arith.constant 0 : i32
            %dma_start3A_912 = tpu.memref_slice %arg6[%dma_start3A_910, %dma_start3A_911] : memref<12296x128xf32, #tpu.memory_space<vmem_shared>> -> memref<12296x128xf32, #tpu.memory_space<vmem_shared>>
            tpu.enqueue_indirect_dma source(%arg13 : memref<64x128xf32, #tpu.memory_space<vmem>>) target(%dma_start3A_912 : memref<12296x128xf32, #tpu.memory_space<vmem_shared>>) offsets(%arg9 : memref<64xi32, #tpu.memory_space<vmem>>) semaphore(%arg14 : memref<!tpu.dma_semaphore, #tpu.memory_space<semaphore_mem>>) {add = true}
            %dma_wait3A_913 = arith.constant 0 : i32
            %dma_wait3A_914 = arith.constant 0 : i32
            %dma_wait3A_915 = tpu.memref_slice %arg6[%dma_wait3A_913, %dma_wait3A_914] : memref<12296x128xf32, #tpu.memory_space<vmem_shared>> -> memref<12296x128xf32, #tpu.memory_space<vmem_shared>>
            tpu.wait_indirect_dma semaphore(%arg14 : memref<!tpu.dma_semaphore, #tpu.memory_space<semaphore_mem>>) src(%arg13 : memref<64x128xf32, #tpu.memory_space<vmem>>) dst(%dma_wait3A_915 : memref<12296x128xf32, #tpu.memory_space<vmem_shared>>)
            %add3A_916 = arith.constant 112 : i32
            %add3A_917 = arith.addi %add3A_375, %add3A_916 : i32
            %mul3A_918 = arith.constant 4 : i32
            %mul3A_919 = arith.muli %mul3A_918, %add3A_917 : i32
            %dma_start3A_920 = arith.constant 0 : i32
            %dma_start3A_921 = tpu.memref_slice %arg2[%mul3A_919, %dma_start3A_920] : memref<2359296x128xf32, #tpu.memory_space<hbm>> -> memref<64x128xf32, #tpu.memory_space<hbm>>
            %dma_start3A_922 = arith.constant 0 : i32
            %dma_start3A_923 = tpu.memref_slice %arg2[%mul3A_919, %dma_start3A_922] : memref<2359296x128xf32, #tpu.memory_space<hbm>> -> memref<64x128xf32, #tpu.memory_space<hbm>>
            tpu.enqueue_dma source(%dma_start3A_923 : memref<64x128xf32, #tpu.memory_space<hbm>>) target(%arg13 : memref<64x128xf32, #tpu.memory_space<vmem>>) target_semaphore(%arg11 : memref<!tpu.dma_semaphore, #tpu.memory_space<semaphore_mem>>)
            %broadcast_in_dim3A_924 = arith.constant 12288 : i32
            %broadcast_in_dim3A_925 = vector.broadcast %broadcast_in_dim3A_924 : i32 to vector<16xi32>
            %get3A_926 = arith.constant 384 : index
            %get3A_927 = tpu.vector_load %arg7[%get3A_926] {strides = array<i32>} : memref<1536xi32, #tpu.memory_space<vmem>>, vector<16xi32>,
            %get3A_928 = vector.shape_cast %get3A_927 : vector<16xi32> to vector<16xi32>
            %sub3A_929 = vector.broadcast %add3A_43 : i32 to vector<16xi32>
            %sub3A_930 = arith.subi %get3A_928, %sub3A_929 : vector<16xi32>
            %ge3A_931 = arith.constant 0 : i32
            %ge3A_932 = vector.broadcast %ge3A_931 : i32 to vector<16xi32>
            %ge3A_933 = arith.cmpi sge, %sub3A_930, %ge3A_932 : vector<16xi32>
            %lt3A_934 = arith.constant 12288 : i32
            %lt3A_935 = vector.broadcast %lt3A_934 : i32 to vector<16xi32>
            %lt3A_936 = arith.cmpi slt, %sub3A_930, %lt3A_935 : vector<16xi32>
            %and3A_937 = arith.andi %ge3A_933, %lt3A_936 : vector<16xi1>
            %select_n3A_938 = arith.select %and3A_937, %sub3A_930, %broadcast_in_dim3A_925 : vector<16xi1>, vector<16xi32>
            %swap3A_939 = arith.constant 0 : index
            %swap3A_940 = tpu.vector_load %arg8[%swap3A_939] {strides = array<i32>} : memref<64xi32, #tpu.memory_space<vmem>>, vector<16xi32>,
            %swap3A_941 = vector.shape_cast %swap3A_940 : vector<16xi32> to vector<16xi32>
            %swap3A_942 = vector.shape_cast %select_n3A_938 : vector<16xi32> to vector<16xi32>
            tpu.vector_store %arg8[%swap3A_939], %swap3A_942 {strides = array<i32>} : memref<64xi32, #tpu.memory_space<vmem>>, vector<16xi32>,
            %get3A_943 = arith.constant 400 : index
            %get3A_944 = tpu.vector_load %arg7[%get3A_943] {strides = array<i32>} : memref<1536xi32, #tpu.memory_space<vmem>>, vector<16xi32>,
            %get3A_945 = vector.shape_cast %get3A_944 : vector<16xi32> to vector<16xi32>
            %sub3A_946 = vector.broadcast %add3A_43 : i32 to vector<16xi32>
            %sub3A_947 = arith.subi %get3A_945, %sub3A_946 : vector<16xi32>
            %ge3A_948 = arith.constant 0 : i32
            %ge3A_949 = vector.broadcast %ge3A_948 : i32 to vector<16xi32>
            %ge3A_950 = arith.cmpi sge, %sub3A_947, %ge3A_949 : vector<16xi32>
            %lt3A_951 = arith.constant 12288 : i32
            %lt3A_952 = vector.broadcast %lt3A_951 : i32 to vector<16xi32>
            %lt3A_953 = arith.cmpi slt, %sub3A_947, %lt3A_952 : vector<16xi32>
            %and3A_954 = arith.andi %ge3A_950, %lt3A_953 : vector<16xi1>
            %select_n3A_955 = arith.select %and3A_954, %sub3A_947, %broadcast_in_dim3A_925 : vector<16xi1>, vector<16xi32>
            %swap3A_956 = arith.constant 16 : index
            %swap3A_957 = tpu.vector_load %arg8[%swap3A_956] {strides = array<i32>} : memref<64xi32, #tpu.memory_space<vmem>>, vector<16xi32>,
            %swap3A_958 = vector.shape_cast %swap3A_957 : vector<16xi32> to vector<16xi32>
            %swap3A_959 = vector.shape_cast %select_n3A_955 : vector<16xi32> to vector<16xi32>
            tpu.vector_store %arg8[%swap3A_956], %swap3A_959 {strides = array<i32>} : memref<64xi32, #tpu.memory_space<vmem>>, vector<16xi32>,
            %get3A_960 = arith.constant 416 : index
            %get3A_961 = tpu.vector_load %arg7[%get3A_960] {strides = array<i32>} : memref<1536xi32, #tpu.memory_space<vmem>>, vector<16xi32>,
            %get3A_962 = vector.shape_cast %get3A_961 : vector<16xi32> to vector<16xi32>
            %sub3A_963 = vector.broadcast %add3A_43 : i32 to vector<16xi32>
            %sub3A_964 = arith.subi %get3A_962, %sub3A_963 : vector<16xi32>
            %ge3A_965 = arith.constant 0 : i32
            %ge3A_966 = vector.broadcast %ge3A_965 : i32 to vector<16xi32>
            %ge3A_967 = arith.cmpi sge, %sub3A_964, %ge3A_966 : vector<16xi32>
            %lt3A_968 = arith.constant 12288 : i32
            %lt3A_969 = vector.broadcast %lt3A_968 : i32 to vector<16xi32>
            %lt3A_970 = arith.cmpi slt, %sub3A_964, %lt3A_969 : vector<16xi32>
            %and3A_971 = arith.andi %ge3A_967, %lt3A_970 : vector<16xi1>
            %select_n3A_972 = arith.select %and3A_971, %sub3A_964, %broadcast_in_dim3A_925 : vector<16xi1>, vector<16xi32>
            %swap3A_973 = arith.constant 32 : index
            %swap3A_974 = tpu.vector_load %arg8[%swap3A_973] {strides = array<i32>} : memref<64xi32, #tpu.memory_space<vmem>>, vector<16xi32>,
            %swap3A_975 = vector.shape_cast %swap3A_974 : vector<16xi32> to vector<16xi32>
            %swap3A_976 = vector.shape_cast %select_n3A_972 : vector<16xi32> to vector<16xi32>
            tpu.vector_store %arg8[%swap3A_973], %swap3A_976 {strides = array<i32>} : memref<64xi32, #tpu.memory_space<vmem>>, vector<16xi32>,
            %get3A_977 = arith.constant 432 : index
            %get3A_978 = tpu.vector_load %arg7[%get3A_977] {strides = array<i32>} : memref<1536xi32, #tpu.memory_space<vmem>>, vector<16xi32>,
            %get3A_979 = vector.shape_cast %get3A_978 : vector<16xi32> to vector<16xi32>
            %sub3A_980 = vector.broadcast %add3A_43 : i32 to vector<16xi32>
            %sub3A_981 = arith.subi %get3A_979, %sub3A_980 : vector<16xi32>
            %ge3A_982 = arith.constant 0 : i32
            %ge3A_983 = vector.broadcast %ge3A_982 : i32 to vector<16xi32>
            %ge3A_984 = arith.cmpi sge, %sub3A_981, %ge3A_983 : vector<16xi32>
            %lt3A_985 = arith.constant 12288 : i32
            %lt3A_986 = vector.broadcast %lt3A_985 : i32 to vector<16xi32>
            %lt3A_987 = arith.cmpi slt, %sub3A_981, %lt3A_986 : vector<16xi32>
            %and3A_988 = arith.andi %ge3A_984, %lt3A_987 : vector<16xi1>
            %select_n3A_989 = arith.select %and3A_988, %sub3A_981, %broadcast_in_dim3A_925 : vector<16xi1>, vector<16xi32>
            %swap3A_990 = arith.constant 48 : index
            %swap3A_991 = tpu.vector_load %arg8[%swap3A_990] {strides = array<i32>} : memref<64xi32, #tpu.memory_space<vmem>>, vector<16xi32>,
            %swap3A_992 = vector.shape_cast %swap3A_991 : vector<16xi32> to vector<16xi32>
            %swap3A_993 = vector.shape_cast %select_n3A_989 : vector<16xi32> to vector<16xi32>
            tpu.vector_store %arg8[%swap3A_990], %swap3A_993 {strides = array<i32>} : memref<64xi32, #tpu.memory_space<vmem>>, vector<16xi32>,
            %dma_wait3A_994 = arith.constant 0 : i32
            %dma_wait3A_995 = tpu.memref_slice %arg2[%mul3A_831, %dma_wait3A_994] : memref<2359296x128xf32, #tpu.memory_space<hbm>> -> memref<64x128xf32, #tpu.memory_space<hbm>>
            %dma_wait3A_996 = arith.constant 0 : i32
            %dma_wait3A_997 = tpu.memref_slice %arg2[%mul3A_831, %dma_wait3A_996] : memref<2359296x128xf32, #tpu.memory_space<hbm>> -> memref<64x128xf32, #tpu.memory_space<hbm>>
            tpu.wait_dma2 semaphore(%arg11 : memref<!tpu.dma_semaphore, #tpu.memory_space<semaphore_mem>>) src(%dma_wait3A_997 : memref<64x128xf32, #tpu.memory_space<hbm>>) dst(%arg12 : memref<64x128xf32, #tpu.memory_space<vmem>>)
            %dma_start3A_998 = arith.constant 0 : i32
            %dma_start3A_999 = arith.constant 0 : i32
            %dma_start3A_1000 = tpu.memref_slice %arg6[%dma_start3A_998, %dma_start3A_999] : memref<12296x128xf32, #tpu.memory_space<vmem_shared>> -> memref<12296x128xf32, #tpu.memory_space<vmem_shared>>
            tpu.enqueue_indirect_dma source(%arg12 : memref<64x128xf32, #tpu.memory_space<vmem>>) target(%dma_start3A_1000 : memref<12296x128xf32, #tpu.memory_space<vmem_shared>>) offsets(%arg8 : memref<64xi32, #tpu.memory_space<vmem>>) semaphore(%arg14 : memref<!tpu.dma_semaphore, #tpu.memory_space<semaphore_mem>>) {add = true}
            %dma_wait3A_1001 = arith.constant 0 : i32
            %dma_wait3A_1002 = arith.constant 0 : i32
            %dma_wait3A_1003 = tpu.memref_slice %arg6[%dma_wait3A_1001, %dma_wait3A_1002] : memref<12296x128xf32, #tpu.memory_space<vmem_shared>> -> memref<12296x128xf32, #tpu.memory_space<vmem_shared>>
            tpu.wait_indirect_dma semaphore(%arg14 : memref<!tpu.dma_semaphore, #tpu.memory_space<semaphore_mem>>) src(%arg12 : memref<64x128xf32, #tpu.memory_space<vmem>>) dst(%dma_wait3A_1003 : memref<12296x128xf32, #tpu.memory_space<vmem_shared>>)
            %add3A_1004 = arith.constant 128 : i32
            %add3A_1005 = arith.addi %add3A_375, %add3A_1004 : i32
            %mul3A_1006 = arith.constant 4 : i32
            %mul3A_1007 = arith.muli %mul3A_1006, %add3A_1005 : i32
            %dma_start3A_1008 = arith.constant 0 : i32
            %dma_start3A_1009 = tpu.memref_slice %arg2[%mul3A_1007, %dma_start3A_1008] : memref<2359296x128xf32, #tpu.memory_space<hbm>> -> memref<64x128xf32, #tpu.memory_space<hbm>>
            %dma_start3A_1010 = arith.constant 0 : i32
            %dma_start3A_1011 = tpu.memref_slice %arg2[%mul3A_1007, %dma_start3A_1010] : memref<2359296x128xf32, #tpu.memory_space<hbm>> -> memref<64x128xf32, #tpu.memory_space<hbm>>
            tpu.enqueue_dma source(%dma_start3A_1011 : memref<64x128xf32, #tpu.memory_space<hbm>>) target(%arg12 : memref<64x128xf32, #tpu.memory_space<vmem>>) target_semaphore(%arg11 : memref<!tpu.dma_semaphore, #tpu.memory_space<semaphore_mem>>)
            %broadcast_in_dim3A_1012 = arith.constant 12288 : i32
            %broadcast_in_dim3A_1013 = vector.broadcast %broadcast_in_dim3A_1012 : i32 to vector<16xi32>
            %get3A_1014 = arith.constant 448 : index
            %get3A_1015 = tpu.vector_load %arg7[%get3A_1014] {strides = array<i32>} : memref<1536xi32, #tpu.memory_space<vmem>>, vector<16xi32>,
            %get3A_1016 = vector.shape_cast %get3A_1015 : vector<16xi32> to vector<16xi32>
            %sub3A_1017 = vector.broadcast %add3A_43 : i32 to vector<16xi32>
            %sub3A_1018 = arith.subi %get3A_1016, %sub3A_1017 : vector<16xi32>
            %ge3A_1019 = arith.constant 0 : i32
            %ge3A_1020 = vector.broadcast %ge3A_1019 : i32 to vector<16xi32>
            %ge3A_1021 = arith.cmpi sge, %sub3A_1018, %ge3A_1020 : vector<16xi32>
            %lt3A_1022 = arith.constant 12288 : i32
            %lt3A_1023 = vector.broadcast %lt3A_1022 : i32 to vector<16xi32>
            %lt3A_1024 = arith.cmpi slt, %sub3A_1018, %lt3A_1023 : vector<16xi32>
            %and3A_1025 = arith.andi %ge3A_1021, %lt3A_1024 : vector<16xi1>
            %select_n3A_1026 = arith.select %and3A_1025, %sub3A_1018, %broadcast_in_dim3A_1013 : vector<16xi1>, vector<16xi32>
            %swap3A_1027 = arith.constant 0 : index
            %swap3A_1028 = tpu.vector_load %arg9[%swap3A_1027] {strides = array<i32>} : memref<64xi32, #tpu.memory_space<vmem>>, vector<16xi32>,
            %swap3A_1029 = vector.shape_cast %swap3A_1028 : vector<16xi32> to vector<16xi32>
            %swap3A_1030 = vector.shape_cast %select_n3A_1026 : vector<16xi32> to vector<16xi32>
            tpu.vector_store %arg9[%swap3A_1027], %swap3A_1030 {strides = array<i32>} : memref<64xi32, #tpu.memory_space<vmem>>, vector<16xi32>,
            %get3A_1031 = arith.constant 464 : index
            %get3A_1032 = tpu.vector_load %arg7[%get3A_1031] {strides = array<i32>} : memref<1536xi32, #tpu.memory_space<vmem>>, vector<16xi32>,
            %get3A_1033 = vector.shape_cast %get3A_1032 : vector<16xi32> to vector<16xi32>
            %sub3A_1034 = vector.broadcast %add3A_43 : i32 to vector<16xi32>
            %sub3A_1035 = arith.subi %get3A_1033, %sub3A_1034 : vector<16xi32>
            %ge3A_1036 = arith.constant 0 : i32
            %ge3A_1037 = vector.broadcast %ge3A_1036 : i32 to vector<16xi32>
            %ge3A_1038 = arith.cmpi sge, %sub3A_1035, %ge3A_1037 : vector<16xi32>
            %lt3A_1039 = arith.constant 12288 : i32
            %lt3A_1040 = vector.broadcast %lt3A_1039 : i32 to vector<16xi32>
            %lt3A_1041 = arith.cmpi slt, %sub3A_1035, %lt3A_1040 : vector<16xi32>
            %and3A_1042 = arith.andi %ge3A_1038, %lt3A_1041 : vector<16xi1>
            %select_n3A_1043 = arith.select %and3A_1042, %sub3A_1035, %broadcast_in_dim3A_1013 : vector<16xi1>, vector<16xi32>
            %swap3A_1044 = arith.constant 16 : index
            %swap3A_1045 = tpu.vector_load %arg9[%swap3A_1044] {strides = array<i32>} : memref<64xi32, #tpu.memory_space<vmem>>, vector<16xi32>,
            %swap3A_1046 = vector.shape_cast %swap3A_1045 : vector<16xi32> to vector<16xi32>
            %swap3A_1047 = vector.shape_cast %select_n3A_1043 : vector<16xi32> to vector<16xi32>
            tpu.vector_store %arg9[%swap3A_1044], %swap3A_1047 {strides = array<i32>} : memref<64xi32, #tpu.memory_space<vmem>>, vector<16xi32>,
            %get3A_1048 = arith.constant 480 : index
            %get3A_1049 = tpu.vector_load %arg7[%get3A_1048] {strides = array<i32>} : memref<1536xi32, #tpu.memory_space<vmem>>, vector<16xi32>,
            %get3A_1050 = vector.shape_cast %get3A_1049 : vector<16xi32> to vector<16xi32>
            %sub3A_1051 = vector.broadcast %add3A_43 : i32 to vector<16xi32>
            %sub3A_1052 = arith.subi %get3A_1050, %sub3A_1051 : vector<16xi32>
            %ge3A_1053 = arith.constant 0 : i32
            %ge3A_1054 = vector.broadcast %ge3A_1053 : i32 to vector<16xi32>
            %ge3A_1055 = arith.cmpi sge, %sub3A_1052, %ge3A_1054 : vector<16xi32>
            %lt3A_1056 = arith.constant 12288 : i32
            %lt3A_1057 = vector.broadcast %lt3A_1056 : i32 to vector<16xi32>
            %lt3A_1058 = arith.cmpi slt, %sub3A_1052, %lt3A_1057 : vector<16xi32>
            %and3A_1059 = arith.andi %ge3A_1055, %lt3A_1058 : vector<16xi1>
            %select_n3A_1060 = arith.select %and3A_1059, %sub3A_1052, %broadcast_in_dim3A_1013 : vector<16xi1>, vector<16xi32>
            %swap3A_1061 = arith.constant 32 : index
            %swap3A_1062 = tpu.vector_load %arg9[%swap3A_1061] {strides = array<i32>} : memref<64xi32, #tpu.memory_space<vmem>>, vector<16xi32>,
            %swap3A_1063 = vector.shape_cast %swap3A_1062 : vector<16xi32> to vector<16xi32>
            %swap3A_1064 = vector.shape_cast %select_n3A_1060 : vector<16xi32> to vector<16xi32>
            tpu.vector_store %arg9[%swap3A_1061], %swap3A_1064 {strides = array<i32>} : memref<64xi32, #tpu.memory_space<vmem>>, vector<16xi32>,
            %get3A_1065 = arith.constant 496 : index
            %get3A_1066 = tpu.vector_load %arg7[%get3A_1065] {strides = array<i32>} : memref<1536xi32, #tpu.memory_space<vmem>>, vector<16xi32>,
            %get3A_1067 = vector.shape_cast %get3A_1066 : vector<16xi32> to vector<16xi32>
            %sub3A_1068 = vector.broadcast %add3A_43 : i32 to vector<16xi32>
            %sub3A_1069 = arith.subi %get3A_1067, %sub3A_1068 : vector<16xi32>
            %ge3A_1070 = arith.constant 0 : i32
            %ge3A_1071 = vector.broadcast %ge3A_1070 : i32 to vector<16xi32>
            %ge3A_1072 = arith.cmpi sge, %sub3A_1069, %ge3A_1071 : vector<16xi32>
            %lt3A_1073 = arith.constant 12288 : i32
            %lt3A_1074 = vector.broadcast %lt3A_1073 : i32 to vector<16xi32>
            %lt3A_1075 = arith.cmpi slt, %sub3A_1069, %lt3A_1074 : vector<16xi32>
            %and3A_1076 = arith.andi %ge3A_1072, %lt3A_1075 : vector<16xi1>
            %select_n3A_1077 = arith.select %and3A_1076, %sub3A_1069, %broadcast_in_dim3A_1013 : vector<16xi1>, vector<16xi32>
            %swap3A_1078 = arith.constant 48 : index
            %swap3A_1079 = tpu.vector_load %arg9[%swap3A_1078] {strides = array<i32>} : memref<64xi32, #tpu.memory_space<vmem>>, vector<16xi32>,
            %swap3A_1080 = vector.shape_cast %swap3A_1079 : vector<16xi32> to vector<16xi32>
            %swap3A_1081 = vector.shape_cast %select_n3A_1077 : vector<16xi32> to vector<16xi32>
            tpu.vector_store %arg9[%swap3A_1078], %swap3A_1081 {strides = array<i32>} : memref<64xi32, #tpu.memory_space<vmem>>, vector<16xi32>,
            %dma_wait3A_1082 = arith.constant 0 : i32
            %dma_wait3A_1083 = tpu.memref_slice %arg2[%mul3A_919, %dma_wait3A_1082] : memref<2359296x128xf32, #tpu.memory_space<hbm>> -> memref<64x128xf32, #tpu.memory_space<hbm>>
            %dma_wait3A_1084 = arith.constant 0 : i32
            %dma_wait3A_1085 = tpu.memref_slice %arg2[%mul3A_919, %dma_wait3A_1084] : memref<2359296x128xf32, #tpu.memory_space<hbm>> -> memref<64x128xf32, #tpu.memory_space<hbm>>
            tpu.wait_dma2 semaphore(%arg11 : memref<!tpu.dma_semaphore, #tpu.memory_space<semaphore_mem>>) src(%dma_wait3A_1085 : memref<64x128xf32, #tpu.memory_space<hbm>>) dst(%arg13 : memref<64x128xf32, #tpu.memory_space<vmem>>)
            %dma_start3A_1086 = arith.constant 0 : i32
            %dma_start3A_1087 = arith.constant 0 : i32
            %dma_start3A_1088 = tpu.memref_slice %arg6[%dma_start3A_1086, %dma_start3A_1087] : memref<12296x128xf32, #tpu.memory_space<vmem_shared>> -> memref<12296x128xf32, #tpu.memory_space<vmem_shared>>
            tpu.enqueue_indirect_dma source(%arg13 : memref<64x128xf32, #tpu.memory_space<vmem>>) target(%dma_start3A_1088 : memref<12296x128xf32, #tpu.memory_space<vmem_shared>>) offsets(%arg9 : memref<64xi32, #tpu.memory_space<vmem>>) semaphore(%arg14 : memref<!tpu.dma_semaphore, #tpu.memory_space<semaphore_mem>>) {add = true}
            %dma_wait3A_1089 = arith.constant 0 : i32
            %dma_wait3A_1090 = arith.constant 0 : i32
            %dma_wait3A_1091 = tpu.memref_slice %arg6[%dma_wait3A_1089, %dma_wait3A_1090] : memref<12296x128xf32, #tpu.memory_space<vmem_shared>> -> memref<12296x128xf32, #tpu.memory_space<vmem_shared>>
            tpu.wait_indirect_dma semaphore(%arg14 : memref<!tpu.dma_semaphore, #tpu.memory_space<semaphore_mem>>) src(%arg13 : memref<64x128xf32, #tpu.memory_space<vmem>>) dst(%dma_wait3A_1091 : memref<12296x128xf32, #tpu.memory_space<vmem_shared>>)
            %add3A_1092 = arith.constant 144 : i32
            %add3A_1093 = arith.addi %add3A_375, %add3A_1092 : i32
            %mul3A_1094 = arith.constant 4 : i32
            %mul3A_1095 = arith.muli %mul3A_1094, %add3A_1093 : i32
            %dma_start3A_1096 = arith.constant 0 : i32
            %dma_start3A_1097 = tpu.memref_slice %arg2[%mul3A_1095, %dma_start3A_1096] : memref<2359296x128xf32, #tpu.memory_space<hbm>> -> memref<64x128xf32, #tpu.memory_space<hbm>>
            %dma_start3A_1098 = arith.constant 0 : i32
            %dma_start3A_1099 = tpu.memref_slice %arg2[%mul3A_1095, %dma_start3A_1098] : memref<2359296x128xf32, #tpu.memory_space<hbm>> -> memref<64x128xf32, #tpu.memory_space<hbm>>
            tpu.enqueue_dma source(%dma_start3A_1099 : memref<64x128xf32, #tpu.memory_space<hbm>>) target(%arg13 : memref<64x128xf32, #tpu.memory_space<vmem>>) target_semaphore(%arg11 : memref<!tpu.dma_semaphore, #tpu.memory_space<semaphore_mem>>)
            %broadcast_in_dim3A_1100 = arith.constant 12288 : i32
            %broadcast_in_dim3A_1101 = vector.broadcast %broadcast_in_dim3A_1100 : i32 to vector<16xi32>
            %get3A_1102 = arith.constant 512 : index
            %get3A_1103 = tpu.vector_load %arg7[%get3A_1102] {strides = array<i32>} : memref<1536xi32, #tpu.memory_space<vmem>>, vector<16xi32>,
            %get3A_1104 = vector.shape_cast %get3A_1103 : vector<16xi32> to vector<16xi32>
            %sub3A_1105 = vector.broadcast %add3A_43 : i32 to vector<16xi32>
            %sub3A_1106 = arith.subi %get3A_1104, %sub3A_1105 : vector<16xi32>
            %ge3A_1107 = arith.constant 0 : i32
            %ge3A_1108 = vector.broadcast %ge3A_1107 : i32 to vector<16xi32>
            %ge3A_1109 = arith.cmpi sge, %sub3A_1106, %ge3A_1108 : vector<16xi32>
            %lt3A_1110 = arith.constant 12288 : i32
            %lt3A_1111 = vector.broadcast %lt3A_1110 : i32 to vector<16xi32>
            %lt3A_1112 = arith.cmpi slt, %sub3A_1106, %lt3A_1111 : vector<16xi32>
            %and3A_1113 = arith.andi %ge3A_1109, %lt3A_1112 : vector<16xi1>
            %select_n3A_1114 = arith.select %and3A_1113, %sub3A_1106, %broadcast_in_dim3A_1101 : vector<16xi1>, vector<16xi32>
            %swap3A_1115 = arith.constant 0 : index
            %swap3A_1116 = tpu.vector_load %arg8[%swap3A_1115] {strides = array<i32>} : memref<64xi32, #tpu.memory_space<vmem>>, vector<16xi32>,
            %swap3A_1117 = vector.shape_cast %swap3A_1116 : vector<16xi32> to vector<16xi32>
            %swap3A_1118 = vector.shape_cast %select_n3A_1114 : vector<16xi32> to vector<16xi32>
            tpu.vector_store %arg8[%swap3A_1115], %swap3A_1118 {strides = array<i32>} : memref<64xi32, #tpu.memory_space<vmem>>, vector<16xi32>,
            %get3A_1119 = arith.constant 528 : index
            %get3A_1120 = tpu.vector_load %arg7[%get3A_1119] {strides = array<i32>} : memref<1536xi32, #tpu.memory_space<vmem>>, vector<16xi32>,
            %get3A_1121 = vector.shape_cast %get3A_1120 : vector<16xi32> to vector<16xi32>
            %sub3A_1122 = vector.broadcast %add3A_43 : i32 to vector<16xi32>
            %sub3A_1123 = arith.subi %get3A_1121, %sub3A_1122 : vector<16xi32>
            %ge3A_1124 = arith.constant 0 : i32
            %ge3A_1125 = vector.broadcast %ge3A_1124 : i32 to vector<16xi32>
            %ge3A_1126 = arith.cmpi sge, %sub3A_1123, %ge3A_1125 : vector<16xi32>
            %lt3A_1127 = arith.constant 12288 : i32
            %lt3A_1128 = vector.broadcast %lt3A_1127 : i32 to vector<16xi32>
            %lt3A_1129 = arith.cmpi slt, %sub3A_1123, %lt3A_1128 : vector<16xi32>
            %and3A_1130 = arith.andi %ge3A_1126, %lt3A_1129 : vector<16xi1>
            %select_n3A_1131 = arith.select %and3A_1130, %sub3A_1123, %broadcast_in_dim3A_1101 : vector<16xi1>, vector<16xi32>
            %swap3A_1132 = arith.constant 16 : index
            %swap3A_1133 = tpu.vector_load %arg8[%swap3A_1132] {strides = array<i32>} : memref<64xi32, #tpu.memory_space<vmem>>, vector<16xi32>,
            %swap3A_1134 = vector.shape_cast %swap3A_1133 : vector<16xi32> to vector<16xi32>
            %swap3A_1135 = vector.shape_cast %select_n3A_1131 : vector<16xi32> to vector<16xi32>
            tpu.vector_store %arg8[%swap3A_1132], %swap3A_1135 {strides = array<i32>} : memref<64xi32, #tpu.memory_space<vmem>>, vector<16xi32>,
            %get3A_1136 = arith.constant 544 : index
            %get3A_1137 = tpu.vector_load %arg7[%get3A_1136] {strides = array<i32>} : memref<1536xi32, #tpu.memory_space<vmem>>, vector<16xi32>,
            %get3A_1138 = vector.shape_cast %get3A_1137 : vector<16xi32> to vector<16xi32>
            %sub3A_1139 = vector.broadcast %add3A_43 : i32 to vector<16xi32>
            %sub3A_1140 = arith.subi %get3A_1138, %sub3A_1139 : vector<16xi32>
            %ge3A_1141 = arith.constant 0 : i32
            %ge3A_1142 = vector.broadcast %ge3A_1141 : i32 to vector<16xi32>
            %ge3A_1143 = arith.cmpi sge, %sub3A_1140, %ge3A_1142 : vector<16xi32>
            %lt3A_1144 = arith.constant 12288 : i32
            %lt3A_1145 = vector.broadcast %lt3A_1144 : i32 to vector<16xi32>
            %lt3A_1146 = arith.cmpi slt, %sub3A_1140, %lt3A_1145 : vector<16xi32>
            %and3A_1147 = arith.andi %ge3A_1143, %lt3A_1146 : vector<16xi1>
            %select_n3A_1148 = arith.select %and3A_1147, %sub3A_1140, %broadcast_in_dim3A_1101 : vector<16xi1>, vector<16xi32>
            %swap3A_1149 = arith.constant 32 : index
            %swap3A_1150 = tpu.vector_load %arg8[%swap3A_1149] {strides = array<i32>} : memref<64xi32, #tpu.memory_space<vmem>>, vector<16xi32>,
            %swap3A_1151 = vector.shape_cast %swap3A_1150 : vector<16xi32> to vector<16xi32>
            %swap3A_1152 = vector.shape_cast %select_n3A_1148 : vector<16xi32> to vector<16xi32>
            tpu.vector_store %arg8[%swap3A_1149], %swap3A_1152 {strides = array<i32>} : memref<64xi32, #tpu.memory_space<vmem>>, vector<16xi32>,
            %get3A_1153 = arith.constant 560 : index
            %get3A_1154 = tpu.vector_load %arg7[%get3A_1153] {strides = array<i32>} : memref<1536xi32, #tpu.memory_space<vmem>>, vector<16xi32>,
            %get3A_1155 = vector.shape_cast %get3A_1154 : vector<16xi32> to vector<16xi32>
            %sub3A_1156 = vector.broadcast %add3A_43 : i32 to vector<16xi32>
            %sub3A_1157 = arith.subi %get3A_1155, %sub3A_1156 : vector<16xi32>
            %ge3A_1158 = arith.constant 0 : i32
            %ge3A_1159 = vector.broadcast %ge3A_1158 : i32 to vector<16xi32>
            %ge3A_1160 = arith.cmpi sge, %sub3A_1157, %ge3A_1159 : vector<16xi32>
            %lt3A_1161 = arith.constant 12288 : i32
            %lt3A_1162 = vector.broadcast %lt3A_1161 : i32 to vector<16xi32>
            %lt3A_1163 = arith.cmpi slt, %sub3A_1157, %lt3A_1162 : vector<16xi32>
            %and3A_1164 = arith.andi %ge3A_1160, %lt3A_1163 : vector<16xi1>
            %select_n3A_1165 = arith.select %and3A_1164, %sub3A_1157, %broadcast_in_dim3A_1101 : vector<16xi1>, vector<16xi32>
            %swap3A_1166 = arith.constant 48 : index
            %swap3A_1167 = tpu.vector_load %arg8[%swap3A_1166] {strides = array<i32>} : memref<64xi32, #tpu.memory_space<vmem>>, vector<16xi32>,
            %swap3A_1168 = vector.shape_cast %swap3A_1167 : vector<16xi32> to vector<16xi32>
            %swap3A_1169 = vector.shape_cast %select_n3A_1165 : vector<16xi32> to vector<16xi32>
            tpu.vector_store %arg8[%swap3A_1166], %swap3A_1169 {strides = array<i32>} : memref<64xi32, #tpu.memory_space<vmem>>, vector<16xi32>,
            %dma_wait3A_1170 = arith.constant 0 : i32
            %dma_wait3A_1171 = tpu.memref_slice %arg2[%mul3A_1007, %dma_wait3A_1170] : memref<2359296x128xf32, #tpu.memory_space<hbm>> -> memref<64x128xf32, #tpu.memory_space<hbm>>
            %dma_wait3A_1172 = arith.constant 0 : i32
            %dma_wait3A_1173 = tpu.memref_slice %arg2[%mul3A_1007, %dma_wait3A_1172] : memref<2359296x128xf32, #tpu.memory_space<hbm>> -> memref<64x128xf32, #tpu.memory_space<hbm>>
            tpu.wait_dma2 semaphore(%arg11 : memref<!tpu.dma_semaphore, #tpu.memory_space<semaphore_mem>>) src(%dma_wait3A_1173 : memref<64x128xf32, #tpu.memory_space<hbm>>) dst(%arg12 : memref<64x128xf32, #tpu.memory_space<vmem>>)
            %dma_start3A_1174 = arith.constant 0 : i32
            %dma_start3A_1175 = arith.constant 0 : i32
            %dma_start3A_1176 = tpu.memref_slice %arg6[%dma_start3A_1174, %dma_start3A_1175] : memref<12296x128xf32, #tpu.memory_space<vmem_shared>> -> memref<12296x128xf32, #tpu.memory_space<vmem_shared>>
            tpu.enqueue_indirect_dma source(%arg12 : memref<64x128xf32, #tpu.memory_space<vmem>>) target(%dma_start3A_1176 : memref<12296x128xf32, #tpu.memory_space<vmem_shared>>) offsets(%arg8 : memref<64xi32, #tpu.memory_space<vmem>>) semaphore(%arg14 : memref<!tpu.dma_semaphore, #tpu.memory_space<semaphore_mem>>) {add = true}
            %dma_wait3A_1177 = arith.constant 0 : i32
            %dma_wait3A_1178 = arith.constant 0 : i32
            %dma_wait3A_1179 = tpu.memref_slice %arg6[%dma_wait3A_1177, %dma_wait3A_1178] : memref<12296x128xf32, #tpu.memory_space<vmem_shared>> -> memref<12296x128xf32, #tpu.memory_space<vmem_shared>>
            tpu.wait_indirect_dma semaphore(%arg14 : memref<!tpu.dma_semaphore, #tpu.memory_space<semaphore_mem>>) src(%arg12 : memref<64x128xf32, #tpu.memory_space<vmem>>) dst(%dma_wait3A_1179 : memref<12296x128xf32, #tpu.memory_space<vmem_shared>>)
            %add3A_1180 = arith.constant 160 : i32
            %add3A_1181 = arith.addi %add3A_375, %add3A_1180 : i32
            %mul3A_1182 = arith.constant 4 : i32
            %mul3A_1183 = arith.muli %mul3A_1182, %add3A_1181 : i32
            %dma_start3A_1184 = arith.constant 0 : i32
            %dma_start3A_1185 = tpu.memref_slice %arg2[%mul3A_1183, %dma_start3A_1184] : memref<2359296x128xf32, #tpu.memory_space<hbm>> -> memref<64x128xf32, #tpu.memory_space<hbm>>
            %dma_start3A_1186 = arith.constant 0 : i32
            %dma_start3A_1187 = tpu.memref_slice %arg2[%mul3A_1183, %dma_start3A_1186] : memref<2359296x128xf32, #tpu.memory_space<hbm>> -> memref<64x128xf32, #tpu.memory_space<hbm>>
            tpu.enqueue_dma source(%dma_start3A_1187 : memref<64x128xf32, #tpu.memory_space<hbm>>) target(%arg12 : memref<64x128xf32, #tpu.memory_space<vmem>>) target_semaphore(%arg11 : memref<!tpu.dma_semaphore, #tpu.memory_space<semaphore_mem>>)
            %broadcast_in_dim3A_1188 = arith.constant 12288 : i32
            %broadcast_in_dim3A_1189 = vector.broadcast %broadcast_in_dim3A_1188 : i32 to vector<16xi32>
            %get3A_1190 = arith.constant 576 : index
            %get3A_1191 = tpu.vector_load %arg7[%get3A_1190] {strides = array<i32>} : memref<1536xi32, #tpu.memory_space<vmem>>, vector<16xi32>,
            %get3A_1192 = vector.shape_cast %get3A_1191 : vector<16xi32> to vector<16xi32>
            %sub3A_1193 = vector.broadcast %add3A_43 : i32 to vector<16xi32>
            %sub3A_1194 = arith.subi %get3A_1192, %sub3A_1193 : vector<16xi32>
            %ge3A_1195 = arith.constant 0 : i32
            %ge3A_1196 = vector.broadcast %ge3A_1195 : i32 to vector<16xi32>
            %ge3A_1197 = arith.cmpi sge, %sub3A_1194, %ge3A_1196 : vector<16xi32>
            %lt3A_1198 = arith.constant 12288 : i32
            %lt3A_1199 = vector.broadcast %lt3A_1198 : i32 to vector<16xi32>
            %lt3A_1200 = arith.cmpi slt, %sub3A_1194, %lt3A_1199 : vector<16xi32>
            %and3A_1201 = arith.andi %ge3A_1197, %lt3A_1200 : vector<16xi1>
            %select_n3A_1202 = arith.select %and3A_1201, %sub3A_1194, %broadcast_in_dim3A_1189 : vector<16xi1>, vector<16xi32>
            %swap3A_1203 = arith.constant 0 : index
            %swap3A_1204 = tpu.vector_load %arg9[%swap3A_1203] {strides = array<i32>} : memref<64xi32, #tpu.memory_space<vmem>>, vector<16xi32>,
            %swap3A_1205 = vector.shape_cast %swap3A_1204 : vector<16xi32> to vector<16xi32>
            %swap3A_1206 = vector.shape_cast %select_n3A_1202 : vector<16xi32> to vector<16xi32>
            tpu.vector_store %arg9[%swap3A_1203], %swap3A_1206 {strides = array<i32>} : memref<64xi32, #tpu.memory_space<vmem>>, vector<16xi32>,
            %get3A_1207 = arith.constant 592 : index
            %get3A_1208 = tpu.vector_load %arg7[%get3A_1207] {strides = array<i32>} : memref<1536xi32, #tpu.memory_space<vmem>>, vector<16xi32>,
            %get3A_1209 = vector.shape_cast %get3A_1208 : vector<16xi32> to vector<16xi32>
            %sub3A_1210 = vector.broadcast %add3A_43 : i32 to vector<16xi32>
            %sub3A_1211 = arith.subi %get3A_1209, %sub3A_1210 : vector<16xi32>
            %ge3A_1212 = arith.constant 0 : i32
            %ge3A_1213 = vector.broadcast %ge3A_1212 : i32 to vector<16xi32>
            %ge3A_1214 = arith.cmpi sge, %sub3A_1211, %ge3A_1213 : vector<16xi32>
            %lt3A_1215 = arith.constant 12288 : i32
            %lt3A_1216 = vector.broadcast %lt3A_1215 : i32 to vector<16xi32>
            %lt3A_1217 = arith.cmpi slt, %sub3A_1211, %lt3A_1216 : vector<16xi32>
            %and3A_1218 = arith.andi %ge3A_1214, %lt3A_1217 : vector<16xi1>
            %select_n3A_1219 = arith.select %and3A_1218, %sub3A_1211, %broadcast_in_dim3A_1189 : vector<16xi1>, vector<16xi32>
            %swap3A_1220 = arith.constant 16 : index
            %swap3A_1221 = tpu.vector_load %arg9[%swap3A_1220] {strides = array<i32>} : memref<64xi32, #tpu.memory_space<vmem>>, vector<16xi32>,
            %swap3A_1222 = vector.shape_cast %swap3A_1221 : vector<16xi32> to vector<16xi32>
            %swap3A_1223 = vector.shape_cast %select_n3A_1219 : vector<16xi32> to vector<16xi32>
            tpu.vector_store %arg9[%swap3A_1220], %swap3A_1223 {strides = array<i32>} : memref<64xi32, #tpu.memory_space<vmem>>, vector<16xi32>,
            %get3A_1224 = arith.constant 608 : index
            %get3A_1225 = tpu.vector_load %arg7[%get3A_1224] {strides = array<i32>} : memref<1536xi32, #tpu.memory_space<vmem>>, vector<16xi32>,
            %get3A_1226 = vector.shape_cast %get3A_1225 : vector<16xi32> to vector<16xi32>
            %sub3A_1227 = vector.broadcast %add3A_43 : i32 to vector<16xi32>
            %sub3A_1228 = arith.subi %get3A_1226, %sub3A_1227 : vector<16xi32>
            %ge3A_1229 = arith.constant 0 : i32
            %ge3A_1230 = vector.broadcast %ge3A_1229 : i32 to vector<16xi32>
            %ge3A_1231 = arith.cmpi sge, %sub3A_1228, %ge3A_1230 : vector<16xi32>
            %lt3A_1232 = arith.constant 12288 : i32
            %lt3A_1233 = vector.broadcast %lt3A_1232 : i32 to vector<16xi32>
            %lt3A_1234 = arith.cmpi slt, %sub3A_1228, %lt3A_1233 : vector<16xi32>
            %and3A_1235 = arith.andi %ge3A_1231, %lt3A_1234 : vector<16xi1>
            %select_n3A_1236 = arith.select %and3A_1235, %sub3A_1228, %broadcast_in_dim3A_1189 : vector<16xi1>, vector<16xi32>
            %swap3A_1237 = arith.constant 32 : index
            %swap3A_1238 = tpu.vector_load %arg9[%swap3A_1237] {strides = array<i32>} : memref<64xi32, #tpu.memory_space<vmem>>, vector<16xi32>,
            %swap3A_1239 = vector.shape_cast %swap3A_1238 : vector<16xi32> to vector<16xi32>
            %swap3A_1240 = vector.shape_cast %select_n3A_1236 : vector<16xi32> to vector<16xi32>
            tpu.vector_store %arg9[%swap3A_1237], %swap3A_1240 {strides = array<i32>} : memref<64xi32, #tpu.memory_space<vmem>>, vector<16xi32>,
            %get3A_1241 = arith.constant 624 : index
            %get3A_1242 = tpu.vector_load %arg7[%get3A_1241] {strides = array<i32>} : memref<1536xi32, #tpu.memory_space<vmem>>, vector<16xi32>,
            %get3A_1243 = vector.shape_cast %get3A_1242 : vector<16xi32> to vector<16xi32>
            %sub3A_1244 = vector.broadcast %add3A_43 : i32 to vector<16xi32>
            %sub3A_1245 = arith.subi %get3A_1243, %sub3A_1244 : vector<16xi32>
            %ge3A_1246 = arith.constant 0 : i32
            %ge3A_1247 = vector.broadcast %ge3A_1246 : i32 to vector<16xi32>
            %ge3A_1248 = arith.cmpi sge, %sub3A_1245, %ge3A_1247 : vector<16xi32>
            %lt3A_1249 = arith.constant 12288 : i32
            %lt3A_1250 = vector.broadcast %lt3A_1249 : i32 to vector<16xi32>
            %lt3A_1251 = arith.cmpi slt, %sub3A_1245, %lt3A_1250 : vector<16xi32>
            %and3A_1252 = arith.andi %ge3A_1248, %lt3A_1251 : vector<16xi1>
            %select_n3A_1253 = arith.select %and3A_1252, %sub3A_1245, %broadcast_in_dim3A_1189 : vector<16xi1>, vector<16xi32>
            %swap3A_1254 = arith.constant 48 : index
            %swap3A_1255 = tpu.vector_load %arg9[%swap3A_1254] {strides = array<i32>} : memref<64xi32, #tpu.memory_space<vmem>>, vector<16xi32>,
            %swap3A_1256 = vector.shape_cast %swap3A_1255 : vector<16xi32> to vector<16xi32>
            %swap3A_1257 = vector.shape_cast %select_n3A_1253 : vector<16xi32> to vector<16xi32>
            tpu.vector_store %arg9[%swap3A_1254], %swap3A_1257 {strides = array<i32>} : memref<64xi32, #tpu.memory_space<vmem>>, vector<16xi32>,
            %dma_wait3A_1258 = arith.constant 0 : i32
            %dma_wait3A_1259 = tpu.memref_slice %arg2[%mul3A_1095, %dma_wait3A_1258] : memref<2359296x128xf32, #tpu.memory_space<hbm>> -> memref<64x128xf32, #tpu.memory_space<hbm>>
            %dma_wait3A_1260 = arith.constant 0 : i32
            %dma_wait3A_1261 = tpu.memref_slice %arg2[%mul3A_1095, %dma_wait3A_1260] : memref<2359296x128xf32, #tpu.memory_space<hbm>> -> memref<64x128xf32, #tpu.memory_space<hbm>>
            tpu.wait_dma2 semaphore(%arg11 : memref<!tpu.dma_semaphore, #tpu.memory_space<semaphore_mem>>) src(%dma_wait3A_1261 : memref<64x128xf32, #tpu.memory_space<hbm>>) dst(%arg13 : memref<64x128xf32, #tpu.memory_space<vmem>>)
            %dma_start3A_1262 = arith.constant 0 : i32
            %dma_start3A_1263 = arith.constant 0 : i32
            %dma_start3A_1264 = tpu.memref_slice %arg6[%dma_start3A_1262, %dma_start3A_1263] : memref<12296x128xf32, #tpu.memory_space<vmem_shared>> -> memref<12296x128xf32, #tpu.memory_space<vmem_shared>>
            tpu.enqueue_indirect_dma source(%arg13 : memref<64x128xf32, #tpu.memory_space<vmem>>) target(%dma_start3A_1264 : memref<12296x128xf32, #tpu.memory_space<vmem_shared>>) offsets(%arg9 : memref<64xi32, #tpu.memory_space<vmem>>) semaphore(%arg14 : memref<!tpu.dma_semaphore, #tpu.memory_space<semaphore_mem>>) {add = true}
            %dma_wait3A_1265 = arith.constant 0 : i32
            %dma_wait3A_1266 = arith.constant 0 : i32
            %dma_wait3A_1267 = tpu.memref_slice %arg6[%dma_wait3A_1265, %dma_wait3A_1266] : memref<12296x128xf32, #tpu.memory_space<vmem_shared>> -> memref<12296x128xf32, #tpu.memory_space<vmem_shared>>
            tpu.wait_indirect_dma semaphore(%arg14 : memref<!tpu.dma_semaphore, #tpu.memory_space<semaphore_mem>>) src(%arg13 : memref<64x128xf32, #tpu.memory_space<vmem>>) dst(%dma_wait3A_1267 : memref<12296x128xf32, #tpu.memory_space<vmem_shared>>)
            %add3A_1268 = arith.constant 176 : i32
            %add3A_1269 = arith.addi %add3A_375, %add3A_1268 : i32
            %mul3A_1270 = arith.constant 4 : i32
            %mul3A_1271 = arith.muli %mul3A_1270, %add3A_1269 : i32
            %dma_start3A_1272 = arith.constant 0 : i32
            %dma_start3A_1273 = tpu.memref_slice %arg2[%mul3A_1271, %dma_start3A_1272] : memref<2359296x128xf32, #tpu.memory_space<hbm>> -> memref<64x128xf32, #tpu.memory_space<hbm>>
            %dma_start3A_1274 = arith.constant 0 : i32
            %dma_start3A_1275 = tpu.memref_slice %arg2[%mul3A_1271, %dma_start3A_1274] : memref<2359296x128xf32, #tpu.memory_space<hbm>> -> memref<64x128xf32, #tpu.memory_space<hbm>>
            tpu.enqueue_dma source(%dma_start3A_1275 : memref<64x128xf32, #tpu.memory_space<hbm>>) target(%arg13 : memref<64x128xf32, #tpu.memory_space<vmem>>) target_semaphore(%arg11 : memref<!tpu.dma_semaphore, #tpu.memory_space<semaphore_mem>>)
            %broadcast_in_dim3A_1276 = arith.constant 12288 : i32
            %broadcast_in_dim3A_1277 = vector.broadcast %broadcast_in_dim3A_1276 : i32 to vector<16xi32>
            %get3A_1278 = arith.constant 640 : index
            %get3A_1279 = tpu.vector_load %arg7[%get3A_1278] {strides = array<i32>} : memref<1536xi32, #tpu.memory_space<vmem>>, vector<16xi32>,
            %get3A_1280 = vector.shape_cast %get3A_1279 : vector<16xi32> to vector<16xi32>
            %sub3A_1281 = vector.broadcast %add3A_43 : i32 to vector<16xi32>
            %sub3A_1282 = arith.subi %get3A_1280, %sub3A_1281 : vector<16xi32>
            %ge3A_1283 = arith.constant 0 : i32
            %ge3A_1284 = vector.broadcast %ge3A_1283 : i32 to vector<16xi32>
            %ge3A_1285 = arith.cmpi sge, %sub3A_1282, %ge3A_1284 : vector<16xi32>
            %lt3A_1286 = arith.constant 12288 : i32
            %lt3A_1287 = vector.broadcast %lt3A_1286 : i32 to vector<16xi32>
            %lt3A_1288 = arith.cmpi slt, %sub3A_1282, %lt3A_1287 : vector<16xi32>
            %and3A_1289 = arith.andi %ge3A_1285, %lt3A_1288 : vector<16xi1>
            %select_n3A_1290 = arith.select %and3A_1289, %sub3A_1282, %broadcast_in_dim3A_1277 : vector<16xi1>, vector<16xi32>
            %swap3A_1291 = arith.constant 0 : index
            %swap3A_1292 = tpu.vector_load %arg8[%swap3A_1291] {strides = array<i32>} : memref<64xi32, #tpu.memory_space<vmem>>, vector<16xi32>,
            %swap3A_1293 = vector.shape_cast %swap3A_1292 : vector<16xi32> to vector<16xi32>
            %swap3A_1294 = vector.shape_cast %select_n3A_1290 : vector<16xi32> to vector<16xi32>
            tpu.vector_store %arg8[%swap3A_1291], %swap3A_1294 {strides = array<i32>} : memref<64xi32, #tpu.memory_space<vmem>>, vector<16xi32>,
            %get3A_1295 = arith.constant 656 : index
            %get3A_1296 = tpu.vector_load %arg7[%get3A_1295] {strides = array<i32>} : memref<1536xi32, #tpu.memory_space<vmem>>, vector<16xi32>,
            %get3A_1297 = vector.shape_cast %get3A_1296 : vector<16xi32> to vector<16xi32>
            %sub3A_1298 = vector.broadcast %add3A_43 : i32 to vector<16xi32>
            %sub3A_1299 = arith.subi %get3A_1297, %sub3A_1298 : vector<16xi32>
            %ge3A_1300 = arith.constant 0 : i32
            %ge3A_1301 = vector.broadcast %ge3A_1300 : i32 to vector<16xi32>
            %ge3A_1302 = arith.cmpi sge, %sub3A_1299, %ge3A_1301 : vector<16xi32>
            %lt3A_1303 = arith.constant 12288 : i32
            %lt3A_1304 = vector.broadcast %lt3A_1303 : i32 to vector<16xi32>
            %lt3A_1305 = arith.cmpi slt, %sub3A_1299, %lt3A_1304 : vector<16xi32>
            %and3A_1306 = arith.andi %ge3A_1302, %lt3A_1305 : vector<16xi1>
            %select_n3A_1307 = arith.select %and3A_1306, %sub3A_1299, %broadcast_in_dim3A_1277 : vector<16xi1>, vector<16xi32>
            %swap3A_1308 = arith.constant 16 : index
            %swap3A_1309 = tpu.vector_load %arg8[%swap3A_1308] {strides = array<i32>} : memref<64xi32, #tpu.memory_space<vmem>>, vector<16xi32>,
            %swap3A_1310 = vector.shape_cast %swap3A_1309 : vector<16xi32> to vector<16xi32>
            %swap3A_1311 = vector.shape_cast %select_n3A_1307 : vector<16xi32> to vector<16xi32>
            tpu.vector_store %arg8[%swap3A_1308], %swap3A_1311 {strides = array<i32>} : memref<64xi32, #tpu.memory_space<vmem>>, vector<16xi32>,
            %get3A_1312 = arith.constant 672 : index
            %get3A_1313 = tpu.vector_load %arg7[%get3A_1312] {strides = array<i32>} : memref<1536xi32, #tpu.memory_space<vmem>>, vector<16xi32>,
            %get3A_1314 = vector.shape_cast %get3A_1313 : vector<16xi32> to vector<16xi32>
            %sub3A_1315 = vector.broadcast %add3A_43 : i32 to vector<16xi32>
            %sub3A_1316 = arith.subi %get3A_1314, %sub3A_1315 : vector<16xi32>
            %ge3A_1317 = arith.constant 0 : i32
            %ge3A_1318 = vector.broadcast %ge3A_1317 : i32 to vector<16xi32>
            %ge3A_1319 = arith.cmpi sge, %sub3A_1316, %ge3A_1318 : vector<16xi32>
            %lt3A_1320 = arith.constant 12288 : i32
            %lt3A_1321 = vector.broadcast %lt3A_1320 : i32 to vector<16xi32>
            %lt3A_1322 = arith.cmpi slt, %sub3A_1316, %lt3A_1321 : vector<16xi32>
            %and3A_1323 = arith.andi %ge3A_1319, %lt3A_1322 : vector<16xi1>
            %select_n3A_1324 = arith.select %and3A_1323, %sub3A_1316, %broadcast_in_dim3A_1277 : vector<16xi1>, vector<16xi32>
            %swap3A_1325 = arith.constant 32 : index
            %swap3A_1326 = tpu.vector_load %arg8[%swap3A_1325] {strides = array<i32>} : memref<64xi32, #tpu.memory_space<vmem>>, vector<16xi32>,
            %swap3A_1327 = vector.shape_cast %swap3A_1326 : vector<16xi32> to vector<16xi32>
            %swap3A_1328 = vector.shape_cast %select_n3A_1324 : vector<16xi32> to vector<16xi32>
            tpu.vector_store %arg8[%swap3A_1325], %swap3A_1328 {strides = array<i32>} : memref<64xi32, #tpu.memory_space<vmem>>, vector<16xi32>,
            %get3A_1329 = arith.constant 688 : index
            %get3A_1330 = tpu.vector_load %arg7[%get3A_1329] {strides = array<i32>} : memref<1536xi32, #tpu.memory_space<vmem>>, vector<16xi32>,
            %get3A_1331 = vector.shape_cast %get3A_1330 : vector<16xi32> to vector<16xi32>
            %sub3A_1332 = vector.broadcast %add3A_43 : i32 to vector<16xi32>
            %sub3A_1333 = arith.subi %get3A_1331, %sub3A_1332 : vector<16xi32>
            %ge3A_1334 = arith.constant 0 : i32
            %ge3A_1335 = vector.broadcast %ge3A_1334 : i32 to vector<16xi32>
            %ge3A_1336 = arith.cmpi sge, %sub3A_1333, %ge3A_1335 : vector<16xi32>
            %lt3A_1337 = arith.constant 12288 : i32
            %lt3A_1338 = vector.broadcast %lt3A_1337 : i32 to vector<16xi32>
            %lt3A_1339 = arith.cmpi slt, %sub3A_1333, %lt3A_1338 : vector<16xi32>
            %and3A_1340 = arith.andi %ge3A_1336, %lt3A_1339 : vector<16xi1>
            %select_n3A_1341 = arith.select %and3A_1340, %sub3A_1333, %broadcast_in_dim3A_1277 : vector<16xi1>, vector<16xi32>
            %swap3A_1342 = arith.constant 48 : index
            %swap3A_1343 = tpu.vector_load %arg8[%swap3A_1342] {strides = array<i32>} : memref<64xi32, #tpu.memory_space<vmem>>, vector<16xi32>,
            %swap3A_1344 = vector.shape_cast %swap3A_1343 : vector<16xi32> to vector<16xi32>
            %swap3A_1345 = vector.shape_cast %select_n3A_1341 : vector<16xi32> to vector<16xi32>
            tpu.vector_store %arg8[%swap3A_1342], %swap3A_1345 {strides = array<i32>} : memref<64xi32, #tpu.memory_space<vmem>>, vector<16xi32>,
            %dma_wait3A_1346 = arith.constant 0 : i32
            %dma_wait3A_1347 = tpu.memref_slice %arg2[%mul3A_1183, %dma_wait3A_1346] : memref<2359296x128xf32, #tpu.memory_space<hbm>> -> memref<64x128xf32, #tpu.memory_space<hbm>>
            %dma_wait3A_1348 = arith.constant 0 : i32
            %dma_wait3A_1349 = tpu.memref_slice %arg2[%mul3A_1183, %dma_wait3A_1348] : memref<2359296x128xf32, #tpu.memory_space<hbm>> -> memref<64x128xf32, #tpu.memory_space<hbm>>
            tpu.wait_dma2 semaphore(%arg11 : memref<!tpu.dma_semaphore, #tpu.memory_space<semaphore_mem>>) src(%dma_wait3A_1349 : memref<64x128xf32, #tpu.memory_space<hbm>>) dst(%arg12 : memref<64x128xf32, #tpu.memory_space<vmem>>)
            %dma_start3A_1350 = arith.constant 0 : i32
            %dma_start3A_1351 = arith.constant 0 : i32
            %dma_start3A_1352 = tpu.memref_slice %arg6[%dma_start3A_1350, %dma_start3A_1351] : memref<12296x128xf32, #tpu.memory_space<vmem_shared>> -> memref<12296x128xf32, #tpu.memory_space<vmem_shared>>
            tpu.enqueue_indirect_dma source(%arg12 : memref<64x128xf32, #tpu.memory_space<vmem>>) target(%dma_start3A_1352 : memref<12296x128xf32, #tpu.memory_space<vmem_shared>>) offsets(%arg8 : memref<64xi32, #tpu.memory_space<vmem>>) semaphore(%arg14 : memref<!tpu.dma_semaphore, #tpu.memory_space<semaphore_mem>>) {add = true}
            %dma_wait3A_1353 = arith.constant 0 : i32
            %dma_wait3A_1354 = arith.constant 0 : i32
            %dma_wait3A_1355 = tpu.memref_slice %arg6[%dma_wait3A_1353, %dma_wait3A_1354] : memref<12296x128xf32, #tpu.memory_space<vmem_shared>> -> memref<12296x128xf32, #tpu.memory_space<vmem_shared>>
            tpu.wait_indirect_dma semaphore(%arg14 : memref<!tpu.dma_semaphore, #tpu.memory_space<semaphore_mem>>) src(%arg12 : memref<64x128xf32, #tpu.memory_space<vmem>>) dst(%dma_wait3A_1355 : memref<12296x128xf32, #tpu.memory_space<vmem_shared>>)
            %add3A_1356 = arith.constant 192 : i32
            %add3A_1357 = arith.addi %add3A_375, %add3A_1356 : i32
            %mul3A_1358 = arith.constant 4 : i32
            %mul3A_1359 = arith.muli %mul3A_1358, %add3A_1357 : i32
            %dma_start3A_1360 = arith.constant 0 : i32
            %dma_start3A_1361 = tpu.memref_slice %arg2[%mul3A_1359, %dma_start3A_1360] : memref<2359296x128xf32, #tpu.memory_space<hbm>> -> memref<64x128xf32, #tpu.memory_space<hbm>>
            %dma_start3A_1362 = arith.constant 0 : i32
            %dma_start3A_1363 = tpu.memref_slice %arg2[%mul3A_1359, %dma_start3A_1362] : memref<2359296x128xf32, #tpu.memory_space<hbm>> -> memref<64x128xf32, #tpu.memory_space<hbm>>
            tpu.enqueue_dma source(%dma_start3A_1363 : memref<64x128xf32, #tpu.memory_space<hbm>>) target(%arg12 : memref<64x128xf32, #tpu.memory_space<vmem>>) target_semaphore(%arg11 : memref<!tpu.dma_semaphore, #tpu.memory_space<semaphore_mem>>)
            %broadcast_in_dim3A_1364 = arith.constant 12288 : i32
            %broadcast_in_dim3A_1365 = vector.broadcast %broadcast_in_dim3A_1364 : i32 to vector<16xi32>
            %get3A_1366 = arith.constant 704 : index
            %get3A_1367 = tpu.vector_load %arg7[%get3A_1366] {strides = array<i32>} : memref<1536xi32, #tpu.memory_space<vmem>>, vector<16xi32>,
            %get3A_1368 = vector.shape_cast %get3A_1367 : vector<16xi32> to vector<16xi32>
            %sub3A_1369 = vector.broadcast %add3A_43 : i32 to vector<16xi32>
            %sub3A_1370 = arith.subi %get3A_1368, %sub3A_1369 : vector<16xi32>
            %ge3A_1371 = arith.constant 0 : i32
            %ge3A_1372 = vector.broadcast %ge3A_1371 : i32 to vector<16xi32>
            %ge3A_1373 = arith.cmpi sge, %sub3A_1370, %ge3A_1372 : vector<16xi32>
            %lt3A_1374 = arith.constant 12288 : i32
            %lt3A_1375 = vector.broadcast %lt3A_1374 : i32 to vector<16xi32>
            %lt3A_1376 = arith.cmpi slt, %sub3A_1370, %lt3A_1375 : vector<16xi32>
            %and3A_1377 = arith.andi %ge3A_1373, %lt3A_1376 : vector<16xi1>
            %select_n3A_1378 = arith.select %and3A_1377, %sub3A_1370, %broadcast_in_dim3A_1365 : vector<16xi1>, vector<16xi32>
            %swap3A_1379 = arith.constant 0 : index
            %swap3A_1380 = tpu.vector_load %arg9[%swap3A_1379] {strides = array<i32>} : memref<64xi32, #tpu.memory_space<vmem>>, vector<16xi32>,
            %swap3A_1381 = vector.shape_cast %swap3A_1380 : vector<16xi32> to vector<16xi32>
            %swap3A_1382 = vector.shape_cast %select_n3A_1378 : vector<16xi32> to vector<16xi32>
            tpu.vector_store %arg9[%swap3A_1379], %swap3A_1382 {strides = array<i32>} : memref<64xi32, #tpu.memory_space<vmem>>, vector<16xi32>,
            %get3A_1383 = arith.constant 720 : index
            %get3A_1384 = tpu.vector_load %arg7[%get3A_1383] {strides = array<i32>} : memref<1536xi32, #tpu.memory_space<vmem>>, vector<16xi32>,
            %get3A_1385 = vector.shape_cast %get3A_1384 : vector<16xi32> to vector<16xi32>
            %sub3A_1386 = vector.broadcast %add3A_43 : i32 to vector<16xi32>
            %sub3A_1387 = arith.subi %get3A_1385, %sub3A_1386 : vector<16xi32>
            %ge3A_1388 = arith.constant 0 : i32
            %ge3A_1389 = vector.broadcast %ge3A_1388 : i32 to vector<16xi32>
            %ge3A_1390 = arith.cmpi sge, %sub3A_1387, %ge3A_1389 : vector<16xi32>
            %lt3A_1391 = arith.constant 12288 : i32
            %lt3A_1392 = vector.broadcast %lt3A_1391 : i32 to vector<16xi32>
            %lt3A_1393 = arith.cmpi slt, %sub3A_1387, %lt3A_1392 : vector<16xi32>
            %and3A_1394 = arith.andi %ge3A_1390, %lt3A_1393 : vector<16xi1>
            %select_n3A_1395 = arith.select %and3A_1394, %sub3A_1387, %broadcast_in_dim3A_1365 : vector<16xi1>, vector<16xi32>
            %swap3A_1396 = arith.constant 16 : index
            %swap3A_1397 = tpu.vector_load %arg9[%swap3A_1396] {strides = array<i32>} : memref<64xi32, #tpu.memory_space<vmem>>, vector<16xi32>,
            %swap3A_1398 = vector.shape_cast %swap3A_1397 : vector<16xi32> to vector<16xi32>
            %swap3A_1399 = vector.shape_cast %select_n3A_1395 : vector<16xi32> to vector<16xi32>
            tpu.vector_store %arg9[%swap3A_1396], %swap3A_1399 {strides = array<i32>} : memref<64xi32, #tpu.memory_space<vmem>>, vector<16xi32>,
            %get3A_1400 = arith.constant 736 : index
            %get3A_1401 = tpu.vector_load %arg7[%get3A_1400] {strides = array<i32>} : memref<1536xi32, #tpu.memory_space<vmem>>, vector<16xi32>,
            %get3A_1402 = vector.shape_cast %get3A_1401 : vector<16xi32> to vector<16xi32>
            %sub3A_1403 = vector.broadcast %add3A_43 : i32 to vector<16xi32>
            %sub3A_1404 = arith.subi %get3A_1402, %sub3A_1403 : vector<16xi32>
            %ge3A_1405 = arith.constant 0 : i32
            %ge3A_1406 = vector.broadcast %ge3A_1405 : i32 to vector<16xi32>
            %ge3A_1407 = arith.cmpi sge, %sub3A_1404, %ge3A_1406 : vector<16xi32>
            %lt3A_1408 = arith.constant 12288 : i32
            %lt3A_1409 = vector.broadcast %lt3A_1408 : i32 to vector<16xi32>
            %lt3A_1410 = arith.cmpi slt, %sub3A_1404, %lt3A_1409 : vector<16xi32>
            %and3A_1411 = arith.andi %ge3A_1407, %lt3A_1410 : vector<16xi1>
            %select_n3A_1412 = arith.select %and3A_1411, %sub3A_1404, %broadcast_in_dim3A_1365 : vector<16xi1>, vector<16xi32>
            %swap3A_1413 = arith.constant 32 : index
            %swap3A_1414 = tpu.vector_load %arg9[%swap3A_1413] {strides = array<i32>} : memref<64xi32, #tpu.memory_space<vmem>>, vector<16xi32>,
            %swap3A_1415 = vector.shape_cast %swap3A_1414 : vector<16xi32> to vector<16xi32>
            %swap3A_1416 = vector.shape_cast %select_n3A_1412 : vector<16xi32> to vector<16xi32>
            tpu.vector_store %arg9[%swap3A_1413], %swap3A_1416 {strides = array<i32>} : memref<64xi32, #tpu.memory_space<vmem>>, vector<16xi32>,
            %get3A_1417 = arith.constant 752 : index
            %get3A_1418 = tpu.vector_load %arg7[%get3A_1417] {strides = array<i32>} : memref<1536xi32, #tpu.memory_space<vmem>>, vector<16xi32>,
            %get3A_1419 = vector.shape_cast %get3A_1418 : vector<16xi32> to vector<16xi32>
            %sub3A_1420 = vector.broadcast %add3A_43 : i32 to vector<16xi32>
            %sub3A_1421 = arith.subi %get3A_1419, %sub3A_1420 : vector<16xi32>
            %ge3A_1422 = arith.constant 0 : i32
            %ge3A_1423 = vector.broadcast %ge3A_1422 : i32 to vector<16xi32>
            %ge3A_1424 = arith.cmpi sge, %sub3A_1421, %ge3A_1423 : vector<16xi32>
            %lt3A_1425 = arith.constant 12288 : i32
            %lt3A_1426 = vector.broadcast %lt3A_1425 : i32 to vector<16xi32>
            %lt3A_1427 = arith.cmpi slt, %sub3A_1421, %lt3A_1426 : vector<16xi32>
            %and3A_1428 = arith.andi %ge3A_1424, %lt3A_1427 : vector<16xi1>
            %select_n3A_1429 = arith.select %and3A_1428, %sub3A_1421, %broadcast_in_dim3A_1365 : vector<16xi1>, vector<16xi32>
            %swap3A_1430 = arith.constant 48 : index
            %swap3A_1431 = tpu.vector_load %arg9[%swap3A_1430] {strides = array<i32>} : memref<64xi32, #tpu.memory_space<vmem>>, vector<16xi32>,
            %swap3A_1432 = vector.shape_cast %swap3A_1431 : vector<16xi32> to vector<16xi32>
            %swap3A_1433 = vector.shape_cast %select_n3A_1429 : vector<16xi32> to vector<16xi32>
            tpu.vector_store %arg9[%swap3A_1430], %swap3A_1433 {strides = array<i32>} : memref<64xi32, #tpu.memory_space<vmem>>, vector<16xi32>,
            %dma_wait3A_1434 = arith.constant 0 : i32
            %dma_wait3A_1435 = tpu.memref_slice %arg2[%mul3A_1271, %dma_wait3A_1434] : memref<2359296x128xf32, #tpu.memory_space<hbm>> -> memref<64x128xf32, #tpu.memory_space<hbm>>
            %dma_wait3A_1436 = arith.constant 0 : i32
            %dma_wait3A_1437 = tpu.memref_slice %arg2[%mul3A_1271, %dma_wait3A_1436] : memref<2359296x128xf32, #tpu.memory_space<hbm>> -> memref<64x128xf32, #tpu.memory_space<hbm>>
            tpu.wait_dma2 semaphore(%arg11 : memref<!tpu.dma_semaphore, #tpu.memory_space<semaphore_mem>>) src(%dma_wait3A_1437 : memref<64x128xf32, #tpu.memory_space<hbm>>) dst(%arg13 : memref<64x128xf32, #tpu.memory_space<vmem>>)
            %dma_start3A_1438 = arith.constant 0 : i32
            %dma_start3A_1439 = arith.constant 0 : i32
            %dma_start3A_1440 = tpu.memref_slice %arg6[%dma_start3A_1438, %dma_start3A_1439] : memref<12296x128xf32, #tpu.memory_space<vmem_shared>> -> memref<12296x128xf32, #tpu.memory_space<vmem_shared>>
            tpu.enqueue_indirect_dma source(%arg13 : memref<64x128xf32, #tpu.memory_space<vmem>>) target(%dma_start3A_1440 : memref<12296x128xf32, #tpu.memory_space<vmem_shared>>) offsets(%arg9 : memref<64xi32, #tpu.memory_space<vmem>>) semaphore(%arg14 : memref<!tpu.dma_semaphore, #tpu.memory_space<semaphore_mem>>) {add = true}
            %dma_wait3A_1441 = arith.constant 0 : i32
            %dma_wait3A_1442 = arith.constant 0 : i32
            %dma_wait3A_1443 = tpu.memref_slice %arg6[%dma_wait3A_1441, %dma_wait3A_1442] : memref<12296x128xf32, #tpu.memory_space<vmem_shared>> -> memref<12296x128xf32, #tpu.memory_space<vmem_shared>>
            tpu.wait_indirect_dma semaphore(%arg14 : memref<!tpu.dma_semaphore, #tpu.memory_space<semaphore_mem>>) src(%arg13 : memref<64x128xf32, #tpu.memory_space<vmem>>) dst(%dma_wait3A_1443 : memref<12296x128xf32, #tpu.memory_space<vmem_shared>>)
            %add3A_1444 = arith.constant 208 : i32
            %add3A_1445 = arith.addi %add3A_375, %add3A_1444 : i32
            %mul3A_1446 = arith.constant 4 : i32
            %mul3A_1447 = arith.muli %mul3A_1446, %add3A_1445 : i32
            %dma_start3A_1448 = arith.constant 0 : i32
            %dma_start3A_1449 = tpu.memref_slice %arg2[%mul3A_1447, %dma_start3A_1448] : memref<2359296x128xf32, #tpu.memory_space<hbm>> -> memref<64x128xf32, #tpu.memory_space<hbm>>
            %dma_start3A_1450 = arith.constant 0 : i32
            %dma_start3A_1451 = tpu.memref_slice %arg2[%mul3A_1447, %dma_start3A_1450] : memref<2359296x128xf32, #tpu.memory_space<hbm>> -> memref<64x128xf32, #tpu.memory_space<hbm>>
            tpu.enqueue_dma source(%dma_start3A_1451 : memref<64x128xf32, #tpu.memory_space<hbm>>) target(%arg13 : memref<64x128xf32, #tpu.memory_space<vmem>>) target_semaphore(%arg11 : memref<!tpu.dma_semaphore, #tpu.memory_space<semaphore_mem>>)
            %broadcast_in_dim3A_1452 = arith.constant 12288 : i32
            %broadcast_in_dim3A_1453 = vector.broadcast %broadcast_in_dim3A_1452 : i32 to vector<16xi32>
            %get3A_1454 = arith.constant 768 : index
            %get3A_1455 = tpu.vector_load %arg7[%get3A_1454] {strides = array<i32>} : memref<1536xi32, #tpu.memory_space<vmem>>, vector<16xi32>,
            %get3A_1456 = vector.shape_cast %get3A_1455 : vector<16xi32> to vector<16xi32>
            %sub3A_1457 = vector.broadcast %add3A_43 : i32 to vector<16xi32>
            %sub3A_1458 = arith.subi %get3A_1456, %sub3A_1457 : vector<16xi32>
            %ge3A_1459 = arith.constant 0 : i32
            %ge3A_1460 = vector.broadcast %ge3A_1459 : i32 to vector<16xi32>
            %ge3A_1461 = arith.cmpi sge, %sub3A_1458, %ge3A_1460 : vector<16xi32>
            %lt3A_1462 = arith.constant 12288 : i32
            %lt3A_1463 = vector.broadcast %lt3A_1462 : i32 to vector<16xi32>
            %lt3A_1464 = arith.cmpi slt, %sub3A_1458, %lt3A_1463 : vector<16xi32>
            %and3A_1465 = arith.andi %ge3A_1461, %lt3A_1464 : vector<16xi1>
            %select_n3A_1466 = arith.select %and3A_1465, %sub3A_1458, %broadcast_in_dim3A_1453 : vector<16xi1>, vector<16xi32>
            %swap3A_1467 = arith.constant 0 : index
            %swap3A_1468 = tpu.vector_load %arg8[%swap3A_1467] {strides = array<i32>} : memref<64xi32, #tpu.memory_space<vmem>>, vector<16xi32>,
            %swap3A_1469 = vector.shape_cast %swap3A_1468 : vector<16xi32> to vector<16xi32>
            %swap3A_1470 = vector.shape_cast %select_n3A_1466 : vector<16xi32> to vector<16xi32>
            tpu.vector_store %arg8[%swap3A_1467], %swap3A_1470 {strides = array<i32>} : memref<64xi32, #tpu.memory_space<vmem>>, vector<16xi32>,
            %get3A_1471 = arith.constant 784 : index
            %get3A_1472 = tpu.vector_load %arg7[%get3A_1471] {strides = array<i32>} : memref<1536xi32, #tpu.memory_space<vmem>>, vector<16xi32>,
            %get3A_1473 = vector.shape_cast %get3A_1472 : vector<16xi32> to vector<16xi32>
            %sub3A_1474 = vector.broadcast %add3A_43 : i32 to vector<16xi32>
            %sub3A_1475 = arith.subi %get3A_1473, %sub3A_1474 : vector<16xi32>
            %ge3A_1476 = arith.constant 0 : i32
            %ge3A_1477 = vector.broadcast %ge3A_1476 : i32 to vector<16xi32>
            %ge3A_1478 = arith.cmpi sge, %sub3A_1475, %ge3A_1477 : vector<16xi32>
            %lt3A_1479 = arith.constant 12288 : i32
            %lt3A_1480 = vector.broadcast %lt3A_1479 : i32 to vector<16xi32>
            %lt3A_1481 = arith.cmpi slt, %sub3A_1475, %lt3A_1480 : vector<16xi32>
            %and3A_1482 = arith.andi %ge3A_1478, %lt3A_1481 : vector<16xi1>
            %select_n3A_1483 = arith.select %and3A_1482, %sub3A_1475, %broadcast_in_dim3A_1453 : vector<16xi1>, vector<16xi32>
            %swap3A_1484 = arith.constant 16 : index
            %swap3A_1485 = tpu.vector_load %arg8[%swap3A_1484] {strides = array<i32>} : memref<64xi32, #tpu.memory_space<vmem>>, vector<16xi32>,
            %swap3A_1486 = vector.shape_cast %swap3A_1485 : vector<16xi32> to vector<16xi32>
            %swap3A_1487 = vector.shape_cast %select_n3A_1483 : vector<16xi32> to vector<16xi32>
            tpu.vector_store %arg8[%swap3A_1484], %swap3A_1487 {strides = array<i32>} : memref<64xi32, #tpu.memory_space<vmem>>, vector<16xi32>,
            %get3A_1488 = arith.constant 800 : index
            %get3A_1489 = tpu.vector_load %arg7[%get3A_1488] {strides = array<i32>} : memref<1536xi32, #tpu.memory_space<vmem>>, vector<16xi32>,
            %get3A_1490 = vector.shape_cast %get3A_1489 : vector<16xi32> to vector<16xi32>
            %sub3A_1491 = vector.broadcast %add3A_43 : i32 to vector<16xi32>
            %sub3A_1492 = arith.subi %get3A_1490, %sub3A_1491 : vector<16xi32>
            %ge3A_1493 = arith.constant 0 : i32
            %ge3A_1494 = vector.broadcast %ge3A_1493 : i32 to vector<16xi32>
            %ge3A_1495 = arith.cmpi sge, %sub3A_1492, %ge3A_1494 : vector<16xi32>
            %lt3A_1496 = arith.constant 12288 : i32
            %lt3A_1497 = vector.broadcast %lt3A_1496 : i32 to vector<16xi32>
            %lt3A_1498 = arith.cmpi slt, %sub3A_1492, %lt3A_1497 : vector<16xi32>
            %and3A_1499 = arith.andi %ge3A_1495, %lt3A_1498 : vector<16xi1>
            %select_n3A_1500 = arith.select %and3A_1499, %sub3A_1492, %broadcast_in_dim3A_1453 : vector<16xi1>, vector<16xi32>
            %swap3A_1501 = arith.constant 32 : index
            %swap3A_1502 = tpu.vector_load %arg8[%swap3A_1501] {strides = array<i32>} : memref<64xi32, #tpu.memory_space<vmem>>, vector<16xi32>,
            %swap3A_1503 = vector.shape_cast %swap3A_1502 : vector<16xi32> to vector<16xi32>
            %swap3A_1504 = vector.shape_cast %select_n3A_1500 : vector<16xi32> to vector<16xi32>
            tpu.vector_store %arg8[%swap3A_1501], %swap3A_1504 {strides = array<i32>} : memref<64xi32, #tpu.memory_space<vmem>>, vector<16xi32>,
            %get3A_1505 = arith.constant 816 : index
            %get3A_1506 = tpu.vector_load %arg7[%get3A_1505] {strides = array<i32>} : memref<1536xi32, #tpu.memory_space<vmem>>, vector<16xi32>,
            %get3A_1507 = vector.shape_cast %get3A_1506 : vector<16xi32> to vector<16xi32>
            %sub3A_1508 = vector.broadcast %add3A_43 : i32 to vector<16xi32>
            %sub3A_1509 = arith.subi %get3A_1507, %sub3A_1508 : vector<16xi32>
            %ge3A_1510 = arith.constant 0 : i32
            %ge3A_1511 = vector.broadcast %ge3A_1510 : i32 to vector<16xi32>
            %ge3A_1512 = arith.cmpi sge, %sub3A_1509, %ge3A_1511 : vector<16xi32>
            %lt3A_1513 = arith.constant 12288 : i32
            %lt3A_1514 = vector.broadcast %lt3A_1513 : i32 to vector<16xi32>
            %lt3A_1515 = arith.cmpi slt, %sub3A_1509, %lt3A_1514 : vector<16xi32>
            %and3A_1516 = arith.andi %ge3A_1512, %lt3A_1515 : vector<16xi1>
            %select_n3A_1517 = arith.select %and3A_1516, %sub3A_1509, %broadcast_in_dim3A_1453 : vector<16xi1>, vector<16xi32>
            %swap3A_1518 = arith.constant 48 : index
            %swap3A_1519 = tpu.vector_load %arg8[%swap3A_1518] {strides = array<i32>} : memref<64xi32, #tpu.memory_space<vmem>>, vector<16xi32>,
            %swap3A_1520 = vector.shape_cast %swap3A_1519 : vector<16xi32> to vector<16xi32>
            %swap3A_1521 = vector.shape_cast %select_n3A_1517 : vector<16xi32> to vector<16xi32>
            tpu.vector_store %arg8[%swap3A_1518], %swap3A_1521 {strides = array<i32>} : memref<64xi32, #tpu.memory_space<vmem>>, vector<16xi32>,
            %dma_wait3A_1522 = arith.constant 0 : i32
            %dma_wait3A_1523 = tpu.memref_slice %arg2[%mul3A_1359, %dma_wait3A_1522] : memref<2359296x128xf32, #tpu.memory_space<hbm>> -> memref<64x128xf32, #tpu.memory_space<hbm>>
            %dma_wait3A_1524 = arith.constant 0 : i32
            %dma_wait3A_1525 = tpu.memref_slice %arg2[%mul3A_1359, %dma_wait3A_1524] : memref<2359296x128xf32, #tpu.memory_space<hbm>> -> memref<64x128xf32, #tpu.memory_space<hbm>>
            tpu.wait_dma2 semaphore(%arg11 : memref<!tpu.dma_semaphore, #tpu.memory_space<semaphore_mem>>) src(%dma_wait3A_1525 : memref<64x128xf32, #tpu.memory_space<hbm>>) dst(%arg12 : memref<64x128xf32, #tpu.memory_space<vmem>>)
            %dma_start3A_1526 = arith.constant 0 : i32
            %dma_start3A_1527 = arith.constant 0 : i32
            %dma_start3A_1528 = tpu.memref_slice %arg6[%dma_start3A_1526, %dma_start3A_1527] : memref<12296x128xf32, #tpu.memory_space<vmem_shared>> -> memref<12296x128xf32, #tpu.memory_space<vmem_shared>>
            tpu.enqueue_indirect_dma source(%arg12 : memref<64x128xf32, #tpu.memory_space<vmem>>) target(%dma_start3A_1528 : memref<12296x128xf32, #tpu.memory_space<vmem_shared>>) offsets(%arg8 : memref<64xi32, #tpu.memory_space<vmem>>) semaphore(%arg14 : memref<!tpu.dma_semaphore, #tpu.memory_space<semaphore_mem>>) {add = true}
            %dma_wait3A_1529 = arith.constant 0 : i32
            %dma_wait3A_1530 = arith.constant 0 : i32
            %dma_wait3A_1531 = tpu.memref_slice %arg6[%dma_wait3A_1529, %dma_wait3A_1530] : memref<12296x128xf32, #tpu.memory_space<vmem_shared>> -> memref<12296x128xf32, #tpu.memory_space<vmem_shared>>
            tpu.wait_indirect_dma semaphore(%arg14 : memref<!tpu.dma_semaphore, #tpu.memory_space<semaphore_mem>>) src(%arg12 : memref<64x128xf32, #tpu.memory_space<vmem>>) dst(%dma_wait3A_1531 : memref<12296x128xf32, #tpu.memory_space<vmem_shared>>)
            %add3A_1532 = arith.constant 224 : i32
            %add3A_1533 = arith.addi %add3A_375, %add3A_1532 : i32
            %mul3A_1534 = arith.constant 4 : i32
            %mul3A_1535 = arith.muli %mul3A_1534, %add3A_1533 : i32
            %dma_start3A_1536 = arith.constant 0 : i32
            %dma_start3A_1537 = tpu.memref_slice %arg2[%mul3A_1535, %dma_start3A_1536] : memref<2359296x128xf32, #tpu.memory_space<hbm>> -> memref<64x128xf32, #tpu.memory_space<hbm>>
            %dma_start3A_1538 = arith.constant 0 : i32
            %dma_start3A_1539 = tpu.memref_slice %arg2[%mul3A_1535, %dma_start3A_1538] : memref<2359296x128xf32, #tpu.memory_space<hbm>> -> memref<64x128xf32, #tpu.memory_space<hbm>>
            tpu.enqueue_dma source(%dma_start3A_1539 : memref<64x128xf32, #tpu.memory_space<hbm>>) target(%arg12 : memref<64x128xf32, #tpu.memory_space<vmem>>) target_semaphore(%arg11 : memref<!tpu.dma_semaphore, #tpu.memory_space<semaphore_mem>>)
            %broadcast_in_dim3A_1540 = arith.constant 12288 : i32
            %broadcast_in_dim3A_1541 = vector.broadcast %broadcast_in_dim3A_1540 : i32 to vector<16xi32>
            %get3A_1542 = arith.constant 832 : index
            %get3A_1543 = tpu.vector_load %arg7[%get3A_1542] {strides = array<i32>} : memref<1536xi32, #tpu.memory_space<vmem>>, vector<16xi32>,
            %get3A_1544 = vector.shape_cast %get3A_1543 : vector<16xi32> to vector<16xi32>
            %sub3A_1545 = vector.broadcast %add3A_43 : i32 to vector<16xi32>
            %sub3A_1546 = arith.subi %get3A_1544, %sub3A_1545 : vector<16xi32>
            %ge3A_1547 = arith.constant 0 : i32
            %ge3A_1548 = vector.broadcast %ge3A_1547 : i32 to vector<16xi32>
            %ge3A_1549 = arith.cmpi sge, %sub3A_1546, %ge3A_1548 : vector<16xi32>
            %lt3A_1550 = arith.constant 12288 : i32
            %lt3A_1551 = vector.broadcast %lt3A_1550 : i32 to vector<16xi32>
            %lt3A_1552 = arith.cmpi slt, %sub3A_1546, %lt3A_1551 : vector<16xi32>
            %and3A_1553 = arith.andi %ge3A_1549, %lt3A_1552 : vector<16xi1>
            %select_n3A_1554 = arith.select %and3A_1553, %sub3A_1546, %broadcast_in_dim3A_1541 : vector<16xi1>, vector<16xi32>
            %swap3A_1555 = arith.constant 0 : index
            %swap3A_1556 = tpu.vector_load %arg9[%swap3A_1555] {strides = array<i32>} : memref<64xi32, #tpu.memory_space<vmem>>, vector<16xi32>,
            %swap3A_1557 = vector.shape_cast %swap3A_1556 : vector<16xi32> to vector<16xi32>
            %swap3A_1558 = vector.shape_cast %select_n3A_1554 : vector<16xi32> to vector<16xi32>
            tpu.vector_store %arg9[%swap3A_1555], %swap3A_1558 {strides = array<i32>} : memref<64xi32, #tpu.memory_space<vmem>>, vector<16xi32>,
            %get3A_1559 = arith.constant 848 : index
            %get3A_1560 = tpu.vector_load %arg7[%get3A_1559] {strides = array<i32>} : memref<1536xi32, #tpu.memory_space<vmem>>, vector<16xi32>,
            %get3A_1561 = vector.shape_cast %get3A_1560 : vector<16xi32> to vector<16xi32>
            %sub3A_1562 = vector.broadcast %add3A_43 : i32 to vector<16xi32>
            %sub3A_1563 = arith.subi %get3A_1561, %sub3A_1562 : vector<16xi32>
            %ge3A_1564 = arith.constant 0 : i32
            %ge3A_1565 = vector.broadcast %ge3A_1564 : i32 to vector<16xi32>
            %ge3A_1566 = arith.cmpi sge, %sub3A_1563, %ge3A_1565 : vector<16xi32>
            %lt3A_1567 = arith.constant 12288 : i32
            %lt3A_1568 = vector.broadcast %lt3A_1567 : i32 to vector<16xi32>
            %lt3A_1569 = arith.cmpi slt, %sub3A_1563, %lt3A_1568 : vector<16xi32>
            %and3A_1570 = arith.andi %ge3A_1566, %lt3A_1569 : vector<16xi1>
            %select_n3A_1571 = arith.select %and3A_1570, %sub3A_1563, %broadcast_in_dim3A_1541 : vector<16xi1>, vector<16xi32>
            %swap3A_1572 = arith.constant 16 : index
            %swap3A_1573 = tpu.vector_load %arg9[%swap3A_1572] {strides = array<i32>} : memref<64xi32, #tpu.memory_space<vmem>>, vector<16xi32>,
            %swap3A_1574 = vector.shape_cast %swap3A_1573 : vector<16xi32> to vector<16xi32>
            %swap3A_1575 = vector.shape_cast %select_n3A_1571 : vector<16xi32> to vector<16xi32>
            tpu.vector_store %arg9[%swap3A_1572], %swap3A_1575 {strides = array<i32>} : memref<64xi32, #tpu.memory_space<vmem>>, vector<16xi32>,
            %get3A_1576 = arith.constant 864 : index
            %get3A_1577 = tpu.vector_load %arg7[%get3A_1576] {strides = array<i32>} : memref<1536xi32, #tpu.memory_space<vmem>>, vector<16xi32>,
            %get3A_1578 = vector.shape_cast %get3A_1577 : vector<16xi32> to vector<16xi32>
            %sub3A_1579 = vector.broadcast %add3A_43 : i32 to vector<16xi32>
            %sub3A_1580 = arith.subi %get3A_1578, %sub3A_1579 : vector<16xi32>
            %ge3A_1581 = arith.constant 0 : i32
            %ge3A_1582 = vector.broadcast %ge3A_1581 : i32 to vector<16xi32>
            %ge3A_1583 = arith.cmpi sge, %sub3A_1580, %ge3A_1582 : vector<16xi32>
            %lt3A_1584 = arith.constant 12288 : i32
            %lt3A_1585 = vector.broadcast %lt3A_1584 : i32 to vector<16xi32>
            %lt3A_1586 = arith.cmpi slt, %sub3A_1580, %lt3A_1585 : vector<16xi32>
            %and3A_1587 = arith.andi %ge3A_1583, %lt3A_1586 : vector<16xi1>
            %select_n3A_1588 = arith.select %and3A_1587, %sub3A_1580, %broadcast_in_dim3A_1541 : vector<16xi1>, vector<16xi32>
            %swap3A_1589 = arith.constant 32 : index
            %swap3A_1590 = tpu.vector_load %arg9[%swap3A_1589] {strides = array<i32>} : memref<64xi32, #tpu.memory_space<vmem>>, vector<16xi32>,
            %swap3A_1591 = vector.shape_cast %swap3A_1590 : vector<16xi32> to vector<16xi32>
            %swap3A_1592 = vector.shape_cast %select_n3A_1588 : vector<16xi32> to vector<16xi32>
            tpu.vector_store %arg9[%swap3A_1589], %swap3A_1592 {strides = array<i32>} : memref<64xi32, #tpu.memory_space<vmem>>, vector<16xi32>,
            %get3A_1593 = arith.constant 880 : index
            %get3A_1594 = tpu.vector_load %arg7[%get3A_1593] {strides = array<i32>} : memref<1536xi32, #tpu.memory_space<vmem>>, vector<16xi32>,
            %get3A_1595 = vector.shape_cast %get3A_1594 : vector<16xi32> to vector<16xi32>
            %sub3A_1596 = vector.broadcast %add3A_43 : i32 to vector<16xi32>
            %sub3A_1597 = arith.subi %get3A_1595, %sub3A_1596 : vector<16xi32>
            %ge3A_1598 = arith.constant 0 : i32
            %ge3A_1599 = vector.broadcast %ge3A_1598 : i32 to vector<16xi32>
            %ge3A_1600 = arith.cmpi sge, %sub3A_1597, %ge3A_1599 : vector<16xi32>
            %lt3A_1601 = arith.constant 12288 : i32
            %lt3A_1602 = vector.broadcast %lt3A_1601 : i32 to vector<16xi32>
            %lt3A_1603 = arith.cmpi slt, %sub3A_1597, %lt3A_1602 : vector<16xi32>
            %and3A_1604 = arith.andi %ge3A_1600, %lt3A_1603 : vector<16xi1>
            %select_n3A_1605 = arith.select %and3A_1604, %sub3A_1597, %broadcast_in_dim3A_1541 : vector<16xi1>, vector<16xi32>
            %swap3A_1606 = arith.constant 48 : index
            %swap3A_1607 = tpu.vector_load %arg9[%swap3A_1606] {strides = array<i32>} : memref<64xi32, #tpu.memory_space<vmem>>, vector<16xi32>,
            %swap3A_1608 = vector.shape_cast %swap3A_1607 : vector<16xi32> to vector<16xi32>
            %swap3A_1609 = vector.shape_cast %select_n3A_1605 : vector<16xi32> to vector<16xi32>
            tpu.vector_store %arg9[%swap3A_1606], %swap3A_1609 {strides = array<i32>} : memref<64xi32, #tpu.memory_space<vmem>>, vector<16xi32>,
            %dma_wait3A_1610 = arith.constant 0 : i32
            %dma_wait3A_1611 = tpu.memref_slice %arg2[%mul3A_1447, %dma_wait3A_1610] : memref<2359296x128xf32, #tpu.memory_space<hbm>> -> memref<64x128xf32, #tpu.memory_space<hbm>>
            %dma_wait3A_1612 = arith.constant 0 : i32
            %dma_wait3A_1613 = tpu.memref_slice %arg2[%mul3A_1447, %dma_wait3A_1612] : memref<2359296x128xf32, #tpu.memory_space<hbm>> -> memref<64x128xf32, #tpu.memory_space<hbm>>
            tpu.wait_dma2 semaphore(%arg11 : memref<!tpu.dma_semaphore, #tpu.memory_space<semaphore_mem>>) src(%dma_wait3A_1613 : memref<64x128xf32, #tpu.memory_space<hbm>>) dst(%arg13 : memref<64x128xf32, #tpu.memory_space<vmem>>)
            %dma_start3A_1614 = arith.constant 0 : i32
            %dma_start3A_1615 = arith.constant 0 : i32
            %dma_start3A_1616 = tpu.memref_slice %arg6[%dma_start3A_1614, %dma_start3A_1615] : memref<12296x128xf32, #tpu.memory_space<vmem_shared>> -> memref<12296x128xf32, #tpu.memory_space<vmem_shared>>
            tpu.enqueue_indirect_dma source(%arg13 : memref<64x128xf32, #tpu.memory_space<vmem>>) target(%dma_start3A_1616 : memref<12296x128xf32, #tpu.memory_space<vmem_shared>>) offsets(%arg9 : memref<64xi32, #tpu.memory_space<vmem>>) semaphore(%arg14 : memref<!tpu.dma_semaphore, #tpu.memory_space<semaphore_mem>>) {add = true}
            %dma_wait3A_1617 = arith.constant 0 : i32
            %dma_wait3A_1618 = arith.constant 0 : i32
            %dma_wait3A_1619 = tpu.memref_slice %arg6[%dma_wait3A_1617, %dma_wait3A_1618] : memref<12296x128xf32, #tpu.memory_space<vmem_shared>> -> memref<12296x128xf32, #tpu.memory_space<vmem_shared>>
            tpu.wait_indirect_dma semaphore(%arg14 : memref<!tpu.dma_semaphore, #tpu.memory_space<semaphore_mem>>) src(%arg13 : memref<64x128xf32, #tpu.memory_space<vmem>>) dst(%dma_wait3A_1619 : memref<12296x128xf32, #tpu.memory_space<vmem_shared>>)
            %add3A_1620 = arith.constant 240 : i32
            %add3A_1621 = arith.addi %add3A_375, %add3A_1620 : i32
            %mul3A_1622 = arith.constant 4 : i32
            %mul3A_1623 = arith.muli %mul3A_1622, %add3A_1621 : i32
            %dma_start3A_1624 = arith.constant 0 : i32
            %dma_start3A_1625 = tpu.memref_slice %arg2[%mul3A_1623, %dma_start3A_1624] : memref<2359296x128xf32, #tpu.memory_space<hbm>> -> memref<64x128xf32, #tpu.memory_space<hbm>>
            %dma_start3A_1626 = arith.constant 0 : i32
            %dma_start3A_1627 = tpu.memref_slice %arg2[%mul3A_1623, %dma_start3A_1626] : memref<2359296x128xf32, #tpu.memory_space<hbm>> -> memref<64x128xf32, #tpu.memory_space<hbm>>
            tpu.enqueue_dma source(%dma_start3A_1627 : memref<64x128xf32, #tpu.memory_space<hbm>>) target(%arg13 : memref<64x128xf32, #tpu.memory_space<vmem>>) target_semaphore(%arg11 : memref<!tpu.dma_semaphore, #tpu.memory_space<semaphore_mem>>)
            %broadcast_in_dim3A_1628 = arith.constant 12288 : i32
            %broadcast_in_dim3A_1629 = vector.broadcast %broadcast_in_dim3A_1628 : i32 to vector<16xi32>
            %get3A_1630 = arith.constant 896 : index
            %get3A_1631 = tpu.vector_load %arg7[%get3A_1630] {strides = array<i32>} : memref<1536xi32, #tpu.memory_space<vmem>>, vector<16xi32>,
            %get3A_1632 = vector.shape_cast %get3A_1631 : vector<16xi32> to vector<16xi32>
            %sub3A_1633 = vector.broadcast %add3A_43 : i32 to vector<16xi32>
            %sub3A_1634 = arith.subi %get3A_1632, %sub3A_1633 : vector<16xi32>
            %ge3A_1635 = arith.constant 0 : i32
            %ge3A_1636 = vector.broadcast %ge3A_1635 : i32 to vector<16xi32>
            %ge3A_1637 = arith.cmpi sge, %sub3A_1634, %ge3A_1636 : vector<16xi32>
            %lt3A_1638 = arith.constant 12288 : i32
            %lt3A_1639 = vector.broadcast %lt3A_1638 : i32 to vector<16xi32>
            %lt3A_1640 = arith.cmpi slt, %sub3A_1634, %lt3A_1639 : vector<16xi32>
            %and3A_1641 = arith.andi %ge3A_1637, %lt3A_1640 : vector<16xi1>
            %select_n3A_1642 = arith.select %and3A_1641, %sub3A_1634, %broadcast_in_dim3A_1629 : vector<16xi1>, vector<16xi32>
            %swap3A_1643 = arith.constant 0 : index
            %swap3A_1644 = tpu.vector_load %arg8[%swap3A_1643] {strides = array<i32>} : memref<64xi32, #tpu.memory_space<vmem>>, vector<16xi32>,
            %swap3A_1645 = vector.shape_cast %swap3A_1644 : vector<16xi32> to vector<16xi32>
            %swap3A_1646 = vector.shape_cast %select_n3A_1642 : vector<16xi32> to vector<16xi32>
            tpu.vector_store %arg8[%swap3A_1643], %swap3A_1646 {strides = array<i32>} : memref<64xi32, #tpu.memory_space<vmem>>, vector<16xi32>,
            %get3A_1647 = arith.constant 912 : index
            %get3A_1648 = tpu.vector_load %arg7[%get3A_1647] {strides = array<i32>} : memref<1536xi32, #tpu.memory_space<vmem>>, vector<16xi32>,
            %get3A_1649 = vector.shape_cast %get3A_1648 : vector<16xi32> to vector<16xi32>
            %sub3A_1650 = vector.broadcast %add3A_43 : i32 to vector<16xi32>
            %sub3A_1651 = arith.subi %get3A_1649, %sub3A_1650 : vector<16xi32>
            %ge3A_1652 = arith.constant 0 : i32
            %ge3A_1653 = vector.broadcast %ge3A_1652 : i32 to vector<16xi32>
            %ge3A_1654 = arith.cmpi sge, %sub3A_1651, %ge3A_1653 : vector<16xi32>
            %lt3A_1655 = arith.constant 12288 : i32
            %lt3A_1656 = vector.broadcast %lt3A_1655 : i32 to vector<16xi32>
            %lt3A_1657 = arith.cmpi slt, %sub3A_1651, %lt3A_1656 : vector<16xi32>
            %and3A_1658 = arith.andi %ge3A_1654, %lt3A_1657 : vector<16xi1>
            %select_n3A_1659 = arith.select %and3A_1658, %sub3A_1651, %broadcast_in_dim3A_1629 : vector<16xi1>, vector<16xi32>
            %swap3A_1660 = arith.constant 16 : index
            %swap3A_1661 = tpu.vector_load %arg8[%swap3A_1660] {strides = array<i32>} : memref<64xi32, #tpu.memory_space<vmem>>, vector<16xi32>,
            %swap3A_1662 = vector.shape_cast %swap3A_1661 : vector<16xi32> to vector<16xi32>
            %swap3A_1663 = vector.shape_cast %select_n3A_1659 : vector<16xi32> to vector<16xi32>
            tpu.vector_store %arg8[%swap3A_1660], %swap3A_1663 {strides = array<i32>} : memref<64xi32, #tpu.memory_space<vmem>>, vector<16xi32>,
            %get3A_1664 = arith.constant 928 : index
            %get3A_1665 = tpu.vector_load %arg7[%get3A_1664] {strides = array<i32>} : memref<1536xi32, #tpu.memory_space<vmem>>, vector<16xi32>,
            %get3A_1666 = vector.shape_cast %get3A_1665 : vector<16xi32> to vector<16xi32>
            %sub3A_1667 = vector.broadcast %add3A_43 : i32 to vector<16xi32>
            %sub3A_1668 = arith.subi %get3A_1666, %sub3A_1667 : vector<16xi32>
            %ge3A_1669 = arith.constant 0 : i32
            %ge3A_1670 = vector.broadcast %ge3A_1669 : i32 to vector<16xi32>
            %ge3A_1671 = arith.cmpi sge, %sub3A_1668, %ge3A_1670 : vector<16xi32>
            %lt3A_1672 = arith.constant 12288 : i32
            %lt3A_1673 = vector.broadcast %lt3A_1672 : i32 to vector<16xi32>
            %lt3A_1674 = arith.cmpi slt, %sub3A_1668, %lt3A_1673 : vector<16xi32>
            %and3A_1675 = arith.andi %ge3A_1671, %lt3A_1674 : vector<16xi1>
            %select_n3A_1676 = arith.select %and3A_1675, %sub3A_1668, %broadcast_in_dim3A_1629 : vector<16xi1>, vector<16xi32>
            %swap3A_1677 = arith.constant 32 : index
            %swap3A_1678 = tpu.vector_load %arg8[%swap3A_1677] {strides = array<i32>} : memref<64xi32, #tpu.memory_space<vmem>>, vector<16xi32>,
            %swap3A_1679 = vector.shape_cast %swap3A_1678 : vector<16xi32> to vector<16xi32>
            %swap3A_1680 = vector.shape_cast %select_n3A_1676 : vector<16xi32> to vector<16xi32>
            tpu.vector_store %arg8[%swap3A_1677], %swap3A_1680 {strides = array<i32>} : memref<64xi32, #tpu.memory_space<vmem>>, vector<16xi32>,
            %get3A_1681 = arith.constant 944 : index
            %get3A_1682 = tpu.vector_load %arg7[%get3A_1681] {strides = array<i32>} : memref<1536xi32, #tpu.memory_space<vmem>>, vector<16xi32>,
            %get3A_1683 = vector.shape_cast %get3A_1682 : vector<16xi32> to vector<16xi32>
            %sub3A_1684 = vector.broadcast %add3A_43 : i32 to vector<16xi32>
            %sub3A_1685 = arith.subi %get3A_1683, %sub3A_1684 : vector<16xi32>
            %ge3A_1686 = arith.constant 0 : i32
            %ge3A_1687 = vector.broadcast %ge3A_1686 : i32 to vector<16xi32>
            %ge3A_1688 = arith.cmpi sge, %sub3A_1685, %ge3A_1687 : vector<16xi32>
            %lt3A_1689 = arith.constant 12288 : i32
            %lt3A_1690 = vector.broadcast %lt3A_1689 : i32 to vector<16xi32>
            %lt3A_1691 = arith.cmpi slt, %sub3A_1685, %lt3A_1690 : vector<16xi32>
            %and3A_1692 = arith.andi %ge3A_1688, %lt3A_1691 : vector<16xi1>
            %select_n3A_1693 = arith.select %and3A_1692, %sub3A_1685, %broadcast_in_dim3A_1629 : vector<16xi1>, vector<16xi32>
            %swap3A_1694 = arith.constant 48 : index
            %swap3A_1695 = tpu.vector_load %arg8[%swap3A_1694] {strides = array<i32>} : memref<64xi32, #tpu.memory_space<vmem>>, vector<16xi32>,
            %swap3A_1696 = vector.shape_cast %swap3A_1695 : vector<16xi32> to vector<16xi32>
            %swap3A_1697 = vector.shape_cast %select_n3A_1693 : vector<16xi32> to vector<16xi32>
            tpu.vector_store %arg8[%swap3A_1694], %swap3A_1697 {strides = array<i32>} : memref<64xi32, #tpu.memory_space<vmem>>, vector<16xi32>,
            %dma_wait3A_1698 = arith.constant 0 : i32
            %dma_wait3A_1699 = tpu.memref_slice %arg2[%mul3A_1535, %dma_wait3A_1698] : memref<2359296x128xf32, #tpu.memory_space<hbm>> -> memref<64x128xf32, #tpu.memory_space<hbm>>
            %dma_wait3A_1700 = arith.constant 0 : i32
            %dma_wait3A_1701 = tpu.memref_slice %arg2[%mul3A_1535, %dma_wait3A_1700] : memref<2359296x128xf32, #tpu.memory_space<hbm>> -> memref<64x128xf32, #tpu.memory_space<hbm>>
            tpu.wait_dma2 semaphore(%arg11 : memref<!tpu.dma_semaphore, #tpu.memory_space<semaphore_mem>>) src(%dma_wait3A_1701 : memref<64x128xf32, #tpu.memory_space<hbm>>) dst(%arg12 : memref<64x128xf32, #tpu.memory_space<vmem>>)
            %dma_start3A_1702 = arith.constant 0 : i32
            %dma_start3A_1703 = arith.constant 0 : i32
            %dma_start3A_1704 = tpu.memref_slice %arg6[%dma_start3A_1702, %dma_start3A_1703] : memref<12296x128xf32, #tpu.memory_space<vmem_shared>> -> memref<12296x128xf32, #tpu.memory_space<vmem_shared>>
            tpu.enqueue_indirect_dma source(%arg12 : memref<64x128xf32, #tpu.memory_space<vmem>>) target(%dma_start3A_1704 : memref<12296x128xf32, #tpu.memory_space<vmem_shared>>) offsets(%arg8 : memref<64xi32, #tpu.memory_space<vmem>>) semaphore(%arg14 : memref<!tpu.dma_semaphore, #tpu.memory_space<semaphore_mem>>) {add = true}
            %dma_wait3A_1705 = arith.constant 0 : i32
            %dma_wait3A_1706 = arith.constant 0 : i32
            %dma_wait3A_1707 = tpu.memref_slice %arg6[%dma_wait3A_1705, %dma_wait3A_1706] : memref<12296x128xf32, #tpu.memory_space<vmem_shared>> -> memref<12296x128xf32, #tpu.memory_space<vmem_shared>>
            tpu.wait_indirect_dma semaphore(%arg14 : memref<!tpu.dma_semaphore, #tpu.memory_space<semaphore_mem>>) src(%arg12 : memref<64x128xf32, #tpu.memory_space<vmem>>) dst(%dma_wait3A_1707 : memref<12296x128xf32, #tpu.memory_space<vmem_shared>>)
            %add3A_1708 = arith.constant 256 : i32
            %add3A_1709 = arith.addi %add3A_375, %add3A_1708 : i32
            %mul3A_1710 = arith.constant 4 : i32
            %mul3A_1711 = arith.muli %mul3A_1710, %add3A_1709 : i32
            %dma_start3A_1712 = arith.constant 0 : i32
            %dma_start3A_1713 = tpu.memref_slice %arg2[%mul3A_1711, %dma_start3A_1712] : memref<2359296x128xf32, #tpu.memory_space<hbm>> -> memref<64x128xf32, #tpu.memory_space<hbm>>
            %dma_start3A_1714 = arith.constant 0 : i32
            %dma_start3A_1715 = tpu.memref_slice %arg2[%mul3A_1711, %dma_start3A_1714] : memref<2359296x128xf32, #tpu.memory_space<hbm>> -> memref<64x128xf32, #tpu.memory_space<hbm>>
            tpu.enqueue_dma source(%dma_start3A_1715 : memref<64x128xf32, #tpu.memory_space<hbm>>) target(%arg12 : memref<64x128xf32, #tpu.memory_space<vmem>>) target_semaphore(%arg11 : memref<!tpu.dma_semaphore, #tpu.memory_space<semaphore_mem>>)
            %broadcast_in_dim3A_1716 = arith.constant 12288 : i32
            %broadcast_in_dim3A_1717 = vector.broadcast %broadcast_in_dim3A_1716 : i32 to vector<16xi32>
            %get3A_1718 = arith.constant 960 : index
            %get3A_1719 = tpu.vector_load %arg7[%get3A_1718] {strides = array<i32>} : memref<1536xi32, #tpu.memory_space<vmem>>, vector<16xi32>,
            %get3A_1720 = vector.shape_cast %get3A_1719 : vector<16xi32> to vector<16xi32>
            %sub3A_1721 = vector.broadcast %add3A_43 : i32 to vector<16xi32>
            %sub3A_1722 = arith.subi %get3A_1720, %sub3A_1721 : vector<16xi32>
            %ge3A_1723 = arith.constant 0 : i32
            %ge3A_1724 = vector.broadcast %ge3A_1723 : i32 to vector<16xi32>
            %ge3A_1725 = arith.cmpi sge, %sub3A_1722, %ge3A_1724 : vector<16xi32>
            %lt3A_1726 = arith.constant 12288 : i32
            %lt3A_1727 = vector.broadcast %lt3A_1726 : i32 to vector<16xi32>
            %lt3A_1728 = arith.cmpi slt, %sub3A_1722, %lt3A_1727 : vector<16xi32>
            %and3A_1729 = arith.andi %ge3A_1725, %lt3A_1728 : vector<16xi1>
            %select_n3A_1730 = arith.select %and3A_1729, %sub3A_1722, %broadcast_in_dim3A_1717 : vector<16xi1>, vector<16xi32>
            %swap3A_1731 = arith.constant 0 : index
            %swap3A_1732 = tpu.vector_load %arg9[%swap3A_1731] {strides = array<i32>} : memref<64xi32, #tpu.memory_space<vmem>>, vector<16xi32>,
            %swap3A_1733 = vector.shape_cast %swap3A_1732 : vector<16xi32> to vector<16xi32>
            %swap3A_1734 = vector.shape_cast %select_n3A_1730 : vector<16xi32> to vector<16xi32>
            tpu.vector_store %arg9[%swap3A_1731], %swap3A_1734 {strides = array<i32>} : memref<64xi32, #tpu.memory_space<vmem>>, vector<16xi32>,
            %get3A_1735 = arith.constant 976 : index
            %get3A_1736 = tpu.vector_load %arg7[%get3A_1735] {strides = array<i32>} : memref<1536xi32, #tpu.memory_space<vmem>>, vector<16xi32>,
            %get3A_1737 = vector.shape_cast %get3A_1736 : vector<16xi32> to vector<16xi32>
            %sub3A_1738 = vector.broadcast %add3A_43 : i32 to vector<16xi32>
            %sub3A_1739 = arith.subi %get3A_1737, %sub3A_1738 : vector<16xi32>
            %ge3A_1740 = arith.constant 0 : i32
            %ge3A_1741 = vector.broadcast %ge3A_1740 : i32 to vector<16xi32>
            %ge3A_1742 = arith.cmpi sge, %sub3A_1739, %ge3A_1741 : vector<16xi32>
            %lt3A_1743 = arith.constant 12288 : i32
            %lt3A_1744 = vector.broadcast %lt3A_1743 : i32 to vector<16xi32>
            %lt3A_1745 = arith.cmpi slt, %sub3A_1739, %lt3A_1744 : vector<16xi32>
            %and3A_1746 = arith.andi %ge3A_1742, %lt3A_1745 : vector<16xi1>
            %select_n3A_1747 = arith.select %and3A_1746, %sub3A_1739, %broadcast_in_dim3A_1717 : vector<16xi1>, vector<16xi32>
            %swap3A_1748 = arith.constant 16 : index
            %swap3A_1749 = tpu.vector_load %arg9[%swap3A_1748] {strides = array<i32>} : memref<64xi32, #tpu.memory_space<vmem>>, vector<16xi32>,
            %swap3A_1750 = vector.shape_cast %swap3A_1749 : vector<16xi32> to vector<16xi32>
            %swap3A_1751 = vector.shape_cast %select_n3A_1747 : vector<16xi32> to vector<16xi32>
            tpu.vector_store %arg9[%swap3A_1748], %swap3A_1751 {strides = array<i32>} : memref<64xi32, #tpu.memory_space<vmem>>, vector<16xi32>,
            %get3A_1752 = arith.constant 992 : index
            %get3A_1753 = tpu.vector_load %arg7[%get3A_1752] {strides = array<i32>} : memref<1536xi32, #tpu.memory_space<vmem>>, vector<16xi32>,
            %get3A_1754 = vector.shape_cast %get3A_1753 : vector<16xi32> to vector<16xi32>
            %sub3A_1755 = vector.broadcast %add3A_43 : i32 to vector<16xi32>
            %sub3A_1756 = arith.subi %get3A_1754, %sub3A_1755 : vector<16xi32>
            %ge3A_1757 = arith.constant 0 : i32
            %ge3A_1758 = vector.broadcast %ge3A_1757 : i32 to vector<16xi32>
            %ge3A_1759 = arith.cmpi sge, %sub3A_1756, %ge3A_1758 : vector<16xi32>
            %lt3A_1760 = arith.constant 12288 : i32
            %lt3A_1761 = vector.broadcast %lt3A_1760 : i32 to vector<16xi32>
            %lt3A_1762 = arith.cmpi slt, %sub3A_1756, %lt3A_1761 : vector<16xi32>
            %and3A_1763 = arith.andi %ge3A_1759, %lt3A_1762 : vector<16xi1>
            %select_n3A_1764 = arith.select %and3A_1763, %sub3A_1756, %broadcast_in_dim3A_1717 : vector<16xi1>, vector<16xi32>
            %swap3A_1765 = arith.constant 32 : index
            %swap3A_1766 = tpu.vector_load %arg9[%swap3A_1765] {strides = array<i32>} : memref<64xi32, #tpu.memory_space<vmem>>, vector<16xi32>,
            %swap3A_1767 = vector.shape_cast %swap3A_1766 : vector<16xi32> to vector<16xi32>
            %swap3A_1768 = vector.shape_cast %select_n3A_1764 : vector<16xi32> to vector<16xi32>
            tpu.vector_store %arg9[%swap3A_1765], %swap3A_1768 {strides = array<i32>} : memref<64xi32, #tpu.memory_space<vmem>>, vector<16xi32>,
            %get3A_1769 = arith.constant 1008 : index
            %get3A_1770 = tpu.vector_load %arg7[%get3A_1769] {strides = array<i32>} : memref<1536xi32, #tpu.memory_space<vmem>>, vector<16xi32>,
            %get3A_1771 = vector.shape_cast %get3A_1770 : vector<16xi32> to vector<16xi32>
            %sub3A_1772 = vector.broadcast %add3A_43 : i32 to vector<16xi32>
            %sub3A_1773 = arith.subi %get3A_1771, %sub3A_1772 : vector<16xi32>
            %ge3A_1774 = arith.constant 0 : i32
            %ge3A_1775 = vector.broadcast %ge3A_1774 : i32 to vector<16xi32>
            %ge3A_1776 = arith.cmpi sge, %sub3A_1773, %ge3A_1775 : vector<16xi32>
            %lt3A_1777 = arith.constant 12288 : i32
            %lt3A_1778 = vector.broadcast %lt3A_1777 : i32 to vector<16xi32>
            %lt3A_1779 = arith.cmpi slt, %sub3A_1773, %lt3A_1778 : vector<16xi32>
            %and3A_1780 = arith.andi %ge3A_1776, %lt3A_1779 : vector<16xi1>
            %select_n3A_1781 = arith.select %and3A_1780, %sub3A_1773, %broadcast_in_dim3A_1717 : vector<16xi1>, vector<16xi32>
            %swap3A_1782 = arith.constant 48 : index
            %swap3A_1783 = tpu.vector_load %arg9[%swap3A_1782] {strides = array<i32>} : memref<64xi32, #tpu.memory_space<vmem>>, vector<16xi32>,
            %swap3A_1784 = vector.shape_cast %swap3A_1783 : vector<16xi32> to vector<16xi32>
            %swap3A_1785 = vector.shape_cast %select_n3A_1781 : vector<16xi32> to vector<16xi32>
            tpu.vector_store %arg9[%swap3A_1782], %swap3A_1785 {strides = array<i32>} : memref<64xi32, #tpu.memory_space<vmem>>, vector<16xi32>,
            %dma_wait3A_1786 = arith.constant 0 : i32
            %dma_wait3A_1787 = tpu.memref_slice %arg2[%mul3A_1623, %dma_wait3A_1786] : memref<2359296x128xf32, #tpu.memory_space<hbm>> -> memref<64x128xf32, #tpu.memory_space<hbm>>
            %dma_wait3A_1788 = arith.constant 0 : i32
            %dma_wait3A_1789 = tpu.memref_slice %arg2[%mul3A_1623, %dma_wait3A_1788] : memref<2359296x128xf32, #tpu.memory_space<hbm>> -> memref<64x128xf32, #tpu.memory_space<hbm>>
            tpu.wait_dma2 semaphore(%arg11 : memref<!tpu.dma_semaphore, #tpu.memory_space<semaphore_mem>>) src(%dma_wait3A_1789 : memref<64x128xf32, #tpu.memory_space<hbm>>) dst(%arg13 : memref<64x128xf32, #tpu.memory_space<vmem>>)
            %dma_start3A_1790 = arith.constant 0 : i32
            %dma_start3A_1791 = arith.constant 0 : i32
            %dma_start3A_1792 = tpu.memref_slice %arg6[%dma_start3A_1790, %dma_start3A_1791] : memref<12296x128xf32, #tpu.memory_space<vmem_shared>> -> memref<12296x128xf32, #tpu.memory_space<vmem_shared>>
            tpu.enqueue_indirect_dma source(%arg13 : memref<64x128xf32, #tpu.memory_space<vmem>>) target(%dma_start3A_1792 : memref<12296x128xf32, #tpu.memory_space<vmem_shared>>) offsets(%arg9 : memref<64xi32, #tpu.memory_space<vmem>>) semaphore(%arg14 : memref<!tpu.dma_semaphore, #tpu.memory_space<semaphore_mem>>) {add = true}
            %dma_wait3A_1793 = arith.constant 0 : i32
            %dma_wait3A_1794 = arith.constant 0 : i32
            %dma_wait3A_1795 = tpu.memref_slice %arg6[%dma_wait3A_1793, %dma_wait3A_1794] : memref<12296x128xf32, #tpu.memory_space<vmem_shared>> -> memref<12296x128xf32, #tpu.memory_space<vmem_shared>>
            tpu.wait_indirect_dma semaphore(%arg14 : memref<!tpu.dma_semaphore, #tpu.memory_space<semaphore_mem>>) src(%arg13 : memref<64x128xf32, #tpu.memory_space<vmem>>) dst(%dma_wait3A_1795 : memref<12296x128xf32, #tpu.memory_space<vmem_shared>>)
            %add3A_1796 = arith.constant 272 : i32
            %add3A_1797 = arith.addi %add3A_375, %add3A_1796 : i32
            %mul3A_1798 = arith.constant 4 : i32
            %mul3A_1799 = arith.muli %mul3A_1798, %add3A_1797 : i32
            %dma_start3A_1800 = arith.constant 0 : i32
            %dma_start3A_1801 = tpu.memref_slice %arg2[%mul3A_1799, %dma_start3A_1800] : memref<2359296x128xf32, #tpu.memory_space<hbm>> -> memref<64x128xf32, #tpu.memory_space<hbm>>
            %dma_start3A_1802 = arith.constant 0 : i32
            %dma_start3A_1803 = tpu.memref_slice %arg2[%mul3A_1799, %dma_start3A_1802] : memref<2359296x128xf32, #tpu.memory_space<hbm>> -> memref<64x128xf32, #tpu.memory_space<hbm>>
            tpu.enqueue_dma source(%dma_start3A_1803 : memref<64x128xf32, #tpu.memory_space<hbm>>) target(%arg13 : memref<64x128xf32, #tpu.memory_space<vmem>>) target_semaphore(%arg11 : memref<!tpu.dma_semaphore, #tpu.memory_space<semaphore_mem>>)
            %broadcast_in_dim3A_1804 = arith.constant 12288 : i32
            %broadcast_in_dim3A_1805 = vector.broadcast %broadcast_in_dim3A_1804 : i32 to vector<16xi32>
            %get3A_1806 = arith.constant 1024 : index
            %get3A_1807 = tpu.vector_load %arg7[%get3A_1806] {strides = array<i32>} : memref<1536xi32, #tpu.memory_space<vmem>>, vector<16xi32>,
            %get3A_1808 = vector.shape_cast %get3A_1807 : vector<16xi32> to vector<16xi32>
            %sub3A_1809 = vector.broadcast %add3A_43 : i32 to vector<16xi32>
            %sub3A_1810 = arith.subi %get3A_1808, %sub3A_1809 : vector<16xi32>
            %ge3A_1811 = arith.constant 0 : i32
            %ge3A_1812 = vector.broadcast %ge3A_1811 : i32 to vector<16xi32>
            %ge3A_1813 = arith.cmpi sge, %sub3A_1810, %ge3A_1812 : vector<16xi32>
            %lt3A_1814 = arith.constant 12288 : i32
            %lt3A_1815 = vector.broadcast %lt3A_1814 : i32 to vector<16xi32>
            %lt3A_1816 = arith.cmpi slt, %sub3A_1810, %lt3A_1815 : vector<16xi32>
            %and3A_1817 = arith.andi %ge3A_1813, %lt3A_1816 : vector<16xi1>
            %select_n3A_1818 = arith.select %and3A_1817, %sub3A_1810, %broadcast_in_dim3A_1805 : vector<16xi1>, vector<16xi32>
            %swap3A_1819 = arith.constant 0 : index
            %swap3A_1820 = tpu.vector_load %arg8[%swap3A_1819] {strides = array<i32>} : memref<64xi32, #tpu.memory_space<vmem>>, vector<16xi32>,
            %swap3A_1821 = vector.shape_cast %swap3A_1820 : vector<16xi32> to vector<16xi32>
            %swap3A_1822 = vector.shape_cast %select_n3A_1818 : vector<16xi32> to vector<16xi32>
            tpu.vector_store %arg8[%swap3A_1819], %swap3A_1822 {strides = array<i32>} : memref<64xi32, #tpu.memory_space<vmem>>, vector<16xi32>,
            %get3A_1823 = arith.constant 1040 : index
            %get3A_1824 = tpu.vector_load %arg7[%get3A_1823] {strides = array<i32>} : memref<1536xi32, #tpu.memory_space<vmem>>, vector<16xi32>,
            %get3A_1825 = vector.shape_cast %get3A_1824 : vector<16xi32> to vector<16xi32>
            %sub3A_1826 = vector.broadcast %add3A_43 : i32 to vector<16xi32>
            %sub3A_1827 = arith.subi %get3A_1825, %sub3A_1826 : vector<16xi32>
            %ge3A_1828 = arith.constant 0 : i32
            %ge3A_1829 = vector.broadcast %ge3A_1828 : i32 to vector<16xi32>
            %ge3A_1830 = arith.cmpi sge, %sub3A_1827, %ge3A_1829 : vector<16xi32>
            %lt3A_1831 = arith.constant 12288 : i32
            %lt3A_1832 = vector.broadcast %lt3A_1831 : i32 to vector<16xi32>
            %lt3A_1833 = arith.cmpi slt, %sub3A_1827, %lt3A_1832 : vector<16xi32>
            %and3A_1834 = arith.andi %ge3A_1830, %lt3A_1833 : vector<16xi1>
            %select_n3A_1835 = arith.select %and3A_1834, %sub3A_1827, %broadcast_in_dim3A_1805 : vector<16xi1>, vector<16xi32>
            %swap3A_1836 = arith.constant 16 : index
            %swap3A_1837 = tpu.vector_load %arg8[%swap3A_1836] {strides = array<i32>} : memref<64xi32, #tpu.memory_space<vmem>>, vector<16xi32>,
            %swap3A_1838 = vector.shape_cast %swap3A_1837 : vector<16xi32> to vector<16xi32>
            %swap3A_1839 = vector.shape_cast %select_n3A_1835 : vector<16xi32> to vector<16xi32>
            tpu.vector_store %arg8[%swap3A_1836], %swap3A_1839 {strides = array<i32>} : memref<64xi32, #tpu.memory_space<vmem>>, vector<16xi32>,
            %get3A_1840 = arith.constant 1056 : index
            %get3A_1841 = tpu.vector_load %arg7[%get3A_1840] {strides = array<i32>} : memref<1536xi32, #tpu.memory_space<vmem>>, vector<16xi32>,
            %get3A_1842 = vector.shape_cast %get3A_1841 : vector<16xi32> to vector<16xi32>
            %sub3A_1843 = vector.broadcast %add3A_43 : i32 to vector<16xi32>
            %sub3A_1844 = arith.subi %get3A_1842, %sub3A_1843 : vector<16xi32>
            %ge3A_1845 = arith.constant 0 : i32
            %ge3A_1846 = vector.broadcast %ge3A_1845 : i32 to vector<16xi32>
            %ge3A_1847 = arith.cmpi sge, %sub3A_1844, %ge3A_1846 : vector<16xi32>
            %lt3A_1848 = arith.constant 12288 : i32
            %lt3A_1849 = vector.broadcast %lt3A_1848 : i32 to vector<16xi32>
            %lt3A_1850 = arith.cmpi slt, %sub3A_1844, %lt3A_1849 : vector<16xi32>
            %and3A_1851 = arith.andi %ge3A_1847, %lt3A_1850 : vector<16xi1>
            %select_n3A_1852 = arith.select %and3A_1851, %sub3A_1844, %broadcast_in_dim3A_1805 : vector<16xi1>, vector<16xi32>
            %swap3A_1853 = arith.constant 32 : index
            %swap3A_1854 = tpu.vector_load %arg8[%swap3A_1853] {strides = array<i32>} : memref<64xi32, #tpu.memory_space<vmem>>, vector<16xi32>,
            %swap3A_1855 = vector.shape_cast %swap3A_1854 : vector<16xi32> to vector<16xi32>
            %swap3A_1856 = vector.shape_cast %select_n3A_1852 : vector<16xi32> to vector<16xi32>
            tpu.vector_store %arg8[%swap3A_1853], %swap3A_1856 {strides = array<i32>} : memref<64xi32, #tpu.memory_space<vmem>>, vector<16xi32>,
            %get3A_1857 = arith.constant 1072 : index
            %get3A_1858 = tpu.vector_load %arg7[%get3A_1857] {strides = array<i32>} : memref<1536xi32, #tpu.memory_space<vmem>>, vector<16xi32>,
            %get3A_1859 = vector.shape_cast %get3A_1858 : vector<16xi32> to vector<16xi32>
            %sub3A_1860 = vector.broadcast %add3A_43 : i32 to vector<16xi32>
            %sub3A_1861 = arith.subi %get3A_1859, %sub3A_1860 : vector<16xi32>
            %ge3A_1862 = arith.constant 0 : i32
            %ge3A_1863 = vector.broadcast %ge3A_1862 : i32 to vector<16xi32>
            %ge3A_1864 = arith.cmpi sge, %sub3A_1861, %ge3A_1863 : vector<16xi32>
            %lt3A_1865 = arith.constant 12288 : i32
            %lt3A_1866 = vector.broadcast %lt3A_1865 : i32 to vector<16xi32>
            %lt3A_1867 = arith.cmpi slt, %sub3A_1861, %lt3A_1866 : vector<16xi32>
            %and3A_1868 = arith.andi %ge3A_1864, %lt3A_1867 : vector<16xi1>
            %select_n3A_1869 = arith.select %and3A_1868, %sub3A_1861, %broadcast_in_dim3A_1805 : vector<16xi1>, vector<16xi32>
            %swap3A_1870 = arith.constant 48 : index
            %swap3A_1871 = tpu.vector_load %arg8[%swap3A_1870] {strides = array<i32>} : memref<64xi32, #tpu.memory_space<vmem>>, vector<16xi32>,
            %swap3A_1872 = vector.shape_cast %swap3A_1871 : vector<16xi32> to vector<16xi32>
            %swap3A_1873 = vector.shape_cast %select_n3A_1869 : vector<16xi32> to vector<16xi32>
            tpu.vector_store %arg8[%swap3A_1870], %swap3A_1873 {strides = array<i32>} : memref<64xi32, #tpu.memory_space<vmem>>, vector<16xi32>,
            %dma_wait3A_1874 = arith.constant 0 : i32
            %dma_wait3A_1875 = tpu.memref_slice %arg2[%mul3A_1711, %dma_wait3A_1874] : memref<2359296x128xf32, #tpu.memory_space<hbm>> -> memref<64x128xf32, #tpu.memory_space<hbm>>
            %dma_wait3A_1876 = arith.constant 0 : i32
            %dma_wait3A_1877 = tpu.memref_slice %arg2[%mul3A_1711, %dma_wait3A_1876] : memref<2359296x128xf32, #tpu.memory_space<hbm>> -> memref<64x128xf32, #tpu.memory_space<hbm>>
            tpu.wait_dma2 semaphore(%arg11 : memref<!tpu.dma_semaphore, #tpu.memory_space<semaphore_mem>>) src(%dma_wait3A_1877 : memref<64x128xf32, #tpu.memory_space<hbm>>) dst(%arg12 : memref<64x128xf32, #tpu.memory_space<vmem>>)
            %dma_start3A_1878 = arith.constant 0 : i32
            %dma_start3A_1879 = arith.constant 0 : i32
            %dma_start3A_1880 = tpu.memref_slice %arg6[%dma_start3A_1878, %dma_start3A_1879] : memref<12296x128xf32, #tpu.memory_space<vmem_shared>> -> memref<12296x128xf32, #tpu.memory_space<vmem_shared>>
            tpu.enqueue_indirect_dma source(%arg12 : memref<64x128xf32, #tpu.memory_space<vmem>>) target(%dma_start3A_1880 : memref<12296x128xf32, #tpu.memory_space<vmem_shared>>) offsets(%arg8 : memref<64xi32, #tpu.memory_space<vmem>>) semaphore(%arg14 : memref<!tpu.dma_semaphore, #tpu.memory_space<semaphore_mem>>) {add = true}
            %dma_wait3A_1881 = arith.constant 0 : i32
            %dma_wait3A_1882 = arith.constant 0 : i32
            %dma_wait3A_1883 = tpu.memref_slice %arg6[%dma_wait3A_1881, %dma_wait3A_1882] : memref<12296x128xf32, #tpu.memory_space<vmem_shared>> -> memref<12296x128xf32, #tpu.memory_space<vmem_shared>>
            tpu.wait_indirect_dma semaphore(%arg14 : memref<!tpu.dma_semaphore, #tpu.memory_space<semaphore_mem>>) src(%arg12 : memref<64x128xf32, #tpu.memory_space<vmem>>) dst(%dma_wait3A_1883 : memref<12296x128xf32, #tpu.memory_space<vmem_shared>>)
            %add3A_1884 = arith.constant 288 : i32
            %add3A_1885 = arith.addi %add3A_375, %add3A_1884 : i32
            %mul3A_1886 = arith.constant 4 : i32
            %mul3A_1887 = arith.muli %mul3A_1886, %add3A_1885 : i32
            %dma_start3A_1888 = arith.constant 0 : i32
            %dma_start3A_1889 = tpu.memref_slice %arg2[%mul3A_1887, %dma_start3A_1888] : memref<2359296x128xf32, #tpu.memory_space<hbm>> -> memref<64x128xf32, #tpu.memory_space<hbm>>
            %dma_start3A_1890 = arith.constant 0 : i32
            %dma_start3A_1891 = tpu.memref_slice %arg2[%mul3A_1887, %dma_start3A_1890] : memref<2359296x128xf32, #tpu.memory_space<hbm>> -> memref<64x128xf32, #tpu.memory_space<hbm>>
            tpu.enqueue_dma source(%dma_start3A_1891 : memref<64x128xf32, #tpu.memory_space<hbm>>) target(%arg12 : memref<64x128xf32, #tpu.memory_space<vmem>>) target_semaphore(%arg11 : memref<!tpu.dma_semaphore, #tpu.memory_space<semaphore_mem>>)
            %broadcast_in_dim3A_1892 = arith.constant 12288 : i32
            %broadcast_in_dim3A_1893 = vector.broadcast %broadcast_in_dim3A_1892 : i32 to vector<16xi32>
            %get3A_1894 = arith.constant 1088 : index
            %get3A_1895 = tpu.vector_load %arg7[%get3A_1894] {strides = array<i32>} : memref<1536xi32, #tpu.memory_space<vmem>>, vector<16xi32>,
            %get3A_1896 = vector.shape_cast %get3A_1895 : vector<16xi32> to vector<16xi32>
            %sub3A_1897 = vector.broadcast %add3A_43 : i32 to vector<16xi32>
            %sub3A_1898 = arith.subi %get3A_1896, %sub3A_1897 : vector<16xi32>
            %ge3A_1899 = arith.constant 0 : i32
            %ge3A_1900 = vector.broadcast %ge3A_1899 : i32 to vector<16xi32>
            %ge3A_1901 = arith.cmpi sge, %sub3A_1898, %ge3A_1900 : vector<16xi32>
            %lt3A_1902 = arith.constant 12288 : i32
            %lt3A_1903 = vector.broadcast %lt3A_1902 : i32 to vector<16xi32>
            %lt3A_1904 = arith.cmpi slt, %sub3A_1898, %lt3A_1903 : vector<16xi32>
            %and3A_1905 = arith.andi %ge3A_1901, %lt3A_1904 : vector<16xi1>
            %select_n3A_1906 = arith.select %and3A_1905, %sub3A_1898, %broadcast_in_dim3A_1893 : vector<16xi1>, vector<16xi32>
            %swap3A_1907 = arith.constant 0 : index
            %swap3A_1908 = tpu.vector_load %arg9[%swap3A_1907] {strides = array<i32>} : memref<64xi32, #tpu.memory_space<vmem>>, vector<16xi32>,
            %swap3A_1909 = vector.shape_cast %swap3A_1908 : vector<16xi32> to vector<16xi32>
            %swap3A_1910 = vector.shape_cast %select_n3A_1906 : vector<16xi32> to vector<16xi32>
            tpu.vector_store %arg9[%swap3A_1907], %swap3A_1910 {strides = array<i32>} : memref<64xi32, #tpu.memory_space<vmem>>, vector<16xi32>,
            %get3A_1911 = arith.constant 1104 : index
            %get3A_1912 = tpu.vector_load %arg7[%get3A_1911] {strides = array<i32>} : memref<1536xi32, #tpu.memory_space<vmem>>, vector<16xi32>,
            %get3A_1913 = vector.shape_cast %get3A_1912 : vector<16xi32> to vector<16xi32>
            %sub3A_1914 = vector.broadcast %add3A_43 : i32 to vector<16xi32>
            %sub3A_1915 = arith.subi %get3A_1913, %sub3A_1914 : vector<16xi32>
            %ge3A_1916 = arith.constant 0 : i32
            %ge3A_1917 = vector.broadcast %ge3A_1916 : i32 to vector<16xi32>
            %ge3A_1918 = arith.cmpi sge, %sub3A_1915, %ge3A_1917 : vector<16xi32>
            %lt3A_1919 = arith.constant 12288 : i32
            %lt3A_1920 = vector.broadcast %lt3A_1919 : i32 to vector<16xi32>
            %lt3A_1921 = arith.cmpi slt, %sub3A_1915, %lt3A_1920 : vector<16xi32>
            %and3A_1922 = arith.andi %ge3A_1918, %lt3A_1921 : vector<16xi1>
            %select_n3A_1923 = arith.select %and3A_1922, %sub3A_1915, %broadcast_in_dim3A_1893 : vector<16xi1>, vector<16xi32>
            %swap3A_1924 = arith.constant 16 : index
            %swap3A_1925 = tpu.vector_load %arg9[%swap3A_1924] {strides = array<i32>} : memref<64xi32, #tpu.memory_space<vmem>>, vector<16xi32>,
            %swap3A_1926 = vector.shape_cast %swap3A_1925 : vector<16xi32> to vector<16xi32>
            %swap3A_1927 = vector.shape_cast %select_n3A_1923 : vector<16xi32> to vector<16xi32>
            tpu.vector_store %arg9[%swap3A_1924], %swap3A_1927 {strides = array<i32>} : memref<64xi32, #tpu.memory_space<vmem>>, vector<16xi32>,
            %get3A_1928 = arith.constant 1120 : index
            %get3A_1929 = tpu.vector_load %arg7[%get3A_1928] {strides = array<i32>} : memref<1536xi32, #tpu.memory_space<vmem>>, vector<16xi32>,
            %get3A_1930 = vector.shape_cast %get3A_1929 : vector<16xi32> to vector<16xi32>
            %sub3A_1931 = vector.broadcast %add3A_43 : i32 to vector<16xi32>
            %sub3A_1932 = arith.subi %get3A_1930, %sub3A_1931 : vector<16xi32>
            %ge3A_1933 = arith.constant 0 : i32
            %ge3A_1934 = vector.broadcast %ge3A_1933 : i32 to vector<16xi32>
            %ge3A_1935 = arith.cmpi sge, %sub3A_1932, %ge3A_1934 : vector<16xi32>
            %lt3A_1936 = arith.constant 12288 : i32
            %lt3A_1937 = vector.broadcast %lt3A_1936 : i32 to vector<16xi32>
            %lt3A_1938 = arith.cmpi slt, %sub3A_1932, %lt3A_1937 : vector<16xi32>
            %and3A_1939 = arith.andi %ge3A_1935, %lt3A_1938 : vector<16xi1>
            %select_n3A_1940 = arith.select %and3A_1939, %sub3A_1932, %broadcast_in_dim3A_1893 : vector<16xi1>, vector<16xi32>
            %swap3A_1941 = arith.constant 32 : index
            %swap3A_1942 = tpu.vector_load %arg9[%swap3A_1941] {strides = array<i32>} : memref<64xi32, #tpu.memory_space<vmem>>, vector<16xi32>,
            %swap3A_1943 = vector.shape_cast %swap3A_1942 : vector<16xi32> to vector<16xi32>
            %swap3A_1944 = vector.shape_cast %select_n3A_1940 : vector<16xi32> to vector<16xi32>
            tpu.vector_store %arg9[%swap3A_1941], %swap3A_1944 {strides = array<i32>} : memref<64xi32, #tpu.memory_space<vmem>>, vector<16xi32>,
            %get3A_1945 = arith.constant 1136 : index
            %get3A_1946 = tpu.vector_load %arg7[%get3A_1945] {strides = array<i32>} : memref<1536xi32, #tpu.memory_space<vmem>>, vector<16xi32>,
            %get3A_1947 = vector.shape_cast %get3A_1946 : vector<16xi32> to vector<16xi32>
            %sub3A_1948 = vector.broadcast %add3A_43 : i32 to vector<16xi32>
            %sub3A_1949 = arith.subi %get3A_1947, %sub3A_1948 : vector<16xi32>
            %ge3A_1950 = arith.constant 0 : i32
            %ge3A_1951 = vector.broadcast %ge3A_1950 : i32 to vector<16xi32>
            %ge3A_1952 = arith.cmpi sge, %sub3A_1949, %ge3A_1951 : vector<16xi32>
            %lt3A_1953 = arith.constant 12288 : i32
            %lt3A_1954 = vector.broadcast %lt3A_1953 : i32 to vector<16xi32>
            %lt3A_1955 = arith.cmpi slt, %sub3A_1949, %lt3A_1954 : vector<16xi32>
            %and3A_1956 = arith.andi %ge3A_1952, %lt3A_1955 : vector<16xi1>
            %select_n3A_1957 = arith.select %and3A_1956, %sub3A_1949, %broadcast_in_dim3A_1893 : vector<16xi1>, vector<16xi32>
            %swap3A_1958 = arith.constant 48 : index
            %swap3A_1959 = tpu.vector_load %arg9[%swap3A_1958] {strides = array<i32>} : memref<64xi32, #tpu.memory_space<vmem>>, vector<16xi32>,
            %swap3A_1960 = vector.shape_cast %swap3A_1959 : vector<16xi32> to vector<16xi32>
            %swap3A_1961 = vector.shape_cast %select_n3A_1957 : vector<16xi32> to vector<16xi32>
            tpu.vector_store %arg9[%swap3A_1958], %swap3A_1961 {strides = array<i32>} : memref<64xi32, #tpu.memory_space<vmem>>, vector<16xi32>,
            %dma_wait3A_1962 = arith.constant 0 : i32
            %dma_wait3A_1963 = tpu.memref_slice %arg2[%mul3A_1799, %dma_wait3A_1962] : memref<2359296x128xf32, #tpu.memory_space<hbm>> -> memref<64x128xf32, #tpu.memory_space<hbm>>
            %dma_wait3A_1964 = arith.constant 0 : i32
            %dma_wait3A_1965 = tpu.memref_slice %arg2[%mul3A_1799, %dma_wait3A_1964] : memref<2359296x128xf32, #tpu.memory_space<hbm>> -> memref<64x128xf32, #tpu.memory_space<hbm>>
            tpu.wait_dma2 semaphore(%arg11 : memref<!tpu.dma_semaphore, #tpu.memory_space<semaphore_mem>>) src(%dma_wait3A_1965 : memref<64x128xf32, #tpu.memory_space<hbm>>) dst(%arg13 : memref<64x128xf32, #tpu.memory_space<vmem>>)
            %dma_start3A_1966 = arith.constant 0 : i32
            %dma_start3A_1967 = arith.constant 0 : i32
            %dma_start3A_1968 = tpu.memref_slice %arg6[%dma_start3A_1966, %dma_start3A_1967] : memref<12296x128xf32, #tpu.memory_space<vmem_shared>> -> memref<12296x128xf32, #tpu.memory_space<vmem_shared>>
            tpu.enqueue_indirect_dma source(%arg13 : memref<64x128xf32, #tpu.memory_space<vmem>>) target(%dma_start3A_1968 : memref<12296x128xf32, #tpu.memory_space<vmem_shared>>) offsets(%arg9 : memref<64xi32, #tpu.memory_space<vmem>>) semaphore(%arg14 : memref<!tpu.dma_semaphore, #tpu.memory_space<semaphore_mem>>) {add = true}
            %dma_wait3A_1969 = arith.constant 0 : i32
            %dma_wait3A_1970 = arith.constant 0 : i32
            %dma_wait3A_1971 = tpu.memref_slice %arg6[%dma_wait3A_1969, %dma_wait3A_1970] : memref<12296x128xf32, #tpu.memory_space<vmem_shared>> -> memref<12296x128xf32, #tpu.memory_space<vmem_shared>>
            tpu.wait_indirect_dma semaphore(%arg14 : memref<!tpu.dma_semaphore, #tpu.memory_space<semaphore_mem>>) src(%arg13 : memref<64x128xf32, #tpu.memory_space<vmem>>) dst(%dma_wait3A_1971 : memref<12296x128xf32, #tpu.memory_space<vmem_shared>>)
            %add3A_1972 = arith.constant 304 : i32
            %add3A_1973 = arith.addi %add3A_375, %add3A_1972 : i32
            %mul3A_1974 = arith.constant 4 : i32
            %mul3A_1975 = arith.muli %mul3A_1974, %add3A_1973 : i32
            %dma_start3A_1976 = arith.constant 0 : i32
            %dma_start3A_1977 = tpu.memref_slice %arg2[%mul3A_1975, %dma_start3A_1976] : memref<2359296x128xf32, #tpu.memory_space<hbm>> -> memref<64x128xf32, #tpu.memory_space<hbm>>
            %dma_start3A_1978 = arith.constant 0 : i32
            %dma_start3A_1979 = tpu.memref_slice %arg2[%mul3A_1975, %dma_start3A_1978] : memref<2359296x128xf32, #tpu.memory_space<hbm>> -> memref<64x128xf32, #tpu.memory_space<hbm>>
            tpu.enqueue_dma source(%dma_start3A_1979 : memref<64x128xf32, #tpu.memory_space<hbm>>) target(%arg13 : memref<64x128xf32, #tpu.memory_space<vmem>>) target_semaphore(%arg11 : memref<!tpu.dma_semaphore, #tpu.memory_space<semaphore_mem>>)
            %broadcast_in_dim3A_1980 = arith.constant 12288 : i32
            %broadcast_in_dim3A_1981 = vector.broadcast %broadcast_in_dim3A_1980 : i32 to vector<16xi32>
            %get3A_1982 = arith.constant 1152 : index
            %get3A_1983 = tpu.vector_load %arg7[%get3A_1982] {strides = array<i32>} : memref<1536xi32, #tpu.memory_space<vmem>>, vector<16xi32>,
            %get3A_1984 = vector.shape_cast %get3A_1983 : vector<16xi32> to vector<16xi32>
            %sub3A_1985 = vector.broadcast %add3A_43 : i32 to vector<16xi32>
            %sub3A_1986 = arith.subi %get3A_1984, %sub3A_1985 : vector<16xi32>
            %ge3A_1987 = arith.constant 0 : i32
            %ge3A_1988 = vector.broadcast %ge3A_1987 : i32 to vector<16xi32>
            %ge3A_1989 = arith.cmpi sge, %sub3A_1986, %ge3A_1988 : vector<16xi32>
            %lt3A_1990 = arith.constant 12288 : i32
            %lt3A_1991 = vector.broadcast %lt3A_1990 : i32 to vector<16xi32>
            %lt3A_1992 = arith.cmpi slt, %sub3A_1986, %lt3A_1991 : vector<16xi32>
            %and3A_1993 = arith.andi %ge3A_1989, %lt3A_1992 : vector<16xi1>
            %select_n3A_1994 = arith.select %and3A_1993, %sub3A_1986, %broadcast_in_dim3A_1981 : vector<16xi1>, vector<16xi32>
            %swap3A_1995 = arith.constant 0 : index
            %swap3A_1996 = tpu.vector_load %arg8[%swap3A_1995] {strides = array<i32>} : memref<64xi32, #tpu.memory_space<vmem>>, vector<16xi32>,
            %swap3A_1997 = vector.shape_cast %swap3A_1996 : vector<16xi32> to vector<16xi32>
            %swap3A_1998 = vector.shape_cast %select_n3A_1994 : vector<16xi32> to vector<16xi32>
            tpu.vector_store %arg8[%swap3A_1995], %swap3A_1998 {strides = array<i32>} : memref<64xi32, #tpu.memory_space<vmem>>, vector<16xi32>,
            %get3A_1999 = arith.constant 1168 : index
            %get3A_2000 = tpu.vector_load %arg7[%get3A_1999] {strides = array<i32>} : memref<1536xi32, #tpu.memory_space<vmem>>, vector<16xi32>,
            %get3A_2001 = vector.shape_cast %get3A_2000 : vector<16xi32> to vector<16xi32>
            %sub3A_2002 = vector.broadcast %add3A_43 : i32 to vector<16xi32>
            %sub3A_2003 = arith.subi %get3A_2001, %sub3A_2002 : vector<16xi32>
            %ge3A_2004 = arith.constant 0 : i32
            %ge3A_2005 = vector.broadcast %ge3A_2004 : i32 to vector<16xi32>
            %ge3A_2006 = arith.cmpi sge, %sub3A_2003, %ge3A_2005 : vector<16xi32>
            %lt3A_2007 = arith.constant 12288 : i32
            %lt3A_2008 = vector.broadcast %lt3A_2007 : i32 to vector<16xi32>
            %lt3A_2009 = arith.cmpi slt, %sub3A_2003, %lt3A_2008 : vector<16xi32>
            %and3A_2010 = arith.andi %ge3A_2006, %lt3A_2009 : vector<16xi1>
            %select_n3A_2011 = arith.select %and3A_2010, %sub3A_2003, %broadcast_in_dim3A_1981 : vector<16xi1>, vector<16xi32>
            %swap3A_2012 = arith.constant 16 : index
            %swap3A_2013 = tpu.vector_load %arg8[%swap3A_2012] {strides = array<i32>} : memref<64xi32, #tpu.memory_space<vmem>>, vector<16xi32>,
            %swap3A_2014 = vector.shape_cast %swap3A_2013 : vector<16xi32> to vector<16xi32>
            %swap3A_2015 = vector.shape_cast %select_n3A_2011 : vector<16xi32> to vector<16xi32>
            tpu.vector_store %arg8[%swap3A_2012], %swap3A_2015 {strides = array<i32>} : memref<64xi32, #tpu.memory_space<vmem>>, vector<16xi32>,
            %get3A_2016 = arith.constant 1184 : index
            %get3A_2017 = tpu.vector_load %arg7[%get3A_2016] {strides = array<i32>} : memref<1536xi32, #tpu.memory_space<vmem>>, vector<16xi32>,
            %get3A_2018 = vector.shape_cast %get3A_2017 : vector<16xi32> to vector<16xi32>
            %sub3A_2019 = vector.broadcast %add3A_43 : i32 to vector<16xi32>
            %sub3A_2020 = arith.subi %get3A_2018, %sub3A_2019 : vector<16xi32>
            %ge3A_2021 = arith.constant 0 : i32
            %ge3A_2022 = vector.broadcast %ge3A_2021 : i32 to vector<16xi32>
            %ge3A_2023 = arith.cmpi sge, %sub3A_2020, %ge3A_2022 : vector<16xi32>
            %lt3A_2024 = arith.constant 12288 : i32
            %lt3A_2025 = vector.broadcast %lt3A_2024 : i32 to vector<16xi32>
            %lt3A_2026 = arith.cmpi slt, %sub3A_2020, %lt3A_2025 : vector<16xi32>
            %and3A_2027 = arith.andi %ge3A_2023, %lt3A_2026 : vector<16xi1>
            %select_n3A_2028 = arith.select %and3A_2027, %sub3A_2020, %broadcast_in_dim3A_1981 : vector<16xi1>, vector<16xi32>
            %swap3A_2029 = arith.constant 32 : index
            %swap3A_2030 = tpu.vector_load %arg8[%swap3A_2029] {strides = array<i32>} : memref<64xi32, #tpu.memory_space<vmem>>, vector<16xi32>,
            %swap3A_2031 = vector.shape_cast %swap3A_2030 : vector<16xi32> to vector<16xi32>
            %swap3A_2032 = vector.shape_cast %select_n3A_2028 : vector<16xi32> to vector<16xi32>
            tpu.vector_store %arg8[%swap3A_2029], %swap3A_2032 {strides = array<i32>} : memref<64xi32, #tpu.memory_space<vmem>>, vector<16xi32>,
            %get3A_2033 = arith.constant 1200 : index
            %get3A_2034 = tpu.vector_load %arg7[%get3A_2033] {strides = array<i32>} : memref<1536xi32, #tpu.memory_space<vmem>>, vector<16xi32>,
            %get3A_2035 = vector.shape_cast %get3A_2034 : vector<16xi32> to vector<16xi32>
            %sub3A_2036 = vector.broadcast %add3A_43 : i32 to vector<16xi32>
            %sub3A_2037 = arith.subi %get3A_2035, %sub3A_2036 : vector<16xi32>
            %ge3A_2038 = arith.constant 0 : i32
            %ge3A_2039 = vector.broadcast %ge3A_2038 : i32 to vector<16xi32>
            %ge3A_2040 = arith.cmpi sge, %sub3A_2037, %ge3A_2039 : vector<16xi32>
            %lt3A_2041 = arith.constant 12288 : i32
            %lt3A_2042 = vector.broadcast %lt3A_2041 : i32 to vector<16xi32>
            %lt3A_2043 = arith.cmpi slt, %sub3A_2037, %lt3A_2042 : vector<16xi32>
            %and3A_2044 = arith.andi %ge3A_2040, %lt3A_2043 : vector<16xi1>
            %select_n3A_2045 = arith.select %and3A_2044, %sub3A_2037, %broadcast_in_dim3A_1981 : vector<16xi1>, vector<16xi32>
            %swap3A_2046 = arith.constant 48 : index
            %swap3A_2047 = tpu.vector_load %arg8[%swap3A_2046] {strides = array<i32>} : memref<64xi32, #tpu.memory_space<vmem>>, vector<16xi32>,
            %swap3A_2048 = vector.shape_cast %swap3A_2047 : vector<16xi32> to vector<16xi32>
            %swap3A_2049 = vector.shape_cast %select_n3A_2045 : vector<16xi32> to vector<16xi32>
            tpu.vector_store %arg8[%swap3A_2046], %swap3A_2049 {strides = array<i32>} : memref<64xi32, #tpu.memory_space<vmem>>, vector<16xi32>,
            %dma_wait3A_2050 = arith.constant 0 : i32
            %dma_wait3A_2051 = tpu.memref_slice %arg2[%mul3A_1887, %dma_wait3A_2050] : memref<2359296x128xf32, #tpu.memory_space<hbm>> -> memref<64x128xf32, #tpu.memory_space<hbm>>
            %dma_wait3A_2052 = arith.constant 0 : i32
            %dma_wait3A_2053 = tpu.memref_slice %arg2[%mul3A_1887, %dma_wait3A_2052] : memref<2359296x128xf32, #tpu.memory_space<hbm>> -> memref<64x128xf32, #tpu.memory_space<hbm>>
            tpu.wait_dma2 semaphore(%arg11 : memref<!tpu.dma_semaphore, #tpu.memory_space<semaphore_mem>>) src(%dma_wait3A_2053 : memref<64x128xf32, #tpu.memory_space<hbm>>) dst(%arg12 : memref<64x128xf32, #tpu.memory_space<vmem>>)
            %dma_start3A_2054 = arith.constant 0 : i32
            %dma_start3A_2055 = arith.constant 0 : i32
            %dma_start3A_2056 = tpu.memref_slice %arg6[%dma_start3A_2054, %dma_start3A_2055] : memref<12296x128xf32, #tpu.memory_space<vmem_shared>> -> memref<12296x128xf32, #tpu.memory_space<vmem_shared>>
            tpu.enqueue_indirect_dma source(%arg12 : memref<64x128xf32, #tpu.memory_space<vmem>>) target(%dma_start3A_2056 : memref<12296x128xf32, #tpu.memory_space<vmem_shared>>) offsets(%arg8 : memref<64xi32, #tpu.memory_space<vmem>>) semaphore(%arg14 : memref<!tpu.dma_semaphore, #tpu.memory_space<semaphore_mem>>) {add = true}
            %dma_wait3A_2057 = arith.constant 0 : i32
            %dma_wait3A_2058 = arith.constant 0 : i32
            %dma_wait3A_2059 = tpu.memref_slice %arg6[%dma_wait3A_2057, %dma_wait3A_2058] : memref<12296x128xf32, #tpu.memory_space<vmem_shared>> -> memref<12296x128xf32, #tpu.memory_space<vmem_shared>>
            tpu.wait_indirect_dma semaphore(%arg14 : memref<!tpu.dma_semaphore, #tpu.memory_space<semaphore_mem>>) src(%arg12 : memref<64x128xf32, #tpu.memory_space<vmem>>) dst(%dma_wait3A_2059 : memref<12296x128xf32, #tpu.memory_space<vmem_shared>>)
            %add3A_2060 = arith.constant 320 : i32
            %add3A_2061 = arith.addi %add3A_375, %add3A_2060 : i32
            %mul3A_2062 = arith.constant 4 : i32
            %mul3A_2063 = arith.muli %mul3A_2062, %add3A_2061 : i32
            %dma_start3A_2064 = arith.constant 0 : i32
            %dma_start3A_2065 = tpu.memref_slice %arg2[%mul3A_2063, %dma_start3A_2064] : memref<2359296x128xf32, #tpu.memory_space<hbm>> -> memref<64x128xf32, #tpu.memory_space<hbm>>
            %dma_start3A_2066 = arith.constant 0 : i32
            %dma_start3A_2067 = tpu.memref_slice %arg2[%mul3A_2063, %dma_start3A_2066] : memref<2359296x128xf32, #tpu.memory_space<hbm>> -> memref<64x128xf32, #tpu.memory_space<hbm>>
            tpu.enqueue_dma source(%dma_start3A_2067 : memref<64x128xf32, #tpu.memory_space<hbm>>) target(%arg12 : memref<64x128xf32, #tpu.memory_space<vmem>>) target_semaphore(%arg11 : memref<!tpu.dma_semaphore, #tpu.memory_space<semaphore_mem>>)
            %broadcast_in_dim3A_2068 = arith.constant 12288 : i32
            %broadcast_in_dim3A_2069 = vector.broadcast %broadcast_in_dim3A_2068 : i32 to vector<16xi32>
            %get3A_2070 = arith.constant 1216 : index
            %get3A_2071 = tpu.vector_load %arg7[%get3A_2070] {strides = array<i32>} : memref<1536xi32, #tpu.memory_space<vmem>>, vector<16xi32>,
            %get3A_2072 = vector.shape_cast %get3A_2071 : vector<16xi32> to vector<16xi32>
            %sub3A_2073 = vector.broadcast %add3A_43 : i32 to vector<16xi32>
            %sub3A_2074 = arith.subi %get3A_2072, %sub3A_2073 : vector<16xi32>
            %ge3A_2075 = arith.constant 0 : i32
            %ge3A_2076 = vector.broadcast %ge3A_2075 : i32 to vector<16xi32>
            %ge3A_2077 = arith.cmpi sge, %sub3A_2074, %ge3A_2076 : vector<16xi32>
            %lt3A_2078 = arith.constant 12288 : i32
            %lt3A_2079 = vector.broadcast %lt3A_2078 : i32 to vector<16xi32>
            %lt3A_2080 = arith.cmpi slt, %sub3A_2074, %lt3A_2079 : vector<16xi32>
            %and3A_2081 = arith.andi %ge3A_2077, %lt3A_2080 : vector<16xi1>
            %select_n3A_2082 = arith.select %and3A_2081, %sub3A_2074, %broadcast_in_dim3A_2069 : vector<16xi1>, vector<16xi32>
            %swap3A_2083 = arith.constant 0 : index
            %swap3A_2084 = tpu.vector_load %arg9[%swap3A_2083] {strides = array<i32>} : memref<64xi32, #tpu.memory_space<vmem>>, vector<16xi32>,
            %swap3A_2085 = vector.shape_cast %swap3A_2084 : vector<16xi32> to vector<16xi32>
            %swap3A_2086 = vector.shape_cast %select_n3A_2082 : vector<16xi32> to vector<16xi32>
            tpu.vector_store %arg9[%swap3A_2083], %swap3A_2086 {strides = array<i32>} : memref<64xi32, #tpu.memory_space<vmem>>, vector<16xi32>,
            %get3A_2087 = arith.constant 1232 : index
            %get3A_2088 = tpu.vector_load %arg7[%get3A_2087] {strides = array<i32>} : memref<1536xi32, #tpu.memory_space<vmem>>, vector<16xi32>,
            %get3A_2089 = vector.shape_cast %get3A_2088 : vector<16xi32> to vector<16xi32>
            %sub3A_2090 = vector.broadcast %add3A_43 : i32 to vector<16xi32>
            %sub3A_2091 = arith.subi %get3A_2089, %sub3A_2090 : vector<16xi32>
            %ge3A_2092 = arith.constant 0 : i32
            %ge3A_2093 = vector.broadcast %ge3A_2092 : i32 to vector<16xi32>
            %ge3A_2094 = arith.cmpi sge, %sub3A_2091, %ge3A_2093 : vector<16xi32>
            %lt3A_2095 = arith.constant 12288 : i32
            %lt3A_2096 = vector.broadcast %lt3A_2095 : i32 to vector<16xi32>
            %lt3A_2097 = arith.cmpi slt, %sub3A_2091, %lt3A_2096 : vector<16xi32>
            %and3A_2098 = arith.andi %ge3A_2094, %lt3A_2097 : vector<16xi1>
            %select_n3A_2099 = arith.select %and3A_2098, %sub3A_2091, %broadcast_in_dim3A_2069 : vector<16xi1>, vector<16xi32>
            %swap3A_2100 = arith.constant 16 : index
            %swap3A_2101 = tpu.vector_load %arg9[%swap3A_2100] {strides = array<i32>} : memref<64xi32, #tpu.memory_space<vmem>>, vector<16xi32>,
            %swap3A_2102 = vector.shape_cast %swap3A_2101 : vector<16xi32> to vector<16xi32>
            %swap3A_2103 = vector.shape_cast %select_n3A_2099 : vector<16xi32> to vector<16xi32>
            tpu.vector_store %arg9[%swap3A_2100], %swap3A_2103 {strides = array<i32>} : memref<64xi32, #tpu.memory_space<vmem>>, vector<16xi32>,
            %get3A_2104 = arith.constant 1248 : index
            %get3A_2105 = tpu.vector_load %arg7[%get3A_2104] {strides = array<i32>} : memref<1536xi32, #tpu.memory_space<vmem>>, vector<16xi32>,
            %get3A_2106 = vector.shape_cast %get3A_2105 : vector<16xi32> to vector<16xi32>
            %sub3A_2107 = vector.broadcast %add3A_43 : i32 to vector<16xi32>
            %sub3A_2108 = arith.subi %get3A_2106, %sub3A_2107 : vector<16xi32>
            %ge3A_2109 = arith.constant 0 : i32
            %ge3A_2110 = vector.broadcast %ge3A_2109 : i32 to vector<16xi32>
            %ge3A_2111 = arith.cmpi sge, %sub3A_2108, %ge3A_2110 : vector<16xi32>
            %lt3A_2112 = arith.constant 12288 : i32
            %lt3A_2113 = vector.broadcast %lt3A_2112 : i32 to vector<16xi32>
            %lt3A_2114 = arith.cmpi slt, %sub3A_2108, %lt3A_2113 : vector<16xi32>
            %and3A_2115 = arith.andi %ge3A_2111, %lt3A_2114 : vector<16xi1>
            %select_n3A_2116 = arith.select %and3A_2115, %sub3A_2108, %broadcast_in_dim3A_2069 : vector<16xi1>, vector<16xi32>
            %swap3A_2117 = arith.constant 32 : index
            %swap3A_2118 = tpu.vector_load %arg9[%swap3A_2117] {strides = array<i32>} : memref<64xi32, #tpu.memory_space<vmem>>, vector<16xi32>,
            %swap3A_2119 = vector.shape_cast %swap3A_2118 : vector<16xi32> to vector<16xi32>
            %swap3A_2120 = vector.shape_cast %select_n3A_2116 : vector<16xi32> to vector<16xi32>
            tpu.vector_store %arg9[%swap3A_2117], %swap3A_2120 {strides = array<i32>} : memref<64xi32, #tpu.memory_space<vmem>>, vector<16xi32>,
            %get3A_2121 = arith.constant 1264 : index
            %get3A_2122 = tpu.vector_load %arg7[%get3A_2121] {strides = array<i32>} : memref<1536xi32, #tpu.memory_space<vmem>>, vector<16xi32>,
            %get3A_2123 = vector.shape_cast %get3A_2122 : vector<16xi32> to vector<16xi32>
            %sub3A_2124 = vector.broadcast %add3A_43 : i32 to vector<16xi32>
            %sub3A_2125 = arith.subi %get3A_2123, %sub3A_2124 : vector<16xi32>
            %ge3A_2126 = arith.constant 0 : i32
            %ge3A_2127 = vector.broadcast %ge3A_2126 : i32 to vector<16xi32>
            %ge3A_2128 = arith.cmpi sge, %sub3A_2125, %ge3A_2127 : vector<16xi32>
            %lt3A_2129 = arith.constant 12288 : i32
            %lt3A_2130 = vector.broadcast %lt3A_2129 : i32 to vector<16xi32>
            %lt3A_2131 = arith.cmpi slt, %sub3A_2125, %lt3A_2130 : vector<16xi32>
            %and3A_2132 = arith.andi %ge3A_2128, %lt3A_2131 : vector<16xi1>
            %select_n3A_2133 = arith.select %and3A_2132, %sub3A_2125, %broadcast_in_dim3A_2069 : vector<16xi1>, vector<16xi32>
            %swap3A_2134 = arith.constant 48 : index
            %swap3A_2135 = tpu.vector_load %arg9[%swap3A_2134] {strides = array<i32>} : memref<64xi32, #tpu.memory_space<vmem>>, vector<16xi32>,
            %swap3A_2136 = vector.shape_cast %swap3A_2135 : vector<16xi32> to vector<16xi32>
            %swap3A_2137 = vector.shape_cast %select_n3A_2133 : vector<16xi32> to vector<16xi32>
            tpu.vector_store %arg9[%swap3A_2134], %swap3A_2137 {strides = array<i32>} : memref<64xi32, #tpu.memory_space<vmem>>, vector<16xi32>,
            %dma_wait3A_2138 = arith.constant 0 : i32
            %dma_wait3A_2139 = tpu.memref_slice %arg2[%mul3A_1975, %dma_wait3A_2138] : memref<2359296x128xf32, #tpu.memory_space<hbm>> -> memref<64x128xf32, #tpu.memory_space<hbm>>
            %dma_wait3A_2140 = arith.constant 0 : i32
            %dma_wait3A_2141 = tpu.memref_slice %arg2[%mul3A_1975, %dma_wait3A_2140] : memref<2359296x128xf32, #tpu.memory_space<hbm>> -> memref<64x128xf32, #tpu.memory_space<hbm>>
            tpu.wait_dma2 semaphore(%arg11 : memref<!tpu.dma_semaphore, #tpu.memory_space<semaphore_mem>>) src(%dma_wait3A_2141 : memref<64x128xf32, #tpu.memory_space<hbm>>) dst(%arg13 : memref<64x128xf32, #tpu.memory_space<vmem>>)
            %dma_start3A_2142 = arith.constant 0 : i32
            %dma_start3A_2143 = arith.constant 0 : i32
            %dma_start3A_2144 = tpu.memref_slice %arg6[%dma_start3A_2142, %dma_start3A_2143] : memref<12296x128xf32, #tpu.memory_space<vmem_shared>> -> memref<12296x128xf32, #tpu.memory_space<vmem_shared>>
            tpu.enqueue_indirect_dma source(%arg13 : memref<64x128xf32, #tpu.memory_space<vmem>>) target(%dma_start3A_2144 : memref<12296x128xf32, #tpu.memory_space<vmem_shared>>) offsets(%arg9 : memref<64xi32, #tpu.memory_space<vmem>>) semaphore(%arg14 : memref<!tpu.dma_semaphore, #tpu.memory_space<semaphore_mem>>) {add = true}
            %dma_wait3A_2145 = arith.constant 0 : i32
            %dma_wait3A_2146 = arith.constant 0 : i32
            %dma_wait3A_2147 = tpu.memref_slice %arg6[%dma_wait3A_2145, %dma_wait3A_2146] : memref<12296x128xf32, #tpu.memory_space<vmem_shared>> -> memref<12296x128xf32, #tpu.memory_space<vmem_shared>>
            tpu.wait_indirect_dma semaphore(%arg14 : memref<!tpu.dma_semaphore, #tpu.memory_space<semaphore_mem>>) src(%arg13 : memref<64x128xf32, #tpu.memory_space<vmem>>) dst(%dma_wait3A_2147 : memref<12296x128xf32, #tpu.memory_space<vmem_shared>>)
            %add3A_2148 = arith.constant 336 : i32
            %add3A_2149 = arith.addi %add3A_375, %add3A_2148 : i32
            %mul3A_2150 = arith.constant 4 : i32
            %mul3A_2151 = arith.muli %mul3A_2150, %add3A_2149 : i32
            %dma_start3A_2152 = arith.constant 0 : i32
            %dma_start3A_2153 = tpu.memref_slice %arg2[%mul3A_2151, %dma_start3A_2152] : memref<2359296x128xf32, #tpu.memory_space<hbm>> -> memref<64x128xf32, #tpu.memory_space<hbm>>
            %dma_start3A_2154 = arith.constant 0 : i32
            %dma_start3A_2155 = tpu.memref_slice %arg2[%mul3A_2151, %dma_start3A_2154] : memref<2359296x128xf32, #tpu.memory_space<hbm>> -> memref<64x128xf32, #tpu.memory_space<hbm>>
            tpu.enqueue_dma source(%dma_start3A_2155 : memref<64x128xf32, #tpu.memory_space<hbm>>) target(%arg13 : memref<64x128xf32, #tpu.memory_space<vmem>>) target_semaphore(%arg11 : memref<!tpu.dma_semaphore, #tpu.memory_space<semaphore_mem>>)
            %broadcast_in_dim3A_2156 = arith.constant 12288 : i32
            %broadcast_in_dim3A_2157 = vector.broadcast %broadcast_in_dim3A_2156 : i32 to vector<16xi32>
            %get3A_2158 = arith.constant 1280 : index
            %get3A_2159 = tpu.vector_load %arg7[%get3A_2158] {strides = array<i32>} : memref<1536xi32, #tpu.memory_space<vmem>>, vector<16xi32>,
            %get3A_2160 = vector.shape_cast %get3A_2159 : vector<16xi32> to vector<16xi32>
            %sub3A_2161 = vector.broadcast %add3A_43 : i32 to vector<16xi32>
            %sub3A_2162 = arith.subi %get3A_2160, %sub3A_2161 : vector<16xi32>
            %ge3A_2163 = arith.constant 0 : i32
            %ge3A_2164 = vector.broadcast %ge3A_2163 : i32 to vector<16xi32>
            %ge3A_2165 = arith.cmpi sge, %sub3A_2162, %ge3A_2164 : vector<16xi32>
            %lt3A_2166 = arith.constant 12288 : i32
            %lt3A_2167 = vector.broadcast %lt3A_2166 : i32 to vector<16xi32>
            %lt3A_2168 = arith.cmpi slt, %sub3A_2162, %lt3A_2167 : vector<16xi32>
            %and3A_2169 = arith.andi %ge3A_2165, %lt3A_2168 : vector<16xi1>
            %select_n3A_2170 = arith.select %and3A_2169, %sub3A_2162, %broadcast_in_dim3A_2157 : vector<16xi1>, vector<16xi32>
            %swap3A_2171 = arith.constant 0 : index
            %swap3A_2172 = tpu.vector_load %arg8[%swap3A_2171] {strides = array<i32>} : memref<64xi32, #tpu.memory_space<vmem>>, vector<16xi32>,
            %swap3A_2173 = vector.shape_cast %swap3A_2172 : vector<16xi32> to vector<16xi32>
            %swap3A_2174 = vector.shape_cast %select_n3A_2170 : vector<16xi32> to vector<16xi32>
            tpu.vector_store %arg8[%swap3A_2171], %swap3A_2174 {strides = array<i32>} : memref<64xi32, #tpu.memory_space<vmem>>, vector<16xi32>,
            %get3A_2175 = arith.constant 1296 : index
            %get3A_2176 = tpu.vector_load %arg7[%get3A_2175] {strides = array<i32>} : memref<1536xi32, #tpu.memory_space<vmem>>, vector<16xi32>,
            %get3A_2177 = vector.shape_cast %get3A_2176 : vector<16xi32> to vector<16xi32>
            %sub3A_2178 = vector.broadcast %add3A_43 : i32 to vector<16xi32>
            %sub3A_2179 = arith.subi %get3A_2177, %sub3A_2178 : vector<16xi32>
            %ge3A_2180 = arith.constant 0 : i32
            %ge3A_2181 = vector.broadcast %ge3A_2180 : i32 to vector<16xi32>
            %ge3A_2182 = arith.cmpi sge, %sub3A_2179, %ge3A_2181 : vector<16xi32>
            %lt3A_2183 = arith.constant 12288 : i32
            %lt3A_2184 = vector.broadcast %lt3A_2183 : i32 to vector<16xi32>
            %lt3A_2185 = arith.cmpi slt, %sub3A_2179, %lt3A_2184 : vector<16xi32>
            %and3A_2186 = arith.andi %ge3A_2182, %lt3A_2185 : vector<16xi1>
            %select_n3A_2187 = arith.select %and3A_2186, %sub3A_2179, %broadcast_in_dim3A_2157 : vector<16xi1>, vector<16xi32>
            %swap3A_2188 = arith.constant 16 : index
            %swap3A_2189 = tpu.vector_load %arg8[%swap3A_2188] {strides = array<i32>} : memref<64xi32, #tpu.memory_space<vmem>>, vector<16xi32>,
            %swap3A_2190 = vector.shape_cast %swap3A_2189 : vector<16xi32> to vector<16xi32>
            %swap3A_2191 = vector.shape_cast %select_n3A_2187 : vector<16xi32> to vector<16xi32>
            tpu.vector_store %arg8[%swap3A_2188], %swap3A_2191 {strides = array<i32>} : memref<64xi32, #tpu.memory_space<vmem>>, vector<16xi32>,
            %get3A_2192 = arith.constant 1312 : index
            %get3A_2193 = tpu.vector_load %arg7[%get3A_2192] {strides = array<i32>} : memref<1536xi32, #tpu.memory_space<vmem>>, vector<16xi32>,
            %get3A_2194 = vector.shape_cast %get3A_2193 : vector<16xi32> to vector<16xi32>
            %sub3A_2195 = vector.broadcast %add3A_43 : i32 to vector<16xi32>
            %sub3A_2196 = arith.subi %get3A_2194, %sub3A_2195 : vector<16xi32>
            %ge3A_2197 = arith.constant 0 : i32
            %ge3A_2198 = vector.broadcast %ge3A_2197 : i32 to vector<16xi32>
            %ge3A_2199 = arith.cmpi sge, %sub3A_2196, %ge3A_2198 : vector<16xi32>
            %lt3A_2200 = arith.constant 12288 : i32
            %lt3A_2201 = vector.broadcast %lt3A_2200 : i32 to vector<16xi32>
            %lt3A_2202 = arith.cmpi slt, %sub3A_2196, %lt3A_2201 : vector<16xi32>
            %and3A_2203 = arith.andi %ge3A_2199, %lt3A_2202 : vector<16xi1>
            %select_n3A_2204 = arith.select %and3A_2203, %sub3A_2196, %broadcast_in_dim3A_2157 : vector<16xi1>, vector<16xi32>
            %swap3A_2205 = arith.constant 32 : index
            %swap3A_2206 = tpu.vector_load %arg8[%swap3A_2205] {strides = array<i32>} : memref<64xi32, #tpu.memory_space<vmem>>, vector<16xi32>,
            %swap3A_2207 = vector.shape_cast %swap3A_2206 : vector<16xi32> to vector<16xi32>
            %swap3A_2208 = vector.shape_cast %select_n3A_2204 : vector<16xi32> to vector<16xi32>
            tpu.vector_store %arg8[%swap3A_2205], %swap3A_2208 {strides = array<i32>} : memref<64xi32, #tpu.memory_space<vmem>>, vector<16xi32>,
            %get3A_2209 = arith.constant 1328 : index
            %get3A_2210 = tpu.vector_load %arg7[%get3A_2209] {strides = array<i32>} : memref<1536xi32, #tpu.memory_space<vmem>>, vector<16xi32>,
            %get3A_2211 = vector.shape_cast %get3A_2210 : vector<16xi32> to vector<16xi32>
            %sub3A_2212 = vector.broadcast %add3A_43 : i32 to vector<16xi32>
            %sub3A_2213 = arith.subi %get3A_2211, %sub3A_2212 : vector<16xi32>
            %ge3A_2214 = arith.constant 0 : i32
            %ge3A_2215 = vector.broadcast %ge3A_2214 : i32 to vector<16xi32>
            %ge3A_2216 = arith.cmpi sge, %sub3A_2213, %ge3A_2215 : vector<16xi32>
            %lt3A_2217 = arith.constant 12288 : i32
            %lt3A_2218 = vector.broadcast %lt3A_2217 : i32 to vector<16xi32>
            %lt3A_2219 = arith.cmpi slt, %sub3A_2213, %lt3A_2218 : vector<16xi32>
            %and3A_2220 = arith.andi %ge3A_2216, %lt3A_2219 : vector<16xi1>
            %select_n3A_2221 = arith.select %and3A_2220, %sub3A_2213, %broadcast_in_dim3A_2157 : vector<16xi1>, vector<16xi32>
            %swap3A_2222 = arith.constant 48 : index
            %swap3A_2223 = tpu.vector_load %arg8[%swap3A_2222] {strides = array<i32>} : memref<64xi32, #tpu.memory_space<vmem>>, vector<16xi32>,
            %swap3A_2224 = vector.shape_cast %swap3A_2223 : vector<16xi32> to vector<16xi32>
            %swap3A_2225 = vector.shape_cast %select_n3A_2221 : vector<16xi32> to vector<16xi32>
            tpu.vector_store %arg8[%swap3A_2222], %swap3A_2225 {strides = array<i32>} : memref<64xi32, #tpu.memory_space<vmem>>, vector<16xi32>,
            %dma_wait3A_2226 = arith.constant 0 : i32
            %dma_wait3A_2227 = tpu.memref_slice %arg2[%mul3A_2063, %dma_wait3A_2226] : memref<2359296x128xf32, #tpu.memory_space<hbm>> -> memref<64x128xf32, #tpu.memory_space<hbm>>
            %dma_wait3A_2228 = arith.constant 0 : i32
            %dma_wait3A_2229 = tpu.memref_slice %arg2[%mul3A_2063, %dma_wait3A_2228] : memref<2359296x128xf32, #tpu.memory_space<hbm>> -> memref<64x128xf32, #tpu.memory_space<hbm>>
            tpu.wait_dma2 semaphore(%arg11 : memref<!tpu.dma_semaphore, #tpu.memory_space<semaphore_mem>>) src(%dma_wait3A_2229 : memref<64x128xf32, #tpu.memory_space<hbm>>) dst(%arg12 : memref<64x128xf32, #tpu.memory_space<vmem>>)
            %dma_start3A_2230 = arith.constant 0 : i32
            %dma_start3A_2231 = arith.constant 0 : i32
            %dma_start3A_2232 = tpu.memref_slice %arg6[%dma_start3A_2230, %dma_start3A_2231] : memref<12296x128xf32, #tpu.memory_space<vmem_shared>> -> memref<12296x128xf32, #tpu.memory_space<vmem_shared>>
            tpu.enqueue_indirect_dma source(%arg12 : memref<64x128xf32, #tpu.memory_space<vmem>>) target(%dma_start3A_2232 : memref<12296x128xf32, #tpu.memory_space<vmem_shared>>) offsets(%arg8 : memref<64xi32, #tpu.memory_space<vmem>>) semaphore(%arg14 : memref<!tpu.dma_semaphore, #tpu.memory_space<semaphore_mem>>) {add = true}
            %dma_wait3A_2233 = arith.constant 0 : i32
            %dma_wait3A_2234 = arith.constant 0 : i32
            %dma_wait3A_2235 = tpu.memref_slice %arg6[%dma_wait3A_2233, %dma_wait3A_2234] : memref<12296x128xf32, #tpu.memory_space<vmem_shared>> -> memref<12296x128xf32, #tpu.memory_space<vmem_shared>>
            tpu.wait_indirect_dma semaphore(%arg14 : memref<!tpu.dma_semaphore, #tpu.memory_space<semaphore_mem>>) src(%arg12 : memref<64x128xf32, #tpu.memory_space<vmem>>) dst(%dma_wait3A_2235 : memref<12296x128xf32, #tpu.memory_space<vmem_shared>>)
            %add3A_2236 = arith.constant 352 : i32
            %add3A_2237 = arith.addi %add3A_375, %add3A_2236 : i32
            %mul3A_2238 = arith.constant 4 : i32
            %mul3A_2239 = arith.muli %mul3A_2238, %add3A_2237 : i32
            %dma_start3A_2240 = arith.constant 0 : i32
            %dma_start3A_2241 = tpu.memref_slice %arg2[%mul3A_2239, %dma_start3A_2240] : memref<2359296x128xf32, #tpu.memory_space<hbm>> -> memref<64x128xf32, #tpu.memory_space<hbm>>
            %dma_start3A_2242 = arith.constant 0 : i32
            %dma_start3A_2243 = tpu.memref_slice %arg2[%mul3A_2239, %dma_start3A_2242] : memref<2359296x128xf32, #tpu.memory_space<hbm>> -> memref<64x128xf32, #tpu.memory_space<hbm>>
            tpu.enqueue_dma source(%dma_start3A_2243 : memref<64x128xf32, #tpu.memory_space<hbm>>) target(%arg12 : memref<64x128xf32, #tpu.memory_space<vmem>>) target_semaphore(%arg11 : memref<!tpu.dma_semaphore, #tpu.memory_space<semaphore_mem>>)
            %broadcast_in_dim3A_2244 = arith.constant 12288 : i32
            %broadcast_in_dim3A_2245 = vector.broadcast %broadcast_in_dim3A_2244 : i32 to vector<16xi32>
            %get3A_2246 = arith.constant 1344 : index
            %get3A_2247 = tpu.vector_load %arg7[%get3A_2246] {strides = array<i32>} : memref<1536xi32, #tpu.memory_space<vmem>>, vector<16xi32>,
            %get3A_2248 = vector.shape_cast %get3A_2247 : vector<16xi32> to vector<16xi32>
            %sub3A_2249 = vector.broadcast %add3A_43 : i32 to vector<16xi32>
            %sub3A_2250 = arith.subi %get3A_2248, %sub3A_2249 : vector<16xi32>
            %ge3A_2251 = arith.constant 0 : i32
            %ge3A_2252 = vector.broadcast %ge3A_2251 : i32 to vector<16xi32>
            %ge3A_2253 = arith.cmpi sge, %sub3A_2250, %ge3A_2252 : vector<16xi32>
            %lt3A_2254 = arith.constant 12288 : i32
            %lt3A_2255 = vector.broadcast %lt3A_2254 : i32 to vector<16xi32>
            %lt3A_2256 = arith.cmpi slt, %sub3A_2250, %lt3A_2255 : vector<16xi32>
            %and3A_2257 = arith.andi %ge3A_2253, %lt3A_2256 : vector<16xi1>
            %select_n3A_2258 = arith.select %and3A_2257, %sub3A_2250, %broadcast_in_dim3A_2245 : vector<16xi1>, vector<16xi32>
            %swap3A_2259 = arith.constant 0 : index
            %swap3A_2260 = tpu.vector_load %arg9[%swap3A_2259] {strides = array<i32>} : memref<64xi32, #tpu.memory_space<vmem>>, vector<16xi32>,
            %swap3A_2261 = vector.shape_cast %swap3A_2260 : vector<16xi32> to vector<16xi32>
            %swap3A_2262 = vector.shape_cast %select_n3A_2258 : vector<16xi32> to vector<16xi32>
            tpu.vector_store %arg9[%swap3A_2259], %swap3A_2262 {strides = array<i32>} : memref<64xi32, #tpu.memory_space<vmem>>, vector<16xi32>,
            %get3A_2263 = arith.constant 1360 : index
            %get3A_2264 = tpu.vector_load %arg7[%get3A_2263] {strides = array<i32>} : memref<1536xi32, #tpu.memory_space<vmem>>, vector<16xi32>,
            %get3A_2265 = vector.shape_cast %get3A_2264 : vector<16xi32> to vector<16xi32>
            %sub3A_2266 = vector.broadcast %add3A_43 : i32 to vector<16xi32>
            %sub3A_2267 = arith.subi %get3A_2265, %sub3A_2266 : vector<16xi32>
            %ge3A_2268 = arith.constant 0 : i32
            %ge3A_2269 = vector.broadcast %ge3A_2268 : i32 to vector<16xi32>
            %ge3A_2270 = arith.cmpi sge, %sub3A_2267, %ge3A_2269 : vector<16xi32>
            %lt3A_2271 = arith.constant 12288 : i32
            %lt3A_2272 = vector.broadcast %lt3A_2271 : i32 to vector<16xi32>
            %lt3A_2273 = arith.cmpi slt, %sub3A_2267, %lt3A_2272 : vector<16xi32>
            %and3A_2274 = arith.andi %ge3A_2270, %lt3A_2273 : vector<16xi1>
            %select_n3A_2275 = arith.select %and3A_2274, %sub3A_2267, %broadcast_in_dim3A_2245 : vector<16xi1>, vector<16xi32>
            %swap3A_2276 = arith.constant 16 : index
            %swap3A_2277 = tpu.vector_load %arg9[%swap3A_2276] {strides = array<i32>} : memref<64xi32, #tpu.memory_space<vmem>>, vector<16xi32>,
            %swap3A_2278 = vector.shape_cast %swap3A_2277 : vector<16xi32> to vector<16xi32>
            %swap3A_2279 = vector.shape_cast %select_n3A_2275 : vector<16xi32> to vector<16xi32>
            tpu.vector_store %arg9[%swap3A_2276], %swap3A_2279 {strides = array<i32>} : memref<64xi32, #tpu.memory_space<vmem>>, vector<16xi32>,
            %get3A_2280 = arith.constant 1376 : index
            %get3A_2281 = tpu.vector_load %arg7[%get3A_2280] {strides = array<i32>} : memref<1536xi32, #tpu.memory_space<vmem>>, vector<16xi32>,
            %get3A_2282 = vector.shape_cast %get3A_2281 : vector<16xi32> to vector<16xi32>
            %sub3A_2283 = vector.broadcast %add3A_43 : i32 to vector<16xi32>
            %sub3A_2284 = arith.subi %get3A_2282, %sub3A_2283 : vector<16xi32>
            %ge3A_2285 = arith.constant 0 : i32
            %ge3A_2286 = vector.broadcast %ge3A_2285 : i32 to vector<16xi32>
            %ge3A_2287 = arith.cmpi sge, %sub3A_2284, %ge3A_2286 : vector<16xi32>
            %lt3A_2288 = arith.constant 12288 : i32
            %lt3A_2289 = vector.broadcast %lt3A_2288 : i32 to vector<16xi32>
            %lt3A_2290 = arith.cmpi slt, %sub3A_2284, %lt3A_2289 : vector<16xi32>
            %and3A_2291 = arith.andi %ge3A_2287, %lt3A_2290 : vector<16xi1>
            %select_n3A_2292 = arith.select %and3A_2291, %sub3A_2284, %broadcast_in_dim3A_2245 : vector<16xi1>, vector<16xi32>
            %swap3A_2293 = arith.constant 32 : index
            %swap3A_2294 = tpu.vector_load %arg9[%swap3A_2293] {strides = array<i32>} : memref<64xi32, #tpu.memory_space<vmem>>, vector<16xi32>,
            %swap3A_2295 = vector.shape_cast %swap3A_2294 : vector<16xi32> to vector<16xi32>
            %swap3A_2296 = vector.shape_cast %select_n3A_2292 : vector<16xi32> to vector<16xi32>
            tpu.vector_store %arg9[%swap3A_2293], %swap3A_2296 {strides = array<i32>} : memref<64xi32, #tpu.memory_space<vmem>>, vector<16xi32>,
            %get3A_2297 = arith.constant 1392 : index
            %get3A_2298 = tpu.vector_load %arg7[%get3A_2297] {strides = array<i32>} : memref<1536xi32, #tpu.memory_space<vmem>>, vector<16xi32>,
            %get3A_2299 = vector.shape_cast %get3A_2298 : vector<16xi32> to vector<16xi32>
            %sub3A_2300 = vector.broadcast %add3A_43 : i32 to vector<16xi32>
            %sub3A_2301 = arith.subi %get3A_2299, %sub3A_2300 : vector<16xi32>
            %ge3A_2302 = arith.constant 0 : i32
            %ge3A_2303 = vector.broadcast %ge3A_2302 : i32 to vector<16xi32>
            %ge3A_2304 = arith.cmpi sge, %sub3A_2301, %ge3A_2303 : vector<16xi32>
            %lt3A_2305 = arith.constant 12288 : i32
            %lt3A_2306 = vector.broadcast %lt3A_2305 : i32 to vector<16xi32>
            %lt3A_2307 = arith.cmpi slt, %sub3A_2301, %lt3A_2306 : vector<16xi32>
            %and3A_2308 = arith.andi %ge3A_2304, %lt3A_2307 : vector<16xi1>
            %select_n3A_2309 = arith.select %and3A_2308, %sub3A_2301, %broadcast_in_dim3A_2245 : vector<16xi1>, vector<16xi32>
            %swap3A_2310 = arith.constant 48 : index
            %swap3A_2311 = tpu.vector_load %arg9[%swap3A_2310] {strides = array<i32>} : memref<64xi32, #tpu.memory_space<vmem>>, vector<16xi32>,
            %swap3A_2312 = vector.shape_cast %swap3A_2311 : vector<16xi32> to vector<16xi32>
            %swap3A_2313 = vector.shape_cast %select_n3A_2309 : vector<16xi32> to vector<16xi32>
            tpu.vector_store %arg9[%swap3A_2310], %swap3A_2313 {strides = array<i32>} : memref<64xi32, #tpu.memory_space<vmem>>, vector<16xi32>,
            %dma_wait3A_2314 = arith.constant 0 : i32
            %dma_wait3A_2315 = tpu.memref_slice %arg2[%mul3A_2151, %dma_wait3A_2314] : memref<2359296x128xf32, #tpu.memory_space<hbm>> -> memref<64x128xf32, #tpu.memory_space<hbm>>
            %dma_wait3A_2316 = arith.constant 0 : i32
            %dma_wait3A_2317 = tpu.memref_slice %arg2[%mul3A_2151, %dma_wait3A_2316] : memref<2359296x128xf32, #tpu.memory_space<hbm>> -> memref<64x128xf32, #tpu.memory_space<hbm>>
            tpu.wait_dma2 semaphore(%arg11 : memref<!tpu.dma_semaphore, #tpu.memory_space<semaphore_mem>>) src(%dma_wait3A_2317 : memref<64x128xf32, #tpu.memory_space<hbm>>) dst(%arg13 : memref<64x128xf32, #tpu.memory_space<vmem>>)
            %dma_start3A_2318 = arith.constant 0 : i32
            %dma_start3A_2319 = arith.constant 0 : i32
            %dma_start3A_2320 = tpu.memref_slice %arg6[%dma_start3A_2318, %dma_start3A_2319] : memref<12296x128xf32, #tpu.memory_space<vmem_shared>> -> memref<12296x128xf32, #tpu.memory_space<vmem_shared>>
            tpu.enqueue_indirect_dma source(%arg13 : memref<64x128xf32, #tpu.memory_space<vmem>>) target(%dma_start3A_2320 : memref<12296x128xf32, #tpu.memory_space<vmem_shared>>) offsets(%arg9 : memref<64xi32, #tpu.memory_space<vmem>>) semaphore(%arg14 : memref<!tpu.dma_semaphore, #tpu.memory_space<semaphore_mem>>) {add = true}
            %dma_wait3A_2321 = arith.constant 0 : i32
            %dma_wait3A_2322 = arith.constant 0 : i32
            %dma_wait3A_2323 = tpu.memref_slice %arg6[%dma_wait3A_2321, %dma_wait3A_2322] : memref<12296x128xf32, #tpu.memory_space<vmem_shared>> -> memref<12296x128xf32, #tpu.memory_space<vmem_shared>>
            tpu.wait_indirect_dma semaphore(%arg14 : memref<!tpu.dma_semaphore, #tpu.memory_space<semaphore_mem>>) src(%arg13 : memref<64x128xf32, #tpu.memory_space<vmem>>) dst(%dma_wait3A_2323 : memref<12296x128xf32, #tpu.memory_space<vmem_shared>>)
            %add3A_2324 = arith.constant 368 : i32
            %add3A_2325 = arith.addi %add3A_375, %add3A_2324 : i32
            %mul3A_2326 = arith.constant 4 : i32
            %mul3A_2327 = arith.muli %mul3A_2326, %add3A_2325 : i32
            %dma_start3A_2328 = arith.constant 0 : i32
            %dma_start3A_2329 = tpu.memref_slice %arg2[%mul3A_2327, %dma_start3A_2328] : memref<2359296x128xf32, #tpu.memory_space<hbm>> -> memref<64x128xf32, #tpu.memory_space<hbm>>
            %dma_start3A_2330 = arith.constant 0 : i32
            %dma_start3A_2331 = tpu.memref_slice %arg2[%mul3A_2327, %dma_start3A_2330] : memref<2359296x128xf32, #tpu.memory_space<hbm>> -> memref<64x128xf32, #tpu.memory_space<hbm>>
            tpu.enqueue_dma source(%dma_start3A_2331 : memref<64x128xf32, #tpu.memory_space<hbm>>) target(%arg13 : memref<64x128xf32, #tpu.memory_space<vmem>>) target_semaphore(%arg11 : memref<!tpu.dma_semaphore, #tpu.memory_space<semaphore_mem>>)
            %broadcast_in_dim3A_2332 = arith.constant 12288 : i32
            %broadcast_in_dim3A_2333 = vector.broadcast %broadcast_in_dim3A_2332 : i32 to vector<16xi32>
            %get3A_2334 = arith.constant 1408 : index
            %get3A_2335 = tpu.vector_load %arg7[%get3A_2334] {strides = array<i32>} : memref<1536xi32, #tpu.memory_space<vmem>>, vector<16xi32>,
            %get3A_2336 = vector.shape_cast %get3A_2335 : vector<16xi32> to vector<16xi32>
            %sub3A_2337 = vector.broadcast %add3A_43 : i32 to vector<16xi32>
            %sub3A_2338 = arith.subi %get3A_2336, %sub3A_2337 : vector<16xi32>
            %ge3A_2339 = arith.constant 0 : i32
            %ge3A_2340 = vector.broadcast %ge3A_2339 : i32 to vector<16xi32>
            %ge3A_2341 = arith.cmpi sge, %sub3A_2338, %ge3A_2340 : vector<16xi32>
            %lt3A_2342 = arith.constant 12288 : i32
            %lt3A_2343 = vector.broadcast %lt3A_2342 : i32 to vector<16xi32>
            %lt3A_2344 = arith.cmpi slt, %sub3A_2338, %lt3A_2343 : vector<16xi32>
            %and3A_2345 = arith.andi %ge3A_2341, %lt3A_2344 : vector<16xi1>
            %select_n3A_2346 = arith.select %and3A_2345, %sub3A_2338, %broadcast_in_dim3A_2333 : vector<16xi1>, vector<16xi32>
            %swap3A_2347 = arith.constant 0 : index
            %swap3A_2348 = tpu.vector_load %arg8[%swap3A_2347] {strides = array<i32>} : memref<64xi32, #tpu.memory_space<vmem>>, vector<16xi32>,
            %swap3A_2349 = vector.shape_cast %swap3A_2348 : vector<16xi32> to vector<16xi32>
            %swap3A_2350 = vector.shape_cast %select_n3A_2346 : vector<16xi32> to vector<16xi32>
            tpu.vector_store %arg8[%swap3A_2347], %swap3A_2350 {strides = array<i32>} : memref<64xi32, #tpu.memory_space<vmem>>, vector<16xi32>,
            %get3A_2351 = arith.constant 1424 : index
            %get3A_2352 = tpu.vector_load %arg7[%get3A_2351] {strides = array<i32>} : memref<1536xi32, #tpu.memory_space<vmem>>, vector<16xi32>,
            %get3A_2353 = vector.shape_cast %get3A_2352 : vector<16xi32> to vector<16xi32>
            %sub3A_2354 = vector.broadcast %add3A_43 : i32 to vector<16xi32>
            %sub3A_2355 = arith.subi %get3A_2353, %sub3A_2354 : vector<16xi32>
            %ge3A_2356 = arith.constant 0 : i32
            %ge3A_2357 = vector.broadcast %ge3A_2356 : i32 to vector<16xi32>
            %ge3A_2358 = arith.cmpi sge, %sub3A_2355, %ge3A_2357 : vector<16xi32>
            %lt3A_2359 = arith.constant 12288 : i32
            %lt3A_2360 = vector.broadcast %lt3A_2359 : i32 to vector<16xi32>
            %lt3A_2361 = arith.cmpi slt, %sub3A_2355, %lt3A_2360 : vector<16xi32>
            %and3A_2362 = arith.andi %ge3A_2358, %lt3A_2361 : vector<16xi1>
            %select_n3A_2363 = arith.select %and3A_2362, %sub3A_2355, %broadcast_in_dim3A_2333 : vector<16xi1>, vector<16xi32>
            %swap3A_2364 = arith.constant 16 : index
            %swap3A_2365 = tpu.vector_load %arg8[%swap3A_2364] {strides = array<i32>} : memref<64xi32, #tpu.memory_space<vmem>>, vector<16xi32>,
            %swap3A_2366 = vector.shape_cast %swap3A_2365 : vector<16xi32> to vector<16xi32>
            %swap3A_2367 = vector.shape_cast %select_n3A_2363 : vector<16xi32> to vector<16xi32>
            tpu.vector_store %arg8[%swap3A_2364], %swap3A_2367 {strides = array<i32>} : memref<64xi32, #tpu.memory_space<vmem>>, vector<16xi32>,
            %get3A_2368 = arith.constant 1440 : index
            %get3A_2369 = tpu.vector_load %arg7[%get3A_2368] {strides = array<i32>} : memref<1536xi32, #tpu.memory_space<vmem>>, vector<16xi32>,
            %get3A_2370 = vector.shape_cast %get3A_2369 : vector<16xi32> to vector<16xi32>
            %sub3A_2371 = vector.broadcast %add3A_43 : i32 to vector<16xi32>
            %sub3A_2372 = arith.subi %get3A_2370, %sub3A_2371 : vector<16xi32>
            %ge3A_2373 = arith.constant 0 : i32
            %ge3A_2374 = vector.broadcast %ge3A_2373 : i32 to vector<16xi32>
            %ge3A_2375 = arith.cmpi sge, %sub3A_2372, %ge3A_2374 : vector<16xi32>
            %lt3A_2376 = arith.constant 12288 : i32
            %lt3A_2377 = vector.broadcast %lt3A_2376 : i32 to vector<16xi32>
            %lt3A_2378 = arith.cmpi slt, %sub3A_2372, %lt3A_2377 : vector<16xi32>
            %and3A_2379 = arith.andi %ge3A_2375, %lt3A_2378 : vector<16xi1>
            %select_n3A_2380 = arith.select %and3A_2379, %sub3A_2372, %broadcast_in_dim3A_2333 : vector<16xi1>, vector<16xi32>
            %swap3A_2381 = arith.constant 32 : index
            %swap3A_2382 = tpu.vector_load %arg8[%swap3A_2381] {strides = array<i32>} : memref<64xi32, #tpu.memory_space<vmem>>, vector<16xi32>,
            %swap3A_2383 = vector.shape_cast %swap3A_2382 : vector<16xi32> to vector<16xi32>
            %swap3A_2384 = vector.shape_cast %select_n3A_2380 : vector<16xi32> to vector<16xi32>
            tpu.vector_store %arg8[%swap3A_2381], %swap3A_2384 {strides = array<i32>} : memref<64xi32, #tpu.memory_space<vmem>>, vector<16xi32>,
            %get3A_2385 = arith.constant 1456 : index
            %get3A_2386 = tpu.vector_load %arg7[%get3A_2385] {strides = array<i32>} : memref<1536xi32, #tpu.memory_space<vmem>>, vector<16xi32>,
            %get3A_2387 = vector.shape_cast %get3A_2386 : vector<16xi32> to vector<16xi32>
            %sub3A_2388 = vector.broadcast %add3A_43 : i32 to vector<16xi32>
            %sub3A_2389 = arith.subi %get3A_2387, %sub3A_2388 : vector<16xi32>
            %ge3A_2390 = arith.constant 0 : i32
            %ge3A_2391 = vector.broadcast %ge3A_2390 : i32 to vector<16xi32>
            %ge3A_2392 = arith.cmpi sge, %sub3A_2389, %ge3A_2391 : vector<16xi32>
            %lt3A_2393 = arith.constant 12288 : i32
            %lt3A_2394 = vector.broadcast %lt3A_2393 : i32 to vector<16xi32>
            %lt3A_2395 = arith.cmpi slt, %sub3A_2389, %lt3A_2394 : vector<16xi32>
            %and3A_2396 = arith.andi %ge3A_2392, %lt3A_2395 : vector<16xi1>
            %select_n3A_2397 = arith.select %and3A_2396, %sub3A_2389, %broadcast_in_dim3A_2333 : vector<16xi1>, vector<16xi32>
            %swap3A_2398 = arith.constant 48 : index
            %swap3A_2399 = tpu.vector_load %arg8[%swap3A_2398] {strides = array<i32>} : memref<64xi32, #tpu.memory_space<vmem>>, vector<16xi32>,
            %swap3A_2400 = vector.shape_cast %swap3A_2399 : vector<16xi32> to vector<16xi32>
            %swap3A_2401 = vector.shape_cast %select_n3A_2397 : vector<16xi32> to vector<16xi32>
            tpu.vector_store %arg8[%swap3A_2398], %swap3A_2401 {strides = array<i32>} : memref<64xi32, #tpu.memory_space<vmem>>, vector<16xi32>,
            %dma_wait3A_2402 = arith.constant 0 : i32
            %dma_wait3A_2403 = tpu.memref_slice %arg2[%mul3A_2239, %dma_wait3A_2402] : memref<2359296x128xf32, #tpu.memory_space<hbm>> -> memref<64x128xf32, #tpu.memory_space<hbm>>
            %dma_wait3A_2404 = arith.constant 0 : i32
            %dma_wait3A_2405 = tpu.memref_slice %arg2[%mul3A_2239, %dma_wait3A_2404] : memref<2359296x128xf32, #tpu.memory_space<hbm>> -> memref<64x128xf32, #tpu.memory_space<hbm>>
            tpu.wait_dma2 semaphore(%arg11 : memref<!tpu.dma_semaphore, #tpu.memory_space<semaphore_mem>>) src(%dma_wait3A_2405 : memref<64x128xf32, #tpu.memory_space<hbm>>) dst(%arg12 : memref<64x128xf32, #tpu.memory_space<vmem>>)
            %dma_start3A_2406 = arith.constant 0 : i32
            %dma_start3A_2407 = arith.constant 0 : i32
            %dma_start3A_2408 = tpu.memref_slice %arg6[%dma_start3A_2406, %dma_start3A_2407] : memref<12296x128xf32, #tpu.memory_space<vmem_shared>> -> memref<12296x128xf32, #tpu.memory_space<vmem_shared>>
            tpu.enqueue_indirect_dma source(%arg12 : memref<64x128xf32, #tpu.memory_space<vmem>>) target(%dma_start3A_2408 : memref<12296x128xf32, #tpu.memory_space<vmem_shared>>) offsets(%arg8 : memref<64xi32, #tpu.memory_space<vmem>>) semaphore(%arg14 : memref<!tpu.dma_semaphore, #tpu.memory_space<semaphore_mem>>) {add = true}
            %broadcast_in_dim3A_2409 = arith.constant 12288 : i32
            %broadcast_in_dim3A_2410 = vector.broadcast %broadcast_in_dim3A_2409 : i32 to vector<16xi32>
            %get3A_2411 = arith.constant 1472 : index
            %get3A_2412 = tpu.vector_load %arg7[%get3A_2411] {strides = array<i32>} : memref<1536xi32, #tpu.memory_space<vmem>>, vector<16xi32>,
            %get3A_2413 = vector.shape_cast %get3A_2412 : vector<16xi32> to vector<16xi32>
            %sub3A_2414 = vector.broadcast %add3A_43 : i32 to vector<16xi32>
            %sub3A_2415 = arith.subi %get3A_2413, %sub3A_2414 : vector<16xi32>
            %ge3A_2416 = arith.constant 0 : i32
            %ge3A_2417 = vector.broadcast %ge3A_2416 : i32 to vector<16xi32>
            %ge3A_2418 = arith.cmpi sge, %sub3A_2415, %ge3A_2417 : vector<16xi32>
            %lt3A_2419 = arith.constant 12288 : i32
            %lt3A_2420 = vector.broadcast %lt3A_2419 : i32 to vector<16xi32>
            %lt3A_2421 = arith.cmpi slt, %sub3A_2415, %lt3A_2420 : vector<16xi32>
            %and3A_2422 = arith.andi %ge3A_2418, %lt3A_2421 : vector<16xi1>
            %select_n3A_2423 = arith.select %and3A_2422, %sub3A_2415, %broadcast_in_dim3A_2410 : vector<16xi1>, vector<16xi32>
            %swap3A_2424 = arith.constant 0 : index
            %swap3A_2425 = tpu.vector_load %arg9[%swap3A_2424] {strides = array<i32>} : memref<64xi32, #tpu.memory_space<vmem>>, vector<16xi32>,
            %swap3A_2426 = vector.shape_cast %swap3A_2425 : vector<16xi32> to vector<16xi32>
            %swap3A_2427 = vector.shape_cast %select_n3A_2423 : vector<16xi32> to vector<16xi32>
            tpu.vector_store %arg9[%swap3A_2424], %swap3A_2427 {strides = array<i32>} : memref<64xi32, #tpu.memory_space<vmem>>, vector<16xi32>,
            %get3A_2428 = arith.constant 1488 : index
            %get3A_2429 = tpu.vector_load %arg7[%get3A_2428] {strides = array<i32>} : memref<1536xi32, #tpu.memory_space<vmem>>, vector<16xi32>,
            %get3A_2430 = vector.shape_cast %get3A_2429 : vector<16xi32> to vector<16xi32>
            %sub3A_2431 = vector.broadcast %add3A_43 : i32 to vector<16xi32>
            %sub3A_2432 = arith.subi %get3A_2430, %sub3A_2431 : vector<16xi32>
            %ge3A_2433 = arith.constant 0 : i32
            %ge3A_2434 = vector.broadcast %ge3A_2433 : i32 to vector<16xi32>
            %ge3A_2435 = arith.cmpi sge, %sub3A_2432, %ge3A_2434 : vector<16xi32>
            %lt3A_2436 = arith.constant 12288 : i32
            %lt3A_2437 = vector.broadcast %lt3A_2436 : i32 to vector<16xi32>
            %lt3A_2438 = arith.cmpi slt, %sub3A_2432, %lt3A_2437 : vector<16xi32>
            %and3A_2439 = arith.andi %ge3A_2435, %lt3A_2438 : vector<16xi1>
            %select_n3A_2440 = arith.select %and3A_2439, %sub3A_2432, %broadcast_in_dim3A_2410 : vector<16xi1>, vector<16xi32>
            %swap3A_2441 = arith.constant 16 : index
            %swap3A_2442 = tpu.vector_load %arg9[%swap3A_2441] {strides = array<i32>} : memref<64xi32, #tpu.memory_space<vmem>>, vector<16xi32>,
            %swap3A_2443 = vector.shape_cast %swap3A_2442 : vector<16xi32> to vector<16xi32>
            %swap3A_2444 = vector.shape_cast %select_n3A_2440 : vector<16xi32> to vector<16xi32>
            tpu.vector_store %arg9[%swap3A_2441], %swap3A_2444 {strides = array<i32>} : memref<64xi32, #tpu.memory_space<vmem>>, vector<16xi32>,
            %get3A_2445 = arith.constant 1504 : index
            %get3A_2446 = tpu.vector_load %arg7[%get3A_2445] {strides = array<i32>} : memref<1536xi32, #tpu.memory_space<vmem>>, vector<16xi32>,
            %get3A_2447 = vector.shape_cast %get3A_2446 : vector<16xi32> to vector<16xi32>
            %sub3A_2448 = vector.broadcast %add3A_43 : i32 to vector<16xi32>
            %sub3A_2449 = arith.subi %get3A_2447, %sub3A_2448 : vector<16xi32>
            %ge3A_2450 = arith.constant 0 : i32
            %ge3A_2451 = vector.broadcast %ge3A_2450 : i32 to vector<16xi32>
            %ge3A_2452 = arith.cmpi sge, %sub3A_2449, %ge3A_2451 : vector<16xi32>
            %lt3A_2453 = arith.constant 12288 : i32
            %lt3A_2454 = vector.broadcast %lt3A_2453 : i32 to vector<16xi32>
            %lt3A_2455 = arith.cmpi slt, %sub3A_2449, %lt3A_2454 : vector<16xi32>
            %and3A_2456 = arith.andi %ge3A_2452, %lt3A_2455 : vector<16xi1>
            %select_n3A_2457 = arith.select %and3A_2456, %sub3A_2449, %broadcast_in_dim3A_2410 : vector<16xi1>, vector<16xi32>
            %swap3A_2458 = arith.constant 32 : index
            %swap3A_2459 = tpu.vector_load %arg9[%swap3A_2458] {strides = array<i32>} : memref<64xi32, #tpu.memory_space<vmem>>, vector<16xi32>,
            %swap3A_2460 = vector.shape_cast %swap3A_2459 : vector<16xi32> to vector<16xi32>
            %swap3A_2461 = vector.shape_cast %select_n3A_2457 : vector<16xi32> to vector<16xi32>
            tpu.vector_store %arg9[%swap3A_2458], %swap3A_2461 {strides = array<i32>} : memref<64xi32, #tpu.memory_space<vmem>>, vector<16xi32>,
            %get3A_2462 = arith.constant 1520 : index
            %get3A_2463 = tpu.vector_load %arg7[%get3A_2462] {strides = array<i32>} : memref<1536xi32, #tpu.memory_space<vmem>>, vector<16xi32>,
            %get3A_2464 = vector.shape_cast %get3A_2463 : vector<16xi32> to vector<16xi32>
            %sub3A_2465 = vector.broadcast %add3A_43 : i32 to vector<16xi32>
            %sub3A_2466 = arith.subi %get3A_2464, %sub3A_2465 : vector<16xi32>
            %ge3A_2467 = arith.constant 0 : i32
            %ge3A_2468 = vector.broadcast %ge3A_2467 : i32 to vector<16xi32>
            %ge3A_2469 = arith.cmpi sge, %sub3A_2466, %ge3A_2468 : vector<16xi32>
            %lt3A_2470 = arith.constant 12288 : i32
            %lt3A_2471 = vector.broadcast %lt3A_2470 : i32 to vector<16xi32>
            %lt3A_2472 = arith.cmpi slt, %sub3A_2466, %lt3A_2471 : vector<16xi32>
            %and3A_2473 = arith.andi %ge3A_2469, %lt3A_2472 : vector<16xi1>
            %select_n3A_2474 = arith.select %and3A_2473, %sub3A_2466, %broadcast_in_dim3A_2410 : vector<16xi1>, vector<16xi32>
            %swap3A_2475 = arith.constant 48 : index
            %swap3A_2476 = tpu.vector_load %arg9[%swap3A_2475] {strides = array<i32>} : memref<64xi32, #tpu.memory_space<vmem>>, vector<16xi32>,
            %swap3A_2477 = vector.shape_cast %swap3A_2476 : vector<16xi32> to vector<16xi32>
            %swap3A_2478 = vector.shape_cast %select_n3A_2474 : vector<16xi32> to vector<16xi32>
            tpu.vector_store %arg9[%swap3A_2475], %swap3A_2478 {strides = array<i32>} : memref<64xi32, #tpu.memory_space<vmem>>, vector<16xi32>,
            %dma_wait3A_2479 = arith.constant 0 : i32
            %dma_wait3A_2480 = tpu.memref_slice %arg2[%mul3A_2327, %dma_wait3A_2479] : memref<2359296x128xf32, #tpu.memory_space<hbm>> -> memref<64x128xf32, #tpu.memory_space<hbm>>
            %dma_wait3A_2481 = arith.constant 0 : i32
            %dma_wait3A_2482 = tpu.memref_slice %arg2[%mul3A_2327, %dma_wait3A_2481] : memref<2359296x128xf32, #tpu.memory_space<hbm>> -> memref<64x128xf32, #tpu.memory_space<hbm>>
            tpu.wait_dma2 semaphore(%arg11 : memref<!tpu.dma_semaphore, #tpu.memory_space<semaphore_mem>>) src(%dma_wait3A_2482 : memref<64x128xf32, #tpu.memory_space<hbm>>) dst(%arg13 : memref<64x128xf32, #tpu.memory_space<vmem>>)
            %dma_start3A_2483 = arith.constant 0 : i32
            %dma_start3A_2484 = arith.constant 0 : i32
            %dma_start3A_2485 = tpu.memref_slice %arg6[%dma_start3A_2483, %dma_start3A_2484] : memref<12296x128xf32, #tpu.memory_space<vmem_shared>> -> memref<12296x128xf32, #tpu.memory_space<vmem_shared>>
            tpu.enqueue_indirect_dma source(%arg13 : memref<64x128xf32, #tpu.memory_space<vmem>>) target(%dma_start3A_2485 : memref<12296x128xf32, #tpu.memory_space<vmem_shared>>) offsets(%arg9 : memref<64xi32, #tpu.memory_space<vmem>>) semaphore(%arg14 : memref<!tpu.dma_semaphore, #tpu.memory_space<semaphore_mem>>) {add = true}
            %dma_wait3A_2486 = arith.constant 0 : i32
            %dma_wait3A_2487 = arith.constant 0 : i32
            %dma_wait3A_2488 = tpu.memref_slice %arg6[%dma_wait3A_2486, %dma_wait3A_2487] : memref<12296x128xf32, #tpu.memory_space<vmem_shared>> -> memref<12296x128xf32, #tpu.memory_space<vmem_shared>>
            tpu.wait_indirect_dma semaphore(%arg14 : memref<!tpu.dma_semaphore, #tpu.memory_space<semaphore_mem>>) src(%arg12 : memref<64x128xf32, #tpu.memory_space<vmem>>) dst(%dma_wait3A_2488 : memref<12296x128xf32, #tpu.memory_space<vmem_shared>>)
            %dma_wait3A_2489 = arith.constant 0 : i32
            %dma_wait3A_2490 = arith.constant 0 : i32
            %dma_wait3A_2491 = tpu.memref_slice %arg6[%dma_wait3A_2489, %dma_wait3A_2490] : memref<12296x128xf32, #tpu.memory_space<vmem_shared>> -> memref<12296x128xf32, #tpu.memory_space<vmem_shared>>
            tpu.wait_indirect_dma semaphore(%arg14 : memref<!tpu.dma_semaphore, #tpu.memory_space<semaphore_mem>>) src(%arg13 : memref<64x128xf32, #tpu.memory_space<vmem>>) dst(%dma_wait3A_2491 : memref<12296x128xf32, #tpu.memory_space<vmem_shared>>)
          } else {
          }
          %scan3A_369 = arith.constant 0 : i32
          scf.yield %scan3A_369 : i32
        }
        %scan3A_336 = arith.constant 24 : i32
        %barrier3A_337 = arith.constant 0 : index
        tpu.barrier barrier_id(%barrier3A_337)
        %mul3A_338 = arith.constant 384 : i32
        %mul3A_339 = arith.muli %mul3A_40, %mul3A_338 : i32
        %add3A_340 = arith.addi %mul3A_16, %mul3A_339 : i32
        %mul3A_341 = arith.constant 768 : i32
        %mul3A_342 = arith.muli %arg1, %mul3A_341 : i32
        %add3A_343 = arith.addi %add3A_340, %mul3A_342 : i32
        %mul3A_344 = arith.constant 768 : i32
        %mul3A_345 = arith.muli %arg1, %mul3A_344 : i32
        "tpu.region"() ({
          %run_scoped3A = tpu.sem_alloc : memref<!tpu.dma_semaphore, #tpu.memory_space<semaphore_mem>>
          %dma_start3A_347 = arith.constant 0 : i32
          %dma_start3A_348 = tpu.memref_slice %arg5[%add3A_343, %dma_start3A_347] : memref<589824x128xf32, #tpu.memory_space<hbm>> -> memref<768x128xf32, #tpu.memory_space<hbm>>
          %dma_start3A_349 = arith.constant 0 : i32
          %dma_start3A_350 = tpu.memref_slice %arg6[%mul3A_345, %dma_start3A_349] : memref<12296x128xf32, #tpu.memory_space<vmem_shared>> -> memref<768x128xf32, #tpu.memory_space<vmem_shared>>
          tpu.enqueue_dma source(%dma_start3A_350 : memref<768x128xf32, #tpu.memory_space<vmem_shared>>) target(%dma_start3A_348 : memref<768x128xf32, #tpu.memory_space<hbm>>) target_semaphore(%run_scoped3A : memref<!tpu.dma_semaphore, #tpu.memory_space<semaphore_mem>>)
          %dma_wait3A_351 = arith.constant 0 : i32
          %dma_wait3A_352 = tpu.memref_slice %arg5[%add3A_343, %dma_wait3A_351] : memref<589824x128xf32, #tpu.memory_space<hbm>> -> memref<768x128xf32, #tpu.memory_space<hbm>>
          %dma_wait3A_353 = arith.constant 0 : i32
          %dma_wait3A_354 = tpu.memref_slice %arg6[%mul3A_345, %dma_wait3A_353] : memref<12296x128xf32, #tpu.memory_space<vmem_shared>> -> memref<768x128xf32, #tpu.memory_space<vmem_shared>>
          tpu.wait_dma2 semaphore(%run_scoped3A : memref<!tpu.dma_semaphore, #tpu.memory_space<semaphore_mem>>) src(%dma_wait3A_354 : memref<768x128xf32, #tpu.memory_space<vmem_shared>>) dst(%dma_wait3A_352 : memref<768x128xf32, #tpu.memory_space<hbm>>)
          tpu.yield
        }) : () -> ()
        %scan3A_346 = arith.constant 0 : i32
        scf.yield %scan3A_346 : i32
      }
      %scan3A_32 = arith.constant 6 : i32
      %scan3A_33 = arith.constant 0 : i32
      scf.yield %scan3A_33 : i32
    }
    %scan3A_13 = arith.constant 4 : i32
    return
  }
}

module attributes {stable_mosaic.version = 14 : i64} {
  func.func @body(%arg0: i32, %arg1: memref<384x96xf32, #tpu.memory_space<vmem>>, %arg2: memref<384x1xf32, #tpu.memory_space<vmem>>, %arg3: memref<384x1xf32, #tpu.memory_space<vmem>>, %arg4: memref<384x4x128xf32, #tpu.memory_space<vmem>>, %arg5: memref<384x4xi32, #tpu.memory_space<vmem>>) attributes {dimension_semantics = [#tpu.dimension_semantics<arbitrary>], iteration_bounds = array<i64: 1536>, scalar_prefetch = 0 : i64, scratch_operands = 0 : i64, tpu.core_type = #tpu.core_type<tc>, window_params = [{transform_indices = @transform_0, window_bounds = array<i64: 384, 96>}, {transform_indices = @transform_1, window_bounds = array<i64: 384, 1>}, {transform_indices = @transform_2, window_bounds = array<i64: 384, 1>}, {transform_indices = @transform_3, window_bounds = array<i64: 384, 4, 128>}, {transform_indices = @transform_4, window_bounds = array<i64: 384, 4>}]} {
    %jit3A = arith.constant 384 : i32
    %eq3A = arith.constant 0 : i32
    %eq3A_0 = arith.cmpi eq, %jit3A, %eq3A : i32
    %jit3A_1 = arith.constant 1 : i32
    %select_n3A = arith.select %eq3A_0, %jit3A_1, %jit3A : i32
    %rem3A = arith.remsi %arg0, %select_n3A : i32
    %ne3A = arith.constant 0 : i32
    %ne3A_2 = arith.cmpi ne, %rem3A, %ne3A : i32
    %lt3A = arith.constant 0 : i32
    %lt3A_3 = arith.cmpi slt, %rem3A, %lt3A : i32
    %lt3A_4 = arith.constant 0 : i32
    %lt3A_5 = arith.cmpi slt, %select_n3A, %lt3A_4 : i32
    %ne3A_6 = arith.xori %lt3A_3, %lt3A_5 : i1
    %and3A = arith.andi %ne3A_6, %ne3A_2 : i1
    %add3A = arith.addi %rem3A, %select_n3A : i32
    %select_n3A_7 = arith.select %and3A, %add3A, %rem3A : i32
    %jit3A_8 = arith.constant 384 : i32
    %div3A = arith.divsi %arg0, %jit3A_8 : i32
    %sign3A = arith.constant 0 : i32
    %sign3A_9 = arith.cmpi sgt, %arg0, %sign3A : i32
    %sign3A_10 = arith.extui %sign3A_9 : i1 to i32
    %sign3A_11 = arith.constant 0 : i32
    %sign3A_12 = arith.cmpi slt, %arg0, %sign3A_11 : i32
    %sign3A_13 = arith.extui %sign3A_12 : i1 to i32
    %sign3A_14 = arith.subi %sign3A_10, %sign3A_13 : i32
    %sign3A_15 = arith.constant 0 : i32
    %sign3A_16 = arith.cmpi sgt, %jit3A_8, %sign3A_15 : i32
    %sign3A_17 = arith.extui %sign3A_16 : i1 to i32
    %sign3A_18 = arith.constant 0 : i32
    %sign3A_19 = arith.cmpi slt, %jit3A_8, %sign3A_18 : i32
    %sign3A_20 = arith.extui %sign3A_19 : i1 to i32
    %sign3A_21 = arith.subi %sign3A_17, %sign3A_20 : i32
    %ne3A_22 = arith.cmpi ne, %sign3A_14, %sign3A_21 : i32
    %rem3A_23 = arith.remsi %arg0, %jit3A_8 : i32
    %ne3A_24 = arith.constant 0 : i32
    %ne3A_25 = arith.cmpi ne, %rem3A_23, %ne3A_24 : i32
    %and3A_26 = arith.andi %ne3A_22, %ne3A_25 : i1
    %sub3A = arith.constant 1 : i32
    %sub3A_27 = arith.subi %div3A, %sub3A : i32
    %select_n3A_28 = arith.select %and3A_26, %sub3A_27, %div3A : i32
    %iota3A = tpu.iota {dimensions = array<i32: 0>} : vector<384x1xi32>
    %convert_element_type3A = arith.sitofp %iota3A : vector<384x1xi32> to vector<384x1xf32>
    %get3A = arith.constant 0 : index
    %get3A_29 = arith.constant 0 : index
    %get3A_30 = vector.load %arg2[%get3A, %get3A_29] : memref<384x1xf32, #tpu.memory_space<vmem>>, vector<384x1xf32>
    %add3A_31 = arith.addf %convert_element_type3A, %get3A_30 : vector<384x1xf32>
    %convert_element_type3A_32 = arith.sitofp %select_n3A_7 : i32 to f32
    %get3A_33 = arith.constant 0 : index
    %get3A_34 = arith.constant 0 : index
    %get3A_35 = vector.load %arg3[%get3A_33, %get3A_34] : memref<384x1xf32, #tpu.memory_space<vmem>>, vector<384x1xf32>
    %add3A_36 = vector.broadcast %convert_element_type3A_32 : f32 to vector<384x1xf32>
    %add3A_37 = arith.addf %add3A_36, %get3A_35 : vector<384x1xf32>
    %jit3A_38 = arith.constant -2.000000e+00 : f32
    %jit3A_39 = arith.constant 3.850000e+02 : f32
    %max3A = vector.broadcast %jit3A_38 : f32 to vector<384x1xf32>
    %max3A_40 = arith.maximumf %max3A, %add3A_31 : vector<384x1xf32>
    %min3A = vector.broadcast %jit3A_39 : f32 to vector<384x1xf32>
    %min3A_41 = arith.minimumf %min3A, %max3A_40 : vector<384x1xf32>
    %jit3A_42 = arith.constant -2.000000e+00 : f32
    %jit3A_43 = arith.constant 3.850000e+02 : f32
    %max3A_44 = vector.broadcast %jit3A_42 : f32 to vector<384x1xf32>
    %max3A_45 = arith.maximumf %max3A_44, %add3A_37 : vector<384x1xf32>
    %min3A_46 = vector.broadcast %jit3A_43 : f32 to vector<384x1xf32>
    %min3A_47 = arith.minimumf %min3A_46, %max3A_45 : vector<384x1xf32>
    %floor3A = math.floor %min3A_41 : vector<384x1xf32>
    %floor3A_48 = math.floor %min3A_47 : vector<384x1xf32>
    %ge3A = arith.constant 0.000000e+00 : f32
    %ge3A_49 = vector.broadcast %ge3A : f32 to vector<384x1xf32>
    %ge3A_50 = arith.cmpf oge, %floor3A, %ge3A_49 : vector<384x1xf32>
    %le3A = arith.constant 3.820000e+02 : f32
    %le3A_51 = vector.broadcast %le3A : f32 to vector<384x1xf32>
    %le3A_52 = arith.cmpf ole, %floor3A, %le3A_51 : vector<384x1xf32>
    %and3A_53 = arith.andi %ge3A_50, %le3A_52 : vector<384x1xi1>
    %ge3A_54 = arith.constant 0.000000e+00 : f32
    %ge3A_55 = vector.broadcast %ge3A_54 : f32 to vector<384x1xf32>
    %ge3A_56 = arith.cmpf oge, %floor3A_48, %ge3A_55 : vector<384x1xf32>
    %and3A_57 = arith.andi %and3A_53, %ge3A_56 : vector<384x1xi1>
    %le3A_58 = arith.constant 3.820000e+02 : f32
    %le3A_59 = vector.broadcast %le3A_58 : f32 to vector<384x1xf32>
    %le3A_60 = arith.cmpf ole, %floor3A_48, %le3A_59 : vector<384x1xf32>
    %and3A_61 = arith.andi %and3A_57, %le3A_60 : vector<384x1xi1>
    %sub3A_62 = arith.subf %min3A_41, %floor3A : vector<384x1xf32>
    %sub3A_63 = arith.subf %min3A_47, %floor3A_48 : vector<384x1xf32>
    %sub3A_64 = arith.constant 1.000000e+00 : f32
    %sub3A_65 = vector.broadcast %sub3A_64 : f32 to vector<384x1xf32>
    %sub3A_66 = arith.subf %sub3A_65, %sub3A_62 : vector<384x1xf32>
    %sub3A_67 = arith.constant 1.000000e+00 : f32
    %sub3A_68 = vector.broadcast %sub3A_67 : f32 to vector<384x1xf32>
    %sub3A_69 = arith.subf %sub3A_68, %sub3A_63 : vector<384x1xf32>
    %broadcast_in_dim3A = arith.constant 0.000000e+00 : f32
    %broadcast_in_dim3A_70 = vector.broadcast %broadcast_in_dim3A : f32 to vector<384x1xf32>
    %convert_element_type3A_71 = arith.fptosi %floor3A : vector<384x1xf32> to vector<384x1xi32>
    %jit3A_72 = arith.constant 0 : i32
    %jit3A_73 = arith.constant 382 : i32
    %max3A_74 = vector.broadcast %jit3A_72 : i32 to vector<384x1xi32>
    %max3A_75 = arith.maxsi %max3A_74, %convert_element_type3A_71 : vector<384x1xi32>
    %min3A_76 = vector.broadcast %jit3A_73 : i32 to vector<384x1xi32>
    %min3A_77 = arith.minsi %min3A_76, %max3A_75 : vector<384x1xi32>
    %convert_element_type3A_78 = arith.fptosi %floor3A_48 : vector<384x1xf32> to vector<384x1xi32>
    %jit3A_79 = arith.constant 0 : i32
    %jit3A_80 = arith.constant 382 : i32
    %max3A_81 = vector.broadcast %jit3A_79 : i32 to vector<384x1xi32>
    %max3A_82 = arith.maxsi %max3A_81, %convert_element_type3A_78 : vector<384x1xi32>
    %min3A_83 = vector.broadcast %jit3A_80 : i32 to vector<384x1xi32>
    %min3A_84 = arith.minsi %min3A_83, %max3A_82 : vector<384x1xi32>
    %mul3A = arith.constant 147456 : i32
    %mul3A_85 = arith.muli %select_n3A_28, %mul3A : i32
    %mul3A_86 = arith.constant 384 : i32
    %mul3A_87 = vector.broadcast %mul3A_86 : i32 to vector<384x1xi32>
    %mul3A_88 = arith.muli %min3A_84, %mul3A_87 : vector<384x1xi32>
    %add3A_89 = vector.broadcast %mul3A_85 : i32 to vector<384x1xi32>
    %add3A_90 = arith.addi %add3A_89, %mul3A_88 : vector<384x1xi32>
    %add3A_91 = arith.addi %add3A_90, %min3A_77 : vector<384x1xi32>
    %get3A_92 = arith.constant 0 : index
    %get3A_93 = arith.constant 0 : index
    %get3A_94 = vector.load %arg1[%get3A_92, %get3A_93] : memref<384x96xf32, #tpu.memory_space<vmem>>, vector<384x96xf32>
    %broadcast_in_dim3A_95 = arith.constant 0.000000e+00 : f32
    %broadcast_in_dim3A_96 = vector.broadcast %broadcast_in_dim3A_95 : f32 to vector<384x32xf32>
    %mul3A_97 = arith.mulf %sub3A_66, %sub3A_69 : vector<384x1xf32>
    %mul3A_98 = arith.mulf %sub3A_62, %sub3A_69 : vector<384x1xf32>
    %mul3A_99 = arith.mulf %sub3A_66, %sub3A_63 : vector<384x1xf32>
    %mul3A_100 = arith.mulf %sub3A_62, %sub3A_63 : vector<384x1xf32>
    %select_n3A_101 = arith.select %and3A_61, %mul3A_97, %broadcast_in_dim3A_70 : vector<384x1xi1>, vector<384x1xf32>
    %mul3A_102 = vector.broadcast %select_n3A_101 : vector<384x1xf32> to vector<384x96xf32>
    %mul3A_103 = arith.mulf %get3A_94, %mul3A_102 : vector<384x96xf32>
    %swap3A = arith.constant 0 : index
    %swap3A_104 = arith.constant 0 : index
    %swap3A_105 = arith.constant 0 : index
    %swap3A_106 = vector.load %arg4[%swap3A, %swap3A_104, %swap3A_105] : memref<384x4x128xf32, #tpu.memory_space<vmem>>, vector<384x1x96xf32>
    %swap3A_107 = vector.shape_cast %swap3A_106 : vector<384x1x96xf32> to vector<384x96xf32>
    %swap3A_108 = vector.shape_cast %mul3A_103 : vector<384x96xf32> to vector<384x1x96xf32>
    tpu.vector_store %arg4[%swap3A, %swap3A_104, %swap3A_105], %swap3A_108 {strides = array<i32>} : memref<384x4x128xf32, #tpu.memory_space<vmem>>, vector<384x1x96xf32>,
    %swap3A_109 = arith.constant 0 : index
    %swap3A_110 = arith.constant 0 : index
    %swap3A_111 = arith.constant 96 : index
    %swap3A_112 = vector.load %arg4[%swap3A_109, %swap3A_110, %swap3A_111] : memref<384x4x128xf32, #tpu.memory_space<vmem>>, vector<384x1x32xf32>
    %swap3A_113 = vector.shape_cast %swap3A_112 : vector<384x1x32xf32> to vector<384x32xf32>
    %swap3A_114 = vector.shape_cast %broadcast_in_dim3A_96 : vector<384x32xf32> to vector<384x1x32xf32>
    tpu.vector_store %arg4[%swap3A_109, %swap3A_110, %swap3A_111], %swap3A_114 {strides = array<i32>} : memref<384x4x128xf32, #tpu.memory_space<vmem>>, vector<384x1x32xf32>,
    %add3A_115 = arith.constant 0 : i32
    %add3A_116 = vector.broadcast %add3A_115 : i32 to vector<384x1xi32>
    %add3A_117 = arith.addi %add3A_91, %add3A_116 : vector<384x1xi32>
    %swap3A_118 = arith.constant 0 : index
    %swap3A_119 = arith.constant 0 : index
    %swap3A_120 = vector.load %arg5[%swap3A_118, %swap3A_119] : memref<384x4xi32, #tpu.memory_space<vmem>>, vector<384x1xi32>
    tpu.vector_store %arg5[%swap3A_118, %swap3A_119], %add3A_117 {strides = array<i32>} : memref<384x4xi32, #tpu.memory_space<vmem>>, vector<384x1xi32>,
    %select_n3A_121 = arith.select %and3A_61, %mul3A_98, %broadcast_in_dim3A_70 : vector<384x1xi1>, vector<384x1xf32>
    %mul3A_122 = vector.broadcast %select_n3A_121 : vector<384x1xf32> to vector<384x96xf32>
    %mul3A_123 = arith.mulf %get3A_94, %mul3A_122 : vector<384x96xf32>
    %swap3A_124 = arith.constant 0 : index
    %swap3A_125 = arith.constant 1 : index
    %swap3A_126 = arith.constant 0 : index
    %swap3A_127 = vector.load %arg4[%swap3A_124, %swap3A_125, %swap3A_126] : memref<384x4x128xf32, #tpu.memory_space<vmem>>, vector<384x1x96xf32>
    %swap3A_128 = vector.shape_cast %swap3A_127 : vector<384x1x96xf32> to vector<384x96xf32>
    %swap3A_129 = vector.shape_cast %mul3A_123 : vector<384x96xf32> to vector<384x1x96xf32>
    tpu.vector_store %arg4[%swap3A_124, %swap3A_125, %swap3A_126], %swap3A_129 {strides = array<i32>} : memref<384x4x128xf32, #tpu.memory_space<vmem>>, vector<384x1x96xf32>,
    %swap3A_130 = arith.constant 0 : index
    %swap3A_131 = arith.constant 1 : index
    %swap3A_132 = arith.constant 96 : index
    %swap3A_133 = vector.load %arg4[%swap3A_130, %swap3A_131, %swap3A_132] : memref<384x4x128xf32, #tpu.memory_space<vmem>>, vector<384x1x32xf32>
    %swap3A_134 = vector.shape_cast %swap3A_133 : vector<384x1x32xf32> to vector<384x32xf32>
    %swap3A_135 = vector.shape_cast %broadcast_in_dim3A_96 : vector<384x32xf32> to vector<384x1x32xf32>
    tpu.vector_store %arg4[%swap3A_130, %swap3A_131, %swap3A_132], %swap3A_135 {strides = array<i32>} : memref<384x4x128xf32, #tpu.memory_space<vmem>>, vector<384x1x32xf32>,
    %add3A_136 = arith.constant 1 : i32
    %add3A_137 = vector.broadcast %add3A_136 : i32 to vector<384x1xi32>
    %add3A_138 = arith.addi %add3A_91, %add3A_137 : vector<384x1xi32>
    %swap3A_139 = arith.constant 0 : index
    %swap3A_140 = arith.constant 1 : index
    %swap3A_141 = vector.load %arg5[%swap3A_139, %swap3A_140] : memref<384x4xi32, #tpu.memory_space<vmem>>, vector<384x1xi32>
    tpu.vector_store %arg5[%swap3A_139, %swap3A_140], %add3A_138 {strides = array<i32>} : memref<384x4xi32, #tpu.memory_space<vmem>>, vector<384x1xi32>,
    %select_n3A_142 = arith.select %and3A_61, %mul3A_99, %broadcast_in_dim3A_70 : vector<384x1xi1>, vector<384x1xf32>
    %mul3A_143 = vector.broadcast %select_n3A_142 : vector<384x1xf32> to vector<384x96xf32>
    %mul3A_144 = arith.mulf %get3A_94, %mul3A_143 : vector<384x96xf32>
    %swap3A_145 = arith.constant 0 : index
    %swap3A_146 = arith.constant 2 : index
    %swap3A_147 = arith.constant 0 : index
    %swap3A_148 = vector.load %arg4[%swap3A_145, %swap3A_146, %swap3A_147] : memref<384x4x128xf32, #tpu.memory_space<vmem>>, vector<384x1x96xf32>
    %swap3A_149 = vector.shape_cast %swap3A_148 : vector<384x1x96xf32> to vector<384x96xf32>
    %swap3A_150 = vector.shape_cast %mul3A_144 : vector<384x96xf32> to vector<384x1x96xf32>
    tpu.vector_store %arg4[%swap3A_145, %swap3A_146, %swap3A_147], %swap3A_150 {strides = array<i32>} : memref<384x4x128xf32, #tpu.memory_space<vmem>>, vector<384x1x96xf32>,
    %swap3A_151 = arith.constant 0 : index
    %swap3A_152 = arith.constant 2 : index
    %swap3A_153 = arith.constant 96 : index
    %swap3A_154 = vector.load %arg4[%swap3A_151, %swap3A_152, %swap3A_153] : memref<384x4x128xf32, #tpu.memory_space<vmem>>, vector<384x1x32xf32>
    %swap3A_155 = vector.shape_cast %swap3A_154 : vector<384x1x32xf32> to vector<384x32xf32>
    %swap3A_156 = vector.shape_cast %broadcast_in_dim3A_96 : vector<384x32xf32> to vector<384x1x32xf32>
    tpu.vector_store %arg4[%swap3A_151, %swap3A_152, %swap3A_153], %swap3A_156 {strides = array<i32>} : memref<384x4x128xf32, #tpu.memory_space<vmem>>, vector<384x1x32xf32>,
    %add3A_157 = arith.constant 384 : i32
    %add3A_158 = vector.broadcast %add3A_157 : i32 to vector<384x1xi32>
    %add3A_159 = arith.addi %add3A_91, %add3A_158 : vector<384x1xi32>
    %swap3A_160 = arith.constant 0 : index
    %swap3A_161 = arith.constant 2 : index
    %swap3A_162 = vector.load %arg5[%swap3A_160, %swap3A_161] : memref<384x4xi32, #tpu.memory_space<vmem>>, vector<384x1xi32>
    tpu.vector_store %arg5[%swap3A_160, %swap3A_161], %add3A_159 {strides = array<i32>} : memref<384x4xi32, #tpu.memory_space<vmem>>, vector<384x1xi32>,
    %select_n3A_163 = arith.select %and3A_61, %mul3A_100, %broadcast_in_dim3A_70 : vector<384x1xi1>, vector<384x1xf32>
    %mul3A_164 = vector.broadcast %select_n3A_163 : vector<384x1xf32> to vector<384x96xf32>
    %mul3A_165 = arith.mulf %get3A_94, %mul3A_164 : vector<384x96xf32>
    %swap3A_166 = arith.constant 0 : index
    %swap3A_167 = arith.constant 3 : index
    %swap3A_168 = arith.constant 0 : index
    %swap3A_169 = vector.load %arg4[%swap3A_166, %swap3A_167, %swap3A_168] : memref<384x4x128xf32, #tpu.memory_space<vmem>>, vector<384x1x96xf32>
    %swap3A_170 = vector.shape_cast %swap3A_169 : vector<384x1x96xf32> to vector<384x96xf32>
    %swap3A_171 = vector.shape_cast %mul3A_165 : vector<384x96xf32> to vector<384x1x96xf32>
    tpu.vector_store %arg4[%swap3A_166, %swap3A_167, %swap3A_168], %swap3A_171 {strides = array<i32>} : memref<384x4x128xf32, #tpu.memory_space<vmem>>, vector<384x1x96xf32>,
    %swap3A_172 = arith.constant 0 : index
    %swap3A_173 = arith.constant 3 : index
    %swap3A_174 = arith.constant 96 : index
    %swap3A_175 = vector.load %arg4[%swap3A_172, %swap3A_173, %swap3A_174] : memref<384x4x128xf32, #tpu.memory_space<vmem>>, vector<384x1x32xf32>
    %swap3A_176 = vector.shape_cast %swap3A_175 : vector<384x1x32xf32> to vector<384x32xf32>
    %swap3A_177 = vector.shape_cast %broadcast_in_dim3A_96 : vector<384x32xf32> to vector<384x1x32xf32>
    tpu.vector_store %arg4[%swap3A_172, %swap3A_173, %swap3A_174], %swap3A_177 {strides = array<i32>} : memref<384x4x128xf32, #tpu.memory_space<vmem>>, vector<384x1x32xf32>,
    %add3A_178 = arith.constant 385 : i32
    %add3A_179 = vector.broadcast %add3A_178 : i32 to vector<384x1xi32>
    %add3A_180 = arith.addi %add3A_91, %add3A_179 : vector<384x1xi32>
    %swap3A_181 = arith.constant 0 : index
    %swap3A_182 = arith.constant 3 : index
    %swap3A_183 = vector.load %arg5[%swap3A_181, %swap3A_182] : memref<384x4xi32, #tpu.memory_space<vmem>>, vector<384x1xi32>
    tpu.vector_store %arg5[%swap3A_181, %swap3A_182], %add3A_180 {strides = array<i32>} : memref<384x4xi32, #tpu.memory_space<vmem>>, vector<384x1xi32>,
    return
  }
  func.func @transform_0(%arg0: i32) -> (i32, i32) {
    %c0_i32 = arith.constant 0 : i32
    %c0_i32_0 = arith.constant 0 : i32
    return %arg0, %c0_i32 : i32, i32
  }
  func.func @transform_1(%arg0: i32) -> (i32, i32) {
    %c0_i32 = arith.constant 0 : i32
    %c0_i32_0 = arith.constant 0 : i32
    return %arg0, %c0_i32 : i32, i32
  }
  func.func @transform_2(%arg0: i32) -> (i32, i32) {
    %c0_i32 = arith.constant 0 : i32
    %c0_i32_0 = arith.constant 0 : i32
    return %arg0, %c0_i32 : i32, i32
  }
  func.func @transform_3(%arg0: i32) -> (i32, i32, i32) {
    %c0_i32 = arith.constant 0 : i32
    %c0_i32_0 = arith.constant 0 : i32
    %c0_i32_1 = arith.constant 0 : i32
    return %arg0, %c0_i32, %c0_i32_0 : i32, i32, i32
  }
  func.func @transform_4(%arg0: i32) -> (i32, i32) {
    %c0_i32 = arith.constant 0 : i32
    %c0_i32_0 = arith.constant 0 : i32
    return %arg0, %c0_i32 : i32, i32
  }
}

</mosaic_0001>

<sc_bundles>
// kernel: kernel.4.cloned.1.call-start
scs
__scs_entry_jumppad:
0x0: {  	(pc) =	sbr.rel $0x88, $3  }
0x1: {  	(tag) =	ssettag $0x0;
	lr =	simm.s32 $0x1  }
0x2: {  	[smem:$0x3F9F] =	sst lr;
	_ =	strace $0xD0000000  }
0x3: {  	_ = 	snop  }
0x4: {  	_ = 	snop  }
0x5: {  	_ = 	snop  }
0x6: {  	_ = 	snop  }
0x7: {  	_ = 	snop  }
__scs_overlays_trampoline_lowered:
0x8: {  	[smem:$0x3FAE] =	sst s0  }
0x9: {  	[smem:$0x3FAF] =	sst s1  }
0xa: {  	[smem:$0x3FB0] =	sst s2  }
0xb: {  	[smem:$0x3FB1] =	sst s3  }
0xc: {  	[smem:$0x3FB2] =	sst s4  }
0xd: {  	[smem:$0x3FB3] =	sst s5  }
0xe: {  	[smem:$0x3FB4] =	sst s6  }
0xf: {  	[smem:$0x3FB5] =	sst s7  }
0x10: {  	[smem:$0x3FB6] =	sst s8  }
0x11: {  	[smem:$0x3FB7] =	sst s9;
	s0 =	simm.s32 @!p0 $0x0  }
0x12: {  	s1 =	sld [smem:$0x3F9D];
	s0 =	simm.s32 @p0 $0x1  }
0x13: {  	[smem:$0x3FB8] =	sst s0;
	s0 =	simm.s32 @!p1 $0x0  }
0x14: {  	s2 =	sld [smem:$0x3F9C];
	s0 =	simm.s32 @p1 $0x1  }
0x15: {  	[smem:$0x3FB9] =	sst s0;
	s0 =	simm.s32 @!p2 $0x0  }
0x16: {  	s3 =	sld [smem:$0x3FDB];
	s0 =	simm.s32 @p2 $0x1  }
0x17: {  	s4 =	simm.s32 $0x1BF5;
	[smem:$0x3FBB] =	sst s0  }
0x18: {  	s0 =	sld [smem:$0x3F9E];
	_ =	swait.ge [sflag:s4], $0x0  }
0x19: {  	s7 =	sld [smem:$0x3F9F]  }
0x1a: {  	s8 =	sadd.s32 $0xFFFFE003, lr  }
0x1b: {  	s9 =	sadd.s32 $0xFFFFFEF7, lr;
	s5 =	simm.s32 $0xFFFFFFFF;
	p2 =	slt.u32 s8, $0xFFFFF086  }
0x1c: {  	p1 =	slt.u32 s9, $0xF7A;
	s5 =	simm.s32 @!p2 $0x0  }
0x1d: {  	s5 =	simm.s32 @p1 $0x1;
	p0 =	seq.s32 s7, s2  }
0x1e: {  	s7 =	smul.u32 @!p0 $0xF7A, s2;
	p2 =	seq.s32 @!p0 s5, $0x0  }
0x1f: {  	s9 =	smul.u32 $0xF7A, s1;
	s8 =	simm.s32 @!p0 $0x1BF5;
	p2 =	por !p2, p0  }
0x20: {  	[sflag:s8] =	ssyncset.s32 @!p0 $0xFFFFF086;
	s6 =	sadd.s32 @!p0 s3, s7;
	s7 =	simm.s32 @!p0 $0x108  }
0x21: {  	s3 =	sadd.s32 s3, s9;
	s6 =	sadd.s32 @!p0 $0x88, s6;
	s7 =	simm.s32 @p2 $0x1082  }
0x22: {  	[simem:s7], [sflag:s8] =	dma.local @!p0 [hbm:s6], $0xF7A  }
0x23: {  	s9 =	sor.u32 $0xD0000000, s2;
	s6 =	simm.s32 $0x108;
	_ =	swait.ge @!p0 [sflag:s8], $0x0  }
0x24: {  	s3 =	sadd.s32 $0x88, s3;
	s6 =	simm.s32 @!p1 $0x1082;
	[sflag:s4] =	ssyncset.s32 $0xFFFFF086  }
0x25: {  	[simem:s6], [sflag:s4] =	dma.local [hbm:s3], $0xF7A  }
0x26: {  	[smem:$0x3F9F] =	sst s1;
	(tag) =	ssettag s2;
	_ =	strace s9  }
0x27: {  	s1 =	sld [smem:$0x3FAF]  }
0x28: {  	s2 =	sld [smem:$0x3FB0]  }
0x29: {  	s4 =	sld [smem:$0x3FB2]  }
0x2a: {  	p0 =	seq.s32 s5, $0x0;
	s5 =	sld [smem:$0x3FB3]  }
0x2b: {  	s6 =	sld [smem:$0x3FB4]  }
0x2c: {  	s7 =	sld [smem:$0x3FB5]  }
0x2d: {  	s3 =	simm.s32 $0x108;
	s8 =	sld [smem:$0x3FB6]  }
0x2e: {  	s3 =	simm.s32 @!p0 $0x1082;
	s9 =	sld [smem:$0x3FB7]  }
0x2f: {  	lr =	sadd.s32 s0, s3;
	s0 =	sld [smem:$0x3FAE]  }
0x30: {  	s3 =	sld [smem:$0x3FB1]  }
0x31: {  	[smem:$0x3FBA] =	sst s10  }
0x32: {  	s10 =	sld [smem:$0x3FB8];
	_ =	sdelay $0x3  }
0x33: {  	p0 =	seq.s32 s10, $0x1;
	s10 =	sld [smem:$0x3FBA];
	_ =	sdelay $0x3  }
0x34: {  	[smem:$0x3FBA] =	sst s10  }
0x35: {  	s10 =	sld [smem:$0x3FB9];
	_ =	sdelay $0x3  }
0x36: {  	p1 =	seq.s32 s10, $0x1;
	s10 =	sld [smem:$0x3FBA];
	_ =	sdelay $0x3  }
0x37: {  	[smem:$0x3FBA] =	sst s10  }
0x38: {  	s10 =	sld [smem:$0x3FBB]  }
0x39: {  	_ = 	snop;
	(pc) =	sbr.ind lr, $3  }
0x3a: {  	_ = 	snop  }
0x3b: {  	_ = 	snop  }
0x3c: {  	p2 =	seq.s32 s10, $0x1;
	s10 =	sld [smem:$0x3FBA]  }
0x3d: {  	_ =	shalt  }
0x3e: {  	_ =	shalt  }
0x3f: {  	_ =	shalt  }
0x40: {  	_ =	shalt  }
0x41: {  	_ =	shalt  }
0x42: {  	_ =	shalt  }
0x43: {  	_ =	shalt  }
0x44: {  	_ =	shalt  }
0x45: {  	_ =	shalt  }
0x46: {  	_ =	shalt  }
0x47: {  	_ =	shalt  }
0x48: {  	_ =	shalt  }
0x49: {  	_ =	shalt  }
0x4a: {  	_ =	shalt  }
0x4b: {  	_ =	shalt  }
0x4c: {  	_ =	shalt  }
0x4d: {  	_ =	shalt  }
0x4e: {  	_ =	shalt  }
0x4f: {  	_ =	shalt  }
0x50: {  	_ =	shalt  }
0x51: {  	_ =	shalt  }
0x52: {  	_ =	shalt  }
0x53: {  	_ =	shalt  }
0x54: {  	_ =	shalt  }
0x55: {  	_ =	shalt  }
0x56: {  	_ =	shalt  }
0x57: {  	_ =	shalt  }
0x58: {  	_ =	shalt  }
0x59: {  	_ =	shalt  }
0x5a: {  	_ =	shalt  }
0x5b: {  	_ =	shalt  }
0x5c: {  	_ =	shalt  }
0x5d: {  	_ =	shalt  }
0x5e: {  	_ =	shalt  }
0x5f: {  	_ =	shalt  }
0x60: {  	_ =	shalt  }
0x61: {  	_ =	shalt  }
0x62: {  	_ =	shalt  }
0x63: {  	_ =	shalt  }
0x64: {  	_ =	shalt  }
0x65: {  	_ =	shalt  }
0x66: {  	_ =	shalt  }
0x67: {  	_ =	shalt  }
0x68: {  	_ =	shalt  }
0x69: {  	_ =	shalt  }
0x6a: {  	_ =	shalt  }
0x6b: {  	_ =	shalt  }
0x6c: {  	_ =	shalt  }
0x6d: {  	_ =	shalt  }
0x6e: {  	_ =	shalt  }
0x6f: {  	_ =	shalt  }
0x70: {  	_ =	shalt  }
0x71: {  	_ =	shalt  }
0x72: {  	_ =	shalt  }
0x73: {  	_ =	shalt  }
0x74: {  	_ =	shalt  }
0x75: {  	_ =	shalt  }
0x76: {  	_ =	shalt  }
0x77: {  	_ =	shalt  }
0x78: {  	_ =	shalt  }
0x79: {  	_ =	shalt  }
0x7a: {  	_ =	shalt  }
0x7b: {  	_ =	shalt  }
0x7c: {  	_ =	shalt  }
0x7d: {  	_ =	shalt  }
0x7e: {  	_ =	shalt  }
0x7f: {  	_ =	shalt  }
0x80: {  	_ =	shalt  }
0x81: {  	_ =	shalt  }
0x82: {  	_ =	shalt  }
0x83: {  	_ =	shalt  }
0x84: {  	_ =	shalt  }
0x85: {  	_ =	shalt  }
0x86: {  	_ =	shalt  }
0x87: {  	_ =	shalt  }
.Lfunc_end0:
.L_simem_size_0:
called_computation.2_lowered:
.L_overlay_start_0:
0x88: {  	s2 =	sld [smem:$0x3FD9]  }
0x89: {  	s3 =	sld [smem:$0x3FFE];
	_ =	sdelay $0x1  }
0x8a: {  	s1 =	srdreg.scid  }
0x8b: {  	s0 =	sand.u32 $0x1, s1  }
0x8c: {  	s17 =	sshll.u32 s0, $0xA;
	s2 =	sadd.s32 s3, s2  }
0x8d: {  	s2 =	sadd.s32 s2, s17  }
0x8e: {  	[smem:$0x3FC6] =	sst s2  }
0x8f: {  	_ = 	snop  }
0x90: {  	s2 =	sld [smem:$0x3FD0];
	(tm) =	ssettm $0x1  }
0x91: {  	s18 =	sld [smem:$0x3FFB];
	_ =	sdelay $0x3  }
0x92: {  	_ =	strace s18  }
0x93: {  	s3 =	sld [smem:$0x3FFC];
	_ =	sdelay $0x3  }
0x94: {  	_ =	strace s3  }
0x95: {  	s3 =	sld [smem:$0x3FFD];
	_ =	sdelay $0x3  }
0x96: {  	_ =	strace s3  }
0x97: {  	_ =	strace $0x8FFFFFFF  }
0x98: {  	s19 =	sld [smem:$0x3FDB];
	_ =	sdelay $0x1  }
0x99: {  	s4 =	simm.s32 $_scs_section_size  }
0x9a: {  	s5 =	simm.s32 $_size__tile_overlayer_lowered;
	s6 =	simm.s32 $_tile_overlayer_lowered  }
0x9b: {  	s22 =	simm.s32 $0x1BFF;
	s21 =	sshll.u32 s6, $0x1;
	s3 =	sadd.s32 s4, s19  }
0x9c: {  	s7 =	simm.s32 $0x0;
	s20 =	sshll.u32 s5, $0x1;
	s5 =	sadd.s32 s21, s3  }
0x9d: {  	[timem:s7], [sflag:s22] =	dma.local [hbm:s5], s20  }
0x9e: {  	_ =	swait.ge [sflag:s22], s20  }
0x9f: {  	s4 =	ssub.s32 $0x0, s20;
	[sflag:s22] =	ssyncset.done $0x0  }
0xa0: {  	[sflag:s22] =	ssyncadd.s32 s4;
	_ =	sdelay $0x1  }
0xa1: {  	s23 =	simm.s32 $0x1B8B  }
0xa2: {  	_ =	swait.ge [sflag:s23], $0x1  }
0xa3: {  	[sflag:s23] =	ssyncset.done $0x0  }
0xa4: {  	s25 =	simm.s32 $0x1B8E;
	s24 =	sld [smem:$0x3FFE];
	[sflag:s23] =	ssyncadd.s32 $0xFFFFFFFF  }
0xa5: {  	s26 =	simm.s32 $execute0_lowered;
	[smem:$0x3FD2] =	sst s25  }
0xa6: {  	s5 =	sshll.u32 s26, $0x1;
	_ =	strace $0x80000049;
	[dreg:$0x1] =	wrdreg $0xFFFFFFFF  }
0xa7: {  	s28 =	simm.s32 $_size_execute0_lowered;
	s3 =	sadd.s32 s3, s5;
	[dreg:$0x0] =	wrdreg $0x0  }
0xa8: {  	s5 =	sshll.u32 s28, $0x1;
	[dreg:$0x2] =	wrdreg s3  }
0xa9: {  	[dreg:$0x3] =	wrdreg s5  }
0xaa: {  	[dreg:$0x4] =	wrdreg $0xC0  }
0xab: {  	_ =	task [dreg:s7], $0x5FFFF  }
0xac: {  	[dreg:$0x1] =	wrdreg $0xFFFFFFFF  }
0xad: {  	[dreg:$0x0] =	wrdreg $0x60  }
0xae: {  	[dreg:$0x2] =	wrdreg s24  }
0xaf: {  	[dreg:$0x3] =	wrdreg s2  }
0xb0: {  	[dreg:$0x4] =	wrdreg $0x0  }
0xb1: {  	[dreg:$0x5] =	wrdreg $0x9  }
0xb2: {  	_ =	task.clear_ibuf [dreg:s7], $0x6FFFF;
	_ =	strace $0x90000049  }
0xb3: {  	s29 =	simm.s32 $0x9;
	_ =	strace $0x8000004B  }
0xb4: {  	_ =	swait.ge [sflag:s29], $0x1  }
0xb5: {  	[sflag:s29] =	ssyncadd.s32 $0xFFFFFFFF  }
0xb6: {  	_ =	strace $0x9000004B  }
0xb7: {  	_ =	sfence  }
0xb8: {  	s30 =	sld [smem:$0x0];
	_ =	sdelay $0x2  }
0xb9: {  	s31 =	sshll.u32 s1, $0xD;
	s1 =	sshrl.u32 s1, $0x2  }
0xba: {  	s3 =	sand.u32 $0x4000, s31;
	s1 =	sadd.s32 s1, s30  }
0xbb: {  	s0 =	sor.u32 s3, s0;
	s1 =	sshll.u32 s1, $0x11  }
0xbc: {  	s0 =	sor.u32 s1, s0  }
0xbd: {  	s0 =	sadd.s32 $0x8F2B, s0  }
0xbe: {  	[sflag:s0] =	ssyncadd.remote.s32 $0x1  }
0xbf: {  	_ =	sfence.sel $0xFFFF  }
0xc0: {  	[dreg:$0x0] =	wrdreg $0xFFFFFFFF;
	(pc) =	sbr.abs _section_cstart, $3  }
0xc1: {  	[dreg:$0x1] =	wrdreg $0xFFFFFFFF  }
0xc2: {  	_ =	task.clear_ibuf [dreg:s7], $0x2FFFF;
	_ =	strace $0x9FFFFFFF  }
0xc3: {  	(tm) =	ssettm $0x7FFFFFFF  }
tec
execute0_lowered:
.L_overlay_start_1:
0x0: {  	(tag) =	ssettag $0x1  }
0x1: {  	s0 =	rddreg [dreg:$0x0]  }
0x2: {  	s1 =	rddreg [dreg:$0x1]  }
0x3: {  	s6 =	rddreg [dreg:$0x2]  }
0x4: {  	s2 =	simm.s32 $0x0;
	s5 =	stileid.u32;
	s3 =	srdreg.scid  }
0x5: {  	[smem:$0x7FF] =	sst s2;
	s21 =	smul.u32 $0x90000, s5  }
0x6: {  	s4 =	smul.u32 $0x60000, s5;
	s7 =	sadd.s32 $0x901400, s0;
	s3 =	sand.u32 $0x1, s3  }
0x7: {  	s25 =	smul.u32 $0x2400, s5;
	_ =	strace $0x8000004A;
	[dreg:$0xf] =	wrdreg s7  }
0x8: {  	s11 =	smul.u32 $0x300, s5;
	[dreg:$0x10] =	wrdreg s3  }
0x9: {  	s26 =	smul.u32 $0x1200, s5;
	[dreg:$0x12] =	wrdreg s25  }
0xa: {  	s2 =	sadd.s32 s21, s0;
	s0 =	sadd.s32 $0x1400, s0;
	[dreg:$0x14] =	wrdreg s11  }
0xb: {  	s1 =	sadd.s32 s26, s1;
	[dreg:$0x11] =	wrdreg s0  }
0xc: {  	s23 =	sshrl.u32 s4, $0x2;
	[smem:$0x7EF] =	sst s1;
	s8 =	sadd.s32 $0x2413400, s2  }
0xd: {  	s6 =	sadd.s32 s23, s6;
	[smem:$0x7F2] =	sst s8  }
0xe: {  	s22 =	ssub.s32 $0x2, s3;
	s30 =	sadd.s32 $0xB000, s6;
	[dreg:$0x13] =	wrdreg s6  }
0xf: {  	s24 =	sshrl.u32 s22, $0x1;
	s31 =	sadd.s32 $0xC000, s6;
	[dreg:$0x1f] =	wrdreg s30  }
0x10: {  	s0 =	ssub.s32 s22, s24;
	s7 =	sadd.s32 $0xD000, s6;
	[smem:$0x7EE] =	sst s31  }
0x11: {  	s0 =	smax.u32 s0, $0x1;
	[smem:$0x7F0] =	sst s7  }
0x12: {  	s9 =	sadd.s32 $0xE000, s6;
	[smem:$0x7F1] =	sst s0  }
0x13: {  	s10 =	sadd.s32 $0xF000, s6;
	[smem:$0x7F3] =	sst s9  }
0x14: {  	s12 =	sadd.s32 $0x10000, s6;
	[smem:$0x7F4] =	sst s10  }
0x15: {  	s16 =	sadd.s32 $0x11000, s6;
	[smem:$0x7F5] =	sst s12  }
0x16: {  	s19 =	sadd.s32 $0x12000, s6;
	[smem:$0x7F6] =	sst s16  }
0x17: {  	s20 =	sadd.s32 $0x13000, s6;
	[smem:$0x7F7] =	sst s19  }
0x18: {  	s21 =	sadd.s32 $0x14000, s6;
	[smem:$0x7F8] =	sst s20  }
0x19: {  	s23 =	sadd.s32 $0x15000, s6;
	[smem:$0x7F9] =	sst s21  }
0x1a: {  	s26 =	sadd.s32 $0x16000, s6;
	[smem:$0x7FA] =	sst s23  }
0x1b: {  	s13 =	sadd.s32 $0x1000, s6;
	[smem:$0x7FB] =	sst s26  }
0x1c: {  	s14 =	sadd.s32 $0x2000, s6;
	[dreg:$0x15] =	wrdreg s13  }
0x1d: {  	s15 =	sadd.s32 $0x3000, s6;
	[dreg:$0x16] =	wrdreg s14  }
0x1e: {  	s17 =	sadd.s32 $0x4000, s6;
	[dreg:$0x17] =	wrdreg s15  }
0x1f: {  	s18 =	sadd.s32 $0x5000, s6;
	[dreg:$0x18] =	wrdreg s17  }
0x20: {  	s22 =	sadd.s32 $0x6000, s6;
	[dreg:$0x19] =	wrdreg s18  }
0x21: {  	s24 =	sadd.s32 $0x7000, s6;
	[dreg:$0x1a] =	wrdreg s22  }
0x22: {  	s25 =	sadd.s32 $0x8000, s6;
	[dreg:$0x1b] =	wrdreg s24  }
.Ltmp0:
0x23: {  	s28 =	sadd.s32 $0x9000, s6;
	[dreg:$0x1c] =	wrdreg s25;
	(pc) =	sbr.rel .LBB2_1-.Ltmp0, $4  }
0x24: {  	s29 =	sadd.s32 $0xA000, s6;
	[dreg:$0x1d] =	wrdreg s28  }
0x25: {  	s30 =	sadd.s32 $0x17000, s6;
	s31 =	smul.u32 $0x18, s5;
	[dreg:$0x1e] =	wrdreg s29  }
0x26: {  	s1 =	simm.s32 $0x0;
	[smem:$0x7FC] =	sst s30  }
0x27: {  	v0 =	vimm.f32 $0.0e+00;
	s10 =	simm.s32 $0x2;
	s12 =	simm.s32 $0x1;
	[smem:$0x7FD] =	sst s31  }
.LBB2_13:
0x28: {  	s1 =	sld [smem:$0x7ED]  }
0x29: {  	s0 =	sld [smem:$0x7F1];
	_ =	sdelay $0x1  }
0x2a: {  	s1 =	sadd.s32 $0x1, s1  }
0x2b: {  	p0 =	sne.s32 s1, s0  }
.Ltmp1:
0x2c: {  	_ = 	snop;
	(pc) =	sbr.rel @!p0 .LBB2_14-.Ltmp1, $1  }
0x2d: {  	_ =	sdelay $0x3  }
.LBB2_1:
0x2e: {  	[smem:$0x7ED] =	sst s1;
	s0 =	simm.s32 $0x0;
	s1 =	simm.s32 $0x200  }
.LBB2_2:
0x2f: {  	p0 =	sne.s32 s1, $0x3E00;
	[tilespmem:s0+$0x1EBB0] =	vst v0  }
0x30: {  	[tilespmem:s0+$0x1EB40] =	vst v0  }
0x31: {  	[tilespmem:s0+$0x1EB50] =	vst v0  }
.Ltmp2:
0x32: {  	[tilespmem:s0+$0x1EB60] =	vst v0;
	(pc) =	sbr.rel @p0 .LBB2_2-.Ltmp2, $4  }
0x33: {  	[tilespmem:s0+$0x1EB70] =	vst v0  }
0x34: {  	[tilespmem:s0+$0x1EB80] =	vst v0  }
0x35: {  	[tilespmem:s0+$0x1EB90] =	vst v0  }
0x36: {  	[tilespmem:s0+$0x1EBA0] =	vst v0;
	s0 =	sshra.s32 s1, $0x2;
	s1 =	sadd.s32 $0x200, s1  }
0x37: {  	[tilespmem:s0+$0x1EBB0] =	vst v0  }
0x38: {  	[tilespmem:s0+$0x1EB40] =	vst v0  }
0x39: {  	[tilespmem:s0+$0x1EB50] =	vst v0  }
.Ltmp3:
0x3a: {  	[tilespmem:s0+$0x1EB60] =	vst v0;
	s30 =	sld [smem:$0x7EF];
	(pc) =	sbr.rel .LBB2_4-.Ltmp3, $4  }
0x3b: {  	[tilespmem:s0+$0x1EB70] =	vst v0;
	s31 =	sld [smem:$0x7F2]  }
0x3c: {  	[tilespmem:s0+$0x1EB80] =	vst v0  }
0x3d: {  	[tilespmem:s0+$0x1EB90] =	vst v0;
	[smem:$0x7EB] =	sst s30  }
0x3e: {  	[tilespmem:s0+$0x1EBA0] =	vst v0;
	s1 =	simm.s32 $0x0;
	[smem:$0x7EC] =	sst s31  }
.LBB2_12:
0x3f: {  	s1 =	sld [smem:$0x7E9];
	_ =	sdelay $0x2  }
0x40: {  	s1 =	sadd.s32 $0x1, s1  }
0x41: {  	s0 =	sld [smem:$0x7EC];
	p0 =	sne.s32 s1, $0x4  }
.Ltmp4:
0x42: {  	s31 =	sld [smem:$0x7EB];
	(pc) =	sbr.rel @!p0 .LBB2_13-.Ltmp4, $4  }
0x43: {  	_ = 	snop  }
0x44: {  	s0 =	sadd.s32 $0x900000, s0  }
0x45: {  	[smem:$0x7EC] =	sst s0;
	s0 =	sadd.s32 $0x12000, s31  }
0x46: {  	[smem:$0x7EB] =	sst s0  }
.LBB2_4:
0x47: {  	[smem:$0x7E9] =	sst s1;
	s17 =	smul.u32 $0x24000, s1  }
0x48: {  	s0 =	rddreg [dreg:$0x12]  }
0x49: {  	s18 =	rddreg [dreg:$0xf];
	s0 =	sadd.s32 s0, s17  }
0x4a: {  	s19 =	simm.s32 $0x18740;
	s2 =	simm.s32 $0x0;
	s0 =	sshrl.u32 s0, $0x3  }
0x4b: {  	s20 =	simm.s32 $0x3;
	[smem:$0x7EA] =	sst s17;
	s0 =	sadd.s32 s18, s0  }
0x4c: {  	[tilespmem:s19], [sflag:$0x3] =	stream.linear.gather [hbm4b:s0+s2], $0x2400, $0x38;
	[tilespmem:$0x1FB40] =	vst v63  }
0x4d: {  	_ =	swait.ge [sflag:s20], $0x2400  }
0x4e: {  	[sflag:s20] =	ssyncset.done $0x0  }
0x4f: {  	s21 =	simm.s32 $0x18800;
	[sflag:s20] =	ssyncadd.s32 $0xFFFFDC00  }
0x50: {  	v1 =	vld [tilespmem:s21+$0xFFFFFF50]  }
0x51: {  	v2 =	vld [tilespmem:s21+$0xFFFFFF40]  }
0x52: {  	v3 =	vld [tilespmem:s21+$0xFFFFFF60]  }
0x53: {  	v4 =	vld [tilespmem:s21+$0xFFFFFF70]  }
0x54: {  	v5 =	vld [tilespmem:s21+$0xFFFFFF80]  }
0x55: {  	v6 =	vld [tilespmem:s21+$0xFFFFFF90]  }
0x56: {  	v8 =	vld [tilespmem:s21+$0xFFFFFFA0];
	v7 =	vmax.f32 v2, v1  }
0x57: {  	v9 =	vld [tilespmem:s21+$0xFFFFFFB0];
	v7 =	vmax.f32 v7, v3  }
0x58: {  	v10 =	vld [tilespmem:s21+$0xFFFFFFC0];
	v7 =	vmax.f32 v7, v4  }
0x59: {  	v11 =	vld [tilespmem:s21+$0xFFFFFFD0];
	v7 =	vmax.f32 v7, v5  }
0x5a: {  	v12 =	vld [tilespmem:s21+$0xFFFFFFE0];
	v7 =	vmax.f32 v7, v6  }
0x5b: {  	v55 =	vld [tilespmem:s21+$0xFFFFFFF0];
	v1 =	vmin.f32 v2, v1;
	v2 =	vmax.f32 v7, v8  }
0x5c: {  	v1 =	vmin.f32 v1, v3;
	v3 =	vld [tilespmem:s21+$0x0];
	v2 =	vmax.f32 v2, v9  }
0x5d: {  	v56 =	vld [tilespmem:s21+$0x10];
	v1 =	vmin.f32 v1, v4;
	v2 =	vmax.f32 v2, v10  }
0x5e: {  	v57 =	vld [tilespmem:s21+$0x20];
	v1 =	vmin.f32 v1, v5;
	v2 =	vmax.f32 v2, v11  }
0x5f: {  	v58 =	vld [tilespmem:s21+$0x30];
	v1 =	vmin.f32 v1, v6;
	v2 =	vmax.f32 v2, v12  }
0x60: {  	v59 =	vld [tilespmem:s21+$0x40];
	v1 =	vmin.f32 v1, v8;
	v2 =	vmax.f32 v2, v55  }
0x61: {  	v60 =	vld [tilespmem:s21+$0x50];
	v1 =	vmin.f32 v1, v9;
	v2 =	vmax.f32 v2, v3  }
0x62: {  	v61 =	vld [tilespmem:s21+$0x60];
	v1 =	vmin.f32 v1, v10;
	v2 =	vmax.f32 v2, v56  }
0x63: {  	v62 =	vld [tilespmem:s21+$0x70];
	v1 =	vmin.f32 v1, v11;
	v2 =	vmax.f32 v2, v57  }
0x64: {  	v63 =	vld [tilespmem:s21+$0x80];
	v1 =	vmin.f32 v1, v12;
	v2 =	vmax.f32 v2, v58  }
0x65: {  	v14 =	vld [tilespmem:s21+$0x90];
	v1 =	vmin.f32 v1, v55;
	v2 =	vmax.f32 v2, v59  }
0x66: {  	v1 =	vmin.f32 v1, v3;
	v3 =	vld [tilespmem:s21+$0xA0];
	v2 =	vmax.f32 v2, v60  }
0x67: {  	v15 =	vld [tilespmem:s21+$0xB0];
	v1 =	vmin.f32 v1, v56;
	v2 =	vmax.f32 v2, v61  }
0x68: {  	v1 =	vmin.f32 v1, v57;
	v2 =	vmax.f32 v2, v62  }
0x69: {  	v1 =	vmin.f32 v1, v58;
	v2 =	vmax.f32 v2, v63  }
0x6a: {  	v1 =	vmin.f32 v1, v59;
	v2 =	vmax.f32 v2, v14  }
0x6b: {  	v1 =	vmin.f32 v1, v60;
	v2 =	vmax.f32 v2, v3  }
0x6c: {  	v1 =	vmin.f32 v1, v61;
	v2 =	vmax.f32 v2, v15  }
0x6d: {  	v1 =	vmin.f32 v1, v62;
	(v2sf) =	vpush v2, $0xB  }
0x6e: {  	v1 =	vmin.f32 v1, v63;
	(v2sf) =	vpush v2, $0xC  }
0x6f: {  	v1 =	vmin.f32 v1, v14;
	(v2sf) =	vpush v2, $0xD  }
0x70: {  	v1 =	vmin.f32 v1, v3;
	(v2sf) =	vpush v2, $0xE  }
0x71: {  	s22 =	simm.s32 $0x18980;
	v1 =	vmin.f32 v1, v15;
	(v2sf) =	vpush v2, $0xF  }
0x72: {  	v16 =	vld [tilespmem:s22+$0xFFFFFF40];
	(v2sf) =	vpush v1, $0xC  }
0x73: {  	v3 =	vld [tilespmem:s22+$0xFFFFFF50];
	(v2sf) =	vpush v1, $0xD  }
0x74: {  	v17 =	vld [tilespmem:s22+$0xFFFFFF60];
	(v2sf) =	vpush v1, $0xE  }
0x75: {  	v18 =	vld [tilespmem:s22+$0xFFFFFF70];
	(v2sf) =	vpush v2, $0xA  }
0x76: {  	v19 =	vld [tilespmem:s22+$0xFFFFFF80];
	(v2sf) =	vpush v1, $0xF  }
0x77: {  	v20 =	vld [tilespmem:s22+$0xFFFFFF90];
	(v2sf) =	vpush v2, $0x7  }
0x78: {  	v22 =	vld [tilespmem:s22+$0xFFFFFFA0];
	v21 =	vmax.f32 v16, v3;
	(v2sf) =	vpush v1, $0xB  }
0x79: {  	v23 =	vld [tilespmem:s22+$0xFFFFFFB0];
	v9 =	vmax.f32 v21, v17;
	(v2sf) =	vpush v2, $0x9  }
0x7a: {  	v24 =	vld [tilespmem:s22+$0xFFFFFFC0];
	v9 =	vmax.f32 v9, v18;
	(v2sf) =	vpush v1, $0xA  }
0x7b: {  	v13 =	vld [tilespmem:s22+$0xFFFFFFD0];
	v9 =	vmax.f32 v9, v19;
	(v2sf) =	vpush v2, $0x8  }
0x7c: {  	v14 =	vld [tilespmem:s22+$0xFFFFFFE0];
	v9 =	vmax.f32 v9, v20;
	(v2sf) =	vpush v1, $0x9;
	s3 =	spop (v2sf)  }
0x7d: {  	v26 =	vld [tilespmem:s22+$0xFFFFFFF0];
	v3 =	vmin.f32 v16, v3;
	v25 =	vmax.f32 v9, v22;
	(v2sf) =	vpush v1, $0x8;
	s2 =	spop (v2sf)  }
0x7e: {  	v27 =	vld [tilespmem:s22+$0x0];
	v3 =	vmin.f32 v3, v17;
	v4 =	vmax.f32 v25, v23;
	(v2sf) =	vpush v1, $0x7;
	s9 =	spop (v2sf)  }
0x7f: {  	v28 =	vld [tilespmem:s22+$0x10];
	v3 =	vmin.f32 v3, v18;
	v4 =	vmax.f32 v4, v24;
	(v2sf) =	vpush v2, $0x6;
	s11 =	spop (v2sf)  }
0x80: {  	v29 =	vld [tilespmem:s22+$0x20];
	v3 =	vmin.f32 v3, v19;
	v4 =	vmax.f32 v4, v13;
	(v2sf) =	vpush v1, $0x6;
	s14 =	spop (v2sf)  }
0x81: {  	v30 =	vld [tilespmem:s22+$0x30];
	v3 =	vmin.f32 v3, v20;
	v4 =	vmax.f32 v4, v14;
	(v2sf) =	vpush v2, $0x5;
	s31 =	spop (v2sf)  }
0x82: {  	v31 =	vld [tilespmem:s22+$0x40];
	v3 =	vmin.f32 v3, v22;
	v4 =	vmax.f32 v4, v26;
	(v2sf) =	vpush v1, $0x5;
	s23 =	spop (v2sf)  }
0x83: {  	v32 =	vld [tilespmem:s22+$0x50];
	v3 =	vmin.f32 v3, v23;
	v4 =	vmax.f32 v4, v27;
	(v2sf) =	vpush v2, $0x4;
	s24 =	spop (v2sf)  }
0x84: {  	v33 =	vld [tilespmem:s22+$0x60];
	v3 =	vmin.f32 v3, v24;
	v4 =	vmax.f32 v4, v28;
	(v2sf) =	vpush v1, $0x4;
	s5 =	spop (v2sf)  }
0x85: {  	v34 =	vld [tilespmem:s22+$0x70];
	v3 =	vmin.f32 v3, v13;
	v4 =	vmax.f32 v4, v29;
	(v2sf) =	vpush v2, $0x3;
	s25 =	spop (v2sf)  }
0x86: {  	v35 =	vld [tilespmem:s22+$0x80];
	v3 =	vmin.f32 v3, v14;
	v4 =	vmax.f32 v4, v30;
	(v2sf) =	vpush v1, $0x3;
	s0 =	spop (v2sf)  }
0x87: {  	v36 =	vld [tilespmem:s22+$0x90];
	v3 =	vmin.f32 v3, v26;
	v4 =	vmax.f32 v4, v31;
	(v2sf) =	vpush v1, $0x2;
	s4 =	spop (v2sf)  }
0x88: {  	v37 =	vld [tilespmem:s22+$0xA0];
	v3 =	vmin.f32 v3, v27;
	v4 =	vmax.f32 v4, v32;
	(v2sf) =	vpush v2, $0x1;
	s7 =	spop (v2sf)  }
0x89: {  	v38 =	vld [tilespmem:s22+$0xB0];
	v3 =	vmin.f32 v3, v28;
	v4 =	vmax.f32 v4, v33;
	[dreg:$0xb] =	wrdreg s4;
	(v2sf) =	vpush v2, $0x0;
	s4 =	spop (v2sf)  }
0x8a: {  	v3 =	vmin.f32 v3, v29;
	v4 =	vmax.f32 v4, v34;
	(v2sf) =	vpush v1, $0x1;
	s13 =	spop (v2sf)  }
0x8b: {  	(v2sf) =	vpush v1, $0x0;
	s1 =	spop (v2sf);
	v1 =	vmin.f32 v3, v30;
	v3 =	vmax.f32 v4, v35  }
0x8c: {  	s8 =	spop (v2sf);
	v1 =	vmin.f32 v1, v31;
	v3 =	vmax.f32 v3, v36  }
0x8d: {  	(v2sf) =	vpush v2, $0x2;
	s18 =	spop (v2sf);
	v1 =	vmin.f32 v1, v32;
	v3 =	vmax.f32 v3, v37  }
0x8e: {  	s6 =	spop (v2sf);
	v2 =	vmin.f32 v1, v33;
	v1 =	vmax.f32 v3, v38  }
0x8f: {  	s19 =	spop (v2sf);
	(v2sf) =	vpush v1, $0xB  }
0x90: {  	s16 =	spop (v2sf)  }
0x91: {  	v2 =	vmin.f32 v2, v34;
	(v2sf) =	vpush v1, $0xC;
	s21 =	spop (v2sf)  }
0x92: {  	v2 =	vmin.f32 v2, v35;
	s17 =	spop (v2sf)  }
0x93: {  	v2 =	vmin.f32 v2, v36;
	(v2sf) =	vpush v1, $0xD;
	s22 =	spop (v2sf)  }
0x94: {  	s15 =	simm.s32 $0x18B00;
	v2 =	vmin.f32 v2, v37;
	(v2sf) =	vpush v1, $0xE;
	s20 =	spop (v2sf)  }
0x95: {  	v39 =	vld [tilespmem:s15+$0xFFFFFF40];
	[dreg:$0x4] =	wrdreg s23;
	v2 =	vmin.f32 v2, v38;
	(v2sf) =	vpush v1, $0xF;
	s23 =	spop (v2sf)  }
0x96: {  	[dreg:$0x5] =	wrdreg s24;
	v3 =	vld [tilespmem:s15+$0xFFFFFF50];
	(v2sf) =	vpush v2, $0xC;
	s24 =	spop (v2sf)  }
0x97: {  	v40 =	vld [tilespmem:s15+$0xFFFFFF60];
	[dreg:$0x6] =	wrdreg s25;
	(v2sf) =	vpush v2, $0xD;
	s25 =	spop (v2sf)  }
0x98: {  	v41 =	vld [tilespmem:s15+$0xFFFFFF70];
	(v2sf) =	vpush v2, $0xE;
	s26 =	spop (v2sf)  }
0x99: {  	v42 =	vld [tilespmem:s15+$0xFFFFFF80];
	(v2sf) =	vpush v1, $0xA;
	s28 =	spop (v2sf)  }
0x9a: {  	v43 =	vld [tilespmem:s15+$0xFFFFFF90];
	(v2sf) =	vpush v2, $0xF;
	s29 =	spop (v2sf)  }
0x9b: {  	v45 =	vld [tilespmem:s15+$0xFFFFFFA0];
	v44 =	vmax.f32 v39, v3;
	(v2sf) =	vpush v1, $0x7;
	s25 =	smax.f32 s26, s25;
	s28 =	smin.f32 s29, s28  }
0x9c: {  	v46 =	vld [tilespmem:s15+$0xFFFFFFB0];
	v9 =	vmax.f32 v44, v40;
	(v2sf) =	vpush v2, $0xB;
	s26 =	spop (v2sf);
	s24 =	smin.f32 s28, s24  }
0x9d: {  	v47 =	vld [tilespmem:s15+$0xFFFFFFC0];
	v9 =	vmax.f32 v9, v41;
	(v2sf) =	vpush v1, $0x9;
	s23 =	smin.f32 s24, s23;
	s24 =	smax.f32 s25, s26  }
0x9e: {  	v49 =	vld [tilespmem:s15+$0xFFFFFFD0];
	v3 =	vmin.f32 v39, v3;
	v48 =	vmax.f32 v9, v42;
	(v2sf) =	vpush v2, $0xA;
	s22 =	smin.f32 s23, s22;
	s30 =	spop (v2sf)  }
0x9f: {  	v50 =	vld [tilespmem:s15+$0xFFFFFFE0];
	v3 =	vmin.f32 v3, v40;
	v4 =	vmax.f32 v48, v43;
	(v2sf) =	vpush v1, $0x8;
	s24 =	smax.f32 s24, s20;
	s21 =	smin.f32 s22, s21  }
0xa0: {  	v51 =	vld [tilespmem:s15+$0xFFFFFFF0];
	v3 =	vmin.f32 v3, v41;
	v4 =	vmax.f32 v4, v45;
	(v2sf) =	vpush v2, $0x9;
	[dreg:$0x7] =	wrdreg s30;
	s23 =	spop (v2sf)  }
0xa1: {  	v52 =	vld [tilespmem:s15+$0x0];
	v3 =	vmin.f32 v3, v42;
	v4 =	vmax.f32 v4, v46;
	(v2sf) =	vpush v2, $0x8;
	s17 =	smax.f32 s24, s17;
	s19 =	smin.f32 s21, s19  }
0xa2: {  	v53 =	vld [tilespmem:s15+$0x10];
	v3 =	vmin.f32 v3, v43;
	v4 =	vmax.f32 v4, v47;
	(v2sf) =	vpush v2, $0x7;
	s29 =	spop (v2sf);
	s18 =	smin.f32 s19, s18  }
0xa3: {  	v54 =	vld [tilespmem:s15+$0x20];
	v3 =	vmin.f32 v3, v45;
	v4 =	vmax.f32 v4, v49;
	(v2sf) =	vpush v1, $0x6;
	s18 =	smin.f32 s18, s8;
	s8 =	spop (v2sf)  }
0xa4: {  	v55 =	vld [tilespmem:s15+$0x30];
	v3 =	vmin.f32 v3, v46;
	v4 =	vmax.f32 v4, v50;
	(v2sf) =	vpush v2, $0x6;
	s18 =	smin.f32 s18, s1;
	s1 =	spop (v2sf)  }
0xa5: {  	v56 =	vld [tilespmem:s15+$0x40];
	v3 =	vmin.f32 v3, v47;
	v4 =	vmax.f32 v4, v51;
	[dreg:$0x8] =	wrdreg s23;
	(v2sf) =	vpush v1, $0x5;
	s25 =	spop (v2sf)  }
0xa6: {  	v57 =	vld [tilespmem:s15+$0x50];
	v3 =	vmin.f32 v3, v49;
	v4 =	vmax.f32 v4, v52;
	s19 =	smin.f32 s18, s4;
	s4 =	spop (v2sf)  }
0xa7: {  	v58 =	vld [tilespmem:s15+$0x60];
	v3 =	vmin.f32 v3, v50;
	v4 =	vmax.f32 v4, v53;
	s30 =	simm.s32 $0x10;
	s16 =	smax.f32 s17, s16;
	(v2sf) =	vpush v2, $0x5;
	s18 =	spop (v2sf)  }
0xa8: {  	v59 =	vld [tilespmem:s15+$0x70];
	v3 =	vmin.f32 v3, v51;
	v4 =	vmax.f32 v4, v54;
	[dreg:$0xa] =	wrdreg s30;
	(v2sf) =	vpush v1, $0x4;
	s26 =	spop (v2sf)  }
0xa9: {  	v60 =	vld [tilespmem:s15+$0x80];
	v3 =	vmin.f32 v3, v52;
	s16 =	smax.f32 s16, s6;
	v4 =	vmax.f32 v4, v55;
	(v2sf) =	vpush v2, $0x4;
	s6 =	spop (v2sf)  }
0xaa: {  	v61 =	vld [tilespmem:s15+$0x90];
	v3 =	vmin.f32 v3, v53;
	s16 =	smax.f32 s16, s0;
	v4 =	vmax.f32 v4, v56;
	(v2sf) =	vpush v1, $0x3;
	s0 =	spop (v2sf)  }
0xab: {  	v62 =	vld [tilespmem:s15+$0xA0];
	v3 =	vmin.f32 v3, v54;
	s13 =	smax.f32 s16, s13;
	v4 =	vmax.f32 v4, v57;
	(v2sf) =	vpush v2, $0x3;
	s17 =	spop (v2sf)  }
0xac: {  	v63 =	vld [tilespmem:s15+$0xB0];
	v3 =	vmin.f32 v3, v55;
	s7 =	smax.f32 s13, s7;
	v4 =	vmax.f32 v4, v58;
	(v2sf) =	vpush v2, $0x2;
	s24 =	spop (v2sf)  }
0xad: {  	v3 =	vmin.f32 v3, v56;
	s7 =	smax.f32 s7, s5;
	v4 =	vmax.f32 v4, v59;
	(v2sf) =	vpush v1, $0x1;
	s5 =	spop (v2sf)  }
0xae: {  	v3 =	vmin.f32 v3, v57;
	s3 =	smax.f32 s7, s3;
	v4 =	vmax.f32 v4, v60;
	(v2sf) =	vpush v1, $0x0;
	s28 =	spop (v2sf)  }
0xaf: {  	v3 =	vmin.f32 v3, v58;
	s2 =	smax.f32 s3, s2;
	v4 =	vmax.f32 v4, v61;
	(v2sf) =	vpush v2, $0x1;
	s15 =	spop (v2sf)  }
0xb0: {  	v3 =	vmin.f32 v3, v59;
	s2 =	smax.f32 s2, s9;
	(v2sf) =	vpush v2, $0x0;
	v2 =	vmax.f32 v4, v62;
	s13 =	spop (v2sf)  }
0xb1: {  	v3 =	vmin.f32 v3, v60;
	s2 =	smax.f32 s2, s11;
	(v2sf) =	vpush v1, $0x2;
	v1 =	vmax.f32 v2, v63;
	s7 =	spop (v2sf)  }
0xb2: {  	s22 =	simm.s32 $0x8;
	s23 =	smax.f32 s2, s14;
	v2 =	vmin.f32 v3, v61;
	(v2sf) =	vpush v1, $0xB;
	s14 =	spop (v2sf)  }
0xb3: {  	s3 =	simm.s32 $0x18C80;
	[dreg:$0x9] =	wrdreg s26;
	v2 =	vmin.f32 v2, v62;
	(v2sf) =	vpush v1, $0xC;
	s16 =	spop (v2sf)  }
0xb4: {  	s9 =	simm.s32 $0x0;
	s11 =	simm.s32 $0x18;
	v2 =	vmin.f32 v2, v63;
	(v2sf) =	vpush v1, $0xD;
	s2 =	spop (v2sf)  }
.LBB2_5:
0xb5: {  	s20 =	rddreg [dreg:$0xb]  }
0xb6: {  	s21 =	smov.u32 s29;
	s29 =	rddreg [dreg:$0x6]  }
0xb7: {  	s30 =	spop (v2sf);
	[dreg:$0xd] =	wrdreg s21;
	s21 =	smov.u32 s8  }
0xb8: {  	s19 =	smin.f32 s19, s20;
	[dreg:$0xc] =	wrdreg s21  }
0xb9: {  	s20 =	spop (v2sf);
	s19 =	smin.f32 s19, s31  }
0xba: {  	s21 =	rddreg [dreg:$0x4];
	s8 =	spop (v2sf)  }
0xbb: {  	s19 =	smin.f32 s19, s21;
	s21 =	smov.u32 s1;
	s1 =	rddreg [dreg:$0x5]  }
0xbc: {  	(v2sf) =	vpush v1, $0xE;
	[dreg:$0xe] =	wrdreg s21;
	s1 =	smin.f32 s19, s1  }
0xbd: {  	s9 =	sshra.s32 s9, $0x2;
	(v2sf) =	vpush v1, $0xF;
	s21 =	spop (v2sf);
	s1 =	smin.f32 s1, s29  }
0xbe: {  	(v2sf) =	vpush v2, $0xC;
	s19 =	spop (v2sf);
	s29 =	sadd.s32 $0x1, s9;
	[smem:s9] =	sst s1  }
0xbf: {  	s26 =	smov.u32 s11;
	(v2sf) =	vpush v2, $0xD;
	s31 =	spop (v2sf);
	[smem:s29] =	sst s23  }
0xc0: {  	(v2sf) =	vpush v2, $0xE;
	s9 =	smov.u32 s22;
	s1 =	spop (v2sf);
	s23 =	rddreg [dreg:$0xa]  }
0xc1: {  	s29 =	smov.u32 s26;
	s26 =	smov.u32 s25;
	s25 =	smov.u32 s4  }
0xc2: {  	(v2sf) =	vpush v1, $0xA;
	s22 =	smov.u32 s23;
	s23 =	spop (v2sf);
	[dreg:$0xa] =	wrdreg s29  }
0xc3: {  	v3 =	vld [tilespmem:s3+$0xFFFFFF50];
	(v2sf) =	vpush v2, $0xF;
	[dreg:$0x4] =	wrdreg s25;
	s25 =	smov.u32 s18;
	s1 =	smax.f32 s23, s1  }
0xc4: {  	v5 =	vld [tilespmem:s3+$0xFFFFFF40];
	s23 =	spop (v2sf);
	[dreg:$0x5] =	wrdreg s25;
	s25 =	smov.u32 s6  }
0xc5: {  	v4 =	vld [tilespmem:s3+$0xFFFFFF60];
	s4 =	spop (v2sf);
	[dreg:$0x6] =	wrdreg s25  }
0xc6: {  	v6 =	vld [tilespmem:s3+$0xFFFFFF70];
	(v2sf) =	vpush v1, $0x7;
	s4 =	smin.f32 s4, s23;
	s25 =	spop (v2sf);
	s23 =	smov.u32 s17  }
0xc7: {  	v7 =	vld [tilespmem:s3+$0xFFFFFF80];
	(v2sf) =	vpush v2, $0xB;
	[dreg:$0xb] =	wrdreg s23;
	s4 =	smin.f32 s4, s31  }
0xc8: {  	v8 =	vld [tilespmem:s3+$0xFFFFFF90];
	(v2sf) =	vpush v1, $0x9;
	s6 =	smax.f32 s1, s25;
	s23 =	spop (v2sf)  }
0xc9: {  	v45 =	vld [tilespmem:s3+$0xFFFFFFA0];
	v9 =	vmin.f32 v5, v3;
	v3 =	vmax.f32 v5, v3;
	s31 =	smov.u32 s26;
	s25 =	smin.f32 s4, s19;
	s26 =	spop (v2sf)  }
0xca: {  	v46 =	vld [tilespmem:s3+$0xFFFFFFB0];
	v3 =	vmax.f32 v3, v4;
	s1 =	smin.f32 s25, s8;
	s29 =	spop (v2sf)  }
0xcb: {  	v47 =	vld [tilespmem:s3+$0xFFFFFFC0];
	v3 =	vmax.f32 v3, v6;
	(v2sf) =	vpush v2, $0xA;
	s1 =	smin.f32 s1, s30;
	s8 =	spop (v2sf)  }
0xcc: {  	v48 =	vld [tilespmem:s3+$0xFFFFFFD0];
	v3 =	vmax.f32 v3, v7;
	s30 =	smin.f32 s1, s16;
	s1 =	spop (v2sf)  }
0xcd: {  	v49 =	vld [tilespmem:s3+$0xFFFFFFE0];
	v9 =	vmin.f32 v9, v4;
	v3 =	vmax.f32 v3, v8;
	(v2sf) =	vpush v1, $0x8;
	s4 =	smin.f32 s30, s7;
	s25 =	spop (v2sf)  }
0xce: {  	v50 =	vld [tilespmem:s3+$0xFFFFFFF0];
	v9 =	vmin.f32 v9, v6;
	v3 =	vmax.f32 v3, v45;
	(v2sf) =	vpush v2, $0x9;
	s7 =	smin.f32 s4, s13;
	s4 =	spop (v2sf)  }
0xcf: {  	v51 =	vld [tilespmem:s3+$0x0];
	v9 =	vmin.f32 v9, v7;
	v3 =	vmax.f32 v3, v46;
	(v2sf) =	vpush v2, $0x8;
	s7 =	smin.f32 s7, s15;
	s18 =	spop (v2sf)  }
0xd0: {  	v52 =	vld [tilespmem:s3+$0x10];
	v9 =	vmin.f32 v9, v8;
	v3 =	vmax.f32 v3, v47;
	(v2sf) =	vpush v2, $0x7;
	s15 =	smax.f32 s6, s21;
	s21 =	rddreg [dreg:$0x9]  }
0xd1: {  	v53 =	vld [tilespmem:s3+$0x20];
	v9 =	vmin.f32 v9, v45;
	v3 =	vmax.f32 v3, v48;
	(v2sf) =	vpush v1, $0x6;
	s19 =	smin.f32 s7, s5;
	s7 =	spop (v2sf)  }
0xd2: {  	v54 =	vld [tilespmem:s3+$0x30];
	v9 =	vmin.f32 v9, v46;
	v3 =	vmax.f32 v3, v49;
	(v2sf) =	vpush v2, $0x6;
	s5 =	smax.f32 s15, s20;
	s6 =	spop (v2sf);
	s30 =	smov.u32 s7  }
0xd3: {  	v55 =	vld [tilespmem:s3+$0x40];
	v9 =	vmin.f32 v9, v47;
	v3 =	vmax.f32 v3, v50;
	(v2sf) =	vpush v1, $0x5;
	s2 =	smax.f32 s5, s2;
	[dreg:$0x9] =	wrdreg s30  }
0xd4: {  	v56 =	vld [tilespmem:s3+$0x50];
	v9 =	vmin.f32 v9, v48;
	v3 =	vmax.f32 v3, v51;
	s2 =	smax.f32 s2, s14;
	s14 =	rddreg [dreg:$0x7]  }
0xd5: {  	v57 =	vld [tilespmem:s3+$0x60];
	v9 =	vmin.f32 v9, v49;
	v3 =	vmax.f32 v3, v52;
	(v2sf) =	vpush v2, $0x5;
	s16 =	spop (v2sf);
	s30 =	rddreg [dreg:$0xe]  }
0xd6: {  	v58 =	vld [tilespmem:s3+$0x70];
	v9 =	vmin.f32 v9, v50;
	v3 =	vmax.f32 v3, v53;
	(v2sf) =	vpush v1, $0x4;
	s17 =	spop (v2sf);
	s2 =	smax.f32 s2, s0  }
0xd7: {  	v59 =	vld [tilespmem:s3+$0x80];
	v9 =	vmin.f32 v9, v51;
	v3 =	vmax.f32 v3, v54;
	(v2sf) =	vpush v2, $0x4;
	s0 =	smov.u32 s16;
	s20 =	spop (v2sf);
	s2 =	smax.f32 s2, s28  }
0xd8: {  	v60 =	vld [tilespmem:s3+$0x90];
	v9 =	vmin.f32 v9, v52;
	v3 =	vmax.f32 v3, v55;
	(v2sf) =	vpush v1, $0x3;
	s16 =	rddreg [dreg:$0x8];
	s2 =	smax.f32 s2, s24;
	s24 =	smov.u32 s20  }
0xd9: {  	v61 =	vld [tilespmem:s3+$0xA0];
	v9 =	vmin.f32 v9, v53;
	v3 =	vmax.f32 v3, v56;
	(v2sf) =	vpush v2, $0x3;
	s20 =	smov.u32 s23;
	s23 =	smov.u32 s26;
	s26 =	rddreg [dreg:$0xc]  }
0xda: {  	v62 =	vld [tilespmem:s3+$0xB0];
	v9 =	vmin.f32 v9, v54;
	v3 =	vmax.f32 v3, v57;
	(v2sf) =	vpush v2, $0x2;
	s5 =	spop (v2sf);
	[dreg:$0x7] =	wrdreg s20  }
0xdb: {  	v9 =	vmin.f32 v9, v55;
	v3 =	vmax.f32 v3, v58;
	(v2sf) =	vpush v1, $0x1;
	s2 =	smax.f32 s2, s21;
	s21 =	rddreg [dreg:$0xd]  }
0xdc: {  	v9 =	vmin.f32 v9, v56;
	v3 =	vmax.f32 v3, v59;
	(v2sf) =	vpush v1, $0x0;
	s28 =	spop (v2sf);
	[dreg:$0x8] =	wrdreg s23  }
0xdd: {  	p0 =	sne.s32 s11, $0xB8;
	v9 =	vmin.f32 v9, v57;
	v3 =	vmax.f32 v3, v60;
	(v2sf) =	vpush v2, $0x1;
	s15 =	spop (v2sf);
	s2 =	smax.f32 s2, s14  }
.Ltmp5:
0xde: {  	v9 =	vmin.f32 v9, v58;
	v3 =	vmax.f32 v3, v61;
	(v2sf) =	vpush v2, $0x0;
	s13 =	spop (v2sf);
	(pc) =	sbr.rel @p0 .LBB2_5-.Ltmp5, $4  }
0xdf: {  	v63 =	vmin.f32 v9, v59;
	(v2sf) =	vpush v1, $0x2;
	v1 =	vmax.f32 v3, v62;
	s2 =	smax.f32 s2, s16;
	s7 =	spop (v2sf)  }
0xe0: {  	v7 =	vmin.f32 v63, v60;
	(v2sf) =	vpush v1, $0xB;
	s2 =	smax.f32 s2, s21;
	s14 =	spop (v2sf)  }
0xe1: {  	s11 =	sadd.s32 $0x8, s11;
	v2 =	vmin.f32 v7, v61;
	(v2sf) =	vpush v1, $0xC;
	s20 =	smax.f32 s2, s26;
	s16 =	spop (v2sf)  }
0xe2: {  	s3 =	sadd.s32 $0x180, s3;
	v2 =	vmin.f32 v2, v62;
	(v2sf) =	vpush v1, $0xD;
	s23 =	smax.f32 s20, s30;
	s2 =	spop (v2sf)  }
0xe3: {  	_ = 	snop  }
0xe4: {  	s30 =	rddreg [dreg:$0xb];
	s26 =	spop (v2sf)  }
0xe5: {  	s11 =	rddreg [dreg:$0x4];
	s3 =	spop (v2sf)  }
0xe6: {  	[smem:$0x7E5] =	sst s3  }
0xe7: {  	s21 =	spop (v2sf);
	s3 =	smin.f32 s19, s30  }
0xe8: {  	(v2sf) =	vpush v1, $0xE;
	s30 =	spop (v2sf);
	s3 =	smin.f32 s3, s31  }
0xe9: {  	(v2sf) =	vpush v1, $0xF;
	s31 =	rddreg [dreg:$0x5];
	s20 =	spop (v2sf)  }
0xea: {  	(v2sf) =	vpush v2, $0xC;
	s3 =	smin.f32 s3, s11;
	s11 =	rddreg [dreg:$0x6]  }
0xeb: {  	(v2sf) =	vpush v2, $0xD;
	s19 =	spop (v2sf);
	s3 =	smin.f32 s3, s31  }
0xec: {  	s9 =	sshra.s32 s9, $0x2;
	(v2sf) =	vpush v2, $0xE;
	s31 =	spop (v2sf);
	s3 =	smin.f32 s3, s11  }
0xed: {  	(v2sf) =	vpush v1, $0xA;
	s11 =	spop (v2sf);
	[smem:s9] =	sst s3;
	s3 =	sadd.s32 $0x1, s9  }
0xee: {  	(v2sf) =	vpush v2, $0xF;
	s9 =	spop (v2sf);
	[smem:s3] =	sst s23  }
0xef: {  	(v2sf) =	vpush v1, $0x7;
	s11 =	smax.f32 s11, s31;
	s3 =	spop (v2sf)  }
0xf0: {  	(v2sf) =	vpush v2, $0xB;
	s23 =	spop (v2sf);
	s9 =	smin.f32 s3, s9  }
0xf1: {  	(v2sf) =	vpush v1, $0x9;
	s3 =	rddreg [dreg:$0x7];
	s31 =	spop (v2sf)  }
0xf2: {  	(v2sf) =	vpush v2, $0xA;
	s19 =	smin.f32 s9, s19;
	[smem:$0x7E6] =	sst s31  }
0xf3: {  	(v2sf) =	vpush v1, $0x8;
	s9 =	spop (v2sf);
	s31 =	smax.f32 s11, s23  }
0xf4: {  	(v2sf) =	vpush v2, $0x9;
	s20 =	smin.f32 s19, s20;
	[smem:$0x7E7] =	sst s9  }
0xf5: {  	(v2sf) =	vpush v2, $0x8;
	s23 =	spop (v2sf);
	s21 =	smin.f32 s20, s21  }
0xf6: {  	(v2sf) =	vpush v2, $0x7;
	s30 =	smax.f32 s31, s30;
	s31 =	sld [smem:$0x7E5]  }
0xf7: {  	[smem:$0x7E8] =	sst s23;
	(v2sf) =	vpush v1, $0x6;
	s19 =	spop (v2sf)  }
0xf8: {  	s26 =	smin.f32 s21, s26;
	(v2sf) =	vpush v2, $0x6;
	s20 =	spop (v2sf)  }
0xf9: {  	s23 =	smin.f32 s26, s16;
	(v2sf) =	vpush v1, $0x5;
	s21 =	spop (v2sf)  }
0xfa: {  	s23 =	smin.f32 s23, s7;
	(v2sf) =	vpush v2, $0x5;
	s16 =	spop (v2sf)  }
0xfb: {  	s30 =	smax.f32 s30, s31;
	(v2sf) =	vpush v1, $0x4;
	s11 =	spop (v2sf)  }
0xfc: {  	s13 =	smin.f32 s23, s13;
	(v2sf) =	vpush v2, $0x4;
	s23 =	spop (v2sf)  }
0xfd: {  	s15 =	smin.f32 s13, s15;
	(v2sf) =	vpush v1, $0x3;
	s13 =	spop (v2sf)  }
0xfe: {  	s26 =	smin.f32 s15, s5;
	(v2sf) =	vpush v2, $0x3;
	s15 =	spop (v2sf)  }
0xff: {  	s2 =	smax.f32 s30, s2;
	(v2sf) =	vpush v2, $0x2;
	s9 =	spop (v2sf)  }
0x100: {  	s2 =	smax.f32 s2, s14;
	(v2sf) =	vpush v1, $0x1;
	s31 =	spop (v2sf)  }
0x101: {  	s0 =	smax.f32 s2, s0;
	(v2sf) =	vpush v1, $0x0;
	s30 =	spop (v2sf)  }
0x102: {  	s5 =	rddreg [dreg:$0x9];
	(v2sf) =	vpush v2, $0x1;
	s14 =	spop (v2sf)  }
0x103: {  	s2 =	rddreg [dreg:$0x8];
	(v2sf) =	vpush v2, $0x0;
	s7 =	spop (v2sf)  }
0x104: {  	s0 =	smax.f32 s0, s28;
	s28 =	spop (v2sf)  }
0x105: {  	s0 =	smax.f32 s0, s24;
	(v2sf) =	vpush v1, $0x2;
	s24 =	spop (v2sf)  }
0x106: {  	s0 =	smax.f32 s0, s5;
	s5 =	spop (v2sf)  }
0x107: {  	s0 =	smax.f32 s0, s3;
	s3 =	spop (v2sf)  }
0x108: {  	s0 =	smax.f32 s0, s2;
	s2 =	spop (v2sf)  }
0x109: {  	s0 =	smax.f32 s0, s29;
	s29 =	spop (v2sf)  }
0x10a: {  	s0 =	smax.f32 s0, s8;
	s8 =	spop (v2sf)  }
0x10b: {  	s0 =	smax.f32 s0, s1;
	s1 =	spop (v2sf)  }
0x10c: {  	s17 =	smin.f32 s26, s17;
	s26 =	spop (v2sf)  }
0x10d: {  	s17 =	smin.f32 s17, s25;
	s25 =	spop (v2sf)  }
0x10e: {  	s4 =	smin.f32 s17, s4;
	s17 =	spop (v2sf)  }
0x10f: {  	s4 =	smin.f32 s4, s18;
	s18 =	spop (v2sf)  }
0x110: {  	s4 =	smin.f32 s4, s6;
	s6 =	sshra.s32 s22, $0x2;
	s22 =	spop (v2sf)  }
0x111: {  	[smem:s6] =	sst s4;
	s4 =	sadd.s32 $0x1, s6;
	s6 =	spop (v2sf)  }
0x112: {  	[smem:s4] =	sst s0;
	s4 =	spop (v2sf)  }
0x113: {  	s22 =	smax.f32 s22, s18;
	s0 =	smin.f32 s4, s6  }
0x114: {  	s18 =	spop (v2sf);
	s6 =	rddreg [dreg:$0x13]  }
0x115: {  	s0 =	smin.f32 s0, s17;
	s17 =	rddreg [dreg:$0x18]  }
0x116: {  	s4 =	smax.f32 s22, s18;
	s18 =	rddreg [dreg:$0x19]  }
0x117: {  	s0 =	smin.f32 s0, s25;
	s25 =	sld [smem:$0x7E7]  }
0x118: {  	s22 =	smax.f32 s4, s26;
	s26 =	sld [smem:$0x7E8]  }
0x119: {  	s4 =	rddreg [dreg:$0x2];
	s0 =	smin.f32 s0, s1  }
0x11a: {  	s1 =	smax.f32 s22, s8;
	s22 =	rddreg [dreg:$0x1a]  }
0x11b: {  	s0 =	smin.f32 s0, s29;
	s1 =	smax.f32 s1, s2  }
0x11c: {  	s29 =	rddreg [dreg:$0x1e];
	s0 =	smin.f32 s0, s3  }
0x11d: {  	s1 =	smax.f32 s1, s5;
	s0 =	smin.f32 s0, s24  }
0x11e: {  	s1 =	smax.f32 s1, s15;
	s24 =	sld [smem:$0x7E6]  }
0x11f: {  	s15 =	rddreg [dreg:$0x17];
	s0 =	smin.f32 s0, s28  }
0x120: {  	s1 =	smax.f32 s1, s14;
	s14 =	rddreg [dreg:$0x16]  }
0x121: {  	s28 =	rddreg [dreg:$0x1d];
	s0 =	smin.f32 s0, s7  }
0x122: {  	s1 =	smax.f32 s1, s31;
	s0 =	smin.f32 s0, s30  }
0x123: {  	s1 =	smax.f32 s1, s23;
	s30 =	rddreg [dreg:$0xa]  }
0x124: {  	s0 =	smin.f32 s0, s9;
	s1 =	smax.f32 s1, s24  }
0x125: {  	s24 =	rddreg [dreg:$0x1b];
	s0 =	smin.f32 s0, s21  }
0x126: {  	s1 =	smax.f32 s1, s25;
	s25 =	rddreg [dreg:$0x1c]  }
0x127: {  	s0 =	smin.f32 s0, s16;
	s1 =	smax.f32 s1, s26  }
.Ltmp6:
0x128: {  	s0 =	smin.f32 s0, s11;
	(pc) =	sbr.rel .LBB2_7-.Ltmp6, $4  }
0x129: {  	s1 =	smax.f32 s1, s19;
	s11 =	rddreg [dreg:$0x14]  }
0x12a: {  	s2 =	sshra.s32 s30, $0x2;
	s0 =	smin.f32 s0, s13;
	s13 =	rddreg [dreg:$0x15]  }
0x12b: {  	s31 =	sadd.s32 $0x1, s2;
	s1 =	smax.f32 s1, s20;
	[smem:s2] =	sst s0  }
0x12c: {  	s5 =	simm.s32 $0x0;
	s19 =	simm.s32 $0x0;
	[smem:s31] =	sst s1  }
.LBB2_11:
0x12d: {  	s0 =	sadd.s32 s11, s21  }
0x12e: {  	[bflag:$0x0] =	sbarrier.arrive $0xFFFF;
	s1 =	stileid.u32;
	s30 =	sshrl.u32 s6, $0x3  }
0x12f: {  	s31 =	simm.s32 $0x3;
	s19 =	sadd.s32 $0x1, s19;
	s0 =	sshll.u32 s0, $0x4  }
0x130: {  	s1 =	sshll.u32 s1, $0x6;
	s2 =	rddreg [dreg:$0x11];
	p0 =	sne.s32 s19, $0x6  }
.Ltmp7:
0x131: {  	s0 =	sadd.s32 s2, s0;
	s1 =	sor.u32 $0x1C03, s1;
	(pc) =	sbr.rel @!p0 .LBB2_12-.Ltmp7, $4  }
0x132: {  	[hbm:s0], [sflag:s1] =	dma.local [spmem:s30], $0x3000  }
0x133: {  	_ =	swait.ge [sflag:s31], $0x3000  }
0x134: {  	[sflag:s31] =	ssyncset.done $0x0  }
0x135: {  	[sflag:s31] =	ssyncadd.s32 $0xFFFFD000  }
.LBB2_7:
0x136: {  	s1 =	simm.s32 $0x1EB40  }
0x137: {  	[spmem:s6] =	stream.linear.scatter [tilespmem:s1], [sflag:$0x1], $0x1000, $0x38;
	[tilespmem:$0x1FB40] =	vst v63  }
0x138: {  	_ = 	snop  }
0x139: {  	[spmem:s13] =	stream.linear.scatter [tilespmem:s1], [sflag:$0x1], $0x1000, $0x38;
	[tilespmem:$0x1FB40] =	vst v63  }
0x13a: {  	_ = 	snop  }
0x13b: {  	[spmem:s14] =	stream.linear.scatter [tilespmem:s1], [sflag:$0x1], $0x1000, $0x38;
	[tilespmem:$0x1FB40] =	vst v63  }
0x13c: {  	_ = 	snop  }
0x13d: {  	[spmem:s15] =	stream.linear.scatter [tilespmem:s1], [sflag:$0x1], $0x1000, $0x38;
	[tilespmem:$0x1FB40] =	vst v63  }
0x13e: {  	_ = 	snop  }
0x13f: {  	[spmem:s17] =	stream.linear.scatter [tilespmem:s1], [sflag:$0x1], $0x1000, $0x38;
	[tilespmem:$0x1FB40] =	vst v63  }
0x140: {  	_ = 	snop  }
0x141: {  	[spmem:s18] =	stream.linear.scatter [tilespmem:s1], [sflag:$0x1], $0x1000, $0x38;
	[tilespmem:$0x1FB40] =	vst v63  }
0x142: {  	_ = 	snop  }
0x143: {  	[spmem:s22] =	stream.linear.scatter [tilespmem:s1], [sflag:$0x1], $0x1000, $0x38;
	[tilespmem:$0x1FB40] =	vst v63  }
0x144: {  	_ = 	snop  }
0x145: {  	[spmem:s24] =	stream.linear.scatter [tilespmem:s1], [sflag:$0x1], $0x1000, $0x38;
	[tilespmem:$0x1FB40] =	vst v63  }
0x146: {  	_ = 	snop  }
0x147: {  	[spmem:s25] =	stream.linear.scatter [tilespmem:s1], [sflag:$0x1], $0x1000, $0x38;
	[tilespmem:$0x1FB40] =	vst v63  }
0x148: {  	_ = 	snop  }
0x149: {  	[spmem:s28] =	stream.linear.scatter [tilespmem:s1], [sflag:$0x1], $0x1000, $0x38;
	[tilespmem:$0x1FB40] =	vst v63  }
0x14a: {  	s0 =	rddreg [dreg:$0x1f]  }
0x14b: {  	[spmem:s29] =	stream.linear.scatter [tilespmem:s1], [sflag:$0x1], $0x1000, $0x38;
	[tilespmem:$0x1FB40] =	vst v63  }
0x14c: {  	s21 =	sld [smem:$0x7EE]  }
0x14d: {  	[spmem:s0] =	stream.linear.scatter [tilespmem:s1], [sflag:$0x1], $0x1000, $0x38;
	[tilespmem:$0x1FB40] =	vst v63  }
0x14e: {  	s23 =	sld [smem:$0x7F0]  }
0x14f: {  	[spmem:s21] =	stream.linear.scatter [tilespmem:s1], [sflag:$0x1], $0x1000, $0x38;
	[tilespmem:$0x1FB40] =	vst v63  }
0x150: {  	s26 =	sld [smem:$0x7F3]  }
0x151: {  	[spmem:s23] =	stream.linear.scatter [tilespmem:s1], [sflag:$0x1], $0x1000, $0x38;
	[tilespmem:$0x1FB40] =	vst v63  }
0x152: {  	s31 =	sld [smem:$0x7F4]  }
0x153: {  	[spmem:s26] =	stream.linear.scatter [tilespmem:s1], [sflag:$0x1], $0x1000, $0x38;
	[tilespmem:$0x1FB40] =	vst v63  }
0x154: {  	s2 =	sld [smem:$0x7F5]  }
0x155: {  	[spmem:s31] =	stream.linear.scatter [tilespmem:s1], [sflag:$0x1], $0x1000, $0x38;
	[tilespmem:$0x1FB40] =	vst v63  }
0x156: {  	s3 =	sld [smem:$0x7F6]  }
0x157: {  	[spmem:s2] =	stream.linear.scatter [tilespmem:s1], [sflag:$0x1], $0x1000, $0x38;
	[tilespmem:$0x1FB40] =	vst v63  }
0x158: {  	s7 =	sld [smem:$0x7F7]  }
0x159: {  	[spmem:s3] =	stream.linear.scatter [tilespmem:s1], [sflag:$0x1], $0x1000, $0x38;
	[tilespmem:$0x1FB40] =	vst v63  }
0x15a: {  	s8 =	sld [smem:$0x7F8]  }
0x15b: {  	[spmem:s7] =	stream.linear.scatter [tilespmem:s1], [sflag:$0x1], $0x1000, $0x38;
	[tilespmem:$0x1FB40] =	vst v63  }
0x15c: {  	s9 =	sld [smem:$0x7F9]  }
0x15d: {  	[spmem:s8] =	stream.linear.scatter [tilespmem:s1], [sflag:$0x1], $0x1000, $0x38;
	[tilespmem:$0x1FB40] =	vst v63  }
0x15e: {  	s16 =	sld [smem:$0x7FA]  }
0x15f: {  	[spmem:s9] =	stream.linear.scatter [tilespmem:s1], [sflag:$0x1], $0x1000, $0x38;
	[tilespmem:$0x1FB40] =	vst v63  }
0x160: {  	s20 =	sld [smem:$0x7FB]  }
0x161: {  	[spmem:s16] =	stream.linear.scatter [tilespmem:s1], [sflag:$0x1], $0x1000, $0x38;
	[tilespmem:$0x1FB40] =	vst v63  }
0x162: {  	s21 =	sld [smem:$0x7FC]  }
0x163: {  	[spmem:s20] =	stream.linear.scatter [tilespmem:s1], [sflag:$0x1], $0x1000, $0x38;
	[tilespmem:$0x1FB40] =	vst v63  }
0x164: {  	s20 =	simm.s32 $0x1  }
0x165: {  	[spmem:s21] =	stream.linear.scatter [tilespmem:s1], [sflag:$0x1], $0x1000, $0x38;
	[tilespmem:$0x1FB40] =	vst v63  }
0x166: {  	_ =	swait.ge [sflag:s20], $0x1000  }
0x167: {  	[sflag:s20] =	ssyncset.done $0x0  }
0x168: {  	[sflag:s20] =	ssyncadd.s32 $0xFFFFF000  }
0x169: {  	_ =	swait.ge [sflag:s20], $0x1000  }
0x16a: {  	[sflag:s20] =	ssyncset.done $0x0  }
0x16b: {  	[sflag:s20] =	ssyncadd.s32 $0xFFFFF000  }
0x16c: {  	_ =	swait.ge [sflag:s20], $0x1000  }
0x16d: {  	[sflag:s20] =	ssyncset.done $0x0  }
0x16e: {  	[sflag:s20] =	ssyncadd.s32 $0xFFFFF000  }
0x16f: {  	_ =	swait.ge [sflag:s20], $0x1000  }
0x170: {  	[sflag:s20] =	ssyncset.done $0x0  }
0x171: {  	[sflag:s20] =	ssyncadd.s32 $0xFFFFF000  }
0x172: {  	_ =	swait.ge [sflag:s20], $0x1000  }
0x173: {  	[sflag:s20] =	ssyncset.done $0x0  }
0x174: {  	[sflag:s20] =	ssyncadd.s32 $0xFFFFF000  }
0x175: {  	_ =	swait.ge [sflag:s20], $0x1000  }
0x176: {  	[sflag:s20] =	ssyncset.done $0x0  }
0x177: {  	[sflag:s20] =	ssyncadd.s32 $0xFFFFF000  }
0x178: {  	_ =	swait.ge [sflag:s20], $0x1000  }
0x179: {  	[sflag:s20] =	ssyncset.done $0x0  }
0x17a: {  	[sflag:s20] =	ssyncadd.s32 $0xFFFFF000  }
0x17b: {  	_ =	swait.ge [sflag:s20], $0x1000  }
0x17c: {  	[sflag:s20] =	ssyncset.done $0x0  }
0x17d: {  	[sflag:s20] =	ssyncadd.s32 $0xFFFFF000  }
0x17e: {  	_ =	swait.ge [sflag:s20], $0x1000  }
0x17f: {  	[sflag:s20] =	ssyncset.done $0x0  }
0x180: {  	[sflag:s20] =	ssyncadd.s32 $0xFFFFF000  }
0x181: {  	_ =	swait.ge [sflag:s20], $0x1000  }
0x182: {  	[sflag:s20] =	ssyncset.done $0x0  }
0x183: {  	[sflag:s20] =	ssyncadd.s32 $0xFFFFF000  }
0x184: {  	_ =	swait.ge [sflag:s20], $0x1000  }
0x185: {  	[sflag:s20] =	ssyncset.done $0x0  }
0x186: {  	[sflag:s20] =	ssyncadd.s32 $0xFFFFF000  }
0x187: {  	_ =	swait.ge [sflag:s20], $0x1000  }
0x188: {  	[sflag:s20] =	ssyncset.done $0x0  }
0x189: {  	[sflag:s20] =	ssyncadd.s32 $0xFFFFF000  }
0x18a: {  	_ =	swait.ge [sflag:s20], $0x1000  }
0x18b: {  	[sflag:s20] =	ssyncset.done $0x0  }
0x18c: {  	[sflag:s20] =	ssyncadd.s32 $0xFFFFF000  }
0x18d: {  	_ =	swait.ge [sflag:s20], $0x1000  }
0x18e: {  	[sflag:s20] =	ssyncset.done $0x0  }
0x18f: {  	[sflag:s20] =	ssyncadd.s32 $0xFFFFF000  }
0x190: {  	_ =	swait.ge [sflag:s20], $0x1000  }
0x191: {  	[sflag:s20] =	ssyncset.done $0x0  }
0x192: {  	[sflag:s20] =	ssyncadd.s32 $0xFFFFF000  }
0x193: {  	_ =	swait.ge [sflag:s20], $0x1000  }
0x194: {  	[sflag:s20] =	ssyncset.done $0x0  }
0x195: {  	[sflag:s20] =	ssyncadd.s32 $0xFFFFF000  }
0x196: {  	_ =	swait.ge [sflag:s20], $0x1000  }
0x197: {  	[sflag:s20] =	ssyncset.done $0x0  }
0x198: {  	[sflag:s20] =	ssyncadd.s32 $0xFFFFF000  }
0x199: {  	_ =	swait.ge [sflag:s20], $0x1000  }
0x19a: {  	[sflag:s20] =	ssyncset.done $0x0  }
0x19b: {  	[sflag:s20] =	ssyncadd.s32 $0xFFFFF000  }
0x19c: {  	_ =	swait.ge [sflag:s20], $0x1000  }
0x19d: {  	[sflag:s20] =	ssyncset.done $0x0  }
0x19e: {  	[sflag:s20] =	ssyncadd.s32 $0xFFFFF000  }
0x19f: {  	_ =	swait.ge [sflag:s20], $0x1000  }
0x1a0: {  	[sflag:s20] =	ssyncset.done $0x0  }
0x1a1: {  	[sflag:s20] =	ssyncadd.s32 $0xFFFFF000  }
0x1a2: {  	_ =	swait.ge [sflag:s20], $0x1000  }
0x1a3: {  	[sflag:s20] =	ssyncset.done $0x0  }
0x1a4: {  	[sflag:s20] =	ssyncadd.s32 $0xFFFFF000  }
0x1a5: {  	_ =	swait.ge [sflag:s20], $0x1000  }
0x1a6: {  	[sflag:s20] =	ssyncset.done $0x0  }
0x1a7: {  	[sflag:s20] =	ssyncadd.s32 $0xFFFFF000  }
0x1a8: {  	_ =	swait.ge [sflag:s20], $0x1000  }
0x1a9: {  	s23 =	sshll.u32 s19, $0x1;
	s26 =	rddreg [dreg:$0x10]  }
0x1aa: {  	[sflag:s20] =	ssyncset.done $0x0;
	s0 =	sor.u32 s26, s23  }
0x1ab: {  	[sflag:s20] =	ssyncadd.s32 $0xFFFFF000;
	s1 =	sshll.u32 s0, $0x5  }
0x1ac: {  	_ =	swait.ge [sflag:s20], $0x1000;
	s2 =	scvt.s32.f32 s1  }
.Ltmp8:
0x1ad: {  	[sflag:s20] =	ssyncset.done $0x0;
	s3 =	sld [smem:$0x7EA];
	(pc) =	sbr.rel .LBB2_8-.Ltmp8, $4  }
0x1ae: {  	s0 =	smul.u32 $0x3000, s0;
	[sflag:s20] =	ssyncadd.s32 $0xFFFFF000  }
0x1af: {  	[bflag:$0x0] =	sbarrier.arrive $0xFFFF;
	s26 =	sadd.f32 $3.200000000e+01, s2  }
0x1b0: {  	s31 =	sadd.s32 $0xFFFFFFFF, s1;
	s21 =	sadd.s32 s3, s0;
	s7 =	sld [smem:$0x7FD]  }
0x1b1: {  	s30 =	simm.s32 $0x0;
	s23 =	scvt.s32.f32 s31;
	s16 =	sld [smem:$0x7EB];
	v1 =	vmov s21  }
.LBB2_10:
0x1b2: {  	s30 =	sadd.s32 $0x6000, s30  }
0x1b3: {  	p0 =	sne.s32 s30, $0x90000  }
.Ltmp9:
0x1b4: {  	_ = 	snop;
	(pc) =	sbr.rel @!p0 .LBB2_11-.Ltmp9, $2  }
0x1b5: {  	_ =	sdelay $0x2  }
0x1b6: {  	s20 =	sadd.s32 $0x2, s20;
	s7 =	sadd.s32 $0x1, s7;
	s16 =	sadd.s32 $0xC0, s16  }
.LBB2_8:
0x1b7: {  	s0 =	sld [smem:s20+$0x0]  }
0x1b8: {  	s1 =	scvt.s32.f32 s7  }
0x1b9: {  	s2 =	sld [smem:s20+$0xFFFFFFFF]  }
0x1ba: {  	s0 =	sadd.f32 s1, s0;
	_ =	sdelay $0x1  }
0x1bb: {  	p0 =	sge.f32 s0, s23;
	s0 =	sadd.f32 s1, s2  }
0x1bc: {  	_ = 	snop  }
0x1bd: {  	p1 =	slt.f32 @p0 s0, s26;
	_ =	sdelay $0x1  }
0x1be: {  	p0 =	por !p0, !p1  }
.Ltmp10:
0x1bf: {  	_ = 	snop;
	(pc) =	sbr.rel @p0 .LBB2_10-.Ltmp10, $1  }
0x1c0: {  	_ =	sdelay $0x3  }
0x1c1: {  	s8 =	sld [smem:$0x7EC]  }
0x1c2: {  	s0 =	simm.s32 $0x18040  }
0x1c3: {  	[tilespmem:s0], [sflag:$0x2] =	stream.linear.gather [hbm4b:s16+s5], $0x600, $0x38;
	[tilespmem:$0x1FB40] =	vst v63  }
0x1c4: {  	s1 =	simm.s32 $0x1AB40;
	s31 =	sadd.s32 s30, s8  }
0x1c5: {  	[tilespmem:s1], [sflag:$0x1] =	stream.linear.gather [hbm4b:s31+s5], $0x2000, $0x38;
	[tilespmem:$0x1FB40] =	vst v63  }
0x1c6: {  	_ =	swait.ge [sflag:s10], $0x600  }
0x1c7: {  	[sflag:s10] =	ssyncset.done $0x0  }
0x1c8: {  	s2 =	simm.s32 $0x1CB40;
	s0 =	sadd.s32 $0x400, s31;
	[sflag:s10] =	ssyncadd.s32 $0xFFFFFA00  }
0x1c9: {  	[tilespmem:s2], [sflag:$0x1] =	stream.linear.gather [hbm4b:s0+s5], $0x2000, $0x38;
	[tilespmem:$0x1FB40] =	vst v63  }
0x1ca: {  	v2 =	vld [tilespmem:$0x18040]  }
0x1cb: {  	v3 =	vld [tilespmem:$0x18050]  }
0x1cc: {  	v4 =	vld [tilespmem:$0x18060]  }
0x1cd: {  	v5 =	vld [tilespmem:$0x18070];
	_ =	sdelay $0x1  }
0x1ce: {  	v2 =	vsub.s32 v2, v1  }
0x1cf: {  	v3 =	vsub.s32 v3, v1;
	v2 =	vmin.u32 v2, $0x3000  }
0x1d0: {  	[tilespmem:$0x18640] =	vst v2;
	v2 =	vmin.u32 v3, $0x3000;
	v3 =	vsub.s32 v4, v1  }
0x1d1: {  	[tilespmem:$0x18650] =	vst v2;
	v2 =	vmin.u32 v3, $0x3000;
	v3 =	vsub.s32 v5, v1  }
0x1d2: {  	[tilespmem:$0x18660] =	vst v2;
	v2 =	vmin.u32 v3, $0x3000  }
0x1d3: {  	[tilespmem:$0x18670] =	vst v2  }
0x1d4: {  	_ =	swait.ge [sflag:s12], $0x2000  }
0x1d5: {  	[sflag:s12] =	ssyncset.done $0x0  }
0x1d6: {  	s3 =	simm.s32 $0x40;
	s8 =	simm.s32 $0x18640;
	[sflag:s12] =	ssyncadd.s32 $0xFFFFE000  }
0x1d7: {  	[spmem:s4] =	stream.indirect.scatter.add.f32 [tilespmem:s1], [sflag:$0x2], $0x80, s8, s3, $0xb8;
	[tilespmem:$0x1FB40] =	vst v63  }
0x1d8: {  	_ =	swait.ge [sflag:s10], $0x2000  }
0x1d9: {  	[sflag:s10] =	ssyncset.done $0x0  }
0x1da: {  	s9 =	sadd.s32 $0x800, s31;
	[sflag:s10] =	ssyncadd.s32 $0xFFFFE000  }
0x1db: {  	[tilespmem:s1], [sflag:$0x1] =	stream.linear.gather [hbm4b:s9+s5], $0x2000, $0x38;
	[tilespmem:$0x1FB40] =	vst v63  }
0x1dc: {  	v2 =	vld [tilespmem:$0x18080]  }
0x1dd: {  	v3 =	vld [tilespmem:$0x18090]  }
0x1de: {  	v18 =	vld [tilespmem:$0x180A0]  }
0x1df: {  	v19 =	vld [tilespmem:$0x180B0];
	_ =	sdelay $0x1  }
0x1e0: {  	v2 =	vsub.s32 v2, v1  }
0x1e1: {  	v3 =	vsub.s32 v3, v1;
	v2 =	vmin.u32 v2, $0x3000  }
0x1e2: {  	[tilespmem:$0x186C0] =	vst v2;
	v2 =	vmin.u32 v3, $0x3000;
	v3 =	vsub.s32 v18, v1  }
0x1e3: {  	[tilespmem:$0x186D0] =	vst v2;
	v2 =	vmin.u32 v3, $0x3000;
	v3 =	vsub.s32 v19, v1  }
0x1e4: {  	[tilespmem:$0x186E0] =	vst v2;
	v2 =	vmin.u32 v3, $0x3000  }
0x1e5: {  	[tilespmem:$0x186F0] =	vst v2  }
0x1e6: {  	_ =	swait.ge [sflag:s12], $0x2000  }
0x1e7: {  	[sflag:s12] =	ssyncset.done $0x0  }
0x1e8: {  	s9 =	simm.s32 $0x186C0;
	[sflag:s12] =	ssyncadd.s32 $0xFFFFE000  }
0x1e9: {  	[spmem:s4] =	stream.indirect.scatter.add.f32 [tilespmem:s2], [sflag:$0x2], $0x80, s9, s3, $0xb8;
	[tilespmem:$0x1FB40] =	vst v63  }
0x1ea: {  	_ =	swait.ge [sflag:s10], $0x2000  }
0x1eb: {  	[sflag:s10] =	ssyncset.done $0x0  }
0x1ec: {  	s0 =	sadd.s32 $0xC00, s31;
	[sflag:s10] =	ssyncadd.s32 $0xFFFFE000  }
0x1ed: {  	[tilespmem:s2], [sflag:$0x1] =	stream.linear.gather [hbm4b:s0+s5], $0x2000, $0x38;
	[tilespmem:$0x1FB40] =	vst v63  }
0x1ee: {  	v2 =	vld [tilespmem:$0x180C0]  }
0x1ef: {  	v3 =	vld [tilespmem:$0x180D0]  }
0x1f0: {  	v20 =	vld [tilespmem:$0x180E0]  }
0x1f1: {  	v21 =	vld [tilespmem:$0x180F0];
	_ =	sdelay $0x1  }
0x1f2: {  	v2 =	vsub.s32 v2, v1  }
0x1f3: {  	v3 =	vsub.s32 v3, v1;
	v2 =	vmin.u32 v2, $0x3000  }
0x1f4: {  	[tilespmem:$0x18640] =	vst v2;
	v2 =	vmin.u32 v3, $0x3000;
	v3 =	vsub.s32 v20, v1  }
0x1f5: {  	[tilespmem:$0x18650] =	vst v2;
	v2 =	vmin.u32 v3, $0x3000;
	v3 =	vsub.s32 v21, v1  }
0x1f6: {  	[tilespmem:$0x18660] =	vst v2;
	v2 =	vmin.u32 v3, $0x3000  }
0x1f7: {  	[tilespmem:$0x18670] =	vst v2  }
0x1f8: {  	_ =	swait.ge [sflag:s12], $0x2000  }
0x1f9: {  	[sflag:s12] =	ssyncset.done $0x0  }
0x1fa: {  	[sflag:s12] =	ssyncadd.s32 $0xFFFFE000  }
0x1fb: {  	[spmem:s4] =	stream.indirect.scatter.add.f32 [tilespmem:s1], [sflag:$0x2], $0x80, s8, s3, $0xb8;
	[tilespmem:$0x1FB40] =	vst v63  }
0x1fc: {  	_ =	swait.ge [sflag:s10], $0x2000  }
0x1fd: {  	[sflag:s10] =	ssyncset.done $0x0  }
0x1fe: {  	s0 =	sadd.s32 $0x1000, s31;
	[sflag:s10] =	ssyncadd.s32 $0xFFFFE000  }
0x1ff: {  	[tilespmem:s1], [sflag:$0x1] =	stream.linear.gather [hbm4b:s0+s5], $0x2000, $0x38;
	[tilespmem:$0x1FB40] =	vst v63  }
0x200: {  	v2 =	vld [tilespmem:$0x18100]  }
0x201: {  	v3 =	vld [tilespmem:$0x18110]  }
0x202: {  	v22 =	vld [tilespmem:$0x18120]  }
0x203: {  	v23 =	vld [tilespmem:$0x18130];
	_ =	sdelay $0x1  }
0x204: {  	v2 =	vsub.s32 v2, v1  }
0x205: {  	v3 =	vsub.s32 v3, v1;
	v2 =	vmin.u32 v2, $0x3000  }
0x206: {  	[tilespmem:$0x186C0] =	vst v2;
	v2 =	vmin.u32 v3, $0x3000;
	v3 =	vsub.s32 v22, v1  }
0x207: {  	[tilespmem:$0x186D0] =	vst v2;
	v2 =	vmin.u32 v3, $0x3000;
	v3 =	vsub.s32 v23, v1  }
0x208: {  	[tilespmem:$0x186E0] =	vst v2;
	v2 =	vmin.u32 v3, $0x3000  }
0x209: {  	[tilespmem:$0x186F0] =	vst v2  }
0x20a: {  	_ =	swait.ge [sflag:s12], $0x2000  }
0x20b: {  	[sflag:s12] =	ssyncset.done $0x0  }
0x20c: {  	[sflag:s12] =	ssyncadd.s32 $0xFFFFE000  }
0x20d: {  	[spmem:s4] =	stream.indirect.scatter.add.f32 [tilespmem:s2], [sflag:$0x2], $0x80, s9, s3, $0xb8;
	[tilespmem:$0x1FB40] =	vst v63  }
0x20e: {  	_ =	swait.ge [sflag:s10], $0x2000  }
0x20f: {  	[sflag:s10] =	ssyncset.done $0x0  }
0x210: {  	s0 =	sadd.s32 $0x1400, s31;
	[sflag:s10] =	ssyncadd.s32 $0xFFFFE000  }
0x211: {  	[tilespmem:s2], [sflag:$0x1] =	stream.linear.gather [hbm4b:s0+s5], $0x2000, $0x38;
	[tilespmem:$0x1FB40] =	vst v63  }
0x212: {  	v2 =	vld [tilespmem:$0x18140]  }
0x213: {  	v3 =	vld [tilespmem:$0x18150]  }
0x214: {  	v24 =	vld [tilespmem:$0x18160]  }
0x215: {  	v25 =	vld [tilespmem:$0x18170];
	_ =	sdelay $0x1  }
0x216: {  	v2 =	vsub.s32 v2, v1  }
0x217: {  	v3 =	vsub.s32 v3, v1;
	v2 =	vmin.u32 v2, $0x3000  }
0x218: {  	[tilespmem:$0x18640] =	vst v2;
	v2 =	vmin.u32 v3, $0x3000;
	v3 =	vsub.s32 v24, v1  }
0x219: {  	[tilespmem:$0x18650] =	vst v2;
	v2 =	vmin.u32 v3, $0x3000;
	v3 =	vsub.s32 v25, v1  }
0x21a: {  	[tilespmem:$0x18660] =	vst v2;
	v2 =	vmin.u32 v3, $0x3000  }
0x21b: {  	[tilespmem:$0x18670] =	vst v2  }
0x21c: {  	_ =	swait.ge [sflag:s12], $0x2000  }
0x21d: {  	[sflag:s12] =	ssyncset.done $0x0  }
0x21e: {  	[sflag:s12] =	ssyncadd.s32 $0xFFFFE000  }
0x21f: {  	[spmem:s4] =	stream.indirect.scatter.add.f32 [tilespmem:s1], [sflag:$0x2], $0x80, s8, s3, $0xb8;
	[tilespmem:$0x1FB40] =	vst v63  }
0x220: {  	_ =	swait.ge [sflag:s10], $0x2000  }
0x221: {  	[sflag:s10] =	ssyncset.done $0x0  }
0x222: {  	s0 =	sadd.s32 $0x1800, s31;
	[sflag:s10] =	ssyncadd.s32 $0xFFFFE000  }
0x223: {  	[tilespmem:s1], [sflag:$0x1] =	stream.linear.gather [hbm4b:s0+s5], $0x2000, $0x38;
	[tilespmem:$0x1FB40] =	vst v63  }
0x224: {  	v2 =	vld [tilespmem:$0x18180]  }
0x225: {  	v3 =	vld [tilespmem:$0x18190]  }
0x226: {  	v26 =	vld [tilespmem:$0x181A0]  }
0x227: {  	v27 =	vld [tilespmem:$0x181B0];
	_ =	sdelay $0x1  }
0x228: {  	v2 =	vsub.s32 v2, v1  }
0x229: {  	v3 =	vsub.s32 v3, v1;
	v2 =	vmin.u32 v2, $0x3000  }
0x22a: {  	[tilespmem:$0x186C0] =	vst v2;
	v2 =	vmin.u32 v3, $0x3000;
	v3 =	vsub.s32 v26, v1  }
0x22b: {  	[tilespmem:$0x186D0] =	vst v2;
	v2 =	vmin.u32 v3, $0x3000;
	v3 =	vsub.s32 v27, v1  }
0x22c: {  	[tilespmem:$0x186E0] =	vst v2;
	v2 =	vmin.u32 v3, $0x3000  }
0x22d: {  	[tilespmem:$0x186F0] =	vst v2  }
0x22e: {  	_ =	swait.ge [sflag:s12], $0x2000  }
0x22f: {  	[sflag:s12] =	ssyncset.done $0x0  }
0x230: {  	[sflag:s12] =	ssyncadd.s32 $0xFFFFE000  }
0x231: {  	[spmem:s4] =	stream.indirect.scatter.add.f32 [tilespmem:s2], [sflag:$0x2], $0x80, s9, s3, $0xb8;
	[tilespmem:$0x1FB40] =	vst v63  }
0x232: {  	_ =	swait.ge [sflag:s10], $0x2000  }
0x233: {  	[sflag:s10] =	ssyncset.done $0x0  }
0x234: {  	s0 =	sadd.s32 $0x1C00, s31;
	[sflag:s10] =	ssyncadd.s32 $0xFFFFE000  }
0x235: {  	[tilespmem:s2], [sflag:$0x1] =	stream.linear.gather [hbm4b:s0+s5], $0x2000, $0x38;
	[tilespmem:$0x1FB40] =	vst v63  }
0x236: {  	v2 =	vld [tilespmem:$0x181C0]  }
0x237: {  	v3 =	vld [tilespmem:$0x181D0]  }
0x238: {  	v28 =	vld [tilespmem:$0x181E0]  }
0x239: {  	v29 =	vld [tilespmem:$0x181F0];
	_ =	sdelay $0x1  }
0x23a: {  	v2 =	vsub.s32 v2, v1  }
0x23b: {  	v3 =	vsub.s32 v3, v1;
	v2 =	vmin.u32 v2, $0x3000  }
0x23c: {  	[tilespmem:$0x18640] =	vst v2;
	v2 =	vmin.u32 v3, $0x3000;
	v3 =	vsub.s32 v28, v1  }
0x23d: {  	[tilespmem:$0x18650] =	vst v2;
	v2 =	vmin.u32 v3, $0x3000;
	v3 =	vsub.s32 v29, v1  }
0x23e: {  	[tilespmem:$0x18660] =	vst v2;
	v2 =	vmin.u32 v3, $0x3000  }
0x23f: {  	[tilespmem:$0x18670] =	vst v2  }
0x240: {  	_ =	swait.ge [sflag:s12], $0x2000  }
0x241: {  	[sflag:s12] =	ssyncset.done $0x0  }
0x242: {  	[sflag:s12] =	ssyncadd.s32 $0xFFFFE000  }
0x243: {  	[spmem:s4] =	stream.indirect.scatter.add.f32 [tilespmem:s1], [sflag:$0x2], $0x80, s8, s3, $0xb8;
	[tilespmem:$0x1FB40] =	vst v63  }
0x244: {  	_ =	swait.ge [sflag:s10], $0x2000  }
0x245: {  	[sflag:s10] =	ssyncset.done $0x0  }
0x246: {  	s0 =	sadd.s32 $0x2000, s31;
	[sflag:s10] =	ssyncadd.s32 $0xFFFFE000  }
0x247: {  	[tilespmem:s1], [sflag:$0x1] =	stream.linear.gather [hbm4b:s0+s5], $0x2000, $0x38;
	[tilespmem:$0x1FB40] =	vst v63  }
0x248: {  	v2 =	vld [tilespmem:$0x18200]  }
0x249: {  	v3 =	vld [tilespmem:$0x18210]  }
0x24a: {  	v30 =	vld [tilespmem:$0x18220]  }
0x24b: {  	v31 =	vld [tilespmem:$0x18230];
	_ =	sdelay $0x1  }
0x24c: {  	v2 =	vsub.s32 v2, v1  }
0x24d: {  	v3 =	vsub.s32 v3, v1;
	v2 =	vmin.u32 v2, $0x3000  }
0x24e: {  	[tilespmem:$0x186C0] =	vst v2;
	v2 =	vmin.u32 v3, $0x3000;
	v3 =	vsub.s32 v30, v1  }
0x24f: {  	[tilespmem:$0x186D0] =	vst v2;
	v2 =	vmin.u32 v3, $0x3000;
	v3 =	vsub.s32 v31, v1  }
0x250: {  	[tilespmem:$0x186E0] =	vst v2;
	v2 =	vmin.u32 v3, $0x3000  }
0x251: {  	[tilespmem:$0x186F0] =	vst v2  }
0x252: {  	_ =	swait.ge [sflag:s12], $0x2000  }
0x253: {  	[sflag:s12] =	ssyncset.done $0x0  }
0x254: {  	[sflag:s12] =	ssyncadd.s32 $0xFFFFE000  }
0x255: {  	[spmem:s4] =	stream.indirect.scatter.add.f32 [tilespmem:s2], [sflag:$0x2], $0x80, s9, s3, $0xb8;
	[tilespmem:$0x1FB40] =	vst v63  }
0x256: {  	_ =	swait.ge [sflag:s10], $0x2000  }
0x257: {  	[sflag:s10] =	ssyncset.done $0x0  }
0x258: {  	s0 =	sadd.s32 $0x2400, s31;
	[sflag:s10] =	ssyncadd.s32 $0xFFFFE000  }
0x259: {  	[tilespmem:s2], [sflag:$0x1] =	stream.linear.gather [hbm4b:s0+s5], $0x2000, $0x38;
	[tilespmem:$0x1FB40] =	vst v63  }
0x25a: {  	v2 =	vld [tilespmem:$0x18240]  }
0x25b: {  	v3 =	vld [tilespmem:$0x18250]  }
0x25c: {  	v32 =	vld [tilespmem:$0x18260]  }
0x25d: {  	v33 =	vld [tilespmem:$0x18270];
	_ =	sdelay $0x1  }
0x25e: {  	v2 =	vsub.s32 v2, v1  }
0x25f: {  	v3 =	vsub.s32 v3, v1;
	v2 =	vmin.u32 v2, $0x3000  }
0x260: {  	[tilespmem:$0x18640] =	vst v2;
	v2 =	vmin.u32 v3, $0x3000;
	v3 =	vsub.s32 v32, v1  }
0x261: {  	[tilespmem:$0x18650] =	vst v2;
	v2 =	vmin.u32 v3, $0x3000;
	v3 =	vsub.s32 v33, v1  }
0x262: {  	[tilespmem:$0x18660] =	vst v2;
	v2 =	vmin.u32 v3, $0x3000  }
0x263: {  	[tilespmem:$0x18670] =	vst v2  }
0x264: {  	_ =	swait.ge [sflag:s12], $0x2000  }
0x265: {  	[sflag:s12] =	ssyncset.done $0x0  }
0x266: {  	[sflag:s12] =	ssyncadd.s32 $0xFFFFE000  }
0x267: {  	[spmem:s4] =	stream.indirect.scatter.add.f32 [tilespmem:s1], [sflag:$0x2], $0x80, s8, s3, $0xb8;
	[tilespmem:$0x1FB40] =	vst v63  }
0x268: {  	_ =	swait.ge [sflag:s10], $0x2000  }
0x269: {  	[sflag:s10] =	ssyncset.done $0x0  }
0x26a: {  	s0 =	sadd.s32 $0x2800, s31;
	[sflag:s10] =	ssyncadd.s32 $0xFFFFE000  }
0x26b: {  	[tilespmem:s1], [sflag:$0x1] =	stream.linear.gather [hbm4b:s0+s5], $0x2000, $0x38;
	[tilespmem:$0x1FB40] =	vst v63  }
0x26c: {  	v2 =	vld [tilespmem:$0x18280]  }
0x26d: {  	v3 =	vld [tilespmem:$0x18290]  }
0x26e: {  	v34 =	vld [tilespmem:$0x182A0]  }
0x26f: {  	v35 =	vld [tilespmem:$0x182B0];
	_ =	sdelay $0x1  }
0x270: {  	v2 =	vsub.s32 v2, v1  }
0x271: {  	v3 =	vsub.s32 v3, v1;
	v2 =	vmin.u32 v2, $0x3000  }
0x272: {  	[tilespmem:$0x186C0] =	vst v2;
	v2 =	vmin.u32 v3, $0x3000;
	v3 =	vsub.s32 v34, v1  }
0x273: {  	[tilespmem:$0x186D0] =	vst v2;
	v2 =	vmin.u32 v3, $0x3000;
	v3 =	vsub.s32 v35, v1  }
0x274: {  	[tilespmem:$0x186E0] =	vst v2;
	v2 =	vmin.u32 v3, $0x3000  }
0x275: {  	[tilespmem:$0x186F0] =	vst v2  }
0x276: {  	_ =	swait.ge [sflag:s12], $0x2000  }
0x277: {  	[sflag:s12] =	ssyncset.done $0x0  }
0x278: {  	[sflag:s12] =	ssyncadd.s32 $0xFFFFE000  }
0x279: {  	[spmem:s4] =	stream.indirect.scatter.add.f32 [tilespmem:s2], [sflag:$0x2], $0x80, s9, s3, $0xb8;
	[tilespmem:$0x1FB40] =	vst v63  }
0x27a: {  	_ =	swait.ge [sflag:s10], $0x2000  }
0x27b: {  	[sflag:s10] =	ssyncset.done $0x0  }
0x27c: {  	s0 =	sadd.s32 $0x2C00, s31;
	[sflag:s10] =	ssyncadd.s32 $0xFFFFE000  }
0x27d: {  	[tilespmem:s2], [sflag:$0x1] =	stream.linear.gather [hbm4b:s0+s5], $0x2000, $0x38;
	[tilespmem:$0x1FB40] =	vst v63  }
0x27e: {  	v2 =	vld [tilespmem:$0x182C0]  }
0x27f: {  	v3 =	vld [tilespmem:$0x182D0]  }
0x280: {  	v36 =	vld [tilespmem:$0x182E0]  }
0x281: {  	v37 =	vld [tilespmem:$0x182F0];
	_ =	sdelay $0x1  }
0x282: {  	v2 =	vsub.s32 v2, v1  }
0x283: {  	v3 =	vsub.s32 v3, v1;
	v2 =	vmin.u32 v2, $0x3000  }
0x284: {  	[tilespmem:$0x18640] =	vst v2;
	v2 =	vmin.u32 v3, $0x3000;
	v3 =	vsub.s32 v36, v1  }
0x285: {  	[tilespmem:$0x18650] =	vst v2;
	v2 =	vmin.u32 v3, $0x3000;
	v3 =	vsub.s32 v37, v1  }
0x286: {  	[tilespmem:$0x18660] =	vst v2;
	v2 =	vmin.u32 v3, $0x3000  }
0x287: {  	[tilespmem:$0x18670] =	vst v2  }
0x288: {  	_ =	swait.ge [sflag:s12], $0x2000  }
0x289: {  	[sflag:s12] =	ssyncset.done $0x0  }
0x28a: {  	[sflag:s12] =	ssyncadd.s32 $0xFFFFE000  }
0x28b: {  	[spmem:s4] =	stream.indirect.scatter.add.f32 [tilespmem:s1], [sflag:$0x2], $0x80, s8, s3, $0xb8;
	[tilespmem:$0x1FB40] =	vst v63  }
0x28c: {  	_ =	swait.ge [sflag:s10], $0x2000  }
0x28d: {  	[sflag:s10] =	ssyncset.done $0x0  }
0x28e: {  	s0 =	sadd.s32 $0x3000, s31;
	[sflag:s10] =	ssyncadd.s32 $0xFFFFE000  }
0x28f: {  	[tilespmem:s1], [sflag:$0x1] =	stream.linear.gather [hbm4b:s0+s5], $0x2000, $0x38;
	[tilespmem:$0x1FB40] =	vst v63  }
0x290: {  	v2 =	vld [tilespmem:$0x18300]  }
0x291: {  	v3 =	vld [tilespmem:$0x18310]  }
0x292: {  	v38 =	vld [tilespmem:$0x18320]  }
0x293: {  	v39 =	vld [tilespmem:$0x18330];
	_ =	sdelay $0x1  }
0x294: {  	v2 =	vsub.s32 v2, v1  }
0x295: {  	v3 =	vsub.s32 v3, v1;
	v2 =	vmin.u32 v2, $0x3000  }
0x296: {  	[tilespmem:$0x186C0] =	vst v2;
	v2 =	vmin.u32 v3, $0x3000;
	v3 =	vsub.s32 v38, v1  }
0x297: {  	[tilespmem:$0x186D0] =	vst v2;
	v2 =	vmin.u32 v3, $0x3000;
	v3 =	vsub.s32 v39, v1  }
0x298: {  	[tilespmem:$0x186E0] =	vst v2;
	v2 =	vmin.u32 v3, $0x3000  }
0x299: {  	[tilespmem:$0x186F0] =	vst v2  }
0x29a: {  	_ =	swait.ge [sflag:s12], $0x2000  }
0x29b: {  	[sflag:s12] =	ssyncset.done $0x0  }
0x29c: {  	[sflag:s12] =	ssyncadd.s32 $0xFFFFE000  }
0x29d: {  	[spmem:s4] =	stream.indirect.scatter.add.f32 [tilespmem:s2], [sflag:$0x2], $0x80, s9, s3, $0xb8;
	[tilespmem:$0x1FB40] =	vst v63  }
0x29e: {  	_ =	swait.ge [sflag:s10], $0x2000  }
0x29f: {  	[sflag:s10] =	ssyncset.done $0x0  }
0x2a0: {  	s0 =	sadd.s32 $0x3400, s31;
	[sflag:s10] =	ssyncadd.s32 $0xFFFFE000  }
0x2a1: {  	[tilespmem:s2], [sflag:$0x1] =	stream.linear.gather [hbm4b:s0+s5], $0x2000, $0x38;
	[tilespmem:$0x1FB40] =	vst v63  }
0x2a2: {  	v2 =	vld [tilespmem:$0x18340]  }
0x2a3: {  	v3 =	vld [tilespmem:$0x18350]  }
0x2a4: {  	v40 =	vld [tilespmem:$0x18360]  }
0x2a5: {  	v41 =	vld [tilespmem:$0x18370];
	_ =	sdelay $0x1  }
0x2a6: {  	v2 =	vsub.s32 v2, v1  }
0x2a7: {  	v3 =	vsub.s32 v3, v1;
	v2 =	vmin.u32 v2, $0x3000  }
0x2a8: {  	[tilespmem:$0x18640] =	vst v2;
	v2 =	vmin.u32 v3, $0x3000;
	v3 =	vsub.s32 v40, v1  }
0x2a9: {  	[tilespmem:$0x18650] =	vst v2;
	v2 =	vmin.u32 v3, $0x3000;
	v3 =	vsub.s32 v41, v1  }
0x2aa: {  	[tilespmem:$0x18660] =	vst v2;
	v2 =	vmin.u32 v3, $0x3000  }
0x2ab: {  	[tilespmem:$0x18670] =	vst v2  }
0x2ac: {  	_ =	swait.ge [sflag:s12], $0x2000  }
0x2ad: {  	[sflag:s12] =	ssyncset.done $0x0  }
0x2ae: {  	[sflag:s12] =	ssyncadd.s32 $0xFFFFE000  }
0x2af: {  	[spmem:s4] =	stream.indirect.scatter.add.f32 [tilespmem:s1], [sflag:$0x2], $0x80, s8, s3, $0xb8;
	[tilespmem:$0x1FB40] =	vst v63  }
0x2b0: {  	_ =	swait.ge [sflag:s10], $0x2000  }
0x2b1: {  	[sflag:s10] =	ssyncset.done $0x0  }
0x2b2: {  	s0 =	sadd.s32 $0x3800, s31;
	[sflag:s10] =	ssyncadd.s32 $0xFFFFE000  }
0x2b3: {  	[tilespmem:s1], [sflag:$0x1] =	stream.linear.gather [hbm4b:s0+s5], $0x2000, $0x38;
	[tilespmem:$0x1FB40] =	vst v63  }
0x2b4: {  	v2 =	vld [tilespmem:$0x18380]  }
0x2b5: {  	v3 =	vld [tilespmem:$0x18390]  }
0x2b6: {  	v42 =	vld [tilespmem:$0x183A0]  }
0x2b7: {  	v43 =	vld [tilespmem:$0x183B0];
	_ =	sdelay $0x1  }
0x2b8: {  	v2 =	vsub.s32 v2, v1  }
0x2b9: {  	v3 =	vsub.s32 v3, v1;
	v2 =	vmin.u32 v2, $0x3000  }
0x2ba: {  	[tilespmem:$0x186C0] =	vst v2;
	v2 =	vmin.u32 v3, $0x3000;
	v3 =	vsub.s32 v42, v1  }
0x2bb: {  	[tilespmem:$0x186D0] =	vst v2;
	v2 =	vmin.u32 v3, $0x3000;
	v3 =	vsub.s32 v43, v1  }
0x2bc: {  	[tilespmem:$0x186E0] =	vst v2;
	v2 =	vmin.u32 v3, $0x3000  }
0x2bd: {  	[tilespmem:$0x186F0] =	vst v2  }
0x2be: {  	_ =	swait.ge [sflag:s12], $0x2000  }
0x2bf: {  	[sflag:s12] =	ssyncset.done $0x0  }
0x2c0: {  	[sflag:s12] =	ssyncadd.s32 $0xFFFFE000  }
0x2c1: {  	[spmem:s4] =	stream.indirect.scatter.add.f32 [tilespmem:s2], [sflag:$0x2], $0x80, s9, s3, $0xb8;
	[tilespmem:$0x1FB40] =	vst v63  }
0x2c2: {  	_ =	swait.ge [sflag:s10], $0x2000  }
0x2c3: {  	[sflag:s10] =	ssyncset.done $0x0  }
0x2c4: {  	s0 =	sadd.s32 $0x3C00, s31;
	[sflag:s10] =	ssyncadd.s32 $0xFFFFE000  }
0x2c5: {  	[tilespmem:s2], [sflag:$0x1] =	stream.linear.gather [hbm4b:s0+s5], $0x2000, $0x38;
	[tilespmem:$0x1FB40] =	vst v63  }
0x2c6: {  	v2 =	vld [tilespmem:$0x183C0]  }
0x2c7: {  	v3 =	vld [tilespmem:$0x183D0]  }
0x2c8: {  	v44 =	vld [tilespmem:$0x183E0]  }
0x2c9: {  	v45 =	vld [tilespmem:$0x183F0];
	_ =	sdelay $0x1  }
0x2ca: {  	v2 =	vsub.s32 v2, v1  }
0x2cb: {  	v3 =	vsub.s32 v3, v1;
	v2 =	vmin.u32 v2, $0x3000  }
0x2cc: {  	[tilespmem:$0x18640] =	vst v2;
	v2 =	vmin.u32 v3, $0x3000;
	v3 =	vsub.s32 v44, v1  }
0x2cd: {  	[tilespmem:$0x18650] =	vst v2;
	v2 =	vmin.u32 v3, $0x3000;
	v3 =	vsub.s32 v45, v1  }
0x2ce: {  	[tilespmem:$0x18660] =	vst v2;
	v2 =	vmin.u32 v3, $0x3000  }
0x2cf: {  	[tilespmem:$0x18670] =	vst v2  }
0x2d0: {  	_ =	swait.ge [sflag:s12], $0x2000  }
0x2d1: {  	[sflag:s12] =	ssyncset.done $0x0  }
0x2d2: {  	[sflag:s12] =	ssyncadd.s32 $0xFFFFE000  }
0x2d3: {  	[spmem:s4] =	stream.indirect.scatter.add.f32 [tilespmem:s1], [sflag:$0x2], $0x80, s8, s3, $0xb8;
	[tilespmem:$0x1FB40] =	vst v63  }
0x2d4: {  	_ =	swait.ge [sflag:s10], $0x2000  }
0x2d5: {  	[sflag:s10] =	ssyncset.done $0x0  }
0x2d6: {  	s0 =	sadd.s32 $0x4000, s31;
	[sflag:s10] =	ssyncadd.s32 $0xFFFFE000  }
0x2d7: {  	[tilespmem:s1], [sflag:$0x1] =	stream.linear.gather [hbm4b:s0+s5], $0x2000, $0x38;
	[tilespmem:$0x1FB40] =	vst v63  }
0x2d8: {  	v2 =	vld [tilespmem:$0x18400]  }
0x2d9: {  	v3 =	vld [tilespmem:$0x18410]  }
0x2da: {  	v46 =	vld [tilespmem:$0x18420]  }
0x2db: {  	v47 =	vld [tilespmem:$0x18430];
	_ =	sdelay $0x1  }
0x2dc: {  	v2 =	vsub.s32 v2, v1  }
0x2dd: {  	v3 =	vsub.s32 v3, v1;
	v2 =	vmin.u32 v2, $0x3000  }
0x2de: {  	[tilespmem:$0x186C0] =	vst v2;
	v2 =	vmin.u32 v3, $0x3000;
	v3 =	vsub.s32 v46, v1  }
0x2df: {  	[tilespmem:$0x186D0] =	vst v2;
	v2 =	vmin.u32 v3, $0x3000;
	v3 =	vsub.s32 v47, v1  }
0x2e0: {  	[tilespmem:$0x186E0] =	vst v2;
	v2 =	vmin.u32 v3, $0x3000  }
0x2e1: {  	[tilespmem:$0x186F0] =	vst v2  }
0x2e2: {  	_ =	swait.ge [sflag:s12], $0x2000  }
0x2e3: {  	[sflag:s12] =	ssyncset.done $0x0  }
0x2e4: {  	[sflag:s12] =	ssyncadd.s32 $0xFFFFE000  }
0x2e5: {  	[spmem:s4] =	stream.indirect.scatter.add.f32 [tilespmem:s2], [sflag:$0x2], $0x80, s9, s3, $0xb8;
	[tilespmem:$0x1FB40] =	vst v63  }
0x2e6: {  	_ =	swait.ge [sflag:s10], $0x2000  }
0x2e7: {  	[sflag:s10] =	ssyncset.done $0x0  }
0x2e8: {  	s0 =	sadd.s32 $0x4400, s31;
	[sflag:s10] =	ssyncadd.s32 $0xFFFFE000  }
0x2e9: {  	[tilespmem:s2], [sflag:$0x1] =	stream.linear.gather [hbm4b:s0+s5], $0x2000, $0x38;
	[tilespmem:$0x1FB40] =	vst v63  }
0x2ea: {  	v2 =	vld [tilespmem:$0x18440]  }
0x2eb: {  	v3 =	vld [tilespmem:$0x18450]  }
0x2ec: {  	v48 =	vld [tilespmem:$0x18460]  }
0x2ed: {  	v49 =	vld [tilespmem:$0x18470];
	_ =	sdelay $0x1  }
0x2ee: {  	v2 =	vsub.s32 v2, v1  }
0x2ef: {  	v3 =	vsub.s32 v3, v1;
	v2 =	vmin.u32 v2, $0x3000  }
0x2f0: {  	[tilespmem:$0x18640] =	vst v2;
	v2 =	vmin.u32 v3, $0x3000;
	v3 =	vsub.s32 v48, v1  }
0x2f1: {  	[tilespmem:$0x18650] =	vst v2;
	v2 =	vmin.u32 v3, $0x3000;
	v3 =	vsub.s32 v49, v1  }
0x2f2: {  	[tilespmem:$0x18660] =	vst v2;
	v2 =	vmin.u32 v3, $0x3000  }
0x2f3: {  	[tilespmem:$0x18670] =	vst v2  }
0x2f4: {  	_ =	swait.ge [sflag:s12], $0x2000  }
0x2f5: {  	[sflag:s12] =	ssyncset.done $0x0  }
0x2f6: {  	[sflag:s12] =	ssyncadd.s32 $0xFFFFE000  }
0x2f7: {  	[spmem:s4] =	stream.indirect.scatter.add.f32 [tilespmem:s1], [sflag:$0x2], $0x80, s8, s3, $0xb8;
	[tilespmem:$0x1FB40] =	vst v63  }
0x2f8: {  	_ =	swait.ge [sflag:s10], $0x2000  }
0x2f9: {  	[sflag:s10] =	ssyncset.done $0x0  }
0x2fa: {  	s0 =	sadd.s32 $0x4800, s31;
	[sflag:s10] =	ssyncadd.s32 $0xFFFFE000  }
0x2fb: {  	[tilespmem:s1], [sflag:$0x1] =	stream.linear.gather [hbm4b:s0+s5], $0x2000, $0x38;
	[tilespmem:$0x1FB40] =	vst v63  }
0x2fc: {  	v2 =	vld [tilespmem:$0x18480]  }
0x2fd: {  	v3 =	vld [tilespmem:$0x18490]  }
0x2fe: {  	v50 =	vld [tilespmem:$0x184A0]  }
0x2ff: {  	v51 =	vld [tilespmem:$0x184B0];
	_ =	sdelay $0x1  }
0x300: {  	v2 =	vsub.s32 v2, v1  }
0x301: {  	v3 =	vsub.s32 v3, v1;
	v2 =	vmin.u32 v2, $0x3000  }
0x302: {  	[tilespmem:$0x186C0] =	vst v2;
	v2 =	vmin.u32 v3, $0x3000;
	v3 =	vsub.s32 v50, v1  }
0x303: {  	[tilespmem:$0x186D0] =	vst v2;
	v2 =	vmin.u32 v3, $0x3000;
	v3 =	vsub.s32 v51, v1  }
0x304: {  	[tilespmem:$0x186E0] =	vst v2;
	v2 =	vmin.u32 v3, $0x3000  }
0x305: {  	[tilespmem:$0x186F0] =	vst v2  }
0x306: {  	_ =	swait.ge [sflag:s12], $0x2000  }
0x307: {  	[sflag:s12] =	ssyncset.done $0x0  }
0x308: {  	[sflag:s12] =	ssyncadd.s32 $0xFFFFE000  }
0x309: {  	[spmem:s4] =	stream.indirect.scatter.add.f32 [tilespmem:s2], [sflag:$0x2], $0x80, s9, s3, $0xb8;
	[tilespmem:$0x1FB40] =	vst v63  }
0x30a: {  	_ =	swait.ge [sflag:s10], $0x2000  }
0x30b: {  	[sflag:s10] =	ssyncset.done $0x0  }
0x30c: {  	s0 =	sadd.s32 $0x4C00, s31;
	[sflag:s10] =	ssyncadd.s32 $0xFFFFE000  }
0x30d: {  	[tilespmem:s2], [sflag:$0x1] =	stream.linear.gather [hbm4b:s0+s5], $0x2000, $0x38;
	[tilespmem:$0x1FB40] =	vst v63  }
0x30e: {  	v2 =	vld [tilespmem:$0x184C0]  }
0x30f: {  	v3 =	vld [tilespmem:$0x184D0]  }
0x310: {  	v52 =	vld [tilespmem:$0x184E0]  }
0x311: {  	v53 =	vld [tilespmem:$0x184F0];
	_ =	sdelay $0x1  }
0x312: {  	v2 =	vsub.s32 v2, v1  }
0x313: {  	v3 =	vsub.s32 v3, v1;
	v2 =	vmin.u32 v2, $0x3000  }
0x314: {  	[tilespmem:$0x18640] =	vst v2;
	v2 =	vmin.u32 v3, $0x3000;
	v3 =	vsub.s32 v52, v1  }
0x315: {  	[tilespmem:$0x18650] =	vst v2;
	v2 =	vmin.u32 v3, $0x3000;
	v3 =	vsub.s32 v53, v1  }
0x316: {  	[tilespmem:$0x18660] =	vst v2;
	v2 =	vmin.u32 v3, $0x3000  }
0x317: {  	[tilespmem:$0x18670] =	vst v2  }
0x318: {  	_ =	swait.ge [sflag:s12], $0x2000  }
0x319: {  	[sflag:s12] =	ssyncset.done $0x0  }
0x31a: {  	[sflag:s12] =	ssyncadd.s32 $0xFFFFE000  }
0x31b: {  	[spmem:s4] =	stream.indirect.scatter.add.f32 [tilespmem:s1], [sflag:$0x2], $0x80, s8, s3, $0xb8;
	[tilespmem:$0x1FB40] =	vst v63  }
0x31c: {  	_ =	swait.ge [sflag:s10], $0x2000  }
0x31d: {  	[sflag:s10] =	ssyncset.done $0x0  }
0x31e: {  	s0 =	sadd.s32 $0x5000, s31;
	[sflag:s10] =	ssyncadd.s32 $0xFFFFE000  }
0x31f: {  	[tilespmem:s1], [sflag:$0x1] =	stream.linear.gather [hbm4b:s0+s5], $0x2000, $0x38;
	[tilespmem:$0x1FB40] =	vst v63  }
0x320: {  	v2 =	vld [tilespmem:$0x18500]  }
0x321: {  	v3 =	vld [tilespmem:$0x18510]  }
0x322: {  	v54 =	vld [tilespmem:$0x18520]  }
0x323: {  	v55 =	vld [tilespmem:$0x18530];
	_ =	sdelay $0x1  }
0x324: {  	v2 =	vsub.s32 v2, v1  }
0x325: {  	v3 =	vsub.s32 v3, v1;
	v2 =	vmin.u32 v2, $0x3000  }
0x326: {  	[tilespmem:$0x186C0] =	vst v2;
	v2 =	vmin.u32 v3, $0x3000;
	v3 =	vsub.s32 v54, v1  }
0x327: {  	[tilespmem:$0x186D0] =	vst v2;
	v2 =	vmin.u32 v3, $0x3000;
	v3 =	vsub.s32 v55, v1  }
0x328: {  	[tilespmem:$0x186E0] =	vst v2;
	v2 =	vmin.u32 v3, $0x3000  }
0x329: {  	[tilespmem:$0x186F0] =	vst v2  }
0x32a: {  	_ =	swait.ge [sflag:s12], $0x2000  }
0x32b: {  	[sflag:s12] =	ssyncset.done $0x0  }
0x32c: {  	[sflag:s12] =	ssyncadd.s32 $0xFFFFE000  }
0x32d: {  	[spmem:s4] =	stream.indirect.scatter.add.f32 [tilespmem:s2], [sflag:$0x2], $0x80, s9, s3, $0xb8;
	[tilespmem:$0x1FB40] =	vst v63  }
0x32e: {  	_ =	swait.ge [sflag:s10], $0x2000  }
0x32f: {  	[sflag:s10] =	ssyncset.done $0x0  }
0x330: {  	s0 =	sadd.s32 $0x5400, s31;
	[sflag:s10] =	ssyncadd.s32 $0xFFFFE000  }
0x331: {  	[tilespmem:s2], [sflag:$0x1] =	stream.linear.gather [hbm4b:s0+s5], $0x2000, $0x38;
	[tilespmem:$0x1FB40] =	vst v63  }
0x332: {  	v2 =	vld [tilespmem:$0x18540]  }
0x333: {  	v3 =	vld [tilespmem:$0x18550]  }
0x334: {  	v56 =	vld [tilespmem:$0x18560]  }
0x335: {  	v57 =	vld [tilespmem:$0x18570];
	_ =	sdelay $0x1  }
0x336: {  	v2 =	vsub.s32 v2, v1  }
0x337: {  	v3 =	vsub.s32 v3, v1;
	v2 =	vmin.u32 v2, $0x3000  }
0x338: {  	[tilespmem:$0x18640] =	vst v2;
	v2 =	vmin.u32 v3, $0x3000;
	v3 =	vsub.s32 v56, v1  }
0x339: {  	[tilespmem:$0x18650] =	vst v2;
	v2 =	vmin.u32 v3, $0x3000;
	v3 =	vsub.s32 v57, v1  }
0x33a: {  	[tilespmem:$0x18660] =	vst v2;
	v2 =	vmin.u32 v3, $0x3000  }
0x33b: {  	[tilespmem:$0x18670] =	vst v2  }
0x33c: {  	_ =	swait.ge [sflag:s12], $0x2000  }
0x33d: {  	[sflag:s12] =	ssyncset.done $0x0  }
0x33e: {  	[sflag:s12] =	ssyncadd.s32 $0xFFFFE000  }
0x33f: {  	[spmem:s4] =	stream.indirect.scatter.add.f32 [tilespmem:s1], [sflag:$0x2], $0x80, s8, s3, $0xb8;
	[tilespmem:$0x1FB40] =	vst v63  }
0x340: {  	_ =	swait.ge [sflag:s10], $0x2000  }
0x341: {  	[sflag:s10] =	ssyncset.done $0x0  }
0x342: {  	s0 =	sadd.s32 $0x5800, s31;
	[sflag:s10] =	ssyncadd.s32 $0xFFFFE000  }
0x343: {  	[tilespmem:s1], [sflag:$0x1] =	stream.linear.gather [hbm4b:s0+s5], $0x2000, $0x38;
	[tilespmem:$0x1FB40] =	vst v63  }
0x344: {  	v2 =	vld [tilespmem:$0x18580]  }
0x345: {  	v3 =	vld [tilespmem:$0x18590]  }
0x346: {  	v58 =	vld [tilespmem:$0x185A0]  }
0x347: {  	v59 =	vld [tilespmem:$0x185B0];
	_ =	sdelay $0x1  }
0x348: {  	v2 =	vsub.s32 v2, v1  }
0x349: {  	v3 =	vsub.s32 v3, v1;
	v2 =	vmin.u32 v2, $0x3000  }
0x34a: {  	[tilespmem:$0x186C0] =	vst v2;
	v2 =	vmin.u32 v3, $0x3000;
	v3 =	vsub.s32 v58, v1  }
0x34b: {  	[tilespmem:$0x186D0] =	vst v2;
	v2 =	vmin.u32 v3, $0x3000;
	v3 =	vsub.s32 v59, v1  }
0x34c: {  	[tilespmem:$0x186E0] =	vst v2;
	v2 =	vmin.u32 v3, $0x3000  }
0x34d: {  	[tilespmem:$0x186F0] =	vst v2  }
0x34e: {  	_ =	swait.ge [sflag:s12], $0x2000  }
0x34f: {  	[sflag:s12] =	ssyncset.done $0x0  }
0x350: {  	[sflag:s12] =	ssyncadd.s32 $0xFFFFE000  }
0x351: {  	[spmem:s4] =	stream.indirect.scatter.add.f32 [tilespmem:s2], [sflag:$0x2], $0x80, s9, s3, $0xb8;
	[tilespmem:$0x1FB40] =	vst v63  }
0x352: {  	_ =	swait.ge [sflag:s10], $0x2000  }
0x353: {  	[sflag:s10] =	ssyncset.done $0x0  }
0x354: {  	s31 =	sadd.s32 $0x5C00, s31;
	[sflag:s10] =	ssyncadd.s32 $0xFFFFE000  }
0x355: {  	[tilespmem:s2], [sflag:$0x1] =	stream.linear.gather [hbm4b:s31+s5], $0x2000, $0x38;
	[tilespmem:$0x1FB40] =	vst v63  }
0x356: {  	v2 =	vld [tilespmem:$0x185C0]  }
0x357: {  	v3 =	vld [tilespmem:$0x185D0]  }
0x358: {  	v60 =	vld [tilespmem:$0x185E0]  }
0x359: {  	v61 =	vld [tilespmem:$0x185F0];
	_ =	sdelay $0x1  }
0x35a: {  	v2 =	vsub.s32 v2, v1  }
0x35b: {  	v3 =	vsub.s32 v3, v1;
	v2 =	vmin.u32 v2, $0x3000  }
0x35c: {  	[tilespmem:$0x18640] =	vst v2;
	v2 =	vmin.u32 v3, $0x3000;
	v3 =	vsub.s32 v60, v1  }
0x35d: {  	[tilespmem:$0x18650] =	vst v2;
	v2 =	vmin.u32 v3, $0x3000;
	v3 =	vsub.s32 v61, v1  }
0x35e: {  	[tilespmem:$0x18660] =	vst v2;
	v2 =	vmin.u32 v3, $0x3000  }
0x35f: {  	[tilespmem:$0x18670] =	vst v2  }
0x360: {  	_ =	swait.ge [sflag:s12], $0x2000  }
0x361: {  	[sflag:s12] =	ssyncset.done $0x0  }
0x362: {  	[sflag:s12] =	ssyncadd.s32 $0xFFFFE000  }
0x363: {  	[spmem:s4] =	stream.indirect.scatter.add.f32 [tilespmem:s1], [sflag:$0x2], $0x80, s8, s3, $0xb8;
	[tilespmem:$0x1FB40] =	vst v63  }
0x364: {  	v2 =	vld [tilespmem:$0x18600]  }
0x365: {  	v3 =	vld [tilespmem:$0x18610]  }
0x366: {  	v62 =	vld [tilespmem:$0x18620]  }
0x367: {  	v63 =	vld [tilespmem:$0x18630];
	_ =	sdelay $0x1  }
0x368: {  	v2 =	vsub.s32 v2, v1  }
0x369: {  	v3 =	vsub.s32 v3, v1;
	v2 =	vmin.u32 v2, $0x3000  }
0x36a: {  	[tilespmem:$0x186C0] =	vst v2;
	v2 =	vmin.u32 v3, $0x3000;
	v3 =	vsub.s32 v62, v1  }
0x36b: {  	[tilespmem:$0x186D0] =	vst v2;
	v2 =	vmin.u32 v3, $0x3000;
	v3 =	vsub.s32 v63, v1  }
0x36c: {  	[tilespmem:$0x186E0] =	vst v2;
	v2 =	vmin.u32 v3, $0x3000  }
0x36d: {  	[tilespmem:$0x186F0] =	vst v2  }
0x36e: {  	_ =	swait.ge [sflag:s12], $0x2000  }
0x36f: {  	[sflag:s12] =	ssyncset.done $0x0  }
0x370: {  	[sflag:s12] =	ssyncadd.s32 $0xFFFFE000  }
0x371: {  	[spmem:s4] =	stream.indirect.scatter.add.f32 [tilespmem:s2], [sflag:$0x2], $0x80, s9, s3, $0xb8;
	[tilespmem:$0x1FB40] =	vst v63  }
0x372: {  	_ =	swait.ge [sflag:s10], $0x2000  }
.Ltmp11:
0x373: {  	[sflag:s10] =	ssyncset.done $0x0;
	(pc) =	sbr.rel .LBB2_10-.Ltmp11, $4  }
0x374: {  	[sflag:s10] =	ssyncadd.s32 $0xFFFFE000  }
0x375: {  	_ =	swait.ge [sflag:s10], $0x2000  }
0x376: {  	[sflag:s10] =	ssyncset.done $0x0  }
0x377: {  	[sflag:s10] =	ssyncadd.s32 $0xFFFFE000  }
.LBB2_14:
0x378: {  	_ =	sfence.sel $0x180000  }
0x379: {  	[bflag:$0x0] =	sbarrier.arrive $0xFFFF  }
0x37a: {  	_ =	strace $0x9000004A  }
0x37b: {  	s0 =	stileid.u32;
	[bflag:$0x2] =	sbarrier.arrive $0xFFFF  }
0x37c: {  	p0 =	sne.s32 s0, $0x0;
	s0 =	rddreg [dreg:$0x3]  }
0x37d: {  	s0 =	sadd.s32 @!p0 $0x100000, s0  }
0x37e: {  	[sflag:s0] =	ssyncadd.tile.s32 @!p0 $0x1;
	_ =	shalt  }
.Lfunc_end2:
_tile_overlayer_lowered:
.L_overlay_start_2:
0x37f: {  	(tag) =	ssettag $0x2  }
0x380: {  	s0 =	rddreg [dreg:$0x0];
	s2 =	stileid.u32  }
0x381: {  	s1 =	rddreg [dreg:$0x1];
	p0 =	sne.s32 s2, $0x0  }
0x382: {  	s3 =	rddreg [dreg:$0x2];
	[bflag:$0x3] =	sbarrier.arrive $0xFFFF;
	s2 =	simm.s32 @!p0 $0x1C03  }
0x383: {  	[timem:s3], [sflag:s2] =	dma.local @!p0 [hbm:s0], s1  }
0x384: {  	s0 =	simm.s32 @!p0 $0x3  }
0x385: {  	_ =	swait.ge @!p0 [sflag:s0], s1  }
0x386: {  	s1 =	ssub.s32 @!p0 $0x0, s1;
	[sflag:s0] =	ssyncset.done @!p0 $0x0  }
0x387: {  	[sflag:s0] =	ssyncadd.s32 @!p0 s1  }
0x388: {  	[bflag:$0x3] =	sbarrier.arrive $0xFFFF  }
0x389: {  	_ =	shalt  }

// kernel: sparse-core-data-format-call.1.cloned.1.call-start
scs
called_computation.1_lowered:
.L_overlay_start_0:
0x0: {  	s2 =	sld [smem:$0x3FD9]  }
0x1: {  	s3 =	sld [smem:$0x3FFE];
	_ =	sdelay $0x1  }
0x2: {  	s1 =	srdreg.scid  }
0x3: {  	s0 =	sand.u32 $0x1, s1  }
0x4: {  	s18 =	sshll.u32 s0, $0xA;
	s2 =	sadd.s32 s3, s2  }
0x5: {  	s2 =	sadd.s32 s2, s18  }
0x6: {  	[smem:$0x3FC6] =	sst s2  }
0x7: {  	_ = 	snop  }
0x8: {  	s2 =	sld [smem:$0x3FC9];
	(tm) =	ssettm $0x1  }
0x9: {  	s19 =	sld [smem:$0x3FFB];
	_ =	sdelay $0x3  }
0xa: {  	_ =	strace s19  }
0xb: {  	s3 =	sld [smem:$0x3FFC];
	_ =	sdelay $0x3  }
0xc: {  	_ =	strace s3  }
0xd: {  	s3 =	sld [smem:$0x3FFD];
	_ =	sdelay $0x3  }
0xe: {  	_ =	strace s3  }
0xf: {  	_ =	strace $0x8FFFFFFF  }
0x10: {  	s20 =	sld [smem:$0x3FDB];
	_ =	sdelay $0x1  }
0x11: {  	s4 =	simm.s32 $_scs_section_size  }
0x12: {  	s5 =	simm.s32 $_size__tile_overlayer_lowered;
	s6 =	simm.s32 $_tile_overlayer_lowered  }
0x13: {  	s23 =	simm.s32 $0x1BFF;
	s22 =	sshll.u32 s6, $0x1;
	s3 =	sadd.s32 s4, s20  }
0x14: {  	s7 =	simm.s32 $0x0;
	s21 =	sshll.u32 s5, $0x1;
	s5 =	sadd.s32 s22, s3  }
0x15: {  	[timem:s7], [sflag:s23] =	dma.local [hbm:s5], s21  }
0x16: {  	_ =	swait.ge [sflag:s23], s21  }
0x17: {  	s4 =	ssub.s32 $0x0, s21;
	[sflag:s23] =	ssyncset.done $0x0  }
0x18: {  	[sflag:s23] =	ssyncadd.s32 s4;
	_ =	sdelay $0x1  }
0x19: {  	s24 =	simm.s32 $0x1B8B  }
0x1a: {  	_ =	swait.ge [sflag:s24], $0x1  }
0x1b: {  	[sflag:s24] =	ssyncset.done $0x0  }
0x1c: {  	s26 =	simm.s32 $0x1B8E;
	s25 =	sld [smem:$0x3FFE];
	[sflag:s24] =	ssyncadd.s32 $0xFFFFFFFF  }
0x1d: {  	s27 =	simm.s32 $execute0_lowered;
	[smem:$0x3FD2] =	sst s26  }
0x1e: {  	s5 =	sshll.u32 s27, $0x1;
	_ =	strace $0x80000046;
	[dreg:$0x1] =	wrdreg $0xFFFFFFFF  }
0x1f: {  	s28 =	simm.s32 $_size_execute0_lowered;
	s3 =	sadd.s32 s3, s5;
	[dreg:$0x0] =	wrdreg $0x0  }
0x20: {  	s5 =	sshll.u32 s28, $0x1;
	[dreg:$0x2] =	wrdreg s3  }
0x21: {  	[dreg:$0x3] =	wrdreg s5  }
0x22: {  	[dreg:$0x4] =	wrdreg $0xC0  }
0x23: {  	_ =	task [dreg:s7], $0x5FFFF  }
0x24: {  	[dreg:$0x1] =	wrdreg $0xFFFFFFFF  }
0x25: {  	[dreg:$0x0] =	wrdreg $0x60  }
0x26: {  	[dreg:$0x2] =	wrdreg s2  }
0x27: {  	[dreg:$0x3] =	wrdreg s25  }
0x28: {  	[dreg:$0x4] =	wrdreg $0x9  }
0x29: {  	_ =	task.clear_ibuf [dreg:s7], $0x5FFFF;
	_ =	strace $0x90000046  }
0x2a: {  	s29 =	simm.s32 $0x9;
	_ =	strace $0x80000048  }
0x2b: {  	_ =	swait.ge [sflag:s29], $0x1  }
0x2c: {  	[sflag:s29] =	ssyncadd.s32 $0xFFFFFFFF  }
0x2d: {  	_ =	strace $0x90000048  }
0x2e: {  	_ =	sfence  }
0x2f: {  	s30 =	sld [smem:$0x0];
	_ =	sdelay $0x2  }
0x30: {  	s31 =	sshll.u32 s1, $0xD;
	s1 =	sshrl.u32 s1, $0x2  }
0x31: {  	s3 =	sand.u32 $0x4000, s31;
	s1 =	sadd.s32 s1, s30  }
0x32: {  	s0 =	sor.u32 s3, s0;
	s1 =	sshll.u32 s1, $0x11  }
0x33: {  	s0 =	sor.u32 s1, s0  }
0x34: {  	s0 =	sadd.s32 $0x8F2B, s0  }
0x35: {  	[sflag:s0] =	ssyncadd.remote.s32 $0x1  }
0x36: {  	_ =	sfence.sel $0xFFFF  }
0x37: {  	[dreg:$0x0] =	wrdreg $0xFFFFFFFF;
	(pc) =	sbr.abs _section_cstart, $3  }
0x38: {  	[dreg:$0x1] =	wrdreg $0xFFFFFFFF  }
0x39: {  	_ =	task.clear_ibuf [dreg:s7], $0x2FFFF;
	_ =	strace $0x9FFFFFFF  }
0x3a: {  	(tm) =	ssettm $0x7FFFFFFF  }
0x3b: {  	_ =	shalt  }
tec
execute0_lowered:
.L_overlay_start_1:
0x0: {  	(tag) =	ssettag $0x1  }
0x1: {  	s2 =	rddreg [dreg:$0x0]  }
0x2: {  	s1 =	rddreg [dreg:$0x1]  }
0x3: {  	s0 =	rddreg [dreg:$0x2];
	s4 =	srdreg.scid  }
0x4: {  	_ =	strace $0x80000047;
	s7 =	simm.s32 $0x2;
	s16 =	simm.s32 $0x0  }
0x5: {  	p0 =	por $0x0, $0x0;
	s14 =	simm.s32 $0x0;
	s13 =	simm.s32 $0x0  }
0x6: {  	s15 =	simm.s32 $0x0;
	s9 =	simm.s32 $0x0;
	s11 =	simm.s32 $0x0  }
.Ltmp0:
0x7: {  	s3 =	sadd.s32 $0x1400, s1;
	s4 =	sshll.u32 s4, $0x4;
	(pc) =	sbr.rel .LBB1_1-.Ltmp0, $4  }
0x8: {  	s1 =	stileid.u32;
	s5 =	sand.u32 $0x10, s4;
	s4 =	simm.s32 $0x1  }
0x9: {  	s8 =	simm.s32 $0x0;
	s6 =	sor.u32 s1, s5;
	[sflag:s4] =	ssyncpa.u1 $0x0  }
0xa: {  	s5 =	sand.u32 $0x3, s1;
	s6 =	sshrl.u32 s6, $0x2;
	[sflag:s7] =	ssyncpa.u1 $0x0  }
0xb: {  	s7 =	simm.s32 $0x24000;
	s12 =	smov.u32 s5;
	s10 =	smov.u32 s6  }
.LBB1_3:
0xc: {  	p1 =	seq.s32 s8, $0x0  }
0xd: {  	p2 =	seq.s32 @!p1 s8, $0x91  }
0xe: {  	p1 =	por p1, p2  }
.Ltmp1:
0xf: {  	_ = 	snop;
	(pc) =	sbr.rel @!p1 .LBB1_4-.Ltmp1, $1  }
0x10: {  	_ =	sdelay $0x3  }
.LBB1_7:
0x11: {  	s17 =	sadd.s32 $0x80, s9  }
0x12: {  	s13 =	sadd.s32 $0x8, s10;
	s18 =	smov.u32 s10;
	p2 =	sgt.s32 s17, $0x17F  }
0x13: {  	s18 =	smov.u32 @p2 s13  }
0x14: {  	s19 =	smov.u32 s11;
	s13 =	sadd.s32 $0x80, s11;
	p3 =	sgt.s32 s18, $0x17F  }
0x15: {  	s19 =	smov.u32 @p3 s13  }
0x16: {  	s20 =	smov.u32 s12;
	s13 =	sadd.s32 $0x4, s12;
	p4 =	sgt.s32 s19, $0x5F  }
0x17: {  	p1 =	slt.u32 s8, $0x2;
	s20 =	smov.u32 @p4 s13  }
0x18: {  	s8 =	sadd.s32 $0x1, s8;
	s17 =	simm.s32 @p2 $0x0;
	p2 =	sgt.s32 s20, $0x3  }
0x19: {  	s16 =	smov.u32 s9;
	s20 =	smov.u32 @p2 s5;
	p2 =	sne.s32 s8, $0x92  }
.Ltmp2:
0x1a: {  	s14 =	smov.u32 s10;
	s21 =	simm.s32 @!p1 $0x2;
	(pc) =	sbr.rel @!p2 .LBB1_8-.Ltmp2, $4  }
0x1b: {  	s15 =	smov.u32 s12;
	p0 =	por !p0, !p0;
	_ =	swait.ge @!p1 [sflag:s21], $0x4000  }
0x1c: {  	[sflag:s21] =	ssyncset.done @!p1 $0x0;
	s9 =	smov.u32 s17;
	s18 =	smov.u32 @p3 s6  }
0x1d: {  	[sflag:s21] =	ssyncadd.s32 @!p1 $0xFFFFC000;
	s10 =	smov.u32 s18;
	s19 =	simm.s32 @p4 $0x0  }
0x1e: {  	s13 =	smov.u32 s11;
	s11 =	smov.u32 s19;
	s12 =	smov.u32 s20  }
.LBB1_1:
0x1f: {  	p1 =	sgt.u32 s8, $0x8F  }
.Ltmp3:
0x20: {  	_ = 	snop;
	(pc) =	sbr.rel @p1 .LBB1_3-.Ltmp3, $1  }
0x21: {  	_ =	sdelay $0x3  }
0x22: {  	s17 =	sshrl.u32 s10, $0x3  }
0x23: {  	s18 =	sshll.u32 s9, $0x3;
	s17 =	smul.u32 $0xC00, s17  }
0x24: {  	s19 =	sshll.u32 s10, $0x7;
	s18 =	sand.u32 $0xFFFFFC00, s18  }
0x25: {  	s24 =	sand.u32 $0x380, s19;
	s17 =	sadd.s32 s17, s18  }
0x26: {  	s25 =	sand.u32 $0x7F, s9;
	s17 =	sor.u32 s24, s17  }
0x27: {  	p1 =	sgt.s32 s12, $0x3;
	s20 =	smov.u32 s12;
	s18 =	sor.u32 s25, s17  }
0x28: {  	s21 =	sshra.s32 s12, $0x1F;
	s22 =	sxor.u32 $0xFFFFFFFF, s8;
	s19 =	smulhi.u32 $0xAAAAAAAB, s18  }
0x29: {  	s28 =	sshra.s32 s11, $0x1F;
	s20 =	simm.s32 @!p1 $0x3;
	s21 =	sand.u32 s21, s12  }
0x2a: {  	s23 =	sshra.s32 s10, $0x1F;
	s20 =	ssub.s32 s20, s21;
	s19 =	sshrl.u32 s19, $0x8  }
0x2b: {  	s31 =	sshra.s32 s9, $0x1F;
	s27 =	sadd.s32 $0xFFFFFFFD, s20;
	s19 =	smul.u32 $0x180, s19  }
0x2c: {  	s26 =	sshll.u32 s22, $0xE;
	s22 =	sand.u32 s28, s11;
	p1 =	sgt.s32 s27, $0x0  }
0x2d: {  	s17 =	smulhi.u32 $0xAAAAAAAB, s17;
	s18 =	ssub.s32 s18, s19;
	s19 =	ssub.s32 $0x4, s20  }
0x2e: {  	s20 =	smov.u32 s11;
	s19 =	simm.s32 @p1 $0x0;
	p1 =	sgt.s32 s11, $0xFFFFFFE0  }
0x2f: {  	s23 =	sand.u32 s23, s10;
	s17 =	sshrl.u32 s17, $0x8;
	s20 =	simm.s32 @!p1 $0xFFFFFFE0  }
0x30: {  	p1 =	sgt.s32 s10, $0x17F;
	s20 =	ssub.s32 s20, s22;
	s22 =	smov.u32 s10  }
0x31: {  	s29 =	smulhi.u32 $0xAAAAAB, s17;
	s24 =	sadd.s32 $0x20, s20;
	s22 =	simm.s32 @!p1 $0x17F  }
0x32: {  	s20 =	ssub.s32 $0x60, s20;
	p1 =	sgt.s32 s24, $0x7F;
	s22 =	ssub.s32 s22, s23  }
0x33: {  	s23 =	smul.u32 $0x180, s29;
	s20 =	simm.s32 @p1 $0x0;
	s30 =	sadd.s32 $0xFFFFFE81, s22  }
0x34: {  	s19 =	smul.u32 s19, s20;
	p1 =	sgt.s32 s30, $0x0;
	s20 =	ssub.s32 $0x180, s22  }
0x35: {  	s22 =	smov.u32 s9;
	s20 =	simm.s32 @p1 $0x0;
	p1 =	sgt.s32 s9, $0x100  }
0x36: {  	s27 =	smul.u32 $0x4800, s11;
	s24 =	sand.u32 s31, s9;
	s22 =	simm.s32 @!p1 $0x100  }
0x37: {  	s17 =	ssub.s32 s17, s23;
	s19 =	smul.u32 s20, s19;
	s25 =	ssub.s32 s22, s24  }
0x38: {  	s20 =	sand.u32 $0x4000, s26;
	s26 =	smul.u32 $0x1B0000, s12;
	s22 =	sadd.s32 $0xFFFFFF00, s25  }
0x39: {  	s17 =	smul.u32 $0x30, s17;
	s21 =	ssub.s32 $0x180, s25;
	p1 =	sgt.s32 s22, $0x7F  }
.Ltmp4:
0x3a: {  	s23 =	sadd.s32 s2, s26;
	s21 =	simm.s32 @p1 $0x0;
	(pc) =	sbr.rel .LBB1_3-.Ltmp4, $4  }
0x3b: {  	s29 =	sand.u32 $0x7, s18;
	s28 =	sadd.s32 s27, s23;
	s19 =	smul.u32 s21, s19  }
0x3c: {  	s18 =	sshrl.u32 s18, $0x3;
	s30 =	sshll.u32 s29, $0x12;
	s17 =	sadd.s32 s17, s28  }
0x3d: {  	s31 =	sor.u32 $0x80, s30;
	s17 =	sadd.s32 s18, s17;
	s19 =	sand.u32 $0x3FFFFFFF, s19  }
0x3e: {  	[tilespmem:s20], [sflag:$0x1] =	stream.strided.gather [hbm4b:s17+s31], s19, s7, s31, $0x38;
	[tilespmem:$0x10100] =	vst v63  }
.LBB1_4:
0x3f: {  	p1 =	sgt.s32 s15, $0x3;
	s17 =	smov.u32 s15;
	s18 =	sshra.s32 s15, $0x1F  }
0x40: {  	s19 =	smov.u32 s13;
	s20 =	sshra.s32 s13, $0x1F;
	s25 =	sshra.s32 s14, $0x1F  }
0x41: {  	s17 =	simm.s32 @!p1 $0x3;
	s18 =	sand.u32 s18, s15;
	p1 =	sgt.s32 s13, $0xFFFFFFE0  }
0x42: {  	s23 =	sand.u32 s20, s13;
	s17 =	ssub.s32 s17, s18;
	s19 =	simm.s32 @!p1 $0xFFFFFFE0  }
0x43: {  	s27 =	sshra.s32 s16, $0x1F;
	s24 =	sadd.s32 $0xFFFFFFFD, s17;
	s18 =	ssub.s32 s19, s23  }
0x44: {  	s17 =	ssub.s32 $0x4, s17;
	p1 =	sgt.s32 s24, $0x0;
	s19 =	sadd.s32 $0x20, s18  }
0x45: {  	s18 =	ssub.s32 $0x60, s18;
	s17 =	simm.s32 @p1 $0x0;
	p1 =	sgt.s32 s19, $0x7F  }
0x46: {  	s19 =	smov.u32 s14;
	s18 =	simm.s32 @p1 $0x0;
	p1 =	sgt.s32 s14, $0x17F  }
0x47: {  	s26 =	sand.u32 s25, s14;
	s17 =	smul.u32 s17, s18;
	s19 =	simm.s32 @!p1 $0x17F  }
0x48: {  	p1 =	sgt.s32 s16, $0x100;
	s18 =	ssub.s32 s19, s26;
	s19 =	smov.u32 s16  }
0x49: {  	s20 =	sand.u32 s27, s16;
	s21 =	sadd.s32 $0xFFFFFE81, s18;
	s19 =	simm.s32 @!p1 $0x100  }
0x4a: {  	s18 =	ssub.s32 $0x180, s18;
	p1 =	sgt.s32 s21, $0x0;
	s19 =	ssub.s32 s19, s20  }
0x4b: {  	s18 =	simm.s32 @p1 $0x0;
	s20 =	sadd.s32 $0xFFFFFF00, s19  }
0x4c: {  	s17 =	smul.u32 s18, s17;
	p1 =	sgt.s32 s20, $0x7F;
	s18 =	ssub.s32 $0x180, s19  }
0x4d: {  	s18 =	simm.s32 @p1 $0x0  }
0x4e: {  	s17 =	smul.u32 s18, s17;
	_ =	sdelay $0x1  }
0x4f: {  	s18 =	simm.s32 $0x1;
	s17 =	sand.u32 $0x3FFFFFFF, s17  }
0x50: {  	s18 =	simm.s32 @!p0 $0x0;
	_ =	swait.ge [sflag:s4], s17  }
0x51: {  	s28 =	sshll.u32 s18, $0xE;
	s17 =	ssub.s32 $0x0, s17;
	[sflag:s4] =	ssyncset.done $0x0  }
0x52: {  	s29 =	sor.u32 $0x40, s28;
	[sflag:s4] =	ssyncadd.s32 s17  }
0x53: {  	s30 =	smul.u32 $0x10200, s18;
	v0 =	vld [tilespmem:s29+$0x30]  }
0x54: {  	v1 =	vld [tilespmem:s29+$0xFFFFFFD0]  }
0x55: {  	s17 =	sshrl.u32 s30, $0x2;
	v5 =	vld [tilespmem:s29+$0xFFFFFFE0]  }
0x56: {  	s18 =	sor.u32 $0x8000, s17;
	v6 =	vld [tilespmem:s29+$0xFFFFFFF0]  }
0x57: {  	s31 =	sand.u32 $0x1, s8;
	v4 =	vld [tilespmem:s29+$0x0];
	s19 =	sadd.s32 $0x0, s18  }
0x58: {  	s17 =	smul.u32 $0x10200, s31;
	v2 =	vld [tilespmem:s29+$0x10];
	[tilespmem:s19+$0x3870 ss:$0x81] =	vst.msk $0xffff, v0  }
0x59: {  	v3 =	vld [tilespmem:s29+$0x20];
	[tilespmem:s19+$0x810 ss:$0x81] =	vst.msk $0xffff, v1  }
0x5a: {  	s20 =	sadd.s32 $0x80, s29;
	s17 =	sshrl.u32 s17, $0x2;
	v0 =	vld [tilespmem:s29+$0xFFFFFFC0];
	[tilespmem:s19+$0x1020 ss:$0x81] =	vst.msk $0xffff, v5  }
0x5b: {  	s22 =	simm.s32 $0x8;
	s21 =	simm.s32 $0x4;
	s17 =	sor.u32 $0x8000, s17;
	v1 =	vld [tilespmem:s20+$0x30];
	[tilespmem:s19+$0x1830 ss:$0x81] =	vst.msk $0xffff, v6  }
.LBB1_5:
0x5c: {  	p1 =	sne.s32 s22, $0x1FC;
	v5 =	vld [tilespmem:s20+$0xFFFFFFD0];
	[tilespmem:s19+$0x2040 ss:$0x81] =	vst.msk $0xffff, v4  }
0x5d: {  	v6 =	vld [tilespmem:s20+$0xFFFFFFE0];
	[tilespmem:s19+$0x2850 ss:$0x81] =	vst.msk $0xffff, v2  }
0x5e: {  	s23 =	sshra.s32 s21, $0x2;
	s21 =	smov.u32 s22;
	v7 =	vld [tilespmem:s20+$0xFFFFFFF0];
	[tilespmem:s19+$0x3060 ss:$0x81] =	vst.msk $0xffff, v3  }
.Ltmp5:
0x5f: {  	v4 =	vld [tilespmem:s20+$0x0];
	[tilespmem:s19+$0x0 ss:$0x81] =	vst.msk $0xffff, v0;
	s19 =	sadd.s32 s23, s18;
	(pc) =	sbr.rel @p1 .LBB1_5-.Ltmp5, $4  }
0x60: {  	v2 =	vld [tilespmem:s20+$0x10];
	[tilespmem:s19+$0x3870 ss:$0x81] =	vst.msk $0xffff, v1  }
0x61: {  	[tilespmem:s19+$0x810 ss:$0x81] =	vst.msk $0xffff, v5;
	v3 =	vld [tilespmem:s20+$0x20]  }
0x62: {  	v0 =	vld [tilespmem:s20+$0xFFFFFFC0];
	[tilespmem:s19+$0x1020 ss:$0x81] =	vst.msk $0xffff, v6;
	s20 =	sadd.s32 $0x80, s20  }
0x63: {  	s22 =	sadd.s32 $0x4, s22;
	v1 =	vld [tilespmem:s20+$0x30];
	[tilespmem:s19+$0x1830 ss:$0x81] =	vst.msk $0xffff, v7  }
0x64: {  	s16 =	sshll.u32 s16, $0x7;
	s22 =	sshll.u32 s13, $0x3;
	v5 =	vld [tilespmem:s20+$0xFFFFFFD0];
	[tilespmem:s19+$0x2040 ss:$0x81] =	vst.msk $0xffff, v4  }
0x65: {  	v58 =	vld [tilespmem:s20+$0xFFFFFFE0];
	s23 =	sand.u32 $0xFFFFFC00, s16;
	s22 =	sand.u32 $0xFFFFFC00, s22;
	[tilespmem:s19+$0x2850 ss:$0x81] =	vst.msk $0xffff, v2  }
0x66: {  	s21 =	sshra.s32 s21, $0x2;
	v59 =	vld [tilespmem:s20+$0xFFFFFFF0];
	s16 =	sand.u32 $0x380, s16;
	s22 =	sadd.s32 s22, s23;
	[tilespmem:s19+$0x3060 ss:$0x81] =	vst.msk $0xffff, v3  }
0x67: {  	v60 =	vld [tilespmem:s20+$0x0];
	s18 =	sadd.s32 s21, s18;
	s16 =	sor.u32 s16, s22;
	[tilespmem:s19+$0x0 ss:$0x81] =	vst.msk $0xffff, v0  }
0x68: {  	v61 =	vld [tilespmem:s20+$0x10];
	s15 =	smul.u32 $0x240000, s15;
	s16 =	sshrl.u32 s16, $0x7;
	[tilespmem:s18+$0x3870 ss:$0x81] =	vst.msk $0xffff, v1  }
0x69: {  	v62 =	vld [tilespmem:s20+$0x20];
	s27 =	smulhi.u32 $0xAAAAAB, s16;
	[tilespmem:s18+$0x810 ss:$0x81] =	vst.msk $0xffff, v5  }
0x6a: {  	v63 =	vld [tilespmem:s20+$0xFFFFFFC0];
	s14 =	smul.u32 $0x1800, s14;
	[tilespmem:s18+$0x1020 ss:$0x81] =	vst.msk $0xffff, v58  }
0x6b: {  	[tilespmem:s18+$0x1830 ss:$0x81] =	vst.msk $0xffff, v59;
	s19 =	smul.u32 $0x180, s27  }
.Ltmp6:
0x6c: {  	s28 =	sshrl.u32 s13, $0x3;
	s15 =	sadd.s32 s3, s15;
	[tilespmem:s18+$0x2040 ss:$0x81] =	vst.msk $0xffff, v60;
	(pc) =	sbr.rel .LBB1_7-.Ltmp6, $4  }
0x6d: {  	s29 =	sand.u32 $0xF, s28;
	s14 =	sadd.s32 s14, s15;
	[tilespmem:s18+$0x2850 ss:$0x81] =	vst.msk $0xffff, v61;
	s16 =	ssub.s32 s16, s19  }
0x6e: {  	s14 =	sadd.s32 s29, s14;
	[tilespmem:s18+$0x3060 ss:$0x81] =	vst.msk $0xffff, v62;
	s30 =	sshll.u32 s16, $0x4  }
0x6f: {  	s31 =	sand.u32 $0x7, s13;
	[tilespmem:s18+$0x0 ss:$0x81] =	vst.msk $0xffff, v63;
	s14 =	sadd.s32 s30, s14  }
0x70: {  	[hbm4b:s14+s31] =	stream.linear.scatter [tilespmem:s17], [sflag:$0x2], $0x4000, $0x20;
	[tilespmem:$0x10100] =	vst v63  }
.LBB1_8:
0x71: {  	_ =	sfence.sel $0x180000  }
0x72: {  	s2 =	simm.s32 $0x1;
	[bflag:$0x0] =	sbarrier.arrive $0xFFFF  }
0x73: {  	s31 =	simm.s32 $0x2;
	[sflag:s2] =	ssyncpa.u1 $0x1  }
0x74: {  	[sflag:s31] =	ssyncpa.u1 $0x1  }
0x75: {  	p0 =	sne.s32 s1, $0x0;
	_ =	strace $0x90000047  }
0x76: {  	s0 =	sadd.s32 @!p0 $0x100000, s0;
	[bflag:$0x2] =	sbarrier.arrive $0xFFFF  }
0x77: {  	[sflag:s0] =	ssyncadd.tile.s32 @!p0 $0x1;
	_ =	shalt  }
.Lfunc_end1:
_tile_overlayer_lowered:
.L_overlay_start_2:
0x78: {  	(tag) =	ssettag $0x2  }
0x79: {  	s0 =	rddreg [dreg:$0x0];
	s2 =	stileid.u32  }
0x7a: {  	s1 =	rddreg [dreg:$0x1];
	p0 =	sne.s32 s2, $0x0  }
0x7b: {  	s3 =	rddreg [dreg:$0x2];
	[bflag:$0x3] =	sbarrier.arrive $0xFFFF;
	s2 =	simm.s32 @!p0 $0x1C01  }
0x7c: {  	[timem:s3], [sflag:s2] =	dma.local @!p0 [hbm:s0], s1  }
0x7d: {  	s0 =	simm.s32 @!p0 $0x1  }
0x7e: {  	_ =	swait.ge @!p0 [sflag:s0], s1  }
0x7f: {  	s1 =	ssub.s32 @!p0 $0x0, s1;
	[sflag:s0] =	ssyncset.done @!p0 $0x0  }
0x80: {  	[sflag:s0] =	ssyncadd.s32 @!p0 s1  }
0x81: {  	[bflag:$0x3] =	sbarrier.arrive $0xFFFF  }
0x82: {  	_ =	shalt  }

// kernel: sparse-core-data-format-call.cloned.1.call-start
scs
called_computation_lowered:
.L_overlay_start_0:
0x0: {  	s2 =	sld [smem:$0x3FD9]  }
0x1: {  	s3 =	sld [smem:$0x3FFE];
	_ =	sdelay $0x1  }
0x2: {  	s1 =	srdreg.scid  }
0x3: {  	s0 =	sand.u32 $0x1, s1  }
0x4: {  	s18 =	sshll.u32 s0, $0xA;
	s2 =	sadd.s32 s3, s2  }
0x5: {  	s2 =	sadd.s32 s2, s18  }
0x6: {  	[smem:$0x3FC6] =	sst s2  }
0x7: {  	_ = 	snop  }
0x8: {  	s2 =	sld [smem:$0x3FD0];
	(tm) =	ssettm $0x1  }
0x9: {  	s19 =	sld [smem:$0x3FFB];
	_ =	sdelay $0x3  }
0xa: {  	_ =	strace s19  }
0xb: {  	s3 =	sld [smem:$0x3FFC];
	_ =	sdelay $0x3  }
0xc: {  	_ =	strace s3  }
0xd: {  	s3 =	sld [smem:$0x3FFD];
	_ =	sdelay $0x3  }
0xe: {  	_ =	strace s3  }
0xf: {  	_ =	strace $0x8FFFFFFF  }
0x10: {  	s20 =	sld [smem:$0x3FDB];
	_ =	sdelay $0x1  }
0x11: {  	s4 =	simm.s32 $_scs_section_size  }
0x12: {  	s5 =	simm.s32 $_size__tile_overlayer_lowered;
	s6 =	simm.s32 $_tile_overlayer_lowered  }
0x13: {  	s23 =	simm.s32 $0x1BFF;
	s22 =	sshll.u32 s6, $0x1;
	s3 =	sadd.s32 s4, s20  }
0x14: {  	s7 =	simm.s32 $0x0;
	s21 =	sshll.u32 s5, $0x1;
	s5 =	sadd.s32 s22, s3  }
0x15: {  	[timem:s7], [sflag:s23] =	dma.local [hbm:s5], s21  }
0x16: {  	_ =	swait.ge [sflag:s23], s21  }
0x17: {  	s4 =	ssub.s32 $0x0, s21;
	[sflag:s23] =	ssyncset.done $0x0  }
0x18: {  	[sflag:s23] =	ssyncadd.s32 s4;
	_ =	sdelay $0x1  }
0x19: {  	s24 =	simm.s32 $0x1B8B  }
0x1a: {  	_ =	swait.ge [sflag:s24], $0x1  }
0x1b: {  	[sflag:s24] =	ssyncset.done $0x0  }
0x1c: {  	s26 =	simm.s32 $0x1B8E;
	s25 =	sld [smem:$0x3FFE];
	[sflag:s24] =	ssyncadd.s32 $0xFFFFFFFF  }
0x1d: {  	s27 =	simm.s32 $execute0_lowered;
	[smem:$0x3FD2] =	sst s26  }
0x1e: {  	s5 =	sshll.u32 s27, $0x1;
	_ =	strace $0x8000004C;
	[dreg:$0x1] =	wrdreg $0xFFFFFFFF  }
0x1f: {  	s28 =	simm.s32 $_size_execute0_lowered;
	s3 =	sadd.s32 s3, s5;
	[dreg:$0x0] =	wrdreg $0x0  }
0x20: {  	s5 =	sshll.u32 s28, $0x1;
	[dreg:$0x2] =	wrdreg s3  }
0x21: {  	[dreg:$0x3] =	wrdreg s5  }
0x22: {  	[dreg:$0x4] =	wrdreg $0xC0  }
0x23: {  	_ =	task [dreg:s7], $0x5FFFF  }
0x24: {  	[dreg:$0x1] =	wrdreg $0xFFFFFFFF  }
0x25: {  	[dreg:$0x0] =	wrdreg $0x60  }
0x26: {  	[dreg:$0x2] =	wrdreg s25  }
0x27: {  	[dreg:$0x3] =	wrdreg s2  }
0x28: {  	[dreg:$0x4] =	wrdreg $0x9  }
0x29: {  	_ =	task.clear_ibuf [dreg:s7], $0x5FFFF;
	_ =	strace $0x9000004C  }
0x2a: {  	s29 =	simm.s32 $0x9;
	_ =	strace $0x8000004E  }
0x2b: {  	_ =	swait.ge [sflag:s29], $0x1  }
0x2c: {  	[sflag:s29] =	ssyncadd.s32 $0xFFFFFFFF  }
0x2d: {  	_ =	strace $0x9000004E  }
0x2e: {  	_ =	sfence  }
0x2f: {  	s30 =	sld [smem:$0x0];
	_ =	sdelay $0x2  }
0x30: {  	s31 =	sshll.u32 s1, $0xD;
	s1 =	sshrl.u32 s1, $0x2  }
0x31: {  	s3 =	sand.u32 $0x4000, s31;
	s1 =	sadd.s32 s1, s30  }
0x32: {  	s0 =	sor.u32 s3, s0;
	s1 =	sshll.u32 s1, $0x11  }
0x33: {  	s0 =	sor.u32 s1, s0  }
0x34: {  	s0 =	sadd.s32 $0x8F2B, s0  }
0x35: {  	[sflag:s0] =	ssyncadd.remote.s32 $0x1  }
0x36: {  	_ =	sfence.sel $0xFFFF  }
0x37: {  	[dreg:$0x0] =	wrdreg $0xFFFFFFFF;
	(pc) =	sbr.abs _section_cstart, $3  }
0x38: {  	[dreg:$0x1] =	wrdreg $0xFFFFFFFF  }
0x39: {  	_ =	task.clear_ibuf [dreg:s7], $0x2FFFF;
	_ =	strace $0x9FFFFFFF  }
0x3a: {  	(tm) =	ssettm $0x7FFFFFFF  }
0x3b: {  	_ =	shalt  }
tec
execute0_lowered:
.L_overlay_start_1:
0x0: {  	(tag) =	ssettag $0x1  }
0x1: {  	s3 =	rddreg [dreg:$0x0]  }
0x2: {  	s2 =	rddreg [dreg:$0x1]  }
0x3: {  	s1 =	srdreg.scid;
	s0 =	rddreg [dreg:$0x2];
	_ =	strace $0x8000004D  }
0x4: {  	s7 =	simm.s32 $0x2;
	s15 =	simm.s32 $0x0;
	p0 =	por $0x0, $0x0  }
0x5: {  	s16 =	simm.s32 $0x0;
	s17 =	simm.s32 $0x0;
	s8 =	simm.s32 $0x0  }
0x6: {  	s10 =	simm.s32 $0x0;
	s11 =	simm.s32 $0x0;
	s12 =	simm.s32 $0x0  }
.Ltmp0:
0x7: {  	s9 =	simm.s32 $0x0;
	s4 =	sshll.u32 s1, $0x4;
	(pc) =	sbr.rel .LBB1_1-.Ltmp0, $4  }
0x8: {  	s1 =	stileid.u32;
	s3 =	sadd.s32 $0x1400, s3;
	s4 =	sand.u32 $0x10, s4  }
0x9: {  	s5 =	sand.u32 $0x3, s1;
	s6 =	sor.u32 s1, s4;
	s4 =	simm.s32 $0x1  }
0xa: {  	s14 =	smov.u32 s5;
	[sflag:s4] =	ssyncpa.u1 $0x0;
	s6 =	sshrl.u32 s6, $0x2  }
0xb: {  	[sflag:s7] =	ssyncpa.u1 $0x0;
	s7 =	simm.s32 $0x24000;
	s13 =	smov.u32 s6  }
.LBB1_5:
0xc: {  	p1 =	slt.u32 s9, $0x2  }
0xd: {  	s18 =	smov.u32 s17;
	p2 =	sgt.s32 @!p1 s17, $0x3;
	s19 =	sshra.s32 @!p1 s17, $0x1F  }
0xe: {  	p3 =	sgt.s32 @!p1 s15, $0x100;
	p2 =	por !p2, p1;
	s17 =	sand.u32 @!p1 s19, s17  }
0xf: {  	s19 =	sshra.s32 @!p1 s16, $0x1F;
	s18 =	simm.s32 @p2 $0x3;
	p2 =	sgt.s32 @!p1 s16, $0x17F  }
0x10: {  	s17 =	ssub.s32 @!p1 s18, s17;
	p2 =	por !p2, p1;
	s18 =	smov.u32 s16  }
0x11: {  	p3 =	por !p3, p1;
	s16 =	sand.u32 @!p1 s19, s16;
	s18 =	simm.s32 @p2 $0x17F  }
0x12: {  	s19 =	sadd.s32 @!p1 $0xFFFFFFFD, s17;
	s17 =	ssub.s32 @!p1 $0x4, s17;
	s16 =	ssub.s32 @!p1 s18, s16  }
0x13: {  	p2 =	sgt.s32 @!p1 s19, $0x0;
	s19 =	smov.u32 s15;
	s18 =	sadd.s32 @!p1 $0xFFFFFE81, s16  }
0x14: {  	s19 =	simm.s32 @p3 $0x100;
	p3 =	sgt.s32 @!p1 s18, $0x0;
	s18 =	sshra.s32 @!p1 s15, $0x1F  }
0x15: {  	s17 =	smul.u32 @!p1 $0x60, s17;
	p2 =	por !p2, p1;
	s15 =	sand.u32 @!p1 s18, s15  }
0x16: {  	s16 =	ssub.s32 @!p1 $0x180, s16;
	p3 =	por !p3, p1;
	s15 =	ssub.s32 @!p1 s19, s15  }
0x17: {  	s17 =	simm.s32 @!p2 $0x0;
	s16 =	simm.s32 @!p3 $0x0;
	s18 =	sadd.s32 @!p1 $0xFFFFFF00, s15  }
0x18: {  	s19 =	smov.u32 s13;
	s16 =	smul.u32 @!p1 s16, s17;
	p2 =	sgt.s32 @!p1 s18, $0x7F  }
0x19: {  	s15 =	ssub.s32 @!p1 $0x180, s15;
	s18 =	sadd.s32 $0x80, s12;
	p2 =	por !p2, p1  }
0x1a: {  	s17 =	sadd.s32 $0x8, s13;
	s15 =	simm.s32 @!p2 $0x0;
	p2 =	sgt.s32 s18, $0x17F  }
0x1b: {  	s20 =	smov.u32 s14;
	s19 =	smov.u32 @p2 s17  }
0x1c: {  	s15 =	smul.u32 @!p1 s15, s16;
	s16 =	sadd.s32 $0x4, s14;
	p3 =	sgt.s32 s19, $0x17F  }
0x1d: {  	s9 =	sadd.s32 $0x1, s9;
	p0 =	por !p0, !p0;
	s20 =	smov.u32 @p3 s16  }
0x1e: {  	s21 =	simm.s32 @!p1 $0x2;
	s18 =	simm.s32 @p2 $0x0;
	p2 =	sgt.s32 s20, $0x3  }
0x1f: {  	s17 =	smov.u32 s11;
	s20 =	smov.u32 @p2 s5;
	p2 =	sne.s32 s9, $0x92  }
.Ltmp1:
0x20: {  	s11 =	smov.u32 s14;
	s15 =	sand.u32 @!p1 $0x3FFFFFE0, s15;
	(pc) =	sbr.rel @!p2 .LBB1_6-.Ltmp1, $4  }
0x21: {  	s19 =	smov.u32 @p3 s6;
	s16 =	smov.u32 s10;
	s10 =	smov.u32 s13  }
0x22: {  	_ =	swait.ge @!p1 [sflag:s21], s15;
	s22 =	ssub.s32 @!p1 $0x0, s15;
	s15 =	smov.u32 s8  }
0x23: {  	s8 =	smov.u32 s12;
	s12 =	smov.u32 s18;
	[sflag:s21] =	ssyncset.done @!p1 $0x0  }
0x24: {  	s13 =	smov.u32 s19;
	[sflag:s21] =	ssyncadd.s32 @!p1 s22;
	s14 =	smov.u32 s20  }
.LBB1_1:
0x25: {  	p1 =	sgt.u32 s9, $0x8F  }
0x26: {  	s18 =	sand.u32 @!p1 $0x1FFFFFF, s12  }
0x27: {  	s19 =	smulhi.u32 @!p1 $0xAAAAAB, s18  }
0x28: {  	s20 =	smul.u32 @!p1 $0x240000, s14  }
0x29: {  	s19 =	smul.u32 @!p1 $0x180, s19  }
0x2a: {  	s21 =	smul.u32 @!p1 $0x1800, s13  }
0x2b: {  	s20 =	sadd.s32 @!p1 s3, s20;
	s18 =	ssub.s32 @!p1 s18, s19;
	s19 =	sxor.u32 @!p1 $0xFFFFFFFF, s9  }
0x2c: {  	s20 =	sadd.s32 @!p1 s21, s20;
	s19 =	sshll.u32 @!p1 s19, $0xE;
	s18 =	sshll.u32 @!p1 s18, $0x4  }
0x2d: {  	s19 =	sand.u32 @!p1 $0x4000, s19;
	s18 =	sadd.s32 @!p1 s18, s20;
	s20 =	simm.s32 @!p1 $0x0  }
0x2e: {  	[tilespmem:s19], [sflag:$0x1] =	stream.linear.gather @!p1 [hbm4b:s18+s20], $0x4000, $0x38;
	[tilespmem:$0x10100] =	vst v63  }
0x2f: {  	p1 =	seq.s32 s9, $0x0  }
0x30: {  	p2 =	seq.s32 @!p1 s9, $0x91  }
0x31: {  	p1 =	por p1, p2  }
.Ltmp2:
0x32: {  	_ = 	snop;
	(pc) =	sbr.rel @p1 .LBB1_5-.Ltmp2, $1  }
0x33: {  	_ =	sdelay $0x3  }
0x34: {  	s18 =	simm.s32 $0x1  }
0x35: {  	_ =	swait.ge [sflag:s4], $0x4000;
	s18 =	simm.s32 @!p0 $0x0  }
0x36: {  	[sflag:s4] =	ssyncset.done $0x0;
	s19 =	sshll.u32 s18, $0xE  }
0x37: {  	[sflag:s4] =	ssyncadd.s32 $0xFFFFC000;
	s19 =	sor.u32 $0x40, s19  }
0x38: {  	s18 =	smul.u32 $0x10200, s18;
	v0 =	vld [tilespmem:s19+$0x30]  }
0x39: {  	v1 =	vld [tilespmem:s19+$0xFFFFFFD0]  }
0x3a: {  	s18 =	sshrl.u32 s18, $0x2;
	v5 =	vld [tilespmem:s19+$0xFFFFFFE0]  }
0x3b: {  	v6 =	vld [tilespmem:s19+$0xFFFFFFF0];
	s21 =	sor.u32 $0x8000, s18  }
0x3c: {  	s31 =	sand.u32 $0x1, s9;
	v4 =	vld [tilespmem:s19+$0x0];
	s20 =	sadd.s32 $0x0, s21  }
0x3d: {  	v3 =	vld [tilespmem:s19+$0x10];
	s18 =	smul.u32 $0x10200, s31;
	[tilespmem:s20+$0x3870 ss:$0x81] =	vst.msk $0xffff, v0  }
0x3e: {  	v2 =	vld [tilespmem:s19+$0x20];
	[tilespmem:s20+$0x810 ss:$0x81] =	vst.msk $0xffff, v1  }
0x3f: {  	s18 =	sshrl.u32 s18, $0x2;
	v1 =	vld [tilespmem:s19+$0xFFFFFFC0];
	[tilespmem:s20+$0x1020 ss:$0x81] =	vst.msk $0xffff, v5;
	s19 =	sadd.s32 $0x80, s19  }
0x40: {  	s22 =	simm.s32 $0x4;
	s23 =	simm.s32 $0x8;
	s18 =	sor.u32 $0x8000, s18;
	[tilespmem:s20+$0x1830 ss:$0x81] =	vst.msk $0xffff, v6;
	v0 =	vld [tilespmem:s19+$0x30]  }
.LBB1_3:
0x41: {  	p1 =	sne.s32 s23, $0x1FC;
	v5 =	vld [tilespmem:s19+$0xFFFFFFD0];
	[tilespmem:s20+$0x2040 ss:$0x81] =	vst.msk $0xffff, v4  }
0x42: {  	v6 =	vld [tilespmem:s19+$0xFFFFFFE0];
	[tilespmem:s20+$0x2850 ss:$0x81] =	vst.msk $0xffff, v3  }
0x43: {  	s24 =	sshra.s32 s22, $0x2;
	s22 =	smov.u32 s23;
	v7 =	vld [tilespmem:s19+$0xFFFFFFF0];
	[tilespmem:s20+$0x3060 ss:$0x81] =	vst.msk $0xffff, v2  }
.Ltmp3:
0x44: {  	v4 =	vld [tilespmem:s19+$0x0];
	[tilespmem:s20+$0x0 ss:$0x81] =	vst.msk $0xffff, v1;
	s20 =	sadd.s32 s24, s21;
	(pc) =	sbr.rel @p1 .LBB1_3-.Ltmp3, $4  }
0x45: {  	v3 =	vld [tilespmem:s19+$0x10];
	[tilespmem:s20+$0x3870 ss:$0x81] =	vst.msk $0xffff, v0  }
0x46: {  	[tilespmem:s20+$0x810 ss:$0x81] =	vst.msk $0xffff, v5;
	v2 =	vld [tilespmem:s19+$0x20]  }
0x47: {  	v1 =	vld [tilespmem:s19+$0xFFFFFFC0];
	[tilespmem:s20+$0x1020 ss:$0x81] =	vst.msk $0xffff, v6;
	s19 =	sadd.s32 $0x80, s19  }
0x48: {  	s23 =	sadd.s32 $0x4, s23;
	v0 =	vld [tilespmem:s19+$0x30];
	[tilespmem:s20+$0x1830 ss:$0x81] =	vst.msk $0xffff, v7  }
0x49: {  	s23 =	sshrl.u32 s10, $0x3;
	s24 =	sshll.u32 s8, $0x3  }
0x4a: {  	s25 =	sshll.u32 s10, $0x7;
	s29 =	sand.u32 $0x7F, s8;
	s22 =	sshra.s32 s22, $0x2  }
0x4b: {  	p1 =	sgt.s32 s11, $0x3;
	s26 =	smov.u32 s11;
	s27 =	sshra.s32 s11, $0x1F  }
0x4c: {  	s31 =	sshra.s32 s8, $0x1F;
	s23 =	smul.u32 $0xC00, s23;
	s24 =	sand.u32 $0xFFFFFC00, s24  }
0x4d: {  	[tilespmem:s20+$0x2040 ss:$0x81] =	vst.msk $0xffff, v4;
	s28 =	sand.u32 $0x380, s25;
	s26 =	simm.s32 @!p1 $0x3;
	s27 =	sand.u32 s27, s11  }
0x4e: {  	s21 =	sadd.s32 s22, s21;
	p1 =	sgt.s32 s10, $0x17F;
	[tilespmem:s20+$0x2850 ss:$0x81] =	vst.msk $0xffff, v3;
	s30 =	ssub.s32 s26, s27  }
0x4f: {  	s27 =	smov.u32 s10;
	[tilespmem:s20+$0x3060 ss:$0x81] =	vst.msk $0xffff, v2;
	s23 =	sadd.s32 s23, s24;
	s26 =	sadd.s32 $0xFFFFFFFD, s30  }
0x50: {  	s22 =	ssub.s32 $0x4, s30;
	s27 =	simm.s32 @!p1 $0x17F;
	[tilespmem:s20+$0x0 ss:$0x81] =	vst.msk $0xffff, v1;
	s20 =	sand.u32 s31, s8  }
0x51: {  	s23 =	sor.u32 s28, s23;
	s28 =	sshra.s32 s10, $0x1F;
	s22 =	smul.u32 $0x60, s22  }
0x52: {  	s24 =	sor.u32 s29, s23;
	s23 =	smulhi.u32 $0xAAAAAAAB, s23;
	s28 =	sand.u32 s28, s10  }
0x53: {  	v5 =	vld [tilespmem:s19+$0xFFFFFFD0];
	p1 =	sgt.s32 s26, $0x0;
	s25 =	smulhi.u32 $0xAAAAAAAB, s24;
	s26 =	ssub.s32 s27, s28  }
0x54: {  	v58 =	vld [tilespmem:s19+$0xFFFFFFE0];
	s22 =	simm.s32 @p1 $0x0;
	p1 =	sgt.s32 s8, $0x100;
	s23 =	sshrl.u32 s23, $0x8  }
0x55: {  	v59 =	vld [tilespmem:s19+$0xFFFFFFF0];
	s28 =	smov.u32 s8;
	s27 =	sadd.s32 $0xFFFFFE81, s26;
	s29 =	smulhi.u32 $0xAAAAAB, s23  }
0x56: {  	v60 =	vld [tilespmem:s19+$0x0];
	s28 =	simm.s32 @!p1 $0x100;
	p1 =	sgt.s32 s27, $0x0;
	s27 =	smul.u32 $0x1B0000, s11  }
0x57: {  	v61 =	vld [tilespmem:s19+$0x10];
	[tilespmem:s21+$0x3870 ss:$0x81] =	vst.msk $0xffff, v0;
	s26 =	ssub.s32 $0x180, s26;
	s25 =	sshrl.u32 s25, $0x8;
	s30 =	smul.u32 $0x180, s29  }
0x58: {  	v62 =	vld [tilespmem:s19+$0x20];
	[tilespmem:s21+$0x810 ss:$0x81] =	vst.msk $0xffff, v5;
	s20 =	ssub.s32 s28, s20;
	s25 =	smul.u32 $0x180, s25;
	s26 =	simm.s32 @p1 $0x0  }
0x59: {  	v63 =	vld [tilespmem:s19+$0xFFFFFFC0];
	[tilespmem:s21+$0x1020 ss:$0x81] =	vst.msk $0xffff, v58;
	s22 =	smul.u32 s26, s22;
	s26 =	sadd.s32 $0xFFFFFF00, s20;
	s31 =	ssub.s32 s23, s30  }
0x5a: {  	[tilespmem:s21+$0x1830 ss:$0x81] =	vst.msk $0xffff, v59;
	s20 =	ssub.s32 $0x180, s20;
	p1 =	sgt.s32 s26, $0x7F;
	s19 =	smul.u32 $0x30, s31  }
.Ltmp4:
0x5b: {  	[tilespmem:s21+$0x2040 ss:$0x81] =	vst.msk $0xffff, v60;
	s24 =	ssub.s32 s24, s25;
	s20 =	simm.s32 @p1 $0x0;
	(pc) =	sbr.rel .LBB1_5-.Ltmp4, $4  }
0x5c: {  	[tilespmem:s21+$0x2850 ss:$0x81] =	vst.msk $0xffff, v61;
	s28 =	sadd.s32 s2, s27;
	s29 =	sand.u32 $0x7, s24;
	s20 =	smul.u32 s20, s22  }
0x5d: {  	[tilespmem:s21+$0x3060 ss:$0x81] =	vst.msk $0xffff, v62;
	s30 =	sshrl.u32 s24, $0x3;
	s23 =	sshll.u32 s29, $0x12;
	s19 =	sadd.s32 s19, s28  }
0x5e: {  	[tilespmem:s21+$0x0 ss:$0x81] =	vst.msk $0xffff, v63;
	s31 =	sor.u32 $0x80, s23;
	s20 =	sand.u32 $0x3FFFFFE0, s20;
	s19 =	sadd.s32 s30, s19  }
0x5f: {  	[hbm4b:s19+s31] =	stream.strided.scatter [tilespmem:s18], [sflag:$0x2], s20, s7, s31, $0x20;
	[tilespmem:$0x10100] =	vst v63  }
.LBB1_6:
0x60: {  	_ =	sfence.sel $0x180000  }
0x61: {  	s2 =	simm.s32 $0x1;
	[bflag:$0x0] =	sbarrier.arrive $0xFFFF  }
0x62: {  	s31 =	simm.s32 $0x2;
	[sflag:s2] =	ssyncpa.u1 $0x1  }
0x63: {  	[sflag:s31] =	ssyncpa.u1 $0x1  }
0x64: {  	p0 =	sne.s32 s1, $0x0;
	_ =	strace $0x9000004D  }
0x65: {  	s0 =	sadd.s32 @!p0 $0x100000, s0;
	[bflag:$0x2] =	sbarrier.arrive $0xFFFF  }
0x66: {  	[sflag:s0] =	ssyncadd.tile.s32 @!p0 $0x1;
	_ =	shalt  }
.Lfunc_end1:
_tile_overlayer_lowered:
.L_overlay_start_2:
0x67: {  	(tag) =	ssettag $0x2  }
0x68: {  	s0 =	rddreg [dreg:$0x0];
	s2 =	stileid.u32  }
0x69: {  	s1 =	rddreg [dreg:$0x1];
	p0 =	sne.s32 s2, $0x0  }
0x6a: {  	s3 =	rddreg [dreg:$0x2];
	[bflag:$0x3] =	sbarrier.arrive $0xFFFF;
	s2 =	simm.s32 @!p0 $0x1C01  }
0x6b: {  	[timem:s3], [sflag:s2] =	dma.local @!p0 [hbm:s0], s1  }
0x6c: {  	s0 =	simm.s32 @!p0 $0x1  }
0x6d: {  	_ =	swait.ge @!p0 [sflag:s0], s1  }
0x6e: {  	s1 =	ssub.s32 @!p0 $0x0, s1;
	[sflag:s0] =	ssyncset.done @!p0 $0x0  }
0x6f: {  	[sflag:s0] =	ssyncadd.s32 @!p0 s1  }
0x70: {  	[bflag:$0x3] =	sbarrier.arrive $0xFFFF  }
0x71: {  	_ =	shalt  }

</sc_bundles>
